<compile_context>
chip_gen: v7x
topology: tpu7x:2x2x1
jax: 0.10.2.dev20260603
libtpu: 0.0.44.dev20260713+nightly
codegen_flags: <defaults>
</compile_context>

<pallas_src>
import functools

import jax
import jax.numpy as jnp
from jax import lax
from jax.experimental import pallas as pl
from jax.experimental.pallas import tpu as pltpu
from jax.experimental.pallas import tpu_sc as plsc

N = 10000
E = 320000
D_IN = 128
D_HID = 256
D_OUT = 128
ALPHA = 0.5

NPAD = 10240
NC = 2
NS = 16
K = 80
EPT = E // NS
ROWS_PT = NPAD // NS

_mesh = plsc.VectorSubcoreMesh(core_axis_name="c", subcore_axis_name="s")
_sc_params = pltpu.CompilerParams(needs_layout_passes=False,
                                  use_tc_tiling_on_sc=False)


def _zero_vmem_2d(ref, nrows, ncols):
    z16 = jnp.zeros((16,), jnp.float32)

    def body(i, _):
        def inner(j, __):
            ref[i, pl.ds(j * 16, 16)] = z16
            return __
        return lax.fori_loop(0, ncols // 16, inner, _)

    lax.fori_loop(0, nrows, body, None)


def _deg_body(de_ref, out_ref, hist, buf, tmp, accv, spm, semi, semt):
    c = lax.axis_index("c")
    s = lax.axis_index("s")
    z16 = jnp.zeros((16,), jnp.float32)
    ones16 = jnp.ones((16,), jnp.float32)

    def zh(i, _):
        hist[pl.ds(i * 16, 16)] = z16
        return _
    lax.fori_loop(0, NPAD // 16, zh, None)

    base = c * E + s * EPT
    n_stages = EPT // 800

    def istart(r):
        pltpu.async_copy(de_ref.at[pl.ds(base + r * 800, 800)],
                         buf.at[lax.rem(r, 2)], semi)

    def iwait(r):
        pltpu.make_async_copy(de_ref.at[pl.ds(base + r * 800, 800)],
                              buf.at[lax.rem(r, 2)], semi).wait()

    istart(0)

    def stage(r, _):
        iwait(r)

        @pl.when(r < n_stages - 1)
        def _():
            istart(r + 1)

        bslot = buf.at[lax.rem(r, 2)]

        def upd(j, __):
            idx = bslot[pl.ds(j * 16, 16)]
            plsc.addupdate_scatter(hist, [idx], ones16)
            return __
        return lax.fori_loop(0, 50, upd, _)
    lax.fori_loop(0, n_stages, stage, None)

    pltpu.sync_copy(hist, spm.at[s])
    plsc.subcore_barrier()

    for p in range(NS):
        pltpu.async_copy(spm.at[p, pl.ds(s * ROWS_PT, ROWS_PT)], tmp.at[p],
                         semt)
    for p in range(NS):
        pltpu.make_async_copy(spm.at[p, pl.ds(s * ROWS_PT, ROWS_PT)],
                              tmp.at[p], semt).wait()

    def acc_add(k, _):
        sl = pl.ds(k * 16, 16)
        v = tmp[0, sl]
        for p in range(1, NS):
            v = v + tmp[p, sl]
        accv[sl] = v
        return _
    lax.fori_loop(0, ROWS_PT // 16, acc_add, None)

    pltpu.sync_copy(accv, out_ref.at[c, pl.ds(s * ROWS_PT, ROWS_PT)])


_deg_kernel = functools.partial(
    pl.kernel,
    out_type=jax.ShapeDtypeStruct((NC, NPAD), jnp.float32),
    mesh=_mesh,
    scratch_types=[
        pltpu.VMEM((NPAD,), jnp.float32),
        pltpu.VMEM((2, 800), jnp.int32),
        pltpu.VMEM((NS, ROWS_PT), jnp.float32),
        pltpu.VMEM((ROWS_PT,), jnp.float32),
        pltpu.VMEM_SHARED((NS, NPAD), jnp.float32),
        pltpu.SemaphoreType.DMA,
        pltpu.SemaphoreType.DMA,
    ],
    compiler_params=_sc_params,
)(_deg_body)


G = 25
NBUF = 4


def _agg_body(srcs_ref, ge_ref, se_ref, out_ref, acc, bufg, bufs, rows, zbuf,
              semg, sems):
    c = lax.axis_index("c")
    s = lax.axis_index("s")
    n_chunks = EPT // K
    base = (c * NS + s) * n_chunks

    _zero_vmem_2d(zbuf, 16, 128)
    for k in range(ROWS_PT // 16):
        pltpu.sync_copy(zbuf, acc.at[pl.ds(s * ROWS_PT + k * 16, 16)])
    plsc.subcore_barrier()

    def rbuf(t):
        return rows.at[lax.rem(t, NBUF)]

    def gstart(t):
        pltpu.async_copy(srcs_ref.at[bufg.at[t]], rbuf(t), semg)

    def gwait(t):
        pltpu.make_async_copy(srcs_ref.at[bufg.at[t]], rbuf(t), semg).wait()

    def sstart(t):
        pltpu.async_copy(rbuf(t), acc.at[bufs.at[t]], sems, add=True)

    def swait(t):
        pltpu.make_async_copy(rbuf(t), acc.at[bufs.at[t]], sems).wait()

    def rnd(r, _):
        pltpu.sync_copy(ge_ref.at[pl.ds(base + r * G, G)], bufg)
        pltpu.sync_copy(se_ref.at[pl.ds(base + r * G, G)], bufs)
        gstart(0)
        gstart(1)
        gstart(2)

        def chunk(j, __):
            gwait(j)
            sstart(j)

            @pl.when(j >= 1)
            def _():
                swait(j - 1)

            @pl.when(j <= G - 4)
            def _():
                gstart(j + 3)
            return __
        lax.fori_loop(0, G, chunk, None)
        swait(G - 1)
        return _
    lax.fori_loop(0, n_chunks // G, rnd, None)

    plsc.subcore_barrier()
    for k in range(ROWS_PT // 128):
        sl = pl.ds(s * ROWS_PT + k * 128, 128)
        pltpu.sync_copy(acc.at[sl], out_ref.at[c].at[sl])


_agg_kernel = functools.partial(
    pl.kernel,
    out_type=jax.ShapeDtypeStruct((NC, NPAD, D_IN), jnp.float32),
    mesh=_mesh,
    scratch_types=[
        pltpu.VMEM_SHARED((NPAD, D_IN), jnp.float32),
        pltpu.VMEM((G, K), jnp.int32),
        pltpu.VMEM((G, K), jnp.int32),
        pltpu.VMEM((NBUF, K, D_IN), jnp.float32),
        pltpu.VMEM((16, 128), jnp.float32),
        pltpu.SemaphoreType.DMA,
        pltpu.SemaphoreType.DMA,
    ],
    compiler_params=_sc_params,
)(_agg_body)


def _inv(d):
    return jnp.where(d > 0.0, lax.rsqrt(d), 0.0)


def _pre_body(x_ref, od_ref, id_ref, out_ref):
    x = x_ref[...]
    out_ref[0] = _inv(id_ref[...]) * x
    out_ref[1] = _inv(od_ref[...]) * x


def _mid_body(agg_ref, od_ref, id_ref, w1s_ref, b1s_ref, w1d_ref, b1d_ref,
              w2s_ref, w2d_ref, out_ref):
    oi = _inv(od_ref[...])
    ii = _inv(id_ref[...])
    a0 = oi * agg_ref[0]
    a1 = ii * agg_ref[1]
    h = ALPHA * (jnp.dot(a0, w1s_ref[...], preferred_element_type=jnp.float32)
                 + b1s_ref[...])
    h += (1.0 - ALPHA) * (jnp.dot(a1, w1d_ref[...],
                                  preferred_element_type=jnp.float32)
                          + b1d_ref[...])
    h = jnp.maximum(h, 0.0)
    out_ref[0] = ii * jnp.dot(h, w2s_ref[...],
                              preferred_element_type=jnp.float32)
    out_ref[1] = oi * jnp.dot(h, w2d_ref[...],
                              preferred_element_type=jnp.float32)


def _fin_body(agg_ref, od_ref, id_ref, b2s_ref, b2d_ref, out_ref):
    oi = _inv(od_ref[...])
    ii = _inv(id_ref[...])
    out_ref[...] = (ALPHA * (oi * agg_ref[0] + b2s_ref[...])
                    + (1.0 - ALPHA) * (ii * agg_ref[1] + b2d_ref[...]))


_BN = 1000


def _col(i):
    return (i, 0)


def _col3(i):
    return (0, i, 0)


def _rep2(i):
    return (0, 0)


@jax.jit
def kernel(x, edge_index, W1s, b1s, W1d, b1d, W2s, b2s, W2d, b2d):
    row = edge_index[0].astype(jnp.int32)
    col = edge_index[1].astype(jnp.int32)

    ge = jnp.concatenate([col, row + N]).reshape(2 * E // K, K)
    se = jnp.concatenate([row, col]).reshape(2 * E // K, K)
    de = jnp.concatenate([row, col])

    degs = _deg_kernel(de)
    od = degs[0, :N].reshape(N, 1)
    idg = degs[1, :N].reshape(N, 1)

    grid = N // _BN
    deg_spec = pl.BlockSpec((_BN, 1), _col)
    agg_spec = pl.BlockSpec((NC, _BN, D_IN), _col3)

    srcs1 = pl.pallas_call(
        _pre_body,
        grid=(grid,),
        in_specs=[pl.BlockSpec((_BN, D_IN), _col), deg_spec, deg_spec],
        out_specs=pl.BlockSpec((NC, _BN, D_IN), _col3),
        out_shape=jax.ShapeDtypeStruct((NC, N, D_IN), jnp.float32),
    )(x, od, idg)

    agg1 = _agg_kernel(srcs1.reshape(NC * N, D_IN), ge, se)

    srcs2 = pl.pallas_call(
        _mid_body,
        grid=(grid,),
        in_specs=[
            agg_spec, deg_spec, deg_spec,
            pl.BlockSpec((D_IN, D_HID), _rep2),
            pl.BlockSpec((1, D_HID), _rep2),
            pl.BlockSpec((D_IN, D_HID), _rep2),
            pl.BlockSpec((1, D_HID), _rep2),
            pl.BlockSpec((D_HID, D_OUT), _rep2),
            pl.BlockSpec((D_HID, D_OUT), _rep2),
        ],
        out_specs=pl.BlockSpec((NC, _BN, D_OUT), _col3),
        out_shape=jax.ShapeDtypeStruct((NC, N, D_OUT), jnp.float32),
    )(agg1, od, idg, W1s.T, b1s.reshape(1, -1), W1d.T, b1d.reshape(1, -1),
      W2s.T, W2d.T)

    agg2 = _agg_kernel(srcs2.reshape(NC * N, D_OUT), ge, se)

    out = pl.pallas_call(
        _fin_body,
        grid=(grid,),
        in_specs=[
            agg_spec, deg_spec, deg_spec,
            pl.BlockSpec((1, D_OUT), _rep2),
            pl.BlockSpec((1, D_OUT), _rep2),
        ],
        out_specs=pl.BlockSpec((_BN, D_OUT), _col),
        out_shape=jax.ShapeDtypeStruct((N, D_OUT), jnp.float32),
    )(agg2, od, idg, b2s.reshape(1, -1), b2d.reshape(1, -1))

    return out

# --- scband reference (transcript-rebuilt; emitter-appended) ---
"""Pipeline reference for scband-dir-gnn-43611097924220 (READ-ONLY COPY).

The authoritative reference and input builder live on the scoring server;
editing this copy changes nothing except your own understanding.
"""

import jax, jax.numpy as jnp
import numpy as np

N_NODES = 10000
N_EDGES = 320000
D_IN = 128
D_HID = 256
D_OUT = 128
ALPHA = 0.5


def setup_inputs(seed: int = 0) -> dict:
    key = jax.random.key(seed)
    ks = jax.random.split(key, 12)
    x = jax.random.normal(ks[0], (N_NODES, D_IN), dtype=jnp.float32)
    edge_index = jax.random.randint(ks[1], (2, N_EDGES), 0, N_NODES, dtype=jnp.int64)
    # torch Linear params: weight [out, in], bias [out]
    def lin(k, fan_in, fan_out):
        k1, k2 = jax.random.split(k)
        bound = 1.0 / np.sqrt(fan_in)
        W = jax.random.uniform(k1, (fan_out, fan_in), minval=-bound, maxval=bound, dtype=jnp.float32)
        b = jax.random.uniform(k2, (fan_out,), minval=-bound, maxval=bound, dtype=jnp.float32)
        return W, b
    W1s, b1s = lin(ks[2], D_IN, D_HID)
    W1d, b1d = lin(ks[3], D_IN, D_HID)
    W2s, b2s = lin(ks[4], D_HID, D_OUT)
    W2d, b2d = lin(ks[5], D_HID, D_OUT)
    return {"x": x, "edge_index": edge_index,
            "W1s": W1s, "b1s": b1s, "W1d": W1d, "b1d": b1d,
            "W2s": W2s, "b2s": b2s, "W2d": W2d, "b2d": b2d}


def _dir_conv(x, edge_index, Ws, bs, Wd, bd, alpha):
    row = edge_index[0]
    col = edge_index[1]
    n = x.shape[0]
    ones = jnp.ones(row.shape[0], dtype=x.dtype)
    out_deg = jax.ops.segment_sum(ones, row, num_segments=n)
    in_deg = jax.ops.segment_sum(ones, col, num_segments=n)
    out_inv = jnp.where(out_deg > 0, out_deg ** -0.5, 0.0)
    in_inv = jnp.where(in_deg > 0, in_deg ** -0.5, 0.0)
    # directed norm: D_out^{-1/2} A D_in^{-1/2}; transpose shares same edge weights
    w = out_inv[row] * in_inv[col]
    agg = jax.ops.segment_sum(w[:, None] * x[col], row, num_segments=n)
    agg_t = jax.ops.segment_sum(w[:, None] * x[row], col, num_segments=n)
    return alpha * (agg @ Ws.T + bs) + (1.0 - alpha) * (agg_t @ Wd.T + bd)


def reference(x, edge_index, W1s, b1s, W1d, b1d, W2s, b2s, W2d, b2d):
    h = _dir_conv(x, edge_index, W1s, b1s, W1d, b1d, ALPHA)
    h = jax.nn.relu(h)  # dropout p=0.0 is identity; normalize=False
    out = _dir_conv(h, edge_index, W2s, b2s, W2d, b2d, ALPHA)
    return out

if __name__ == "__main__":
    import jax
    _d = setup_inputs()
    print(jax.jit(kernel)(*tuple(_d.values())))

</pallas_src>

<mosaic_0001>
#map = affine_map<(d0, d1) -> (0)>
#map1 = affine_map<(d0, d1) -> (0, 0)>
module attributes {stable_mosaic.version = 14 : i64} {
  func.func @_deg_body(%arg0: i32, %arg1: i32, %arg2: memref<640000xi32, #tpu.memory_space<hbm>>, %arg3: memref<2x10240xf32, #tpu.memory_space<hbm>>, %arg4: memref<10240xf32, #tpu.memory_space<vmem>>, %arg5: memref<2x800xi32, #tpu.memory_space<vmem>>, %arg6: memref<16x640xf32, #tpu.memory_space<vmem>>, %arg7: memref<640xf32, #tpu.memory_space<vmem>>, %arg8: memref<16x10240xf32, #tpu.memory_space<vmem_shared>>, %arg9: memref<!tpu.dma_semaphore, #tpu.memory_space<semaphore_mem>>, %arg10: memref<!tpu.dma_semaphore, #tpu.memory_space<semaphore_mem>>) attributes {dimension_semantics = [#tpu.dimension_semantics<core_parallel>, #tpu.dimension_semantics<subcore_parallel>], iteration_bounds = array<i64: 2, 16>, scalar_prefetch = 0 : i64, scratch_operands = 7 : i64, tpu.core_type = #tpu.core_type<sc_vector_subcore>, window_params = [{transform_indices = #map}, {transform_indices = #map1}]} {
    %broadcast_in_dim3A = arith.constant 0.000000e+00 : f32
    %broadcast_in_dim3A_0 = vector.broadcast %broadcast_in_dim3A : f32 to vector<16xf32>
    %broadcast_in_dim3A_1 = arith.constant 1.000000e+00 : f32
    %broadcast_in_dim3A_2 = vector.broadcast %broadcast_in_dim3A_1 : f32 to vector<16xf32>
    %scan3A = arith.constant 0 : i32
    %scan3A_3 = arith.constant 640 : i32
    %scan3A_4 = arith.addi %scan3A, %scan3A_3 : i32
    %scan3A_5 = arith.constant 1 : i32
    scf.for %scan3A_480 = %scan3A to %scan3A_4 step %scan3A_5  : i32 {
      %mul3A_481 = arith.constant 16 : i32
      %mul3A_482 = arith.muli %scan3A_480, %mul3A_481 : i32
      %swap3A = arith.index_cast %mul3A_482 : i32 to index
      %swap3A_483 = tpu.vector_load %arg4[%swap3A] {strides = array<i32>} : memref<10240xf32, #tpu.memory_space<vmem>>, vector<16xf32>,
      tpu.vector_store %arg4[%swap3A], %broadcast_in_dim3A_0 {strides = array<i32>} : memref<10240xf32, #tpu.memory_space<vmem>>, vector<16xf32>,
    }
    %scan3A_6 = arith.constant 640 : i32
    %mul3A = arith.constant 320000 : i32
    %mul3A_7 = arith.muli %arg0, %mul3A : i32
    %mul3A_8 = arith.constant 20000 : i32
    %mul3A_9 = arith.muli %arg1, %mul3A_8 : i32
    %add3A = arith.addi %mul3A_7, %mul3A_9 : i32
    %add3A_10 = arith.constant 0 : i32
    %add3A_11 = arith.addi %add3A, %add3A_10 : i32
    %rem3A = arith.constant 0 : i32
    %rem3A_12 = arith.constant 2 : i32
    %rem3A_13 = arith.remsi %rem3A, %rem3A_12 : i32
    %dma_start3A = arith.constant 0 : i32
    %dma_start3A_14 = tpu.memref_slice %arg5[%rem3A_13, %dma_start3A] : memref<2x800xi32, #tpu.memory_space<vmem>> -> memref<1x800xi32, #tpu.memory_space<vmem>>
    %dma_start3A_15 = tpu.memref_squeeze %dma_start3A_14 : memref<1x800xi32, #tpu.memory_space<vmem>> -> memref<800xi32, #tpu.memory_space<vmem>>
    %dma_start3A_16 = tpu.memref_slice %arg2[%add3A_11] : memref<640000xi32, #tpu.memory_space<hbm>> -> memref<800xi32, #tpu.memory_space<hbm>>
    %dma_start3A_17 = arith.constant 0 : i32
    %dma_start3A_18 = tpu.memref_slice %arg5[%rem3A_13, %dma_start3A_17] : memref<2x800xi32, #tpu.memory_space<vmem>> -> memref<1x800xi32, #tpu.memory_space<vmem>>
    %dma_start3A_19 = tpu.memref_squeeze %dma_start3A_18 : memref<1x800xi32, #tpu.memory_space<vmem>> -> memref<800xi32, #tpu.memory_space<vmem>>
    %dma_start3A_20 = tpu.memref_slice %arg2[%add3A_11] : memref<640000xi32, #tpu.memory_space<hbm>> -> memref<800xi32, #tpu.memory_space<hbm>>
    tpu.enqueue_dma source(%dma_start3A_20 : memref<800xi32, #tpu.memory_space<hbm>>) target(%dma_start3A_19 : memref<800xi32, #tpu.memory_space<vmem>>) target_semaphore(%arg9 : memref<!tpu.dma_semaphore, #tpu.memory_space<semaphore_mem>>)
    %scan3A_21 = arith.constant 0 : i32
    %scan3A_22 = arith.constant 25 : i32
    %scan3A_23 = arith.addi %scan3A_21, %scan3A_22 : i32
    %scan3A_24 = arith.constant 1 : i32
    scf.for %scan3A_480 = %scan3A_21 to %scan3A_23 step %scan3A_24  : i32 {
      %mul3A_481 = arith.constant 800 : i32
      %mul3A_482 = arith.muli %scan3A_480, %mul3A_481 : i32
      %add3A_483 = arith.addi %add3A, %mul3A_482 : i32
      %rem3A_484 = arith.constant 2 : i32
      %rem3A_485 = arith.remsi %scan3A_480, %rem3A_484 : i32
      %dma_wait3A_486 = arith.constant 0 : i32
      %dma_wait3A_487 = tpu.memref_slice %arg5[%rem3A_485, %dma_wait3A_486] : memref<2x800xi32, #tpu.memory_space<vmem>> -> memref<1x800xi32, #tpu.memory_space<vmem>>
      %dma_wait3A_488 = tpu.memref_squeeze %dma_wait3A_487 : memref<1x800xi32, #tpu.memory_space<vmem>> -> memref<800xi32, #tpu.memory_space<vmem>>
      %dma_wait3A_489 = tpu.memref_slice %arg2[%add3A_483] : memref<640000xi32, #tpu.memory_space<hbm>> -> memref<800xi32, #tpu.memory_space<hbm>>
      %dma_wait3A_490 = arith.constant 0 : i32
      %dma_wait3A_491 = tpu.memref_slice %arg5[%rem3A_485, %dma_wait3A_490] : memref<2x800xi32, #tpu.memory_space<vmem>> -> memref<1x800xi32, #tpu.memory_space<vmem>>
      %dma_wait3A_492 = tpu.memref_squeeze %dma_wait3A_491 : memref<1x800xi32, #tpu.memory_space<vmem>> -> memref<800xi32, #tpu.memory_space<vmem>>
      %dma_wait3A_493 = tpu.memref_slice %arg2[%add3A_483] : memref<640000xi32, #tpu.memory_space<hbm>> -> memref<800xi32, #tpu.memory_space<hbm>>
      tpu.wait_dma2 semaphore(%arg9 : memref<!tpu.dma_semaphore, #tpu.memory_space<semaphore_mem>>) src(%dma_wait3A_493 : memref<800xi32, #tpu.memory_space<hbm>>) dst(%dma_wait3A_492 : memref<800xi32, #tpu.memory_space<vmem>>)
      %lt3A = arith.constant 24 : i32
      %lt3A_494 = arith.cmpi slt, %scan3A_480, %lt3A : i32
      %convert_element_type3A = arith.extui %lt3A_494 : i1 to i32
      %cond3A = arith.constant 0 : i32
      %cond3A_495 = arith.cmpi ne, %convert_element_type3A, %cond3A : i32
      scf.if %cond3A_495 {
        %add3A_503 = arith.constant 1 : i32
        %add3A_504 = arith.addi %scan3A_480, %add3A_503 : i32
        %mul3A_505 = arith.constant 800 : i32
        %mul3A_506 = arith.muli %add3A_504, %mul3A_505 : i32
        %add3A_507 = arith.addi %add3A, %mul3A_506 : i32
        %rem3A_508 = arith.constant 2 : i32
        %rem3A_509 = arith.remsi %add3A_504, %rem3A_508 : i32
        %dma_start3A_510 = arith.constant 0 : i32
        %dma_start3A_511 = tpu.memref_slice %arg5[%rem3A_509, %dma_start3A_510] : memref<2x800xi32, #tpu.memory_space<vmem>> -> memref<1x800xi32, #tpu.memory_space<vmem>>
        %dma_start3A_512 = tpu.memref_squeeze %dma_start3A_511 : memref<1x800xi32, #tpu.memory_space<vmem>> -> memref<800xi32, #tpu.memory_space<vmem>>
        %dma_start3A_513 = tpu.memref_slice %arg2[%add3A_507] : memref<640000xi32, #tpu.memory_space<hbm>> -> memref<800xi32, #tpu.memory_space<hbm>>
        %dma_start3A_514 = arith.constant 0 : i32
        %dma_start3A_515 = tpu.memref_slice %arg5[%rem3A_509, %dma_start3A_514] : memref<2x800xi32, #tpu.memory_space<vmem>> -> memref<1x800xi32, #tpu.memory_space<vmem>>
        %dma_start3A_516 = tpu.memref_squeeze %dma_start3A_515 : memref<1x800xi32, #tpu.memory_space<vmem>> -> memref<800xi32, #tpu.memory_space<vmem>>
        %dma_start3A_517 = tpu.memref_slice %arg2[%add3A_507] : memref<640000xi32, #tpu.memory_space<hbm>> -> memref<800xi32, #tpu.memory_space<hbm>>
        tpu.enqueue_dma source(%dma_start3A_517 : memref<800xi32, #tpu.memory_space<hbm>>) target(%dma_start3A_516 : memref<800xi32, #tpu.memory_space<vmem>>) target_semaphore(%arg9 : memref<!tpu.dma_semaphore, #tpu.memory_space<semaphore_mem>>)
      } else {
      }
      %rem3A_496 = arith.constant 2 : i32
      %rem3A_497 = arith.remsi %scan3A_480, %rem3A_496 : i32
      %scan3A_498 = arith.constant 0 : i32
      %scan3A_499 = arith.constant 50 : i32
      %scan3A_500 = arith.addi %scan3A_498, %scan3A_499 : i32
      %scan3A_501 = arith.constant 1 : i32
      scf.for %scan3A_503 = %scan3A_498 to %scan3A_500 step %scan3A_501  : i32 {
        %mul3A_504 = arith.constant 16 : i32
        %mul3A_505 = arith.muli %scan3A_503, %mul3A_504 : i32
        %get3A = arith.constant 0 : i32
        %get3A_506 = tpu.memref_slice %arg5[%rem3A_497, %get3A] : memref<2x800xi32, #tpu.memory_space<vmem>> -> memref<1x800xi32, #tpu.memory_space<vmem>>
        %get3A_507 = tpu.memref_squeeze %get3A_506 : memref<1x800xi32, #tpu.memory_space<vmem>> -> memref<800xi32, #tpu.memory_space<vmem>>
        %get3A_508 = arith.index_cast %mul3A_505 : i32 to index
        %get3A_509 = tpu.vector_load %get3A_507[%get3A_508] {strides = array<i32>} : memref<800xi32, #tpu.memory_space<vmem>>, vector<16xi32>,
        tpu.vector_store_idx %arg4[%get3A_509], %broadcast_in_dim3A_2 {add = true} : memref<10240xf32, #tpu.memory_space<vmem>>[vector<16xi32>], vector<16xf32>,
      }
      %scan3A_502 = arith.constant 50 : i32
    }
    %scan3A_25 = arith.constant 25 : i32
    "tpu.region"() ({
      %run_scoped3A = tpu.sem_alloc : memref<!tpu.dma_semaphore, #tpu.memory_space<semaphore_mem>>
      %dma_start3A_480 = arith.constant 0 : i32
      %dma_start3A_481 = tpu.memref_slice %arg8[%arg1, %dma_start3A_480] : memref<16x10240xf32, #tpu.memory_space<vmem_shared>> -> memref<1x10240xf32, #tpu.memory_space<vmem_shared>>
      %dma_start3A_482 = tpu.memref_squeeze %dma_start3A_481 : memref<1x10240xf32, #tpu.memory_space<vmem_shared>> -> memref<10240xf32, #tpu.memory_space<vmem_shared>>
      %dma_start3A_483 = arith.constant 0 : i32
      %dma_start3A_484 = tpu.memref_slice %arg8[%arg1, %dma_start3A_483] : memref<16x10240xf32, #tpu.memory_space<vmem_shared>> -> memref<1x10240xf32, #tpu.memory_space<vmem_shared>>
      %dma_start3A_485 = tpu.memref_squeeze %dma_start3A_484 : memref<1x10240xf32, #tpu.memory_space<vmem_shared>> -> memref<10240xf32, #tpu.memory_space<vmem_shared>>
      tpu.enqueue_dma source(%arg4 : memref<10240xf32, #tpu.memory_space<vmem>>) target(%dma_start3A_485 : memref<10240xf32, #tpu.memory_space<vmem_shared>>) target_semaphore(%run_scoped3A : memref<!tpu.dma_semaphore, #tpu.memory_space<semaphore_mem>>)
      %dma_wait3A_486 = arith.constant 0 : i32
      %dma_wait3A_487 = tpu.memref_slice %arg8[%arg1, %dma_wait3A_486] : memref<16x10240xf32, #tpu.memory_space<vmem_shared>> -> memref<1x10240xf32, #tpu.memory_space<vmem_shared>>
      %dma_wait3A_488 = tpu.memref_squeeze %dma_wait3A_487 : memref<1x10240xf32, #tpu.memory_space<vmem_shared>> -> memref<10240xf32, #tpu.memory_space<vmem_shared>>
      %dma_wait3A_489 = arith.constant 0 : i32
      %dma_wait3A_490 = tpu.memref_slice %arg8[%arg1, %dma_wait3A_489] : memref<16x10240xf32, #tpu.memory_space<vmem_shared>> -> memref<1x10240xf32, #tpu.memory_space<vmem_shared>>
      %dma_wait3A_491 = tpu.memref_squeeze %dma_wait3A_490 : memref<1x10240xf32, #tpu.memory_space<vmem_shared>> -> memref<10240xf32, #tpu.memory_space<vmem_shared>>
      tpu.wait_dma2 semaphore(%run_scoped3A : memref<!tpu.dma_semaphore, #tpu.memory_space<semaphore_mem>>) src(%arg4 : memref<10240xf32, #tpu.memory_space<vmem>>) dst(%dma_wait3A_491 : memref<10240xf32, #tpu.memory_space<vmem_shared>>)
      tpu.yield
    }) : () -> ()
    %barrier3A = arith.constant 0 : index
    tpu.barrier barrier_id(%barrier3A)
    %mul3A_26 = arith.constant 640 : i32
    %mul3A_27 = arith.muli %arg1, %mul3A_26 : i32
    %dma_start3A_28 = arith.constant 0 : i32
    %dma_start3A_29 = arith.constant 0 : i32
    %dma_start3A_30 = arith.constant 0 : i32
    %dma_start3A_31 = tpu.memref_slice %arg6[%dma_start3A_29, %dma_start3A_30] : memref<16x640xf32, #tpu.memory_space<vmem>> -> memref<1x640xf32, #tpu.memory_space<vmem>>
    %dma_start3A_32 = tpu.memref_squeeze %dma_start3A_31 : memref<1x640xf32, #tpu.memory_space<vmem>> -> memref<640xf32, #tpu.memory_space<vmem>>
    %dma_start3A_33 = tpu.memref_slice %arg8[%dma_start3A_28, %mul3A_27] : memref<16x10240xf32, #tpu.memory_space<vmem_shared>> -> memref<1x640xf32, #tpu.memory_space<vmem_shared>>
    %dma_start3A_34 = tpu.memref_squeeze %dma_start3A_33 : memref<1x640xf32, #tpu.memory_space<vmem_shared>> -> memref<640xf32, #tpu.memory_space<vmem_shared>>
    %dma_start3A_35 = arith.constant 0 : i32
    %dma_start3A_36 = tpu.memref_slice %arg6[%dma_start3A_29, %dma_start3A_35] : memref<16x640xf32, #tpu.memory_space<vmem>> -> memref<1x640xf32, #tpu.memory_space<vmem>>
    %dma_start3A_37 = tpu.memref_squeeze %dma_start3A_36 : memref<1x640xf32, #tpu.memory_space<vmem>> -> memref<640xf32, #tpu.memory_space<vmem>>
    %dma_start3A_38 = tpu.memref_slice %arg8[%dma_start3A_28, %mul3A_27] : memref<16x10240xf32, #tpu.memory_space<vmem_shared>> -> memref<1x640xf32, #tpu.memory_space<vmem_shared>>
    %dma_start3A_39 = tpu.memref_squeeze %dma_start3A_38 : memref<1x640xf32, #tpu.memory_space<vmem_shared>> -> memref<640xf32, #tpu.memory_space<vmem_shared>>
    tpu.enqueue_dma source(%dma_start3A_39 : memref<640xf32, #tpu.memory_space<vmem_shared>>) target(%dma_start3A_37 : memref<640xf32, #tpu.memory_space<vmem>>) target_semaphore(%arg10 : memref<!tpu.dma_semaphore, #tpu.memory_space<semaphore_mem>>)
    %mul3A_40 = arith.constant 640 : i32
    %mul3A_41 = arith.muli %arg1, %mul3A_40 : i32
    %dma_start3A_42 = arith.constant 1 : i32
    %dma_start3A_43 = arith.constant 1 : i32
    %dma_start3A_44 = arith.constant 0 : i32
    %dma_start3A_45 = tpu.memref_slice %arg6[%dma_start3A_43, %dma_start3A_44] : memref<16x640xf32, #tpu.memory_space<vmem>> -> memref<1x640xf32, #tpu.memory_space<vmem>>
    %dma_start3A_46 = tpu.memref_squeeze %dma_start3A_45 : memref<1x640xf32, #tpu.memory_space<vmem>> -> memref<640xf32, #tpu.memory_space<vmem>>
    %dma_start3A_47 = tpu.memref_slice %arg8[%dma_start3A_42, %mul3A_41] : memref<16x10240xf32, #tpu.memory_space<vmem_shared>> -> memref<1x640xf32, #tpu.memory_space<vmem_shared>>
    %dma_start3A_48 = tpu.memref_squeeze %dma_start3A_47 : memref<1x640xf32, #tpu.memory_space<vmem_shared>> -> memref<640xf32, #tpu.memory_space<vmem_shared>>
    %dma_start3A_49 = arith.constant 0 : i32
    %dma_start3A_50 = tpu.memref_slice %arg6[%dma_start3A_43, %dma_start3A_49] : memref<16x640xf32, #tpu.memory_space<vmem>> -> memref<1x640xf32, #tpu.memory_space<vmem>>
    %dma_start3A_51 = tpu.memref_squeeze %dma_start3A_50 : memref<1x640xf32, #tpu.memory_space<vmem>> -> memref<640xf32, #tpu.memory_space<vmem>>
    %dma_start3A_52 = tpu.memref_slice %arg8[%dma_start3A_42, %mul3A_41] : memref<16x10240xf32, #tpu.memory_space<vmem_shared>> -> memref<1x640xf32, #tpu.memory_space<vmem_shared>>
    %dma_start3A_53 = tpu.memref_squeeze %dma_start3A_52 : memref<1x640xf32, #tpu.memory_space<vmem_shared>> -> memref<640xf32, #tpu.memory_space<vmem_shared>>
    tpu.enqueue_dma source(%dma_start3A_53 : memref<640xf32, #tpu.memory_space<vmem_shared>>) target(%dma_start3A_51 : memref<640xf32, #tpu.memory_space<vmem>>) target_semaphore(%arg10 : memref<!tpu.dma_semaphore, #tpu.memory_space<semaphore_mem>>)
    %mul3A_54 = arith.constant 640 : i32
    %mul3A_55 = arith.muli %arg1, %mul3A_54 : i32
    %dma_start3A_56 = arith.constant 2 : i32
    %dma_start3A_57 = arith.constant 2 : i32
    %dma_start3A_58 = arith.constant 0 : i32
    %dma_start3A_59 = tpu.memref_slice %arg6[%dma_start3A_57, %dma_start3A_58] : memref<16x640xf32, #tpu.memory_space<vmem>> -> memref<1x640xf32, #tpu.memory_space<vmem>>
    %dma_start3A_60 = tpu.memref_squeeze %dma_start3A_59 : memref<1x640xf32, #tpu.memory_space<vmem>> -> memref<640xf32, #tpu.memory_space<vmem>>
    %dma_start3A_61 = tpu.memref_slice %arg8[%dma_start3A_56, %mul3A_55] : memref<16x10240xf32, #tpu.memory_space<vmem_shared>> -> memref<1x640xf32, #tpu.memory_space<vmem_shared>>
    %dma_start3A_62 = tpu.memref_squeeze %dma_start3A_61 : memref<1x640xf32, #tpu.memory_space<vmem_shared>> -> memref<640xf32, #tpu.memory_space<vmem_shared>>
    %dma_start3A_63 = arith.constant 0 : i32
    %dma_start3A_64 = tpu.memref_slice %arg6[%dma_start3A_57, %dma_start3A_63] : memref<16x640xf32, #tpu.memory_space<vmem>> -> memref<1x640xf32, #tpu.memory_space<vmem>>
    %dma_start3A_65 = tpu.memref_squeeze %dma_start3A_64 : memref<1x640xf32, #tpu.memory_space<vmem>> -> memref<640xf32, #tpu.memory_space<vmem>>
    %dma_start3A_66 = tpu.memref_slice %arg8[%dma_start3A_56, %mul3A_55] : memref<16x10240xf32, #tpu.memory_space<vmem_shared>> -> memref<1x640xf32, #tpu.memory_space<vmem_shared>>
    %dma_start3A_67 = tpu.memref_squeeze %dma_start3A_66 : memref<1x640xf32, #tpu.memory_space<vmem_shared>> -> memref<640xf32, #tpu.memory_space<vmem_shared>>
    tpu.enqueue_dma source(%dma_start3A_67 : memref<640xf32, #tpu.memory_space<vmem_shared>>) target(%dma_start3A_65 : memref<640xf32, #tpu.memory_space<vmem>>) target_semaphore(%arg10 : memref<!tpu.dma_semaphore, #tpu.memory_space<semaphore_mem>>)
    %mul3A_68 = arith.constant 640 : i32
    %mul3A_69 = arith.muli %arg1, %mul3A_68 : i32
    %dma_start3A_70 = arith.constant 3 : i32
    %dma_start3A_71 = arith.constant 3 : i32
    %dma_start3A_72 = arith.constant 0 : i32
    %dma_start3A_73 = tpu.memref_slice %arg6[%dma_start3A_71, %dma_start3A_72] : memref<16x640xf32, #tpu.memory_space<vmem>> -> memref<1x640xf32, #tpu.memory_space<vmem>>
    %dma_start3A_74 = tpu.memref_squeeze %dma_start3A_73 : memref<1x640xf32, #tpu.memory_space<vmem>> -> memref<640xf32, #tpu.memory_space<vmem>>
    %dma_start3A_75 = tpu.memref_slice %arg8[%dma_start3A_70, %mul3A_69] : memref<16x10240xf32, #tpu.memory_space<vmem_shared>> -> memref<1x640xf32, #tpu.memory_space<vmem_shared>>
    %dma_start3A_76 = tpu.memref_squeeze %dma_start3A_75 : memref<1x640xf32, #tpu.memory_space<vmem_shared>> -> memref<640xf32, #tpu.memory_space<vmem_shared>>
    %dma_start3A_77 = arith.constant 0 : i32
    %dma_start3A_78 = tpu.memref_slice %arg6[%dma_start3A_71, %dma_start3A_77] : memref<16x640xf32, #tpu.memory_space<vmem>> -> memref<1x640xf32, #tpu.memory_space<vmem>>
    %dma_start3A_79 = tpu.memref_squeeze %dma_start3A_78 : memref<1x640xf32, #tpu.memory_space<vmem>> -> memref<640xf32, #tpu.memory_space<vmem>>
    %dma_start3A_80 = tpu.memref_slice %arg8[%dma_start3A_70, %mul3A_69] : memref<16x10240xf32, #tpu.memory_space<vmem_shared>> -> memref<1x640xf32, #tpu.memory_space<vmem_shared>>
    %dma_start3A_81 = tpu.memref_squeeze %dma_start3A_80 : memref<1x640xf32, #tpu.memory_space<vmem_shared>> -> memref<640xf32, #tpu.memory_space<vmem_shared>>
    tpu.enqueue_dma source(%dma_start3A_81 : memref<640xf32, #tpu.memory_space<vmem_shared>>) target(%dma_start3A_79 : memref<640xf32, #tpu.memory_space<vmem>>) target_semaphore(%arg10 : memref<!tpu.dma_semaphore, #tpu.memory_space<semaphore_mem>>)
    %mul3A_82 = arith.constant 640 : i32
    %mul3A_83 = arith.muli %arg1, %mul3A_82 : i32
    %dma_start3A_84 = arith.constant 4 : i32
    %dma_start3A_85 = arith.constant 4 : i32
    %dma_start3A_86 = arith.constant 0 : i32
    %dma_start3A_87 = tpu.memref_slice %arg6[%dma_start3A_85, %dma_start3A_86] : memref<16x640xf32, #tpu.memory_space<vmem>> -> memref<1x640xf32, #tpu.memory_space<vmem>>
    %dma_start3A_88 = tpu.memref_squeeze %dma_start3A_87 : memref<1x640xf32, #tpu.memory_space<vmem>> -> memref<640xf32, #tpu.memory_space<vmem>>
    %dma_start3A_89 = tpu.memref_slice %arg8[%dma_start3A_84, %mul3A_83] : memref<16x10240xf32, #tpu.memory_space<vmem_shared>> -> memref<1x640xf32, #tpu.memory_space<vmem_shared>>
    %dma_start3A_90 = tpu.memref_squeeze %dma_start3A_89 : memref<1x640xf32, #tpu.memory_space<vmem_shared>> -> memref<640xf32, #tpu.memory_space<vmem_shared>>
    %dma_start3A_91 = arith.constant 0 : i32
    %dma_start3A_92 = tpu.memref_slice %arg6[%dma_start3A_85, %dma_start3A_91] : memref<16x640xf32, #tpu.memory_space<vmem>> -> memref<1x640xf32, #tpu.memory_space<vmem>>
    %dma_start3A_93 = tpu.memref_squeeze %dma_start3A_92 : memref<1x640xf32, #tpu.memory_space<vmem>> -> memref<640xf32, #tpu.memory_space<vmem>>
    %dma_start3A_94 = tpu.memref_slice %arg8[%dma_start3A_84, %mul3A_83] : memref<16x10240xf32, #tpu.memory_space<vmem_shared>> -> memref<1x640xf32, #tpu.memory_space<vmem_shared>>
    %dma_start3A_95 = tpu.memref_squeeze %dma_start3A_94 : memref<1x640xf32, #tpu.memory_space<vmem_shared>> -> memref<640xf32, #tpu.memory_space<vmem_shared>>
    tpu.enqueue_dma source(%dma_start3A_95 : memref<640xf32, #tpu.memory_space<vmem_shared>>) target(%dma_start3A_93 : memref<640xf32, #tpu.memory_space<vmem>>) target_semaphore(%arg10 : memref<!tpu.dma_semaphore, #tpu.memory_space<semaphore_mem>>)
    %mul3A_96 = arith.constant 640 : i32
    %mul3A_97 = arith.muli %arg1, %mul3A_96 : i32
    %dma_start3A_98 = arith.constant 5 : i32
    %dma_start3A_99 = arith.constant 5 : i32
    %dma_start3A_100 = arith.constant 0 : i32
    %dma_start3A_101 = tpu.memref_slice %arg6[%dma_start3A_99, %dma_start3A_100] : memref<16x640xf32, #tpu.memory_space<vmem>> -> memref<1x640xf32, #tpu.memory_space<vmem>>
    %dma_start3A_102 = tpu.memref_squeeze %dma_start3A_101 : memref<1x640xf32, #tpu.memory_space<vmem>> -> memref<640xf32, #tpu.memory_space<vmem>>
    %dma_start3A_103 = tpu.memref_slice %arg8[%dma_start3A_98, %mul3A_97] : memref<16x10240xf32, #tpu.memory_space<vmem_shared>> -> memref<1x640xf32, #tpu.memory_space<vmem_shared>>
    %dma_start3A_104 = tpu.memref_squeeze %dma_start3A_103 : memref<1x640xf32, #tpu.memory_space<vmem_shared>> -> memref<640xf32, #tpu.memory_space<vmem_shared>>
    %dma_start3A_105 = arith.constant 0 : i32
    %dma_start3A_106 = tpu.memref_slice %arg6[%dma_start3A_99, %dma_start3A_105] : memref<16x640xf32, #tpu.memory_space<vmem>> -> memref<1x640xf32, #tpu.memory_space<vmem>>
    %dma_start3A_107 = tpu.memref_squeeze %dma_start3A_106 : memref<1x640xf32, #tpu.memory_space<vmem>> -> memref<640xf32, #tpu.memory_space<vmem>>
    %dma_start3A_108 = tpu.memref_slice %arg8[%dma_start3A_98, %mul3A_97] : memref<16x10240xf32, #tpu.memory_space<vmem_shared>> -> memref<1x640xf32, #tpu.memory_space<vmem_shared>>
    %dma_start3A_109 = tpu.memref_squeeze %dma_start3A_108 : memref<1x640xf32, #tpu.memory_space<vmem_shared>> -> memref<640xf32, #tpu.memory_space<vmem_shared>>
    tpu.enqueue_dma source(%dma_start3A_109 : memref<640xf32, #tpu.memory_space<vmem_shared>>) target(%dma_start3A_107 : memref<640xf32, #tpu.memory_space<vmem>>) target_semaphore(%arg10 : memref<!tpu.dma_semaphore, #tpu.memory_space<semaphore_mem>>)
    %mul3A_110 = arith.constant 640 : i32
    %mul3A_111 = arith.muli %arg1, %mul3A_110 : i32
    %dma_start3A_112 = arith.constant 6 : i32
    %dma_start3A_113 = arith.constant 6 : i32
    %dma_start3A_114 = arith.constant 0 : i32
    %dma_start3A_115 = tpu.memref_slice %arg6[%dma_start3A_113, %dma_start3A_114] : memref<16x640xf32, #tpu.memory_space<vmem>> -> memref<1x640xf32, #tpu.memory_space<vmem>>
    %dma_start3A_116 = tpu.memref_squeeze %dma_start3A_115 : memref<1x640xf32, #tpu.memory_space<vmem>> -> memref<640xf32, #tpu.memory_space<vmem>>
    %dma_start3A_117 = tpu.memref_slice %arg8[%dma_start3A_112, %mul3A_111] : memref<16x10240xf32, #tpu.memory_space<vmem_shared>> -> memref<1x640xf32, #tpu.memory_space<vmem_shared>>
    %dma_start3A_118 = tpu.memref_squeeze %dma_start3A_117 : memref<1x640xf32, #tpu.memory_space<vmem_shared>> -> memref<640xf32, #tpu.memory_space<vmem_shared>>
    %dma_start3A_119 = arith.constant 0 : i32
    %dma_start3A_120 = tpu.memref_slice %arg6[%dma_start3A_113, %dma_start3A_119] : memref<16x640xf32, #tpu.memory_space<vmem>> -> memref<1x640xf32, #tpu.memory_space<vmem>>
    %dma_start3A_121 = tpu.memref_squeeze %dma_start3A_120 : memref<1x640xf32, #tpu.memory_space<vmem>> -> memref<640xf32, #tpu.memory_space<vmem>>
    %dma_start3A_122 = tpu.memref_slice %arg8[%dma_start3A_112, %mul3A_111] : memref<16x10240xf32, #tpu.memory_space<vmem_shared>> -> memref<1x640xf32, #tpu.memory_space<vmem_shared>>
    %dma_start3A_123 = tpu.memref_squeeze %dma_start3A_122 : memref<1x640xf32, #tpu.memory_space<vmem_shared>> -> memref<640xf32, #tpu.memory_space<vmem_shared>>
    tpu.enqueue_dma source(%dma_start3A_123 : memref<640xf32, #tpu.memory_space<vmem_shared>>) target(%dma_start3A_121 : memref<640xf32, #tpu.memory_space<vmem>>) target_semaphore(%arg10 : memref<!tpu.dma_semaphore, #tpu.memory_space<semaphore_mem>>)
    %mul3A_124 = arith.constant 640 : i32
    %mul3A_125 = arith.muli %arg1, %mul3A_124 : i32
    %dma_start3A_126 = arith.constant 7 : i32
    %dma_start3A_127 = arith.constant 7 : i32
    %dma_start3A_128 = arith.constant 0 : i32
    %dma_start3A_129 = tpu.memref_slice %arg6[%dma_start3A_127, %dma_start3A_128] : memref<16x640xf32, #tpu.memory_space<vmem>> -> memref<1x640xf32, #tpu.memory_space<vmem>>
    %dma_start3A_130 = tpu.memref_squeeze %dma_start3A_129 : memref<1x640xf32, #tpu.memory_space<vmem>> -> memref<640xf32, #tpu.memory_space<vmem>>
    %dma_start3A_131 = tpu.memref_slice %arg8[%dma_start3A_126, %mul3A_125] : memref<16x10240xf32, #tpu.memory_space<vmem_shared>> -> memref<1x640xf32, #tpu.memory_space<vmem_shared>>
    %dma_start3A_132 = tpu.memref_squeeze %dma_start3A_131 : memref<1x640xf32, #tpu.memory_space<vmem_shared>> -> memref<640xf32, #tpu.memory_space<vmem_shared>>
    %dma_start3A_133 = arith.constant 0 : i32
    %dma_start3A_134 = tpu.memref_slice %arg6[%dma_start3A_127, %dma_start3A_133] : memref<16x640xf32, #tpu.memory_space<vmem>> -> memref<1x640xf32, #tpu.memory_space<vmem>>
    %dma_start3A_135 = tpu.memref_squeeze %dma_start3A_134 : memref<1x640xf32, #tpu.memory_space<vmem>> -> memref<640xf32, #tpu.memory_space<vmem>>
    %dma_start3A_136 = tpu.memref_slice %arg8[%dma_start3A_126, %mul3A_125] : memref<16x10240xf32, #tpu.memory_space<vmem_shared>> -> memref<1x640xf32, #tpu.memory_space<vmem_shared>>
    %dma_start3A_137 = tpu.memref_squeeze %dma_start3A_136 : memref<1x640xf32, #tpu.memory_space<vmem_shared>> -> memref<640xf32, #tpu.memory_space<vmem_shared>>
    tpu.enqueue_dma source(%dma_start3A_137 : memref<640xf32, #tpu.memory_space<vmem_shared>>) target(%dma_start3A_135 : memref<640xf32, #tpu.memory_space<vmem>>) target_semaphore(%arg10 : memref<!tpu.dma_semaphore, #tpu.memory_space<semaphore_mem>>)
    %mul3A_138 = arith.constant 640 : i32
    %mul3A_139 = arith.muli %arg1, %mul3A_138 : i32
    %dma_start3A_140 = arith.constant 8 : i32
    %dma_start3A_141 = arith.constant 8 : i32
    %dma_start3A_142 = arith.constant 0 : i32
    %dma_start3A_143 = tpu.memref_slice %arg6[%dma_start3A_141, %dma_start3A_142] : memref<16x640xf32, #tpu.memory_space<vmem>> -> memref<1x640xf32, #tpu.memory_space<vmem>>
    %dma_start3A_144 = tpu.memref_squeeze %dma_start3A_143 : memref<1x640xf32, #tpu.memory_space<vmem>> -> memref<640xf32, #tpu.memory_space<vmem>>
    %dma_start3A_145 = tpu.memref_slice %arg8[%dma_start3A_140, %mul3A_139] : memref<16x10240xf32, #tpu.memory_space<vmem_shared>> -> memref<1x640xf32, #tpu.memory_space<vmem_shared>>
    %dma_start3A_146 = tpu.memref_squeeze %dma_start3A_145 : memref<1x640xf32, #tpu.memory_space<vmem_shared>> -> memref<640xf32, #tpu.memory_space<vmem_shared>>
    %dma_start3A_147 = arith.constant 0 : i32
    %dma_start3A_148 = tpu.memref_slice %arg6[%dma_start3A_141, %dma_start3A_147] : memref<16x640xf32, #tpu.memory_space<vmem>> -> memref<1x640xf32, #tpu.memory_space<vmem>>
    %dma_start3A_149 = tpu.memref_squeeze %dma_start3A_148 : memref<1x640xf32, #tpu.memory_space<vmem>> -> memref<640xf32, #tpu.memory_space<vmem>>
    %dma_start3A_150 = tpu.memref_slice %arg8[%dma_start3A_140, %mul3A_139] : memref<16x10240xf32, #tpu.memory_space<vmem_shared>> -> memref<1x640xf32, #tpu.memory_space<vmem_shared>>
    %dma_start3A_151 = tpu.memref_squeeze %dma_start3A_150 : memref<1x640xf32, #tpu.memory_space<vmem_shared>> -> memref<640xf32, #tpu.memory_space<vmem_shared>>
    tpu.enqueue_dma source(%dma_start3A_151 : memref<640xf32, #tpu.memory_space<vmem_shared>>) target(%dma_start3A_149 : memref<640xf32, #tpu.memory_space<vmem>>) target_semaphore(%arg10 : memref<!tpu.dma_semaphore, #tpu.memory_space<semaphore_mem>>)
    %mul3A_152 = arith.constant 640 : i32
    %mul3A_153 = arith.muli %arg1, %mul3A_152 : i32
    %dma_start3A_154 = arith.constant 9 : i32
    %dma_start3A_155 = arith.constant 9 : i32
    %dma_start3A_156 = arith.constant 0 : i32
    %dma_start3A_157 = tpu.memref_slice %arg6[%dma_start3A_155, %dma_start3A_156] : memref<16x640xf32, #tpu.memory_space<vmem>> -> memref<1x640xf32, #tpu.memory_space<vmem>>
    %dma_start3A_158 = tpu.memref_squeeze %dma_start3A_157 : memref<1x640xf32, #tpu.memory_space<vmem>> -> memref<640xf32, #tpu.memory_space<vmem>>
    %dma_start3A_159 = tpu.memref_slice %arg8[%dma_start3A_154, %mul3A_153] : memref<16x10240xf32, #tpu.memory_space<vmem_shared>> -> memref<1x640xf32, #tpu.memory_space<vmem_shared>>
    %dma_start3A_160 = tpu.memref_squeeze %dma_start3A_159 : memref<1x640xf32, #tpu.memory_space<vmem_shared>> -> memref<640xf32, #tpu.memory_space<vmem_shared>>
    %dma_start3A_161 = arith.constant 0 : i32
    %dma_start3A_162 = tpu.memref_slice %arg6[%dma_start3A_155, %dma_start3A_161] : memref<16x640xf32, #tpu.memory_space<vmem>> -> memref<1x640xf32, #tpu.memory_space<vmem>>
    %dma_start3A_163 = tpu.memref_squeeze %dma_start3A_162 : memref<1x640xf32, #tpu.memory_space<vmem>> -> memref<640xf32, #tpu.memory_space<vmem>>
    %dma_start3A_164 = tpu.memref_slice %arg8[%dma_start3A_154, %mul3A_153] : memref<16x10240xf32, #tpu.memory_space<vmem_shared>> -> memref<1x640xf32, #tpu.memory_space<vmem_shared>>
    %dma_start3A_165 = tpu.memref_squeeze %dma_start3A_164 : memref<1x640xf32, #tpu.memory_space<vmem_shared>> -> memref<640xf32, #tpu.memory_space<vmem_shared>>
    tpu.enqueue_dma source(%dma_start3A_165 : memref<640xf32, #tpu.memory_space<vmem_shared>>) target(%dma_start3A_163 : memref<640xf32, #tpu.memory_space<vmem>>) target_semaphore(%arg10 : memref<!tpu.dma_semaphore, #tpu.memory_space<semaphore_mem>>)
    %mul3A_166 = arith.constant 640 : i32
    %mul3A_167 = arith.muli %arg1, %mul3A_166 : i32
    %dma_start3A_168 = arith.constant 10 : i32
    %dma_start3A_169 = arith.constant 10 : i32
    %dma_start3A_170 = arith.constant 0 : i32
    %dma_start3A_171 = tpu.memref_slice %arg6[%dma_start3A_169, %dma_start3A_170] : memref<16x640xf32, #tpu.memory_space<vmem>> -> memref<1x640xf32, #tpu.memory_space<vmem>>
    %dma_start3A_172 = tpu.memref_squeeze %dma_start3A_171 : memref<1x640xf32, #tpu.memory_space<vmem>> -> memref<640xf32, #tpu.memory_space<vmem>>
    %dma_start3A_173 = tpu.memref_slice %arg8[%dma_start3A_168, %mul3A_167] : memref<16x10240xf32, #tpu.memory_space<vmem_shared>> -> memref<1x640xf32, #tpu.memory_space<vmem_shared>>
    %dma_start3A_174 = tpu.memref_squeeze %dma_start3A_173 : memref<1x640xf32, #tpu.memory_space<vmem_shared>> -> memref<640xf32, #tpu.memory_space<vmem_shared>>
    %dma_start3A_175 = arith.constant 0 : i32
    %dma_start3A_176 = tpu.memref_slice %arg6[%dma_start3A_169, %dma_start3A_175] : memref<16x640xf32, #tpu.memory_space<vmem>> -> memref<1x640xf32, #tpu.memory_space<vmem>>
    %dma_start3A_177 = tpu.memref_squeeze %dma_start3A_176 : memref<1x640xf32, #tpu.memory_space<vmem>> -> memref<640xf32, #tpu.memory_space<vmem>>
    %dma_start3A_178 = tpu.memref_slice %arg8[%dma_start3A_168, %mul3A_167] : memref<16x10240xf32, #tpu.memory_space<vmem_shared>> -> memref<1x640xf32, #tpu.memory_space<vmem_shared>>
    %dma_start3A_179 = tpu.memref_squeeze %dma_start3A_178 : memref<1x640xf32, #tpu.memory_space<vmem_shared>> -> memref<640xf32, #tpu.memory_space<vmem_shared>>
    tpu.enqueue_dma source(%dma_start3A_179 : memref<640xf32, #tpu.memory_space<vmem_shared>>) target(%dma_start3A_177 : memref<640xf32, #tpu.memory_space<vmem>>) target_semaphore(%arg10 : memref<!tpu.dma_semaphore, #tpu.memory_space<semaphore_mem>>)
    %mul3A_180 = arith.constant 640 : i32
    %mul3A_181 = arith.muli %arg1, %mul3A_180 : i32
    %dma_start3A_182 = arith.constant 11 : i32
    %dma_start3A_183 = arith.constant 11 : i32
    %dma_start3A_184 = arith.constant 0 : i32
    %dma_start3A_185 = tpu.memref_slice %arg6[%dma_start3A_183, %dma_start3A_184] : memref<16x640xf32, #tpu.memory_space<vmem>> -> memref<1x640xf32, #tpu.memory_space<vmem>>
    %dma_start3A_186 = tpu.memref_squeeze %dma_start3A_185 : memref<1x640xf32, #tpu.memory_space<vmem>> -> memref<640xf32, #tpu.memory_space<vmem>>
    %dma_start3A_187 = tpu.memref_slice %arg8[%dma_start3A_182, %mul3A_181] : memref<16x10240xf32, #tpu.memory_space<vmem_shared>> -> memref<1x640xf32, #tpu.memory_space<vmem_shared>>
    %dma_start3A_188 = tpu.memref_squeeze %dma_start3A_187 : memref<1x640xf32, #tpu.memory_space<vmem_shared>> -> memref<640xf32, #tpu.memory_space<vmem_shared>>
    %dma_start3A_189 = arith.constant 0 : i32
    %dma_start3A_190 = tpu.memref_slice %arg6[%dma_start3A_183, %dma_start3A_189] : memref<16x640xf32, #tpu.memory_space<vmem>> -> memref<1x640xf32, #tpu.memory_space<vmem>>
    %dma_start3A_191 = tpu.memref_squeeze %dma_start3A_190 : memref<1x640xf32, #tpu.memory_space<vmem>> -> memref<640xf32, #tpu.memory_space<vmem>>
    %dma_start3A_192 = tpu.memref_slice %arg8[%dma_start3A_182, %mul3A_181] : memref<16x10240xf32, #tpu.memory_space<vmem_shared>> -> memref<1x640xf32, #tpu.memory_space<vmem_shared>>
    %dma_start3A_193 = tpu.memref_squeeze %dma_start3A_192 : memref<1x640xf32, #tpu.memory_space<vmem_shared>> -> memref<640xf32, #tpu.memory_space<vmem_shared>>
    tpu.enqueue_dma source(%dma_start3A_193 : memref<640xf32, #tpu.memory_space<vmem_shared>>) target(%dma_start3A_191 : memref<640xf32, #tpu.memory_space<vmem>>) target_semaphore(%arg10 : memref<!tpu.dma_semaphore, #tpu.memory_space<semaphore_mem>>)
    %mul3A_194 = arith.constant 640 : i32
    %mul3A_195 = arith.muli %arg1, %mul3A_194 : i32
    %dma_start3A_196 = arith.constant 12 : i32
    %dma_start3A_197 = arith.constant 12 : i32
    %dma_start3A_198 = arith.constant 0 : i32
    %dma_start3A_199 = tpu.memref_slice %arg6[%dma_start3A_197, %dma_start3A_198] : memref<16x640xf32, #tpu.memory_space<vmem>> -> memref<1x640xf32, #tpu.memory_space<vmem>>
    %dma_start3A_200 = tpu.memref_squeeze %dma_start3A_199 : memref<1x640xf32, #tpu.memory_space<vmem>> -> memref<640xf32, #tpu.memory_space<vmem>>
    %dma_start3A_201 = tpu.memref_slice %arg8[%dma_start3A_196, %mul3A_195] : memref<16x10240xf32, #tpu.memory_space<vmem_shared>> -> memref<1x640xf32, #tpu.memory_space<vmem_shared>>
    %dma_start3A_202 = tpu.memref_squeeze %dma_start3A_201 : memref<1x640xf32, #tpu.memory_space<vmem_shared>> -> memref<640xf32, #tpu.memory_space<vmem_shared>>
    %dma_start3A_203 = arith.constant 0 : i32
    %dma_start3A_204 = tpu.memref_slice %arg6[%dma_start3A_197, %dma_start3A_203] : memref<16x640xf32, #tpu.memory_space<vmem>> -> memref<1x640xf32, #tpu.memory_space<vmem>>
    %dma_start3A_205 = tpu.memref_squeeze %dma_start3A_204 : memref<1x640xf32, #tpu.memory_space<vmem>> -> memref<640xf32, #tpu.memory_space<vmem>>
    %dma_start3A_206 = tpu.memref_slice %arg8[%dma_start3A_196, %mul3A_195] : memref<16x10240xf32, #tpu.memory_space<vmem_shared>> -> memref<1x640xf32, #tpu.memory_space<vmem_shared>>
    %dma_start3A_207 = tpu.memref_squeeze %dma_start3A_206 : memref<1x640xf32, #tpu.memory_space<vmem_shared>> -> memref<640xf32, #tpu.memory_space<vmem_shared>>
    tpu.enqueue_dma source(%dma_start3A_207 : memref<640xf32, #tpu.memory_space<vmem_shared>>) target(%dma_start3A_205 : memref<640xf32, #tpu.memory_space<vmem>>) target_semaphore(%arg10 : memref<!tpu.dma_semaphore, #tpu.memory_space<semaphore_mem>>)
    %mul3A_208 = arith.constant 640 : i32
    %mul3A_209 = arith.muli %arg1, %mul3A_208 : i32
    %dma_start3A_210 = arith.constant 13 : i32
    %dma_start3A_211 = arith.constant 13 : i32
    %dma_start3A_212 = arith.constant 0 : i32
    %dma_start3A_213 = tpu.memref_slice %arg6[%dma_start3A_211, %dma_start3A_212] : memref<16x640xf32, #tpu.memory_space<vmem>> -> memref<1x640xf32, #tpu.memory_space<vmem>>
    %dma_start3A_214 = tpu.memref_squeeze %dma_start3A_213 : memref<1x640xf32, #tpu.memory_space<vmem>> -> memref<640xf32, #tpu.memory_space<vmem>>
    %dma_start3A_215 = tpu.memref_slice %arg8[%dma_start3A_210, %mul3A_209] : memref<16x10240xf32, #tpu.memory_space<vmem_shared>> -> memref<1x640xf32, #tpu.memory_space<vmem_shared>>
    %dma_start3A_216 = tpu.memref_squeeze %dma_start3A_215 : memref<1x640xf32, #tpu.memory_space<vmem_shared>> -> memref<640xf32, #tpu.memory_space<vmem_shared>>
    %dma_start3A_217 = arith.constant 0 : i32
    %dma_start3A_218 = tpu.memref_slice %arg6[%dma_start3A_211, %dma_start3A_217] : memref<16x640xf32, #tpu.memory_space<vmem>> -> memref<1x640xf32, #tpu.memory_space<vmem>>
    %dma_start3A_219 = tpu.memref_squeeze %dma_start3A_218 : memref<1x640xf32, #tpu.memory_space<vmem>> -> memref<640xf32, #tpu.memory_space<vmem>>
    %dma_start3A_220 = tpu.memref_slice %arg8[%dma_start3A_210, %mul3A_209] : memref<16x10240xf32, #tpu.memory_space<vmem_shared>> -> memref<1x640xf32, #tpu.memory_space<vmem_shared>>
    %dma_start3A_221 = tpu.memref_squeeze %dma_start3A_220 : memref<1x640xf32, #tpu.memory_space<vmem_shared>> -> memref<640xf32, #tpu.memory_space<vmem_shared>>
    tpu.enqueue_dma source(%dma_start3A_221 : memref<640xf32, #tpu.memory_space<vmem_shared>>) target(%dma_start3A_219 : memref<640xf32, #tpu.memory_space<vmem>>) target_semaphore(%arg10 : memref<!tpu.dma_semaphore, #tpu.memory_space<semaphore_mem>>)
    %mul3A_222 = arith.constant 640 : i32
    %mul3A_223 = arith.muli %arg1, %mul3A_222 : i32
    %dma_start3A_224 = arith.constant 14 : i32
    %dma_start3A_225 = arith.constant 14 : i32
    %dma_start3A_226 = arith.constant 0 : i32
    %dma_start3A_227 = tpu.memref_slice %arg6[%dma_start3A_225, %dma_start3A_226] : memref<16x640xf32, #tpu.memory_space<vmem>> -> memref<1x640xf32, #tpu.memory_space<vmem>>
    %dma_start3A_228 = tpu.memref_squeeze %dma_start3A_227 : memref<1x640xf32, #tpu.memory_space<vmem>> -> memref<640xf32, #tpu.memory_space<vmem>>
    %dma_start3A_229 = tpu.memref_slice %arg8[%dma_start3A_224, %mul3A_223] : memref<16x10240xf32, #tpu.memory_space<vmem_shared>> -> memref<1x640xf32, #tpu.memory_space<vmem_shared>>
    %dma_start3A_230 = tpu.memref_squeeze %dma_start3A_229 : memref<1x640xf32, #tpu.memory_space<vmem_shared>> -> memref<640xf32, #tpu.memory_space<vmem_shared>>
    %dma_start3A_231 = arith.constant 0 : i32
    %dma_start3A_232 = tpu.memref_slice %arg6[%dma_start3A_225, %dma_start3A_231] : memref<16x640xf32, #tpu.memory_space<vmem>> -> memref<1x640xf32, #tpu.memory_space<vmem>>
    %dma_start3A_233 = tpu.memref_squeeze %dma_start3A_232 : memref<1x640xf32, #tpu.memory_space<vmem>> -> memref<640xf32, #tpu.memory_space<vmem>>
    %dma_start3A_234 = tpu.memref_slice %arg8[%dma_start3A_224, %mul3A_223] : memref<16x10240xf32, #tpu.memory_space<vmem_shared>> -> memref<1x640xf32, #tpu.memory_space<vmem_shared>>
    %dma_start3A_235 = tpu.memref_squeeze %dma_start3A_234 : memref<1x640xf32, #tpu.memory_space<vmem_shared>> -> memref<640xf32, #tpu.memory_space<vmem_shared>>
    tpu.enqueue_dma source(%dma_start3A_235 : memref<640xf32, #tpu.memory_space<vmem_shared>>) target(%dma_start3A_233 : memref<640xf32, #tpu.memory_space<vmem>>) target_semaphore(%arg10 : memref<!tpu.dma_semaphore, #tpu.memory_space<semaphore_mem>>)
    %mul3A_236 = arith.constant 640 : i32
    %mul3A_237 = arith.muli %arg1, %mul3A_236 : i32
    %dma_start3A_238 = arith.constant 15 : i32
    %dma_start3A_239 = arith.constant 15 : i32
    %dma_start3A_240 = arith.constant 0 : i32
    %dma_start3A_241 = tpu.memref_slice %arg6[%dma_start3A_239, %dma_start3A_240] : memref<16x640xf32, #tpu.memory_space<vmem>> -> memref<1x640xf32, #tpu.memory_space<vmem>>
    %dma_start3A_242 = tpu.memref_squeeze %dma_start3A_241 : memref<1x640xf32, #tpu.memory_space<vmem>> -> memref<640xf32, #tpu.memory_space<vmem>>
    %dma_start3A_243 = tpu.memref_slice %arg8[%dma_start3A_238, %mul3A_237] : memref<16x10240xf32, #tpu.memory_space<vmem_shared>> -> memref<1x640xf32, #tpu.memory_space<vmem_shared>>
    %dma_start3A_244 = tpu.memref_squeeze %dma_start3A_243 : memref<1x640xf32, #tpu.memory_space<vmem_shared>> -> memref<640xf32, #tpu.memory_space<vmem_shared>>
    %dma_start3A_245 = arith.constant 0 : i32
    %dma_start3A_246 = tpu.memref_slice %arg6[%dma_start3A_239, %dma_start3A_245] : memref<16x640xf32, #tpu.memory_space<vmem>> -> memref<1x640xf32, #tpu.memory_space<vmem>>
    %dma_start3A_247 = tpu.memref_squeeze %dma_start3A_246 : memref<1x640xf32, #tpu.memory_space<vmem>> -> memref<640xf32, #tpu.memory_space<vmem>>
    %dma_start3A_248 = tpu.memref_slice %arg8[%dma_start3A_238, %mul3A_237] : memref<16x10240xf32, #tpu.memory_space<vmem_shared>> -> memref<1x640xf32, #tpu.memory_space<vmem_shared>>
    %dma_start3A_249 = tpu.memref_squeeze %dma_start3A_248 : memref<1x640xf32, #tpu.memory_space<vmem_shared>> -> memref<640xf32, #tpu.memory_space<vmem_shared>>
    tpu.enqueue_dma source(%dma_start3A_249 : memref<640xf32, #tpu.memory_space<vmem_shared>>) target(%dma_start3A_247 : memref<640xf32, #tpu.memory_space<vmem>>) target_semaphore(%arg10 : memref<!tpu.dma_semaphore, #tpu.memory_space<semaphore_mem>>)
    %mul3A_250 = arith.constant 640 : i32
    %mul3A_251 = arith.muli %arg1, %mul3A_250 : i32
    %dma_wait3A = arith.constant 0 : i32
    %dma_wait3A_252 = arith.constant 0 : i32
    %dma_wait3A_253 = arith.constant 0 : i32
    %dma_wait3A_254 = tpu.memref_slice %arg6[%dma_wait3A_252, %dma_wait3A_253] : memref<16x640xf32, #tpu.memory_space<vmem>> -> memref<1x640xf32, #tpu.memory_space<vmem>>
    %dma_wait3A_255 = tpu.memref_squeeze %dma_wait3A_254 : memref<1x640xf32, #tpu.memory_space<vmem>> -> memref<640xf32, #tpu.memory_space<vmem>>
    %dma_wait3A_256 = tpu.memref_slice %arg8[%dma_wait3A, %mul3A_251] : memref<16x10240xf32, #tpu.memory_space<vmem_shared>> -> memref<1x640xf32, #tpu.memory_space<vmem_shared>>
    %dma_wait3A_257 = tpu.memref_squeeze %dma_wait3A_256 : memref<1x640xf32, #tpu.memory_space<vmem_shared>> -> memref<640xf32, #tpu.memory_space<vmem_shared>>
    %dma_wait3A_258 = arith.constant 0 : i32
    %dma_wait3A_259 = tpu.memref_slice %arg6[%dma_wait3A_252, %dma_wait3A_258] : memref<16x640xf32, #tpu.memory_space<vmem>> -> memref<1x640xf32, #tpu.memory_space<vmem>>
    %dma_wait3A_260 = tpu.memref_squeeze %dma_wait3A_259 : memref<1x640xf32, #tpu.memory_space<vmem>> -> memref<640xf32, #tpu.memory_space<vmem>>
    %dma_wait3A_261 = tpu.memref_slice %arg8[%dma_wait3A, %mul3A_251] : memref<16x10240xf32, #tpu.memory_space<vmem_shared>> -> memref<1x640xf32, #tpu.memory_space<vmem_shared>>
    %dma_wait3A_262 = tpu.memref_squeeze %dma_wait3A_261 : memref<1x640xf32, #tpu.memory_space<vmem_shared>> -> memref<640xf32, #tpu.memory_space<vmem_shared>>
    tpu.wait_dma2 semaphore(%arg10 : memref<!tpu.dma_semaphore, #tpu.memory_space<semaphore_mem>>) src(%dma_wait3A_262 : memref<640xf32, #tpu.memory_space<vmem_shared>>) dst(%dma_wait3A_260 : memref<640xf32, #tpu.memory_space<vmem>>)
    %mul3A_263 = arith.constant 640 : i32
    %mul3A_264 = arith.muli %arg1, %mul3A_263 : i32
    %dma_wait3A_265 = arith.constant 1 : i32
    %dma_wait3A_266 = arith.constant 1 : i32
    %dma_wait3A_267 = arith.constant 0 : i32
    %dma_wait3A_268 = tpu.memref_slice %arg6[%dma_wait3A_266, %dma_wait3A_267] : memref<16x640xf32, #tpu.memory_space<vmem>> -> memref<1x640xf32, #tpu.memory_space<vmem>>
    %dma_wait3A_269 = tpu.memref_squeeze %dma_wait3A_268 : memref<1x640xf32, #tpu.memory_space<vmem>> -> memref<640xf32, #tpu.memory_space<vmem>>
    %dma_wait3A_270 = tpu.memref_slice %arg8[%dma_wait3A_265, %mul3A_264] : memref<16x10240xf32, #tpu.memory_space<vmem_shared>> -> memref<1x640xf32, #tpu.memory_space<vmem_shared>>
    %dma_wait3A_271 = tpu.memref_squeeze %dma_wait3A_270 : memref<1x640xf32, #tpu.memory_space<vmem_shared>> -> memref<640xf32, #tpu.memory_space<vmem_shared>>
    %dma_wait3A_272 = arith.constant 0 : i32
    %dma_wait3A_273 = tpu.memref_slice %arg6[%dma_wait3A_266, %dma_wait3A_272] : memref<16x640xf32, #tpu.memory_space<vmem>> -> memref<1x640xf32, #tpu.memory_space<vmem>>
    %dma_wait3A_274 = tpu.memref_squeeze %dma_wait3A_273 : memref<1x640xf32, #tpu.memory_space<vmem>> -> memref<640xf32, #tpu.memory_space<vmem>>
    %dma_wait3A_275 = tpu.memref_slice %arg8[%dma_wait3A_265, %mul3A_264] : memref<16x10240xf32, #tpu.memory_space<vmem_shared>> -> memref<1x640xf32, #tpu.memory_space<vmem_shared>>
    %dma_wait3A_276 = tpu.memref_squeeze %dma_wait3A_275 : memref<1x640xf32, #tpu.memory_space<vmem_shared>> -> memref<640xf32, #tpu.memory_space<vmem_shared>>
    tpu.wait_dma2 semaphore(%arg10 : memref<!tpu.dma_semaphore, #tpu.memory_space<semaphore_mem>>) src(%dma_wait3A_276 : memref<640xf32, #tpu.memory_space<vmem_shared>>) dst(%dma_wait3A_274 : memref<640xf32, #tpu.memory_space<vmem>>)
    %mul3A_277 = arith.constant 640 : i32
    %mul3A_278 = arith.muli %arg1, %mul3A_277 : i32
    %dma_wait3A_279 = arith.constant 2 : i32
    %dma_wait3A_280 = arith.constant 2 : i32
    %dma_wait3A_281 = arith.constant 0 : i32
    %dma_wait3A_282 = tpu.memref_slice %arg6[%dma_wait3A_280, %dma_wait3A_281] : memref<16x640xf32, #tpu.memory_space<vmem>> -> memref<1x640xf32, #tpu.memory_space<vmem>>
    %dma_wait3A_283 = tpu.memref_squeeze %dma_wait3A_282 : memref<1x640xf32, #tpu.memory_space<vmem>> -> memref<640xf32, #tpu.memory_space<vmem>>
    %dma_wait3A_284 = tpu.memref_slice %arg8[%dma_wait3A_279, %mul3A_278] : memref<16x10240xf32, #tpu.memory_space<vmem_shared>> -> memref<1x640xf32, #tpu.memory_space<vmem_shared>>
    %dma_wait3A_285 = tpu.memref_squeeze %dma_wait3A_284 : memref<1x640xf32, #tpu.memory_space<vmem_shared>> -> memref<640xf32, #tpu.memory_space<vmem_shared>>
    %dma_wait3A_286 = arith.constant 0 : i32
    %dma_wait3A_287 = tpu.memref_slice %arg6[%dma_wait3A_280, %dma_wait3A_286] : memref<16x640xf32, #tpu.memory_space<vmem>> -> memref<1x640xf32, #tpu.memory_space<vmem>>
    %dma_wait3A_288 = tpu.memref_squeeze %dma_wait3A_287 : memref<1x640xf32, #tpu.memory_space<vmem>> -> memref<640xf32, #tpu.memory_space<vmem>>
    %dma_wait3A_289 = tpu.memref_slice %arg8[%dma_wait3A_279, %mul3A_278] : memref<16x10240xf32, #tpu.memory_space<vmem_shared>> -> memref<1x640xf32, #tpu.memory_space<vmem_shared>>
    %dma_wait3A_290 = tpu.memref_squeeze %dma_wait3A_289 : memref<1x640xf32, #tpu.memory_space<vmem_shared>> -> memref<640xf32, #tpu.memory_space<vmem_shared>>
    tpu.wait_dma2 semaphore(%arg10 : memref<!tpu.dma_semaphore, #tpu.memory_space<semaphore_mem>>) src(%dma_wait3A_290 : memref<640xf32, #tpu.memory_space<vmem_shared>>) dst(%dma_wait3A_288 : memref<640xf32, #tpu.memory_space<vmem>>)
    %mul3A_291 = arith.constant 640 : i32
    %mul3A_292 = arith.muli %arg1, %mul3A_291 : i32
    %dma_wait3A_293 = arith.constant 3 : i32
    %dma_wait3A_294 = arith.constant 3 : i32
    %dma_wait3A_295 = arith.constant 0 : i32
    %dma_wait3A_296 = tpu.memref_slice %arg6[%dma_wait3A_294, %dma_wait3A_295] : memref<16x640xf32, #tpu.memory_space<vmem>> -> memref<1x640xf32, #tpu.memory_space<vmem>>
    %dma_wait3A_297 = tpu.memref_squeeze %dma_wait3A_296 : memref<1x640xf32, #tpu.memory_space<vmem>> -> memref<640xf32, #tpu.memory_space<vmem>>
    %dma_wait3A_298 = tpu.memref_slice %arg8[%dma_wait3A_293, %mul3A_292] : memref<16x10240xf32, #tpu.memory_space<vmem_shared>> -> memref<1x640xf32, #tpu.memory_space<vmem_shared>>
    %dma_wait3A_299 = tpu.memref_squeeze %dma_wait3A_298 : memref<1x640xf32, #tpu.memory_space<vmem_shared>> -> memref<640xf32, #tpu.memory_space<vmem_shared>>
    %dma_wait3A_300 = arith.constant 0 : i32
    %dma_wait3A_301 = tpu.memref_slice %arg6[%dma_wait3A_294, %dma_wait3A_300] : memref<16x640xf32, #tpu.memory_space<vmem>> -> memref<1x640xf32, #tpu.memory_space<vmem>>
    %dma_wait3A_302 = tpu.memref_squeeze %dma_wait3A_301 : memref<1x640xf32, #tpu.memory_space<vmem>> -> memref<640xf32, #tpu.memory_space<vmem>>
    %dma_wait3A_303 = tpu.memref_slice %arg8[%dma_wait3A_293, %mul3A_292] : memref<16x10240xf32, #tpu.memory_space<vmem_shared>> -> memref<1x640xf32, #tpu.memory_space<vmem_shared>>
    %dma_wait3A_304 = tpu.memref_squeeze %dma_wait3A_303 : memref<1x640xf32, #tpu.memory_space<vmem_shared>> -> memref<640xf32, #tpu.memory_space<vmem_shared>>
    tpu.wait_dma2 semaphore(%arg10 : memref<!tpu.dma_semaphore, #tpu.memory_space<semaphore_mem>>) src(%dma_wait3A_304 : memref<640xf32, #tpu.memory_space<vmem_shared>>) dst(%dma_wait3A_302 : memref<640xf32, #tpu.memory_space<vmem>>)
    %mul3A_305 = arith.constant 640 : i32
    %mul3A_306 = arith.muli %arg1, %mul3A_305 : i32
    %dma_wait3A_307 = arith.constant 4 : i32
    %dma_wait3A_308 = arith.constant 4 : i32
    %dma_wait3A_309 = arith.constant 0 : i32
    %dma_wait3A_310 = tpu.memref_slice %arg6[%dma_wait3A_308, %dma_wait3A_309] : memref<16x640xf32, #tpu.memory_space<vmem>> -> memref<1x640xf32, #tpu.memory_space<vmem>>
    %dma_wait3A_311 = tpu.memref_squeeze %dma_wait3A_310 : memref<1x640xf32, #tpu.memory_space<vmem>> -> memref<640xf32, #tpu.memory_space<vmem>>
    %dma_wait3A_312 = tpu.memref_slice %arg8[%dma_wait3A_307, %mul3A_306] : memref<16x10240xf32, #tpu.memory_space<vmem_shared>> -> memref<1x640xf32, #tpu.memory_space<vmem_shared>>
    %dma_wait3A_313 = tpu.memref_squeeze %dma_wait3A_312 : memref<1x640xf32, #tpu.memory_space<vmem_shared>> -> memref<640xf32, #tpu.memory_space<vmem_shared>>
    %dma_wait3A_314 = arith.constant 0 : i32
    %dma_wait3A_315 = tpu.memref_slice %arg6[%dma_wait3A_308, %dma_wait3A_314] : memref<16x640xf32, #tpu.memory_space<vmem>> -> memref<1x640xf32, #tpu.memory_space<vmem>>
    %dma_wait3A_316 = tpu.memref_squeeze %dma_wait3A_315 : memref<1x640xf32, #tpu.memory_space<vmem>> -> memref<640xf32, #tpu.memory_space<vmem>>
    %dma_wait3A_317 = tpu.memref_slice %arg8[%dma_wait3A_307, %mul3A_306] : memref<16x10240xf32, #tpu.memory_space<vmem_shared>> -> memref<1x640xf32, #tpu.memory_space<vmem_shared>>
    %dma_wait3A_318 = tpu.memref_squeeze %dma_wait3A_317 : memref<1x640xf32, #tpu.memory_space<vmem_shared>> -> memref<640xf32, #tpu.memory_space<vmem_shared>>
    tpu.wait_dma2 semaphore(%arg10 : memref<!tpu.dma_semaphore, #tpu.memory_space<semaphore_mem>>) src(%dma_wait3A_318 : memref<640xf32, #tpu.memory_space<vmem_shared>>) dst(%dma_wait3A_316 : memref<640xf32, #tpu.memory_space<vmem>>)
    %mul3A_319 = arith.constant 640 : i32
    %mul3A_320 = arith.muli %arg1, %mul3A_319 : i32
    %dma_wait3A_321 = arith.constant 5 : i32
    %dma_wait3A_322 = arith.constant 5 : i32
    %dma_wait3A_323 = arith.constant 0 : i32
    %dma_wait3A_324 = tpu.memref_slice %arg6[%dma_wait3A_322, %dma_wait3A_323] : memref<16x640xf32, #tpu.memory_space<vmem>> -> memref<1x640xf32, #tpu.memory_space<vmem>>
    %dma_wait3A_325 = tpu.memref_squeeze %dma_wait3A_324 : memref<1x640xf32, #tpu.memory_space<vmem>> -> memref<640xf32, #tpu.memory_space<vmem>>
    %dma_wait3A_326 = tpu.memref_slice %arg8[%dma_wait3A_321, %mul3A_320] : memref<16x10240xf32, #tpu.memory_space<vmem_shared>> -> memref<1x640xf32, #tpu.memory_space<vmem_shared>>
    %dma_wait3A_327 = tpu.memref_squeeze %dma_wait3A_326 : memref<1x640xf32, #tpu.memory_space<vmem_shared>> -> memref<640xf32, #tpu.memory_space<vmem_shared>>
    %dma_wait3A_328 = arith.constant 0 : i32
    %dma_wait3A_329 = tpu.memref_slice %arg6[%dma_wait3A_322, %dma_wait3A_328] : memref<16x640xf32, #tpu.memory_space<vmem>> -> memref<1x640xf32, #tpu.memory_space<vmem>>
    %dma_wait3A_330 = tpu.memref_squeeze %dma_wait3A_329 : memref<1x640xf32, #tpu.memory_space<vmem>> -> memref<640xf32, #tpu.memory_space<vmem>>
    %dma_wait3A_331 = tpu.memref_slice %arg8[%dma_wait3A_321, %mul3A_320] : memref<16x10240xf32, #tpu.memory_space<vmem_shared>> -> memref<1x640xf32, #tpu.memory_space<vmem_shared>>
    %dma_wait3A_332 = tpu.memref_squeeze %dma_wait3A_331 : memref<1x640xf32, #tpu.memory_space<vmem_shared>> -> memref<640xf32, #tpu.memory_space<vmem_shared>>
    tpu.wait_dma2 semaphore(%arg10 : memref<!tpu.dma_semaphore, #tpu.memory_space<semaphore_mem>>) src(%dma_wait3A_332 : memref<640xf32, #tpu.memory_space<vmem_shared>>) dst(%dma_wait3A_330 : memref<640xf32, #tpu.memory_space<vmem>>)
    %mul3A_333 = arith.constant 640 : i32
    %mul3A_334 = arith.muli %arg1, %mul3A_333 : i32
    %dma_wait3A_335 = arith.constant 6 : i32
    %dma_wait3A_336 = arith.constant 6 : i32
    %dma_wait3A_337 = arith.constant 0 : i32
    %dma_wait3A_338 = tpu.memref_slice %arg6[%dma_wait3A_336, %dma_wait3A_337] : memref<16x640xf32, #tpu.memory_space<vmem>> -> memref<1x640xf32, #tpu.memory_space<vmem>>
    %dma_wait3A_339 = tpu.memref_squeeze %dma_wait3A_338 : memref<1x640xf32, #tpu.memory_space<vmem>> -> memref<640xf32, #tpu.memory_space<vmem>>
    %dma_wait3A_340 = tpu.memref_slice %arg8[%dma_wait3A_335, %mul3A_334] : memref<16x10240xf32, #tpu.memory_space<vmem_shared>> -> memref<1x640xf32, #tpu.memory_space<vmem_shared>>
    %dma_wait3A_341 = tpu.memref_squeeze %dma_wait3A_340 : memref<1x640xf32, #tpu.memory_space<vmem_shared>> -> memref<640xf32, #tpu.memory_space<vmem_shared>>
    %dma_wait3A_342 = arith.constant 0 : i32
    %dma_wait3A_343 = tpu.memref_slice %arg6[%dma_wait3A_336, %dma_wait3A_342] : memref<16x640xf32, #tpu.memory_space<vmem>> -> memref<1x640xf32, #tpu.memory_space<vmem>>
    %dma_wait3A_344 = tpu.memref_squeeze %dma_wait3A_343 : memref<1x640xf32, #tpu.memory_space<vmem>> -> memref<640xf32, #tpu.memory_space<vmem>>
    %dma_wait3A_345 = tpu.memref_slice %arg8[%dma_wait3A_335, %mul3A_334] : memref<16x10240xf32, #tpu.memory_space<vmem_shared>> -> memref<1x640xf32, #tpu.memory_space<vmem_shared>>
    %dma_wait3A_346 = tpu.memref_squeeze %dma_wait3A_345 : memref<1x640xf32, #tpu.memory_space<vmem_shared>> -> memref<640xf32, #tpu.memory_space<vmem_shared>>
    tpu.wait_dma2 semaphore(%arg10 : memref<!tpu.dma_semaphore, #tpu.memory_space<semaphore_mem>>) src(%dma_wait3A_346 : memref<640xf32, #tpu.memory_space<vmem_shared>>) dst(%dma_wait3A_344 : memref<640xf32, #tpu.memory_space<vmem>>)
    %mul3A_347 = arith.constant 640 : i32
    %mul3A_348 = arith.muli %arg1, %mul3A_347 : i32
    %dma_wait3A_349 = arith.constant 7 : i32
    %dma_wait3A_350 = arith.constant 7 : i32
    %dma_wait3A_351 = arith.constant 0 : i32
    %dma_wait3A_352 = tpu.memref_slice %arg6[%dma_wait3A_350, %dma_wait3A_351] : memref<16x640xf32, #tpu.memory_space<vmem>> -> memref<1x640xf32, #tpu.memory_space<vmem>>
    %dma_wait3A_353 = tpu.memref_squeeze %dma_wait3A_352 : memref<1x640xf32, #tpu.memory_space<vmem>> -> memref<640xf32, #tpu.memory_space<vmem>>
    %dma_wait3A_354 = tpu.memref_slice %arg8[%dma_wait3A_349, %mul3A_348] : memref<16x10240xf32, #tpu.memory_space<vmem_shared>> -> memref<1x640xf32, #tpu.memory_space<vmem_shared>>
    %dma_wait3A_355 = tpu.memref_squeeze %dma_wait3A_354 : memref<1x640xf32, #tpu.memory_space<vmem_shared>> -> memref<640xf32, #tpu.memory_space<vmem_shared>>
    %dma_wait3A_356 = arith.constant 0 : i32
    %dma_wait3A_357 = tpu.memref_slice %arg6[%dma_wait3A_350, %dma_wait3A_356] : memref<16x640xf32, #tpu.memory_space<vmem>> -> memref<1x640xf32, #tpu.memory_space<vmem>>
    %dma_wait3A_358 = tpu.memref_squeeze %dma_wait3A_357 : memref<1x640xf32, #tpu.memory_space<vmem>> -> memref<640xf32, #tpu.memory_space<vmem>>
    %dma_wait3A_359 = tpu.memref_slice %arg8[%dma_wait3A_349, %mul3A_348] : memref<16x10240xf32, #tpu.memory_space<vmem_shared>> -> memref<1x640xf32, #tpu.memory_space<vmem_shared>>
    %dma_wait3A_360 = tpu.memref_squeeze %dma_wait3A_359 : memref<1x640xf32, #tpu.memory_space<vmem_shared>> -> memref<640xf32, #tpu.memory_space<vmem_shared>>
    tpu.wait_dma2 semaphore(%arg10 : memref<!tpu.dma_semaphore, #tpu.memory_space<semaphore_mem>>) src(%dma_wait3A_360 : memref<640xf32, #tpu.memory_space<vmem_shared>>) dst(%dma_wait3A_358 : memref<640xf32, #tpu.memory_space<vmem>>)
    %mul3A_361 = arith.constant 640 : i32
    %mul3A_362 = arith.muli %arg1, %mul3A_361 : i32
    %dma_wait3A_363 = arith.constant 8 : i32
    %dma_wait3A_364 = arith.constant 8 : i32
    %dma_wait3A_365 = arith.constant 0 : i32
    %dma_wait3A_366 = tpu.memref_slice %arg6[%dma_wait3A_364, %dma_wait3A_365] : memref<16x640xf32, #tpu.memory_space<vmem>> -> memref<1x640xf32, #tpu.memory_space<vmem>>
    %dma_wait3A_367 = tpu.memref_squeeze %dma_wait3A_366 : memref<1x640xf32, #tpu.memory_space<vmem>> -> memref<640xf32, #tpu.memory_space<vmem>>
    %dma_wait3A_368 = tpu.memref_slice %arg8[%dma_wait3A_363, %mul3A_362] : memref<16x10240xf32, #tpu.memory_space<vmem_shared>> -> memref<1x640xf32, #tpu.memory_space<vmem_shared>>
    %dma_wait3A_369 = tpu.memref_squeeze %dma_wait3A_368 : memref<1x640xf32, #tpu.memory_space<vmem_shared>> -> memref<640xf32, #tpu.memory_space<vmem_shared>>
    %dma_wait3A_370 = arith.constant 0 : i32
    %dma_wait3A_371 = tpu.memref_slice %arg6[%dma_wait3A_364, %dma_wait3A_370] : memref<16x640xf32, #tpu.memory_space<vmem>> -> memref<1x640xf32, #tpu.memory_space<vmem>>
    %dma_wait3A_372 = tpu.memref_squeeze %dma_wait3A_371 : memref<1x640xf32, #tpu.memory_space<vmem>> -> memref<640xf32, #tpu.memory_space<vmem>>
    %dma_wait3A_373 = tpu.memref_slice %arg8[%dma_wait3A_363, %mul3A_362] : memref<16x10240xf32, #tpu.memory_space<vmem_shared>> -> memref<1x640xf32, #tpu.memory_space<vmem_shared>>
    %dma_wait3A_374 = tpu.memref_squeeze %dma_wait3A_373 : memref<1x640xf32, #tpu.memory_space<vmem_shared>> -> memref<640xf32, #tpu.memory_space<vmem_shared>>
    tpu.wait_dma2 semaphore(%arg10 : memref<!tpu.dma_semaphore, #tpu.memory_space<semaphore_mem>>) src(%dma_wait3A_374 : memref<640xf32, #tpu.memory_space<vmem_shared>>) dst(%dma_wait3A_372 : memref<640xf32, #tpu.memory_space<vmem>>)
    %mul3A_375 = arith.constant 640 : i32
    %mul3A_376 = arith.muli %arg1, %mul3A_375 : i32
    %dma_wait3A_377 = arith.constant 9 : i32
    %dma_wait3A_378 = arith.constant 9 : i32
    %dma_wait3A_379 = arith.constant 0 : i32
    %dma_wait3A_380 = tpu.memref_slice %arg6[%dma_wait3A_378, %dma_wait3A_379] : memref<16x640xf32, #tpu.memory_space<vmem>> -> memref<1x640xf32, #tpu.memory_space<vmem>>
    %dma_wait3A_381 = tpu.memref_squeeze %dma_wait3A_380 : memref<1x640xf32, #tpu.memory_space<vmem>> -> memref<640xf32, #tpu.memory_space<vmem>>
    %dma_wait3A_382 = tpu.memref_slice %arg8[%dma_wait3A_377, %mul3A_376] : memref<16x10240xf32, #tpu.memory_space<vmem_shared>> -> memref<1x640xf32, #tpu.memory_space<vmem_shared>>
    %dma_wait3A_383 = tpu.memref_squeeze %dma_wait3A_382 : memref<1x640xf32, #tpu.memory_space<vmem_shared>> -> memref<640xf32, #tpu.memory_space<vmem_shared>>
    %dma_wait3A_384 = arith.constant 0 : i32
    %dma_wait3A_385 = tpu.memref_slice %arg6[%dma_wait3A_378, %dma_wait3A_384] : memref<16x640xf32, #tpu.memory_space<vmem>> -> memref<1x640xf32, #tpu.memory_space<vmem>>
    %dma_wait3A_386 = tpu.memref_squeeze %dma_wait3A_385 : memref<1x640xf32, #tpu.memory_space<vmem>> -> memref<640xf32, #tpu.memory_space<vmem>>
    %dma_wait3A_387 = tpu.memref_slice %arg8[%dma_wait3A_377, %mul3A_376] : memref<16x10240xf32, #tpu.memory_space<vmem_shared>> -> memref<1x640xf32, #tpu.memory_space<vmem_shared>>
    %dma_wait3A_388 = tpu.memref_squeeze %dma_wait3A_387 : memref<1x640xf32, #tpu.memory_space<vmem_shared>> -> memref<640xf32, #tpu.memory_space<vmem_shared>>
    tpu.wait_dma2 semaphore(%arg10 : memref<!tpu.dma_semaphore, #tpu.memory_space<semaphore_mem>>) src(%dma_wait3A_388 : memref<640xf32, #tpu.memory_space<vmem_shared>>) dst(%dma_wait3A_386 : memref<640xf32, #tpu.memory_space<vmem>>)
    %mul3A_389 = arith.constant 640 : i32
    %mul3A_390 = arith.muli %arg1, %mul3A_389 : i32
    %dma_wait3A_391 = arith.constant 10 : i32
    %dma_wait3A_392 = arith.constant 10 : i32
    %dma_wait3A_393 = arith.constant 0 : i32
    %dma_wait3A_394 = tpu.memref_slice %arg6[%dma_wait3A_392, %dma_wait3A_393] : memref<16x640xf32, #tpu.memory_space<vmem>> -> memref<1x640xf32, #tpu.memory_space<vmem>>
    %dma_wait3A_395 = tpu.memref_squeeze %dma_wait3A_394 : memref<1x640xf32, #tpu.memory_space<vmem>> -> memref<640xf32, #tpu.memory_space<vmem>>
    %dma_wait3A_396 = tpu.memref_slice %arg8[%dma_wait3A_391, %mul3A_390] : memref<16x10240xf32, #tpu.memory_space<vmem_shared>> -> memref<1x640xf32, #tpu.memory_space<vmem_shared>>
    %dma_wait3A_397 = tpu.memref_squeeze %dma_wait3A_396 : memref<1x640xf32, #tpu.memory_space<vmem_shared>> -> memref<640xf32, #tpu.memory_space<vmem_shared>>
    %dma_wait3A_398 = arith.constant 0 : i32
    %dma_wait3A_399 = tpu.memref_slice %arg6[%dma_wait3A_392, %dma_wait3A_398] : memref<16x640xf32, #tpu.memory_space<vmem>> -> memref<1x640xf32, #tpu.memory_space<vmem>>
    %dma_wait3A_400 = tpu.memref_squeeze %dma_wait3A_399 : memref<1x640xf32, #tpu.memory_space<vmem>> -> memref<640xf32, #tpu.memory_space<vmem>>
    %dma_wait3A_401 = tpu.memref_slice %arg8[%dma_wait3A_391, %mul3A_390] : memref<16x10240xf32, #tpu.memory_space<vmem_shared>> -> memref<1x640xf32, #tpu.memory_space<vmem_shared>>
    %dma_wait3A_402 = tpu.memref_squeeze %dma_wait3A_401 : memref<1x640xf32, #tpu.memory_space<vmem_shared>> -> memref<640xf32, #tpu.memory_space<vmem_shared>>
    tpu.wait_dma2 semaphore(%arg10 : memref<!tpu.dma_semaphore, #tpu.memory_space<semaphore_mem>>) src(%dma_wait3A_402 : memref<640xf32, #tpu.memory_space<vmem_shared>>) dst(%dma_wait3A_400 : memref<640xf32, #tpu.memory_space<vmem>>)
    %mul3A_403 = arith.constant 640 : i32
    %mul3A_404 = arith.muli %arg1, %mul3A_403 : i32
    %dma_wait3A_405 = arith.constant 11 : i32
    %dma_wait3A_406 = arith.constant 11 : i32
    %dma_wait3A_407 = arith.constant 0 : i32
    %dma_wait3A_408 = tpu.memref_slice %arg6[%dma_wait3A_406, %dma_wait3A_407] : memref<16x640xf32, #tpu.memory_space<vmem>> -> memref<1x640xf32, #tpu.memory_space<vmem>>
    %dma_wait3A_409 = tpu.memref_squeeze %dma_wait3A_408 : memref<1x640xf32, #tpu.memory_space<vmem>> -> memref<640xf32, #tpu.memory_space<vmem>>
    %dma_wait3A_410 = tpu.memref_slice %arg8[%dma_wait3A_405, %mul3A_404] : memref<16x10240xf32, #tpu.memory_space<vmem_shared>> -> memref<1x640xf32, #tpu.memory_space<vmem_shared>>
    %dma_wait3A_411 = tpu.memref_squeeze %dma_wait3A_410 : memref<1x640xf32, #tpu.memory_space<vmem_shared>> -> memref<640xf32, #tpu.memory_space<vmem_shared>>
    %dma_wait3A_412 = arith.constant 0 : i32
    %dma_wait3A_413 = tpu.memref_slice %arg6[%dma_wait3A_406, %dma_wait3A_412] : memref<16x640xf32, #tpu.memory_space<vmem>> -> memref<1x640xf32, #tpu.memory_space<vmem>>
    %dma_wait3A_414 = tpu.memref_squeeze %dma_wait3A_413 : memref<1x640xf32, #tpu.memory_space<vmem>> -> memref<640xf32, #tpu.memory_space<vmem>>
    %dma_wait3A_415 = tpu.memref_slice %arg8[%dma_wait3A_405, %mul3A_404] : memref<16x10240xf32, #tpu.memory_space<vmem_shared>> -> memref<1x640xf32, #tpu.memory_space<vmem_shared>>
    %dma_wait3A_416 = tpu.memref_squeeze %dma_wait3A_415 : memref<1x640xf32, #tpu.memory_space<vmem_shared>> -> memref<640xf32, #tpu.memory_space<vmem_shared>>
    tpu.wait_dma2 semaphore(%arg10 : memref<!tpu.dma_semaphore, #tpu.memory_space<semaphore_mem>>) src(%dma_wait3A_416 : memref<640xf32, #tpu.memory_space<vmem_shared>>) dst(%dma_wait3A_414 : memref<640xf32, #tpu.memory_space<vmem>>)
    %mul3A_417 = arith.constant 640 : i32
    %mul3A_418 = arith.muli %arg1, %mul3A_417 : i32
    %dma_wait3A_419 = arith.constant 12 : i32
    %dma_wait3A_420 = arith.constant 12 : i32
    %dma_wait3A_421 = arith.constant 0 : i32
    %dma_wait3A_422 = tpu.memref_slice %arg6[%dma_wait3A_420, %dma_wait3A_421] : memref<16x640xf32, #tpu.memory_space<vmem>> -> memref<1x640xf32, #tpu.memory_space<vmem>>
    %dma_wait3A_423 = tpu.memref_squeeze %dma_wait3A_422 : memref<1x640xf32, #tpu.memory_space<vmem>> -> memref<640xf32, #tpu.memory_space<vmem>>
    %dma_wait3A_424 = tpu.memref_slice %arg8[%dma_wait3A_419, %mul3A_418] : memref<16x10240xf32, #tpu.memory_space<vmem_shared>> -> memref<1x640xf32, #tpu.memory_space<vmem_shared>>
    %dma_wait3A_425 = tpu.memref_squeeze %dma_wait3A_424 : memref<1x640xf32, #tpu.memory_space<vmem_shared>> -> memref<640xf32, #tpu.memory_space<vmem_shared>>
    %dma_wait3A_426 = arith.constant 0 : i32
    %dma_wait3A_427 = tpu.memref_slice %arg6[%dma_wait3A_420, %dma_wait3A_426] : memref<16x640xf32, #tpu.memory_space<vmem>> -> memref<1x640xf32, #tpu.memory_space<vmem>>
    %dma_wait3A_428 = tpu.memref_squeeze %dma_wait3A_427 : memref<1x640xf32, #tpu.memory_space<vmem>> -> memref<640xf32, #tpu.memory_space<vmem>>
    %dma_wait3A_429 = tpu.memref_slice %arg8[%dma_wait3A_419, %mul3A_418] : memref<16x10240xf32, #tpu.memory_space<vmem_shared>> -> memref<1x640xf32, #tpu.memory_space<vmem_shared>>
    %dma_wait3A_430 = tpu.memref_squeeze %dma_wait3A_429 : memref<1x640xf32, #tpu.memory_space<vmem_shared>> -> memref<640xf32, #tpu.memory_space<vmem_shared>>
    tpu.wait_dma2 semaphore(%arg10 : memref<!tpu.dma_semaphore, #tpu.memory_space<semaphore_mem>>) src(%dma_wait3A_430 : memref<640xf32, #tpu.memory_space<vmem_shared>>) dst(%dma_wait3A_428 : memref<640xf32, #tpu.memory_space<vmem>>)
    %mul3A_431 = arith.constant 640 : i32
    %mul3A_432 = arith.muli %arg1, %mul3A_431 : i32
    %dma_wait3A_433 = arith.constant 13 : i32
    %dma_wait3A_434 = arith.constant 13 : i32
    %dma_wait3A_435 = arith.constant 0 : i32
    %dma_wait3A_436 = tpu.memref_slice %arg6[%dma_wait3A_434, %dma_wait3A_435] : memref<16x640xf32, #tpu.memory_space<vmem>> -> memref<1x640xf32, #tpu.memory_space<vmem>>
    %dma_wait3A_437 = tpu.memref_squeeze %dma_wait3A_436 : memref<1x640xf32, #tpu.memory_space<vmem>> -> memref<640xf32, #tpu.memory_space<vmem>>
    %dma_wait3A_438 = tpu.memref_slice %arg8[%dma_wait3A_433, %mul3A_432] : memref<16x10240xf32, #tpu.memory_space<vmem_shared>> -> memref<1x640xf32, #tpu.memory_space<vmem_shared>>
    %dma_wait3A_439 = tpu.memref_squeeze %dma_wait3A_438 : memref<1x640xf32, #tpu.memory_space<vmem_shared>> -> memref<640xf32, #tpu.memory_space<vmem_shared>>
    %dma_wait3A_440 = arith.constant 0 : i32
    %dma_wait3A_441 = tpu.memref_slice %arg6[%dma_wait3A_434, %dma_wait3A_440] : memref<16x640xf32, #tpu.memory_space<vmem>> -> memref<1x640xf32, #tpu.memory_space<vmem>>
    %dma_wait3A_442 = tpu.memref_squeeze %dma_wait3A_441 : memref<1x640xf32, #tpu.memory_space<vmem>> -> memref<640xf32, #tpu.memory_space<vmem>>
    %dma_wait3A_443 = tpu.memref_slice %arg8[%dma_wait3A_433, %mul3A_432] : memref<16x10240xf32, #tpu.memory_space<vmem_shared>> -> memref<1x640xf32, #tpu.memory_space<vmem_shared>>
    %dma_wait3A_444 = tpu.memref_squeeze %dma_wait3A_443 : memref<1x640xf32, #tpu.memory_space<vmem_shared>> -> memref<640xf32, #tpu.memory_space<vmem_shared>>
    tpu.wait_dma2 semaphore(%arg10 : memref<!tpu.dma_semaphore, #tpu.memory_space<semaphore_mem>>) src(%dma_wait3A_444 : memref<640xf32, #tpu.memory_space<vmem_shared>>) dst(%dma_wait3A_442 : memref<640xf32, #tpu.memory_space<vmem>>)
    %mul3A_445 = arith.constant 640 : i32
    %mul3A_446 = arith.muli %arg1, %mul3A_445 : i32
    %dma_wait3A_447 = arith.constant 14 : i32
    %dma_wait3A_448 = arith.constant 14 : i32
    %dma_wait3A_449 = arith.constant 0 : i32
    %dma_wait3A_450 = tpu.memref_slice %arg6[%dma_wait3A_448, %dma_wait3A_449] : memref<16x640xf32, #tpu.memory_space<vmem>> -> memref<1x640xf32, #tpu.memory_space<vmem>>
    %dma_wait3A_451 = tpu.memref_squeeze %dma_wait3A_450 : memref<1x640xf32, #tpu.memory_space<vmem>> -> memref<640xf32, #tpu.memory_space<vmem>>
    %dma_wait3A_452 = tpu.memref_slice %arg8[%dma_wait3A_447, %mul3A_446] : memref<16x10240xf32, #tpu.memory_space<vmem_shared>> -> memref<1x640xf32, #tpu.memory_space<vmem_shared>>
    %dma_wait3A_453 = tpu.memref_squeeze %dma_wait3A_452 : memref<1x640xf32, #tpu.memory_space<vmem_shared>> -> memref<640xf32, #tpu.memory_space<vmem_shared>>
    %dma_wait3A_454 = arith.constant 0 : i32
    %dma_wait3A_455 = tpu.memref_slice %arg6[%dma_wait3A_448, %dma_wait3A_454] : memref<16x640xf32, #tpu.memory_space<vmem>> -> memref<1x640xf32, #tpu.memory_space<vmem>>
    %dma_wait3A_456 = tpu.memref_squeeze %dma_wait3A_455 : memref<1x640xf32, #tpu.memory_space<vmem>> -> memref<640xf32, #tpu.memory_space<vmem>>
    %dma_wait3A_457 = tpu.memref_slice %arg8[%dma_wait3A_447, %mul3A_446] : memref<16x10240xf32, #tpu.memory_space<vmem_shared>> -> memref<1x640xf32, #tpu.memory_space<vmem_shared>>
    %dma_wait3A_458 = tpu.memref_squeeze %dma_wait3A_457 : memref<1x640xf32, #tpu.memory_space<vmem_shared>> -> memref<640xf32, #tpu.memory_space<vmem_shared>>
    tpu.wait_dma2 semaphore(%arg10 : memref<!tpu.dma_semaphore, #tpu.memory_space<semaphore_mem>>) src(%dma_wait3A_458 : memref<640xf32, #tpu.memory_space<vmem_shared>>) dst(%dma_wait3A_456 : memref<640xf32, #tpu.memory_space<vmem>>)
    %mul3A_459 = arith.constant 640 : i32
    %mul3A_460 = arith.muli %arg1, %mul3A_459 : i32
    %dma_wait3A_461 = arith.constant 15 : i32
    %dma_wait3A_462 = arith.constant 15 : i32
    %dma_wait3A_463 = arith.constant 0 : i32
    %dma_wait3A_464 = tpu.memref_slice %arg6[%dma_wait3A_462, %dma_wait3A_463] : memref<16x640xf32, #tpu.memory_space<vmem>> -> memref<1x640xf32, #tpu.memory_space<vmem>>
    %dma_wait3A_465 = tpu.memref_squeeze %dma_wait3A_464 : memref<1x640xf32, #tpu.memory_space<vmem>> -> memref<640xf32, #tpu.memory_space<vmem>>
    %dma_wait3A_466 = tpu.memref_slice %arg8[%dma_wait3A_461, %mul3A_460] : memref<16x10240xf32, #tpu.memory_space<vmem_shared>> -> memref<1x640xf32, #tpu.memory_space<vmem_shared>>
    %dma_wait3A_467 = tpu.memref_squeeze %dma_wait3A_466 : memref<1x640xf32, #tpu.memory_space<vmem_shared>> -> memref<640xf32, #tpu.memory_space<vmem_shared>>
    %dma_wait3A_468 = arith.constant 0 : i32
    %dma_wait3A_469 = tpu.memref_slice %arg6[%dma_wait3A_462, %dma_wait3A_468] : memref<16x640xf32, #tpu.memory_space<vmem>> -> memref<1x640xf32, #tpu.memory_space<vmem>>
    %dma_wait3A_470 = tpu.memref_squeeze %dma_wait3A_469 : memref<1x640xf32, #tpu.memory_space<vmem>> -> memref<640xf32, #tpu.memory_space<vmem>>
    %dma_wait3A_471 = tpu.memref_slice %arg8[%dma_wait3A_461, %mul3A_460] : memref<16x10240xf32, #tpu.memory_space<vmem_shared>> -> memref<1x640xf32, #tpu.memory_space<vmem_shared>>
    %dma_wait3A_472 = tpu.memref_squeeze %dma_wait3A_471 : memref<1x640xf32, #tpu.memory_space<vmem_shared>> -> memref<640xf32, #tpu.memory_space<vmem_shared>>
    tpu.wait_dma2 semaphore(%arg10 : memref<!tpu.dma_semaphore, #tpu.memory_space<semaphore_mem>>) src(%dma_wait3A_472 : memref<640xf32, #tpu.memory_space<vmem_shared>>) dst(%dma_wait3A_470 : memref<640xf32, #tpu.memory_space<vmem>>)
    %scan3A_473 = arith.constant 0 : i32
    %scan3A_474 = arith.constant 40 : i32
    %scan3A_475 = arith.addi %scan3A_473, %scan3A_474 : i32
    %scan3A_476 = arith.constant 1 : i32
    scf.for %scan3A_480 = %scan3A_473 to %scan3A_475 step %scan3A_476  : i32 {
      %mul3A_481 = arith.constant 16 : i32
      %mul3A_482 = arith.muli %scan3A_480, %mul3A_481 : i32
      %get3A = arith.constant 0 : i32
      %get3A_483 = arith.index_cast %get3A : i32 to index
      %get3A_484 = arith.index_cast %mul3A_482 : i32 to index
      %get3A_485 = tpu.vector_load %arg6[%get3A_483, %get3A_484] {strides = array<i32>} : memref<16x640xf32, #tpu.memory_space<vmem>>, vector<16xf32>,
      %get3A_486 = arith.constant 1 : i32
      %get3A_487 = arith.index_cast %get3A_486 : i32 to index
      %get3A_488 = arith.index_cast %mul3A_482 : i32 to index
      %get3A_489 = tpu.vector_load %arg6[%get3A_487, %get3A_488] {strides = array<i32>} : memref<16x640xf32, #tpu.memory_space<vmem>>, vector<16xf32>,
      %add3A_490 = arith.addf %get3A_485, %get3A_489 : vector<16xf32>
      %get3A_491 = arith.constant 2 : i32
      %get3A_492 = arith.index_cast %get3A_491 : i32 to index
      %get3A_493 = arith.index_cast %mul3A_482 : i32 to index
      %get3A_494 = tpu.vector_load %arg6[%get3A_492, %get3A_493] {strides = array<i32>} : memref<16x640xf32, #tpu.memory_space<vmem>>, vector<16xf32>,
      %add3A_495 = arith.addf %add3A_490, %get3A_494 : vector<16xf32>
      %get3A_496 = arith.constant 3 : i32
      %get3A_497 = arith.index_cast %get3A_496 : i32 to index
      %get3A_498 = arith.index_cast %mul3A_482 : i32 to index
      %get3A_499 = tpu.vector_load %arg6[%get3A_497, %get3A_498] {strides = array<i32>} : memref<16x640xf32, #tpu.memory_space<vmem>>, vector<16xf32>,
      %add3A_500 = arith.addf %add3A_495, %get3A_499 : vector<16xf32>
      %get3A_501 = arith.constant 4 : i32
      %get3A_502 = arith.index_cast %get3A_501 : i32 to index
      %get3A_503 = arith.index_cast %mul3A_482 : i32 to index
      %get3A_504 = tpu.vector_load %arg6[%get3A_502, %get3A_503] {strides = array<i32>} : memref<16x640xf32, #tpu.memory_space<vmem>>, vector<16xf32>,
      %add3A_505 = arith.addf %add3A_500, %get3A_504 : vector<16xf32>
      %get3A_506 = arith.constant 5 : i32
      %get3A_507 = arith.index_cast %get3A_506 : i32 to index
      %get3A_508 = arith.index_cast %mul3A_482 : i32 to index
      %get3A_509 = tpu.vector_load %arg6[%get3A_507, %get3A_508] {strides = array<i32>} : memref<16x640xf32, #tpu.memory_space<vmem>>, vector<16xf32>,
      %add3A_510 = arith.addf %add3A_505, %get3A_509 : vector<16xf32>
      %get3A_511 = arith.constant 6 : i32
      %get3A_512 = arith.index_cast %get3A_511 : i32 to index
      %get3A_513 = arith.index_cast %mul3A_482 : i32 to index
      %get3A_514 = tpu.vector_load %arg6[%get3A_512, %get3A_513] {strides = array<i32>} : memref<16x640xf32, #tpu.memory_space<vmem>>, vector<16xf32>,
      %add3A_515 = arith.addf %add3A_510, %get3A_514 : vector<16xf32>
      %get3A_516 = arith.constant 7 : i32
      %get3A_517 = arith.index_cast %get3A_516 : i32 to index
      %get3A_518 = arith.index_cast %mul3A_482 : i32 to index
      %get3A_519 = tpu.vector_load %arg6[%get3A_517, %get3A_518] {strides = array<i32>} : memref<16x640xf32, #tpu.memory_space<vmem>>, vector<16xf32>,
      %add3A_520 = arith.addf %add3A_515, %get3A_519 : vector<16xf32>
      %get3A_521 = arith.constant 8 : i32
      %get3A_522 = arith.index_cast %get3A_521 : i32 to index
      %get3A_523 = arith.index_cast %mul3A_482 : i32 to index
      %get3A_524 = tpu.vector_load %arg6[%get3A_522, %get3A_523] {strides = array<i32>} : memref<16x640xf32, #tpu.memory_space<vmem>>, vector<16xf32>,
      %add3A_525 = arith.addf %add3A_520, %get3A_524 : vector<16xf32>
      %get3A_526 = arith.constant 9 : i32
      %get3A_527 = arith.index_cast %get3A_526 : i32 to index
      %get3A_528 = arith.index_cast %mul3A_482 : i32 to index
      %get3A_529 = tpu.vector_load %arg6[%get3A_527, %get3A_528] {strides = array<i32>} : memref<16x640xf32, #tpu.memory_space<vmem>>, vector<16xf32>,
      %add3A_530 = arith.addf %add3A_525, %get3A_529 : vector<16xf32>
      %get3A_531 = arith.constant 10 : i32
      %get3A_532 = arith.index_cast %get3A_531 : i32 to index
      %get3A_533 = arith.index_cast %mul3A_482 : i32 to index
      %get3A_534 = tpu.vector_load %arg6[%get3A_532, %get3A_533] {strides = array<i32>} : memref<16x640xf32, #tpu.memory_space<vmem>>, vector<16xf32>,
      %add3A_535 = arith.addf %add3A_530, %get3A_534 : vector<16xf32>
      %get3A_536 = arith.constant 11 : i32
      %get3A_537 = arith.index_cast %get3A_536 : i32 to index
      %get3A_538 = arith.index_cast %mul3A_482 : i32 to index
      %get3A_539 = tpu.vector_load %arg6[%get3A_537, %get3A_538] {strides = array<i32>} : memref<16x640xf32, #tpu.memory_space<vmem>>, vector<16xf32>,
      %add3A_540 = arith.addf %add3A_535, %get3A_539 : vector<16xf32>
      %get3A_541 = arith.constant 12 : i32
      %get3A_542 = arith.index_cast %get3A_541 : i32 to index
      %get3A_543 = arith.index_cast %mul3A_482 : i32 to index
      %get3A_544 = tpu.vector_load %arg6[%get3A_542, %get3A_543] {strides = array<i32>} : memref<16x640xf32, #tpu.memory_space<vmem>>, vector<16xf32>,
      %add3A_545 = arith.addf %add3A_540, %get3A_544 : vector<16xf32>
      %get3A_546 = arith.constant 13 : i32
      %get3A_547 = arith.index_cast %get3A_546 : i32 to index
      %get3A_548 = arith.index_cast %mul3A_482 : i32 to index
      %get3A_549 = tpu.vector_load %arg6[%get3A_547, %get3A_548] {strides = array<i32>} : memref<16x640xf32, #tpu.memory_space<vmem>>, vector<16xf32>,
      %add3A_550 = arith.addf %add3A_545, %get3A_549 : vector<16xf32>
      %get3A_551 = arith.constant 14 : i32
      %get3A_552 = arith.index_cast %get3A_551 : i32 to index
      %get3A_553 = arith.index_cast %mul3A_482 : i32 to index
      %get3A_554 = tpu.vector_load %arg6[%get3A_552, %get3A_553] {strides = array<i32>} : memref<16x640xf32, #tpu.memory_space<vmem>>, vector<16xf32>,
      %add3A_555 = arith.addf %add3A_550, %get3A_554 : vector<16xf32>
      %get3A_556 = arith.constant 15 : i32
      %get3A_557 = arith.index_cast %get3A_556 : i32 to index
      %get3A_558 = arith.index_cast %mul3A_482 : i32 to index
      %get3A_559 = tpu.vector_load %arg6[%get3A_557, %get3A_558] {strides = array<i32>} : memref<16x640xf32, #tpu.memory_space<vmem>>, vector<16xf32>,
      %add3A_560 = arith.addf %add3A_555, %get3A_559 : vector<16xf32>
      %swap3A = arith.index_cast %mul3A_482 : i32 to index
      %swap3A_561 = tpu.vector_load %arg7[%swap3A] {strides = array<i32>} : memref<640xf32, #tpu.memory_space<vmem>>, vector<16xf32>,
      tpu.vector_store %arg7[%swap3A], %add3A_560 {strides = array<i32>} : memref<640xf32, #tpu.memory_space<vmem>>, vector<16xf32>,
    }
    %scan3A_477 = arith.constant 40 : i32
    %mul3A_478 = arith.constant 640 : i32
    %mul3A_479 = arith.muli %arg1, %mul3A_478 : i32
    "tpu.region"() ({
      %run_scoped3A = tpu.sem_alloc : memref<!tpu.dma_semaphore, #tpu.memory_space<semaphore_mem>>
      %dma_start3A_480 = tpu.memref_slice %arg3[%arg0, %mul3A_479] : memref<2x10240xf32, #tpu.memory_space<hbm>> -> memref<1x640xf32, #tpu.memory_space<hbm>>
      %dma_start3A_481 = tpu.memref_squeeze %dma_start3A_480 : memref<1x640xf32, #tpu.memory_space<hbm>> -> memref<640xf32, #tpu.memory_space<hbm>>
      %dma_start3A_482 = tpu.memref_slice %arg3[%arg0, %mul3A_479] : memref<2x10240xf32, #tpu.memory_space<hbm>> -> memref<1x640xf32, #tpu.memory_space<hbm>>
      %dma_start3A_483 = tpu.memref_squeeze %dma_start3A_482 : memref<1x640xf32, #tpu.memory_space<hbm>> -> memref<640xf32, #tpu.memory_space<hbm>>
      tpu.enqueue_dma source(%arg7 : memref<640xf32, #tpu.memory_space<vmem>>) target(%dma_start3A_483 : memref<640xf32, #tpu.memory_space<hbm>>) target_semaphore(%run_scoped3A : memref<!tpu.dma_semaphore, #tpu.memory_space<semaphore_mem>>)
      %dma_wait3A_484 = tpu.memref_slice %arg3[%arg0, %mul3A_479] : memref<2x10240xf32, #tpu.memory_space<hbm>> -> memref<1x640xf32, #tpu.memory_space<hbm>>
      %dma_wait3A_485 = tpu.memref_squeeze %dma_wait3A_484 : memref<1x640xf32, #tpu.memory_space<hbm>> -> memref<640xf32, #tpu.memory_space<hbm>>
      %dma_wait3A_486 = tpu.memref_slice %arg3[%arg0, %mul3A_479] : memref<2x10240xf32, #tpu.memory_space<hbm>> -> memref<1x640xf32, #tpu.memory_space<hbm>>
      %dma_wait3A_487 = tpu.memref_squeeze %dma_wait3A_486 : memref<1x640xf32, #tpu.memory_space<hbm>> -> memref<640xf32, #tpu.memory_space<hbm>>
      tpu.wait_dma2 semaphore(%run_scoped3A : memref<!tpu.dma_semaphore, #tpu.memory_space<semaphore_mem>>) src(%arg7 : memref<640xf32, #tpu.memory_space<vmem>>) dst(%dma_wait3A_487 : memref<640xf32, #tpu.memory_space<hbm>>)
      tpu.yield
    }) : () -> ()
    return
  }
}

#map = affine_map<(d0, d1) -> (0, 0)>
#map1 = affine_map<(d0, d1) -> (0, 0, 0)>
module attributes {stable_mosaic.version = 14 : i64} {
  func.func @_agg_body(%arg0: i32, %arg1: i32, %arg2: memref<20000x128xf32, #tpu.memory_space<hbm>>, %arg3: memref<8000x80xi32, #tpu.memory_space<hbm>>, %arg4: memref<8000x80xi32, #tpu.memory_space<hbm>>, %arg5: memref<2x10240x128xf32, #tpu.memory_space<hbm>>, %arg6: memref<10240x128xf32, #tpu.memory_space<vmem_shared>>, %arg7: memref<25x80xi32, #tpu.memory_space<vmem>>, %arg8: memref<25x80xi32, #tpu.memory_space<vmem>>, %arg9: memref<4x80x128xf32, #tpu.memory_space<vmem>>, %arg10: memref<16x128xf32, #tpu.memory_space<vmem>>, %arg11: memref<!tpu.dma_semaphore, #tpu.memory_space<semaphore_mem>>, %arg12: memref<!tpu.dma_semaphore, #tpu.memory_space<semaphore_mem>>) attributes {dimension_semantics = [#tpu.dimension_semantics<core_parallel>, #tpu.dimension_semantics<subcore_parallel>], iteration_bounds = array<i64: 2, 16>, scalar_prefetch = 0 : i64, scratch_operands = 7 : i64, tpu.core_type = #tpu.core_type<sc_vector_subcore>, window_params = [{transform_indices = #map}, {transform_indices = #map}, {transform_indices = #map}, {transform_indices = #map1}]} {
    %mul3A = arith.constant 16 : i32
    %mul3A_0 = arith.muli %arg0, %mul3A : i32
    %add3A = arith.addi %mul3A_0, %arg1 : i32
    %mul3A_1 = arith.constant 250 : i32
    %mul3A_2 = arith.muli %add3A, %mul3A_1 : i32
    %broadcast_in_dim3A = arith.constant 0.000000e+00 : f32
    %broadcast_in_dim3A_3 = vector.broadcast %broadcast_in_dim3A : f32 to vector<16xf32>
    %scan3A = arith.constant 0 : i32
    %scan3A_4 = arith.constant 16 : i32
    %scan3A_5 = arith.addi %scan3A, %scan3A_4 : i32
    %scan3A_6 = arith.constant 1 : i32
    scf.for %scan3A_194 = %scan3A to %scan3A_5 step %scan3A_6  : i32 {
      %scan3A_195 = arith.constant 0 : i32
      %scan3A_196 = arith.constant 8 : i32
      %scan3A_197 = arith.addi %scan3A_195, %scan3A_196 : i32
      %scan3A_198 = arith.constant 1 : i32
      scf.for %scan3A_200 = %scan3A_195 to %scan3A_197 step %scan3A_198  : i32 {
        %mul3A_201 = arith.constant 16 : i32
        %mul3A_202 = arith.muli %scan3A_200, %mul3A_201 : i32
        %swap3A = arith.index_cast %scan3A_194 : i32 to index
        %swap3A_203 = arith.index_cast %mul3A_202 : i32 to index
        %swap3A_204 = tpu.vector_load %arg10[%swap3A, %swap3A_203] {strides = array<i32>} : memref<16x128xf32, #tpu.memory_space<vmem>>, vector<16xf32>,
        tpu.vector_store %arg10[%swap3A, %swap3A_203], %broadcast_in_dim3A_3 {strides = array<i32>} : memref<16x128xf32, #tpu.memory_space<vmem>>, vector<16xf32>,
      }
      %scan3A_199 = arith.constant 8 : i32
    }
    %scan3A_7 = arith.constant 16 : i32
    %mul3A_8 = arith.constant 640 : i32
    %mul3A_9 = arith.muli %arg1, %mul3A_8 : i32
    %add3A_10 = arith.constant 0 : i32
    %add3A_11 = arith.addi %mul3A_9, %add3A_10 : i32
    "tpu.region"() ({
      %run_scoped3A = tpu.sem_alloc : memref<!tpu.dma_semaphore, #tpu.memory_space<semaphore_mem>>
      %dma_start3A = arith.constant 0 : i32
      %dma_start3A_194 = tpu.memref_slice %arg6[%add3A_11, %dma_start3A] : memref<10240x128xf32, #tpu.memory_space<vmem_shared>> -> memref<16x128xf32, #tpu.memory_space<vmem_shared>>
      %dma_start3A_195 = arith.constant 0 : i32
      %dma_start3A_196 = tpu.memref_slice %arg6[%add3A_11, %dma_start3A_195] : memref<10240x128xf32, #tpu.memory_space<vmem_shared>> -> memref<16x128xf32, #tpu.memory_space<vmem_shared>>
      tpu.enqueue_dma source(%arg10 : memref<16x128xf32, #tpu.memory_space<vmem>>) target(%dma_start3A_196 : memref<16x128xf32, #tpu.memory_space<vmem_shared>>) target_semaphore(%run_scoped3A : memref<!tpu.dma_semaphore, #tpu.memory_space<semaphore_mem>>)
      %dma_wait3A = arith.constant 0 : i32
      %dma_wait3A_197 = tpu.memref_slice %arg6[%add3A_11, %dma_wait3A] : memref<10240x128xf32, #tpu.memory_space<vmem_shared>> -> memref<16x128xf32, #tpu.memory_space<vmem_shared>>
      %dma_wait3A_198 = arith.constant 0 : i32
      %dma_wait3A_199 = tpu.memref_slice %arg6[%add3A_11, %dma_wait3A_198] : memref<10240x128xf32, #tpu.memory_space<vmem_shared>> -> memref<16x128xf32, #tpu.memory_space<vmem_shared>>
      tpu.wait_dma2 semaphore(%run_scoped3A : memref<!tpu.dma_semaphore, #tpu.memory_space<semaphore_mem>>) src(%arg10 : memref<16x128xf32, #tpu.memory_space<vmem>>) dst(%dma_wait3A_199 : memref<16x128xf32, #tpu.memory_space<vmem_shared>>)
      tpu.yield
    }) : () -> ()
    %mul3A_12 = arith.constant 640 : i32
    %mul3A_13 = arith.muli %arg1, %mul3A_12 : i32
    %add3A_14 = arith.constant 16 : i32
    %add3A_15 = arith.addi %mul3A_13, %add3A_14 : i32
    "tpu.region"() ({
      %run_scoped3A = tpu.sem_alloc : memref<!tpu.dma_semaphore, #tpu.memory_space<semaphore_mem>>
      %dma_start3A = arith.constant 0 : i32
      %dma_start3A_194 = tpu.memref_slice %arg6[%add3A_15, %dma_start3A] : memref<10240x128xf32, #tpu.memory_space<vmem_shared>> -> memref<16x128xf32, #tpu.memory_space<vmem_shared>>
      %dma_start3A_195 = arith.constant 0 : i32
      %dma_start3A_196 = tpu.memref_slice %arg6[%add3A_15, %dma_start3A_195] : memref<10240x128xf32, #tpu.memory_space<vmem_shared>> -> memref<16x128xf32, #tpu.memory_space<vmem_shared>>
      tpu.enqueue_dma source(%arg10 : memref<16x128xf32, #tpu.memory_space<vmem>>) target(%dma_start3A_196 : memref<16x128xf32, #tpu.memory_space<vmem_shared>>) target_semaphore(%run_scoped3A : memref<!tpu.dma_semaphore, #tpu.memory_space<semaphore_mem>>)
      %dma_wait3A = arith.constant 0 : i32
      %dma_wait3A_197 = tpu.memref_slice %arg6[%add3A_15, %dma_wait3A] : memref<10240x128xf32, #tpu.memory_space<vmem_shared>> -> memref<16x128xf32, #tpu.memory_space<vmem_shared>>
      %dma_wait3A_198 = arith.constant 0 : i32
      %dma_wait3A_199 = tpu.memref_slice %arg6[%add3A_15, %dma_wait3A_198] : memref<10240x128xf32, #tpu.memory_space<vmem_shared>> -> memref<16x128xf32, #tpu.memory_space<vmem_shared>>
      tpu.wait_dma2 semaphore(%run_scoped3A : memref<!tpu.dma_semaphore, #tpu.memory_space<semaphore_mem>>) src(%arg10 : memref<16x128xf32, #tpu.memory_space<vmem>>) dst(%dma_wait3A_199 : memref<16x128xf32, #tpu.memory_space<vmem_shared>>)
      tpu.yield
    }) : () -> ()
    %mul3A_16 = arith.constant 640 : i32
    %mul3A_17 = arith.muli %arg1, %mul3A_16 : i32
    %add3A_18 = arith.constant 32 : i32
    %add3A_19 = arith.addi %mul3A_17, %add3A_18 : i32
    "tpu.region"() ({
      %run_scoped3A = tpu.sem_alloc : memref<!tpu.dma_semaphore, #tpu.memory_space<semaphore_mem>>
      %dma_start3A = arith.constant 0 : i32
      %dma_start3A_194 = tpu.memref_slice %arg6[%add3A_19, %dma_start3A] : memref<10240x128xf32, #tpu.memory_space<vmem_shared>> -> memref<16x128xf32, #tpu.memory_space<vmem_shared>>
      %dma_start3A_195 = arith.constant 0 : i32
      %dma_start3A_196 = tpu.memref_slice %arg6[%add3A_19, %dma_start3A_195] : memref<10240x128xf32, #tpu.memory_space<vmem_shared>> -> memref<16x128xf32, #tpu.memory_space<vmem_shared>>
      tpu.enqueue_dma source(%arg10 : memref<16x128xf32, #tpu.memory_space<vmem>>) target(%dma_start3A_196 : memref<16x128xf32, #tpu.memory_space<vmem_shared>>) target_semaphore(%run_scoped3A : memref<!tpu.dma_semaphore, #tpu.memory_space<semaphore_mem>>)
      %dma_wait3A = arith.constant 0 : i32
      %dma_wait3A_197 = tpu.memref_slice %arg6[%add3A_19, %dma_wait3A] : memref<10240x128xf32, #tpu.memory_space<vmem_shared>> -> memref<16x128xf32, #tpu.memory_space<vmem_shared>>
      %dma_wait3A_198 = arith.constant 0 : i32
      %dma_wait3A_199 = tpu.memref_slice %arg6[%add3A_19, %dma_wait3A_198] : memref<10240x128xf32, #tpu.memory_space<vmem_shared>> -> memref<16x128xf32, #tpu.memory_space<vmem_shared>>
      tpu.wait_dma2 semaphore(%run_scoped3A : memref<!tpu.dma_semaphore, #tpu.memory_space<semaphore_mem>>) src(%arg10 : memref<16x128xf32, #tpu.memory_space<vmem>>) dst(%dma_wait3A_199 : memref<16x128xf32, #tpu.memory_space<vmem_shared>>)
      tpu.yield
    }) : () -> ()
    %mul3A_20 = arith.constant 640 : i32
    %mul3A_21 = arith.muli %arg1, %mul3A_20 : i32
    %add3A_22 = arith.constant 48 : i32
    %add3A_23 = arith.addi %mul3A_21, %add3A_22 : i32
    "tpu.region"() ({
      %run_scoped3A = tpu.sem_alloc : memref<!tpu.dma_semaphore, #tpu.memory_space<semaphore_mem>>
      %dma_start3A = arith.constant 0 : i32
      %dma_start3A_194 = tpu.memref_slice %arg6[%add3A_23, %dma_start3A] : memref<10240x128xf32, #tpu.memory_space<vmem_shared>> -> memref<16x128xf32, #tpu.memory_space<vmem_shared>>
      %dma_start3A_195 = arith.constant 0 : i32
      %dma_start3A_196 = tpu.memref_slice %arg6[%add3A_23, %dma_start3A_195] : memref<10240x128xf32, #tpu.memory_space<vmem_shared>> -> memref<16x128xf32, #tpu.memory_space<vmem_shared>>
      tpu.enqueue_dma source(%arg10 : memref<16x128xf32, #tpu.memory_space<vmem>>) target(%dma_start3A_196 : memref<16x128xf32, #tpu.memory_space<vmem_shared>>) target_semaphore(%run_scoped3A : memref<!tpu.dma_semaphore, #tpu.memory_space<semaphore_mem>>)
      %dma_wait3A = arith.constant 0 : i32
      %dma_wait3A_197 = tpu.memref_slice %arg6[%add3A_23, %dma_wait3A] : memref<10240x128xf32, #tpu.memory_space<vmem_shared>> -> memref<16x128xf32, #tpu.memory_space<vmem_shared>>
      %dma_wait3A_198 = arith.constant 0 : i32
      %dma_wait3A_199 = tpu.memref_slice %arg6[%add3A_23, %dma_wait3A_198] : memref<10240x128xf32, #tpu.memory_space<vmem_shared>> -> memref<16x128xf32, #tpu.memory_space<vmem_shared>>
      tpu.wait_dma2 semaphore(%run_scoped3A : memref<!tpu.dma_semaphore, #tpu.memory_space<semaphore_mem>>) src(%arg10 : memref<16x128xf32, #tpu.memory_space<vmem>>) dst(%dma_wait3A_199 : memref<16x128xf32, #tpu.memory_space<vmem_shared>>)
      tpu.yield
    }) : () -> ()
    %mul3A_24 = arith.constant 640 : i32
    %mul3A_25 = arith.muli %arg1, %mul3A_24 : i32
    %add3A_26 = arith.constant 64 : i32
    %add3A_27 = arith.addi %mul3A_25, %add3A_26 : i32
    "tpu.region"() ({
      %run_scoped3A = tpu.sem_alloc : memref<!tpu.dma_semaphore, #tpu.memory_space<semaphore_mem>>
      %dma_start3A = arith.constant 0 : i32
      %dma_start3A_194 = tpu.memref_slice %arg6[%add3A_27, %dma_start3A] : memref<10240x128xf32, #tpu.memory_space<vmem_shared>> -> memref<16x128xf32, #tpu.memory_space<vmem_shared>>
      %dma_start3A_195 = arith.constant 0 : i32
      %dma_start3A_196 = tpu.memref_slice %arg6[%add3A_27, %dma_start3A_195] : memref<10240x128xf32, #tpu.memory_space<vmem_shared>> -> memref<16x128xf32, #tpu.memory_space<vmem_shared>>
      tpu.enqueue_dma source(%arg10 : memref<16x128xf32, #tpu.memory_space<vmem>>) target(%dma_start3A_196 : memref<16x128xf32, #tpu.memory_space<vmem_shared>>) target_semaphore(%run_scoped3A : memref<!tpu.dma_semaphore, #tpu.memory_space<semaphore_mem>>)
      %dma_wait3A = arith.constant 0 : i32
      %dma_wait3A_197 = tpu.memref_slice %arg6[%add3A_27, %dma_wait3A] : memref<10240x128xf32, #tpu.memory_space<vmem_shared>> -> memref<16x128xf32, #tpu.memory_space<vmem_shared>>
      %dma_wait3A_198 = arith.constant 0 : i32
      %dma_wait3A_199 = tpu.memref_slice %arg6[%add3A_27, %dma_wait3A_198] : memref<10240x128xf32, #tpu.memory_space<vmem_shared>> -> memref<16x128xf32, #tpu.memory_space<vmem_shared>>
      tpu.wait_dma2 semaphore(%run_scoped3A : memref<!tpu.dma_semaphore, #tpu.memory_space<semaphore_mem>>) src(%arg10 : memref<16x128xf32, #tpu.memory_space<vmem>>) dst(%dma_wait3A_199 : memref<16x128xf32, #tpu.memory_space<vmem_shared>>)
      tpu.yield
    }) : () -> ()
    %mul3A_28 = arith.constant 640 : i32
    %mul3A_29 = arith.muli %arg1, %mul3A_28 : i32
    %add3A_30 = arith.constant 80 : i32
    %add3A_31 = arith.addi %mul3A_29, %add3A_30 : i32
    "tpu.region"() ({
      %run_scoped3A = tpu.sem_alloc : memref<!tpu.dma_semaphore, #tpu.memory_space<semaphore_mem>>
      %dma_start3A = arith.constant 0 : i32
      %dma_start3A_194 = tpu.memref_slice %arg6[%add3A_31, %dma_start3A] : memref<10240x128xf32, #tpu.memory_space<vmem_shared>> -> memref<16x128xf32, #tpu.memory_space<vmem_shared>>
      %dma_start3A_195 = arith.constant 0 : i32
      %dma_start3A_196 = tpu.memref_slice %arg6[%add3A_31, %dma_start3A_195] : memref<10240x128xf32, #tpu.memory_space<vmem_shared>> -> memref<16x128xf32, #tpu.memory_space<vmem_shared>>
      tpu.enqueue_dma source(%arg10 : memref<16x128xf32, #tpu.memory_space<vmem>>) target(%dma_start3A_196 : memref<16x128xf32, #tpu.memory_space<vmem_shared>>) target_semaphore(%run_scoped3A : memref<!tpu.dma_semaphore, #tpu.memory_space<semaphore_mem>>)
      %dma_wait3A = arith.constant 0 : i32
      %dma_wait3A_197 = tpu.memref_slice %arg6[%add3A_31, %dma_wait3A] : memref<10240x128xf32, #tpu.memory_space<vmem_shared>> -> memref<16x128xf32, #tpu.memory_space<vmem_shared>>
      %dma_wait3A_198 = arith.constant 0 : i32
      %dma_wait3A_199 = tpu.memref_slice %arg6[%add3A_31, %dma_wait3A_198] : memref<10240x128xf32, #tpu.memory_space<vmem_shared>> -> memref<16x128xf32, #tpu.memory_space<vmem_shared>>
      tpu.wait_dma2 semaphore(%run_scoped3A : memref<!tpu.dma_semaphore, #tpu.memory_space<semaphore_mem>>) src(%arg10 : memref<16x128xf32, #tpu.memory_space<vmem>>) dst(%dma_wait3A_199 : memref<16x128xf32, #tpu.memory_space<vmem_shared>>)
      tpu.yield
    }) : () -> ()
    %mul3A_32 = arith.constant 640 : i32
    %mul3A_33 = arith.muli %arg1, %mul3A_32 : i32
    %add3A_34 = arith.constant 96 : i32
    %add3A_35 = arith.addi %mul3A_33, %add3A_34 : i32
    "tpu.region"() ({
      %run_scoped3A = tpu.sem_alloc : memref<!tpu.dma_semaphore, #tpu.memory_space<semaphore_mem>>
      %dma_start3A = arith.constant 0 : i32
      %dma_start3A_194 = tpu.memref_slice %arg6[%add3A_35, %dma_start3A] : memref<10240x128xf32, #tpu.memory_space<vmem_shared>> -> memref<16x128xf32, #tpu.memory_space<vmem_shared>>
      %dma_start3A_195 = arith.constant 0 : i32
      %dma_start3A_196 = tpu.memref_slice %arg6[%add3A_35, %dma_start3A_195] : memref<10240x128xf32, #tpu.memory_space<vmem_shared>> -> memref<16x128xf32, #tpu.memory_space<vmem_shared>>
      tpu.enqueue_dma source(%arg10 : memref<16x128xf32, #tpu.memory_space<vmem>>) target(%dma_start3A_196 : memref<16x128xf32, #tpu.memory_space<vmem_shared>>) target_semaphore(%run_scoped3A : memref<!tpu.dma_semaphore, #tpu.memory_space<semaphore_mem>>)
      %dma_wait3A = arith.constant 0 : i32
      %dma_wait3A_197 = tpu.memref_slice %arg6[%add3A_35, %dma_wait3A] : memref<10240x128xf32, #tpu.memory_space<vmem_shared>> -> memref<16x128xf32, #tpu.memory_space<vmem_shared>>
      %dma_wait3A_198 = arith.constant 0 : i32
      %dma_wait3A_199 = tpu.memref_slice %arg6[%add3A_35, %dma_wait3A_198] : memref<10240x128xf32, #tpu.memory_space<vmem_shared>> -> memref<16x128xf32, #tpu.memory_space<vmem_shared>>
      tpu.wait_dma2 semaphore(%run_scoped3A : memref<!tpu.dma_semaphore, #tpu.memory_space<semaphore_mem>>) src(%arg10 : memref<16x128xf32, #tpu.memory_space<vmem>>) dst(%dma_wait3A_199 : memref<16x128xf32, #tpu.memory_space<vmem_shared>>)
      tpu.yield
    }) : () -> ()
    %mul3A_36 = arith.constant 640 : i32
    %mul3A_37 = arith.muli %arg1, %mul3A_36 : i32
    %add3A_38 = arith.constant 112 : i32
    %add3A_39 = arith.addi %mul3A_37, %add3A_38 : i32
    "tpu.region"() ({
      %run_scoped3A = tpu.sem_alloc : memref<!tpu.dma_semaphore, #tpu.memory_space<semaphore_mem>>
      %dma_start3A = arith.constant 0 : i32
      %dma_start3A_194 = tpu.memref_slice %arg6[%add3A_39, %dma_start3A] : memref<10240x128xf32, #tpu.memory_space<vmem_shared>> -> memref<16x128xf32, #tpu.memory_space<vmem_shared>>
      %dma_start3A_195 = arith.constant 0 : i32
      %dma_start3A_196 = tpu.memref_slice %arg6[%add3A_39, %dma_start3A_195] : memref<10240x128xf32, #tpu.memory_space<vmem_shared>> -> memref<16x128xf32, #tpu.memory_space<vmem_shared>>
      tpu.enqueue_dma source(%arg10 : memref<16x128xf32, #tpu.memory_space<vmem>>) target(%dma_start3A_196 : memref<16x128xf32, #tpu.memory_space<vmem_shared>>) target_semaphore(%run_scoped3A : memref<!tpu.dma_semaphore, #tpu.memory_space<semaphore_mem>>)
      %dma_wait3A = arith.constant 0 : i32
      %dma_wait3A_197 = tpu.memref_slice %arg6[%add3A_39, %dma_wait3A] : memref<10240x128xf32, #tpu.memory_space<vmem_shared>> -> memref<16x128xf32, #tpu.memory_space<vmem_shared>>
      %dma_wait3A_198 = arith.constant 0 : i32
      %dma_wait3A_199 = tpu.memref_slice %arg6[%add3A_39, %dma_wait3A_198] : memref<10240x128xf32, #tpu.memory_space<vmem_shared>> -> memref<16x128xf32, #tpu.memory_space<vmem_shared>>
      tpu.wait_dma2 semaphore(%run_scoped3A : memref<!tpu.dma_semaphore, #tpu.memory_space<semaphore_mem>>) src(%arg10 : memref<16x128xf32, #tpu.memory_space<vmem>>) dst(%dma_wait3A_199 : memref<16x128xf32, #tpu.memory_space<vmem_shared>>)
      tpu.yield
    }) : () -> ()
    %mul3A_40 = arith.constant 640 : i32
    %mul3A_41 = arith.muli %arg1, %mul3A_40 : i32
    %add3A_42 = arith.constant 128 : i32
    %add3A_43 = arith.addi %mul3A_41, %add3A_42 : i32
    "tpu.region"() ({
      %run_scoped3A = tpu.sem_alloc : memref<!tpu.dma_semaphore, #tpu.memory_space<semaphore_mem>>
      %dma_start3A = arith.constant 0 : i32
      %dma_start3A_194 = tpu.memref_slice %arg6[%add3A_43, %dma_start3A] : memref<10240x128xf32, #tpu.memory_space<vmem_shared>> -> memref<16x128xf32, #tpu.memory_space<vmem_shared>>
      %dma_start3A_195 = arith.constant 0 : i32
      %dma_start3A_196 = tpu.memref_slice %arg6[%add3A_43, %dma_start3A_195] : memref<10240x128xf32, #tpu.memory_space<vmem_shared>> -> memref<16x128xf32, #tpu.memory_space<vmem_shared>>
      tpu.enqueue_dma source(%arg10 : memref<16x128xf32, #tpu.memory_space<vmem>>) target(%dma_start3A_196 : memref<16x128xf32, #tpu.memory_space<vmem_shared>>) target_semaphore(%run_scoped3A : memref<!tpu.dma_semaphore, #tpu.memory_space<semaphore_mem>>)
      %dma_wait3A = arith.constant 0 : i32
      %dma_wait3A_197 = tpu.memref_slice %arg6[%add3A_43, %dma_wait3A] : memref<10240x128xf32, #tpu.memory_space<vmem_shared>> -> memref<16x128xf32, #tpu.memory_space<vmem_shared>>
      %dma_wait3A_198 = arith.constant 0 : i32
      %dma_wait3A_199 = tpu.memref_slice %arg6[%add3A_43, %dma_wait3A_198] : memref<10240x128xf32, #tpu.memory_space<vmem_shared>> -> memref<16x128xf32, #tpu.memory_space<vmem_shared>>
      tpu.wait_dma2 semaphore(%run_scoped3A : memref<!tpu.dma_semaphore, #tpu.memory_space<semaphore_mem>>) src(%arg10 : memref<16x128xf32, #tpu.memory_space<vmem>>) dst(%dma_wait3A_199 : memref<16x128xf32, #tpu.memory_space<vmem_shared>>)
      tpu.yield
    }) : () -> ()
    %mul3A_44 = arith.constant 640 : i32
    %mul3A_45 = arith.muli %arg1, %mul3A_44 : i32
    %add3A_46 = arith.constant 144 : i32
    %add3A_47 = arith.addi %mul3A_45, %add3A_46 : i32
    "tpu.region"() ({
      %run_scoped3A = tpu.sem_alloc : memref<!tpu.dma_semaphore, #tpu.memory_space<semaphore_mem>>
      %dma_start3A = arith.constant 0 : i32
      %dma_start3A_194 = tpu.memref_slice %arg6[%add3A_47, %dma_start3A] : memref<10240x128xf32, #tpu.memory_space<vmem_shared>> -> memref<16x128xf32, #tpu.memory_space<vmem_shared>>
      %dma_start3A_195 = arith.constant 0 : i32
      %dma_start3A_196 = tpu.memref_slice %arg6[%add3A_47, %dma_start3A_195] : memref<10240x128xf32, #tpu.memory_space<vmem_shared>> -> memref<16x128xf32, #tpu.memory_space<vmem_shared>>
      tpu.enqueue_dma source(%arg10 : memref<16x128xf32, #tpu.memory_space<vmem>>) target(%dma_start3A_196 : memref<16x128xf32, #tpu.memory_space<vmem_shared>>) target_semaphore(%run_scoped3A : memref<!tpu.dma_semaphore, #tpu.memory_space<semaphore_mem>>)
      %dma_wait3A = arith.constant 0 : i32
      %dma_wait3A_197 = tpu.memref_slice %arg6[%add3A_47, %dma_wait3A] : memref<10240x128xf32, #tpu.memory_space<vmem_shared>> -> memref<16x128xf32, #tpu.memory_space<vmem_shared>>
      %dma_wait3A_198 = arith.constant 0 : i32
      %dma_wait3A_199 = tpu.memref_slice %arg6[%add3A_47, %dma_wait3A_198] : memref<10240x128xf32, #tpu.memory_space<vmem_shared>> -> memref<16x128xf32, #tpu.memory_space<vmem_shared>>
      tpu.wait_dma2 semaphore(%run_scoped3A : memref<!tpu.dma_semaphore, #tpu.memory_space<semaphore_mem>>) src(%arg10 : memref<16x128xf32, #tpu.memory_space<vmem>>) dst(%dma_wait3A_199 : memref<16x128xf32, #tpu.memory_space<vmem_shared>>)
      tpu.yield
    }) : () -> ()
    %mul3A_48 = arith.constant 640 : i32
    %mul3A_49 = arith.muli %arg1, %mul3A_48 : i32
    %add3A_50 = arith.constant 160 : i32
    %add3A_51 = arith.addi %mul3A_49, %add3A_50 : i32
    "tpu.region"() ({
      %run_scoped3A = tpu.sem_alloc : memref<!tpu.dma_semaphore, #tpu.memory_space<semaphore_mem>>
      %dma_start3A = arith.constant 0 : i32
      %dma_start3A_194 = tpu.memref_slice %arg6[%add3A_51, %dma_start3A] : memref<10240x128xf32, #tpu.memory_space<vmem_shared>> -> memref<16x128xf32, #tpu.memory_space<vmem_shared>>
      %dma_start3A_195 = arith.constant 0 : i32
      %dma_start3A_196 = tpu.memref_slice %arg6[%add3A_51, %dma_start3A_195] : memref<10240x128xf32, #tpu.memory_space<vmem_shared>> -> memref<16x128xf32, #tpu.memory_space<vmem_shared>>
      tpu.enqueue_dma source(%arg10 : memref<16x128xf32, #tpu.memory_space<vmem>>) target(%dma_start3A_196 : memref<16x128xf32, #tpu.memory_space<vmem_shared>>) target_semaphore(%run_scoped3A : memref<!tpu.dma_semaphore, #tpu.memory_space<semaphore_mem>>)
      %dma_wait3A = arith.constant 0 : i32
      %dma_wait3A_197 = tpu.memref_slice %arg6[%add3A_51, %dma_wait3A] : memref<10240x128xf32, #tpu.memory_space<vmem_shared>> -> memref<16x128xf32, #tpu.memory_space<vmem_shared>>
      %dma_wait3A_198 = arith.constant 0 : i32
      %dma_wait3A_199 = tpu.memref_slice %arg6[%add3A_51, %dma_wait3A_198] : memref<10240x128xf32, #tpu.memory_space<vmem_shared>> -> memref<16x128xf32, #tpu.memory_space<vmem_shared>>
      tpu.wait_dma2 semaphore(%run_scoped3A : memref<!tpu.dma_semaphore, #tpu.memory_space<semaphore_mem>>) src(%arg10 : memref<16x128xf32, #tpu.memory_space<vmem>>) dst(%dma_wait3A_199 : memref<16x128xf32, #tpu.memory_space<vmem_shared>>)
      tpu.yield
    }) : () -> ()
    %mul3A_52 = arith.constant 640 : i32
    %mul3A_53 = arith.muli %arg1, %mul3A_52 : i32
    %add3A_54 = arith.constant 176 : i32
    %add3A_55 = arith.addi %mul3A_53, %add3A_54 : i32
    "tpu.region"() ({
      %run_scoped3A = tpu.sem_alloc : memref<!tpu.dma_semaphore, #tpu.memory_space<semaphore_mem>>
      %dma_start3A = arith.constant 0 : i32
      %dma_start3A_194 = tpu.memref_slice %arg6[%add3A_55, %dma_start3A] : memref<10240x128xf32, #tpu.memory_space<vmem_shared>> -> memref<16x128xf32, #tpu.memory_space<vmem_shared>>
      %dma_start3A_195 = arith.constant 0 : i32
      %dma_start3A_196 = tpu.memref_slice %arg6[%add3A_55, %dma_start3A_195] : memref<10240x128xf32, #tpu.memory_space<vmem_shared>> -> memref<16x128xf32, #tpu.memory_space<vmem_shared>>
      tpu.enqueue_dma source(%arg10 : memref<16x128xf32, #tpu.memory_space<vmem>>) target(%dma_start3A_196 : memref<16x128xf32, #tpu.memory_space<vmem_shared>>) target_semaphore(%run_scoped3A : memref<!tpu.dma_semaphore, #tpu.memory_space<semaphore_mem>>)
      %dma_wait3A = arith.constant 0 : i32
      %dma_wait3A_197 = tpu.memref_slice %arg6[%add3A_55, %dma_wait3A] : memref<10240x128xf32, #tpu.memory_space<vmem_shared>> -> memref<16x128xf32, #tpu.memory_space<vmem_shared>>
      %dma_wait3A_198 = arith.constant 0 : i32
      %dma_wait3A_199 = tpu.memref_slice %arg6[%add3A_55, %dma_wait3A_198] : memref<10240x128xf32, #tpu.memory_space<vmem_shared>> -> memref<16x128xf32, #tpu.memory_space<vmem_shared>>
      tpu.wait_dma2 semaphore(%run_scoped3A : memref<!tpu.dma_semaphore, #tpu.memory_space<semaphore_mem>>) src(%arg10 : memref<16x128xf32, #tpu.memory_space<vmem>>) dst(%dma_wait3A_199 : memref<16x128xf32, #tpu.memory_space<vmem_shared>>)
      tpu.yield
    }) : () -> ()
    %mul3A_56 = arith.constant 640 : i32
    %mul3A_57 = arith.muli %arg1, %mul3A_56 : i32
    %add3A_58 = arith.constant 192 : i32
    %add3A_59 = arith.addi %mul3A_57, %add3A_58 : i32
    "tpu.region"() ({
      %run_scoped3A = tpu.sem_alloc : memref<!tpu.dma_semaphore, #tpu.memory_space<semaphore_mem>>
      %dma_start3A = arith.constant 0 : i32
      %dma_start3A_194 = tpu.memref_slice %arg6[%add3A_59, %dma_start3A] : memref<10240x128xf32, #tpu.memory_space<vmem_shared>> -> memref<16x128xf32, #tpu.memory_space<vmem_shared>>
      %dma_start3A_195 = arith.constant 0 : i32
      %dma_start3A_196 = tpu.memref_slice %arg6[%add3A_59, %dma_start3A_195] : memref<10240x128xf32, #tpu.memory_space<vmem_shared>> -> memref<16x128xf32, #tpu.memory_space<vmem_shared>>
      tpu.enqueue_dma source(%arg10 : memref<16x128xf32, #tpu.memory_space<vmem>>) target(%dma_start3A_196 : memref<16x128xf32, #tpu.memory_space<vmem_shared>>) target_semaphore(%run_scoped3A : memref<!tpu.dma_semaphore, #tpu.memory_space<semaphore_mem>>)
      %dma_wait3A = arith.constant 0 : i32
      %dma_wait3A_197 = tpu.memref_slice %arg6[%add3A_59, %dma_wait3A] : memref<10240x128xf32, #tpu.memory_space<vmem_shared>> -> memref<16x128xf32, #tpu.memory_space<vmem_shared>>
      %dma_wait3A_198 = arith.constant 0 : i32
      %dma_wait3A_199 = tpu.memref_slice %arg6[%add3A_59, %dma_wait3A_198] : memref<10240x128xf32, #tpu.memory_space<vmem_shared>> -> memref<16x128xf32, #tpu.memory_space<vmem_shared>>
      tpu.wait_dma2 semaphore(%run_scoped3A : memref<!tpu.dma_semaphore, #tpu.memory_space<semaphore_mem>>) src(%arg10 : memref<16x128xf32, #tpu.memory_space<vmem>>) dst(%dma_wait3A_199 : memref<16x128xf32, #tpu.memory_space<vmem_shared>>)
      tpu.yield
    }) : () -> ()
    %mul3A_60 = arith.constant 640 : i32
    %mul3A_61 = arith.muli %arg1, %mul3A_60 : i32
    %add3A_62 = arith.constant 208 : i32
    %add3A_63 = arith.addi %mul3A_61, %add3A_62 : i32
    "tpu.region"() ({
      %run_scoped3A = tpu.sem_alloc : memref<!tpu.dma_semaphore, #tpu.memory_space<semaphore_mem>>
      %dma_start3A = arith.constant 0 : i32
      %dma_start3A_194 = tpu.memref_slice %arg6[%add3A_63, %dma_start3A] : memref<10240x128xf32, #tpu.memory_space<vmem_shared>> -> memref<16x128xf32, #tpu.memory_space<vmem_shared>>
      %dma_start3A_195 = arith.constant 0 : i32
      %dma_start3A_196 = tpu.memref_slice %arg6[%add3A_63, %dma_start3A_195] : memref<10240x128xf32, #tpu.memory_space<vmem_shared>> -> memref<16x128xf32, #tpu.memory_space<vmem_shared>>
      tpu.enqueue_dma source(%arg10 : memref<16x128xf32, #tpu.memory_space<vmem>>) target(%dma_start3A_196 : memref<16x128xf32, #tpu.memory_space<vmem_shared>>) target_semaphore(%run_scoped3A : memref<!tpu.dma_semaphore, #tpu.memory_space<semaphore_mem>>)
      %dma_wait3A = arith.constant 0 : i32
      %dma_wait3A_197 = tpu.memref_slice %arg6[%add3A_63, %dma_wait3A] : memref<10240x128xf32, #tpu.memory_space<vmem_shared>> -> memref<16x128xf32, #tpu.memory_space<vmem_shared>>
      %dma_wait3A_198 = arith.constant 0 : i32
      %dma_wait3A_199 = tpu.memref_slice %arg6[%add3A_63, %dma_wait3A_198] : memref<10240x128xf32, #tpu.memory_space<vmem_shared>> -> memref<16x128xf32, #tpu.memory_space<vmem_shared>>
      tpu.wait_dma2 semaphore(%run_scoped3A : memref<!tpu.dma_semaphore, #tpu.memory_space<semaphore_mem>>) src(%arg10 : memref<16x128xf32, #tpu.memory_space<vmem>>) dst(%dma_wait3A_199 : memref<16x128xf32, #tpu.memory_space<vmem_shared>>)
      tpu.yield
    }) : () -> ()
    %mul3A_64 = arith.constant 640 : i32
    %mul3A_65 = arith.muli %arg1, %mul3A_64 : i32
    %add3A_66 = arith.constant 224 : i32
    %add3A_67 = arith.addi %mul3A_65, %add3A_66 : i32
    "tpu.region"() ({
      %run_scoped3A = tpu.sem_alloc : memref<!tpu.dma_semaphore, #tpu.memory_space<semaphore_mem>>
      %dma_start3A = arith.constant 0 : i32
      %dma_start3A_194 = tpu.memref_slice %arg6[%add3A_67, %dma_start3A] : memref<10240x128xf32, #tpu.memory_space<vmem_shared>> -> memref<16x128xf32, #tpu.memory_space<vmem_shared>>
      %dma_start3A_195 = arith.constant 0 : i32
      %dma_start3A_196 = tpu.memref_slice %arg6[%add3A_67, %dma_start3A_195] : memref<10240x128xf32, #tpu.memory_space<vmem_shared>> -> memref<16x128xf32, #tpu.memory_space<vmem_shared>>
      tpu.enqueue_dma source(%arg10 : memref<16x128xf32, #tpu.memory_space<vmem>>) target(%dma_start3A_196 : memref<16x128xf32, #tpu.memory_space<vmem_shared>>) target_semaphore(%run_scoped3A : memref<!tpu.dma_semaphore, #tpu.memory_space<semaphore_mem>>)
      %dma_wait3A = arith.constant 0 : i32
      %dma_wait3A_197 = tpu.memref_slice %arg6[%add3A_67, %dma_wait3A] : memref<10240x128xf32, #tpu.memory_space<vmem_shared>> -> memref<16x128xf32, #tpu.memory_space<vmem_shared>>
      %dma_wait3A_198 = arith.constant 0 : i32
      %dma_wait3A_199 = tpu.memref_slice %arg6[%add3A_67, %dma_wait3A_198] : memref<10240x128xf32, #tpu.memory_space<vmem_shared>> -> memref<16x128xf32, #tpu.memory_space<vmem_shared>>
      tpu.wait_dma2 semaphore(%run_scoped3A : memref<!tpu.dma_semaphore, #tpu.memory_space<semaphore_mem>>) src(%arg10 : memref<16x128xf32, #tpu.memory_space<vmem>>) dst(%dma_wait3A_199 : memref<16x128xf32, #tpu.memory_space<vmem_shared>>)
      tpu.yield
    }) : () -> ()
    %mul3A_68 = arith.constant 640 : i32
    %mul3A_69 = arith.muli %arg1, %mul3A_68 : i32
    %add3A_70 = arith.constant 240 : i32
    %add3A_71 = arith.addi %mul3A_69, %add3A_70 : i32
    "tpu.region"() ({
      %run_scoped3A = tpu.sem_alloc : memref<!tpu.dma_semaphore, #tpu.memory_space<semaphore_mem>>
      %dma_start3A = arith.constant 0 : i32
      %dma_start3A_194 = tpu.memref_slice %arg6[%add3A_71, %dma_start3A] : memref<10240x128xf32, #tpu.memory_space<vmem_shared>> -> memref<16x128xf32, #tpu.memory_space<vmem_shared>>
      %dma_start3A_195 = arith.constant 0 : i32
      %dma_start3A_196 = tpu.memref_slice %arg6[%add3A_71, %dma_start3A_195] : memref<10240x128xf32, #tpu.memory_space<vmem_shared>> -> memref<16x128xf32, #tpu.memory_space<vmem_shared>>
      tpu.enqueue_dma source(%arg10 : memref<16x128xf32, #tpu.memory_space<vmem>>) target(%dma_start3A_196 : memref<16x128xf32, #tpu.memory_space<vmem_shared>>) target_semaphore(%run_scoped3A : memref<!tpu.dma_semaphore, #tpu.memory_space<semaphore_mem>>)
      %dma_wait3A = arith.constant 0 : i32
      %dma_wait3A_197 = tpu.memref_slice %arg6[%add3A_71, %dma_wait3A] : memref<10240x128xf32, #tpu.memory_space<vmem_shared>> -> memref<16x128xf32, #tpu.memory_space<vmem_shared>>
      %dma_wait3A_198 = arith.constant 0 : i32
      %dma_wait3A_199 = tpu.memref_slice %arg6[%add3A_71, %dma_wait3A_198] : memref<10240x128xf32, #tpu.memory_space<vmem_shared>> -> memref<16x128xf32, #tpu.memory_space<vmem_shared>>
      tpu.wait_dma2 semaphore(%run_scoped3A : memref<!tpu.dma_semaphore, #tpu.memory_space<semaphore_mem>>) src(%arg10 : memref<16x128xf32, #tpu.memory_space<vmem>>) dst(%dma_wait3A_199 : memref<16x128xf32, #tpu.memory_space<vmem_shared>>)
      tpu.yield
    }) : () -> ()
    %mul3A_72 = arith.constant 640 : i32
    %mul3A_73 = arith.muli %arg1, %mul3A_72 : i32
    %add3A_74 = arith.constant 256 : i32
    %add3A_75 = arith.addi %mul3A_73, %add3A_74 : i32
    "tpu.region"() ({
      %run_scoped3A = tpu.sem_alloc : memref<!tpu.dma_semaphore, #tpu.memory_space<semaphore_mem>>
      %dma_start3A = arith.constant 0 : i32
      %dma_start3A_194 = tpu.memref_slice %arg6[%add3A_75, %dma_start3A] : memref<10240x128xf32, #tpu.memory_space<vmem_shared>> -> memref<16x128xf32, #tpu.memory_space<vmem_shared>>
      %dma_start3A_195 = arith.constant 0 : i32
      %dma_start3A_196 = tpu.memref_slice %arg6[%add3A_75, %dma_start3A_195] : memref<10240x128xf32, #tpu.memory_space<vmem_shared>> -> memref<16x128xf32, #tpu.memory_space<vmem_shared>>
      tpu.enqueue_dma source(%arg10 : memref<16x128xf32, #tpu.memory_space<vmem>>) target(%dma_start3A_196 : memref<16x128xf32, #tpu.memory_space<vmem_shared>>) target_semaphore(%run_scoped3A : memref<!tpu.dma_semaphore, #tpu.memory_space<semaphore_mem>>)
      %dma_wait3A = arith.constant 0 : i32
      %dma_wait3A_197 = tpu.memref_slice %arg6[%add3A_75, %dma_wait3A] : memref<10240x128xf32, #tpu.memory_space<vmem_shared>> -> memref<16x128xf32, #tpu.memory_space<vmem_shared>>
      %dma_wait3A_198 = arith.constant 0 : i32
      %dma_wait3A_199 = tpu.memref_slice %arg6[%add3A_75, %dma_wait3A_198] : memref<10240x128xf32, #tpu.memory_space<vmem_shared>> -> memref<16x128xf32, #tpu.memory_space<vmem_shared>>
      tpu.wait_dma2 semaphore(%run_scoped3A : memref<!tpu.dma_semaphore, #tpu.memory_space<semaphore_mem>>) src(%arg10 : memref<16x128xf32, #tpu.memory_space<vmem>>) dst(%dma_wait3A_199 : memref<16x128xf32, #tpu.memory_space<vmem_shared>>)
      tpu.yield
    }) : () -> ()
    %mul3A_76 = arith.constant 640 : i32
    %mul3A_77 = arith.muli %arg1, %mul3A_76 : i32
    %add3A_78 = arith.constant 272 : i32
    %add3A_79 = arith.addi %mul3A_77, %add3A_78 : i32
    "tpu.region"() ({
      %run_scoped3A = tpu.sem_alloc : memref<!tpu.dma_semaphore, #tpu.memory_space<semaphore_mem>>
      %dma_start3A = arith.constant 0 : i32
      %dma_start3A_194 = tpu.memref_slice %arg6[%add3A_79, %dma_start3A] : memref<10240x128xf32, #tpu.memory_space<vmem_shared>> -> memref<16x128xf32, #tpu.memory_space<vmem_shared>>
      %dma_start3A_195 = arith.constant 0 : i32
      %dma_start3A_196 = tpu.memref_slice %arg6[%add3A_79, %dma_start3A_195] : memref<10240x128xf32, #tpu.memory_space<vmem_shared>> -> memref<16x128xf32, #tpu.memory_space<vmem_shared>>
      tpu.enqueue_dma source(%arg10 : memref<16x128xf32, #tpu.memory_space<vmem>>) target(%dma_start3A_196 : memref<16x128xf32, #tpu.memory_space<vmem_shared>>) target_semaphore(%run_scoped3A : memref<!tpu.dma_semaphore, #tpu.memory_space<semaphore_mem>>)
      %dma_wait3A = arith.constant 0 : i32
      %dma_wait3A_197 = tpu.memref_slice %arg6[%add3A_79, %dma_wait3A] : memref<10240x128xf32, #tpu.memory_space<vmem_shared>> -> memref<16x128xf32, #tpu.memory_space<vmem_shared>>
      %dma_wait3A_198 = arith.constant 0 : i32
      %dma_wait3A_199 = tpu.memref_slice %arg6[%add3A_79, %dma_wait3A_198] : memref<10240x128xf32, #tpu.memory_space<vmem_shared>> -> memref<16x128xf32, #tpu.memory_space<vmem_shared>>
      tpu.wait_dma2 semaphore(%run_scoped3A : memref<!tpu.dma_semaphore, #tpu.memory_space<semaphore_mem>>) src(%arg10 : memref<16x128xf32, #tpu.memory_space<vmem>>) dst(%dma_wait3A_199 : memref<16x128xf32, #tpu.memory_space<vmem_shared>>)
      tpu.yield
    }) : () -> ()
    %mul3A_80 = arith.constant 640 : i32
    %mul3A_81 = arith.muli %arg1, %mul3A_80 : i32
    %add3A_82 = arith.constant 288 : i32
    %add3A_83 = arith.addi %mul3A_81, %add3A_82 : i32
    "tpu.region"() ({
      %run_scoped3A = tpu.sem_alloc : memref<!tpu.dma_semaphore, #tpu.memory_space<semaphore_mem>>
      %dma_start3A = arith.constant 0 : i32
      %dma_start3A_194 = tpu.memref_slice %arg6[%add3A_83, %dma_start3A] : memref<10240x128xf32, #tpu.memory_space<vmem_shared>> -> memref<16x128xf32, #tpu.memory_space<vmem_shared>>
      %dma_start3A_195 = arith.constant 0 : i32
      %dma_start3A_196 = tpu.memref_slice %arg6[%add3A_83, %dma_start3A_195] : memref<10240x128xf32, #tpu.memory_space<vmem_shared>> -> memref<16x128xf32, #tpu.memory_space<vmem_shared>>
      tpu.enqueue_dma source(%arg10 : memref<16x128xf32, #tpu.memory_space<vmem>>) target(%dma_start3A_196 : memref<16x128xf32, #tpu.memory_space<vmem_shared>>) target_semaphore(%run_scoped3A : memref<!tpu.dma_semaphore, #tpu.memory_space<semaphore_mem>>)
      %dma_wait3A = arith.constant 0 : i32
      %dma_wait3A_197 = tpu.memref_slice %arg6[%add3A_83, %dma_wait3A] : memref<10240x128xf32, #tpu.memory_space<vmem_shared>> -> memref<16x128xf32, #tpu.memory_space<vmem_shared>>
      %dma_wait3A_198 = arith.constant 0 : i32
      %dma_wait3A_199 = tpu.memref_slice %arg6[%add3A_83, %dma_wait3A_198] : memref<10240x128xf32, #tpu.memory_space<vmem_shared>> -> memref<16x128xf32, #tpu.memory_space<vmem_shared>>
      tpu.wait_dma2 semaphore(%run_scoped3A : memref<!tpu.dma_semaphore, #tpu.memory_space<semaphore_mem>>) src(%arg10 : memref<16x128xf32, #tpu.memory_space<vmem>>) dst(%dma_wait3A_199 : memref<16x128xf32, #tpu.memory_space<vmem_shared>>)
      tpu.yield
    }) : () -> ()
    %mul3A_84 = arith.constant 640 : i32
    %mul3A_85 = arith.muli %arg1, %mul3A_84 : i32
    %add3A_86 = arith.constant 304 : i32
    %add3A_87 = arith.addi %mul3A_85, %add3A_86 : i32
    "tpu.region"() ({
      %run_scoped3A = tpu.sem_alloc : memref<!tpu.dma_semaphore, #tpu.memory_space<semaphore_mem>>
      %dma_start3A = arith.constant 0 : i32
      %dma_start3A_194 = tpu.memref_slice %arg6[%add3A_87, %dma_start3A] : memref<10240x128xf32, #tpu.memory_space<vmem_shared>> -> memref<16x128xf32, #tpu.memory_space<vmem_shared>>
      %dma_start3A_195 = arith.constant 0 : i32
      %dma_start3A_196 = tpu.memref_slice %arg6[%add3A_87, %dma_start3A_195] : memref<10240x128xf32, #tpu.memory_space<vmem_shared>> -> memref<16x128xf32, #tpu.memory_space<vmem_shared>>
      tpu.enqueue_dma source(%arg10 : memref<16x128xf32, #tpu.memory_space<vmem>>) target(%dma_start3A_196 : memref<16x128xf32, #tpu.memory_space<vmem_shared>>) target_semaphore(%run_scoped3A : memref<!tpu.dma_semaphore, #tpu.memory_space<semaphore_mem>>)
      %dma_wait3A = arith.constant 0 : i32
      %dma_wait3A_197 = tpu.memref_slice %arg6[%add3A_87, %dma_wait3A] : memref<10240x128xf32, #tpu.memory_space<vmem_shared>> -> memref<16x128xf32, #tpu.memory_space<vmem_shared>>
      %dma_wait3A_198 = arith.constant 0 : i32
      %dma_wait3A_199 = tpu.memref_slice %arg6[%add3A_87, %dma_wait3A_198] : memref<10240x128xf32, #tpu.memory_space<vmem_shared>> -> memref<16x128xf32, #tpu.memory_space<vmem_shared>>
      tpu.wait_dma2 semaphore(%run_scoped3A : memref<!tpu.dma_semaphore, #tpu.memory_space<semaphore_mem>>) src(%arg10 : memref<16x128xf32, #tpu.memory_space<vmem>>) dst(%dma_wait3A_199 : memref<16x128xf32, #tpu.memory_space<vmem_shared>>)
      tpu.yield
    }) : () -> ()
    %mul3A_88 = arith.constant 640 : i32
    %mul3A_89 = arith.muli %arg1, %mul3A_88 : i32
    %add3A_90 = arith.constant 320 : i32
    %add3A_91 = arith.addi %mul3A_89, %add3A_90 : i32
    "tpu.region"() ({
      %run_scoped3A = tpu.sem_alloc : memref<!tpu.dma_semaphore, #tpu.memory_space<semaphore_mem>>
      %dma_start3A = arith.constant 0 : i32
      %dma_start3A_194 = tpu.memref_slice %arg6[%add3A_91, %dma_start3A] : memref<10240x128xf32, #tpu.memory_space<vmem_shared>> -> memref<16x128xf32, #tpu.memory_space<vmem_shared>>
      %dma_start3A_195 = arith.constant 0 : i32
      %dma_start3A_196 = tpu.memref_slice %arg6[%add3A_91, %dma_start3A_195] : memref<10240x128xf32, #tpu.memory_space<vmem_shared>> -> memref<16x128xf32, #tpu.memory_space<vmem_shared>>
      tpu.enqueue_dma source(%arg10 : memref<16x128xf32, #tpu.memory_space<vmem>>) target(%dma_start3A_196 : memref<16x128xf32, #tpu.memory_space<vmem_shared>>) target_semaphore(%run_scoped3A : memref<!tpu.dma_semaphore, #tpu.memory_space<semaphore_mem>>)
      %dma_wait3A = arith.constant 0 : i32
      %dma_wait3A_197 = tpu.memref_slice %arg6[%add3A_91, %dma_wait3A] : memref<10240x128xf32, #tpu.memory_space<vmem_shared>> -> memref<16x128xf32, #tpu.memory_space<vmem_shared>>
      %dma_wait3A_198 = arith.constant 0 : i32
      %dma_wait3A_199 = tpu.memref_slice %arg6[%add3A_91, %dma_wait3A_198] : memref<10240x128xf32, #tpu.memory_space<vmem_shared>> -> memref<16x128xf32, #tpu.memory_space<vmem_shared>>
      tpu.wait_dma2 semaphore(%run_scoped3A : memref<!tpu.dma_semaphore, #tpu.memory_space<semaphore_mem>>) src(%arg10 : memref<16x128xf32, #tpu.memory_space<vmem>>) dst(%dma_wait3A_199 : memref<16x128xf32, #tpu.memory_space<vmem_shared>>)
      tpu.yield
    }) : () -> ()
    %mul3A_92 = arith.constant 640 : i32
    %mul3A_93 = arith.muli %arg1, %mul3A_92 : i32
    %add3A_94 = arith.constant 336 : i32
    %add3A_95 = arith.addi %mul3A_93, %add3A_94 : i32
    "tpu.region"() ({
      %run_scoped3A = tpu.sem_alloc : memref<!tpu.dma_semaphore, #tpu.memory_space<semaphore_mem>>
      %dma_start3A = arith.constant 0 : i32
      %dma_start3A_194 = tpu.memref_slice %arg6[%add3A_95, %dma_start3A] : memref<10240x128xf32, #tpu.memory_space<vmem_shared>> -> memref<16x128xf32, #tpu.memory_space<vmem_shared>>
      %dma_start3A_195 = arith.constant 0 : i32
      %dma_start3A_196 = tpu.memref_slice %arg6[%add3A_95, %dma_start3A_195] : memref<10240x128xf32, #tpu.memory_space<vmem_shared>> -> memref<16x128xf32, #tpu.memory_space<vmem_shared>>
      tpu.enqueue_dma source(%arg10 : memref<16x128xf32, #tpu.memory_space<vmem>>) target(%dma_start3A_196 : memref<16x128xf32, #tpu.memory_space<vmem_shared>>) target_semaphore(%run_scoped3A : memref<!tpu.dma_semaphore, #tpu.memory_space<semaphore_mem>>)
      %dma_wait3A = arith.constant 0 : i32
      %dma_wait3A_197 = tpu.memref_slice %arg6[%add3A_95, %dma_wait3A] : memref<10240x128xf32, #tpu.memory_space<vmem_shared>> -> memref<16x128xf32, #tpu.memory_space<vmem_shared>>
      %dma_wait3A_198 = arith.constant 0 : i32
      %dma_wait3A_199 = tpu.memref_slice %arg6[%add3A_95, %dma_wait3A_198] : memref<10240x128xf32, #tpu.memory_space<vmem_shared>> -> memref<16x128xf32, #tpu.memory_space<vmem_shared>>
      tpu.wait_dma2 semaphore(%run_scoped3A : memref<!tpu.dma_semaphore, #tpu.memory_space<semaphore_mem>>) src(%arg10 : memref<16x128xf32, #tpu.memory_space<vmem>>) dst(%dma_wait3A_199 : memref<16x128xf32, #tpu.memory_space<vmem_shared>>)
      tpu.yield
    }) : () -> ()
    %mul3A_96 = arith.constant 640 : i32
    %mul3A_97 = arith.muli %arg1, %mul3A_96 : i32
    %add3A_98 = arith.constant 352 : i32
    %add3A_99 = arith.addi %mul3A_97, %add3A_98 : i32
    "tpu.region"() ({
      %run_scoped3A = tpu.sem_alloc : memref<!tpu.dma_semaphore, #tpu.memory_space<semaphore_mem>>
      %dma_start3A = arith.constant 0 : i32
      %dma_start3A_194 = tpu.memref_slice %arg6[%add3A_99, %dma_start3A] : memref<10240x128xf32, #tpu.memory_space<vmem_shared>> -> memref<16x128xf32, #tpu.memory_space<vmem_shared>>
      %dma_start3A_195 = arith.constant 0 : i32
      %dma_start3A_196 = tpu.memref_slice %arg6[%add3A_99, %dma_start3A_195] : memref<10240x128xf32, #tpu.memory_space<vmem_shared>> -> memref<16x128xf32, #tpu.memory_space<vmem_shared>>
      tpu.enqueue_dma source(%arg10 : memref<16x128xf32, #tpu.memory_space<vmem>>) target(%dma_start3A_196 : memref<16x128xf32, #tpu.memory_space<vmem_shared>>) target_semaphore(%run_scoped3A : memref<!tpu.dma_semaphore, #tpu.memory_space<semaphore_mem>>)
      %dma_wait3A = arith.constant 0 : i32
      %dma_wait3A_197 = tpu.memref_slice %arg6[%add3A_99, %dma_wait3A] : memref<10240x128xf32, #tpu.memory_space<vmem_shared>> -> memref<16x128xf32, #tpu.memory_space<vmem_shared>>
      %dma_wait3A_198 = arith.constant 0 : i32
      %dma_wait3A_199 = tpu.memref_slice %arg6[%add3A_99, %dma_wait3A_198] : memref<10240x128xf32, #tpu.memory_space<vmem_shared>> -> memref<16x128xf32, #tpu.memory_space<vmem_shared>>
      tpu.wait_dma2 semaphore(%run_scoped3A : memref<!tpu.dma_semaphore, #tpu.memory_space<semaphore_mem>>) src(%arg10 : memref<16x128xf32, #tpu.memory_space<vmem>>) dst(%dma_wait3A_199 : memref<16x128xf32, #tpu.memory_space<vmem_shared>>)
      tpu.yield
    }) : () -> ()
    %mul3A_100 = arith.constant 640 : i32
    %mul3A_101 = arith.muli %arg1, %mul3A_100 : i32
    %add3A_102 = arith.constant 368 : i32
    %add3A_103 = arith.addi %mul3A_101, %add3A_102 : i32
    "tpu.region"() ({
      %run_scoped3A = tpu.sem_alloc : memref<!tpu.dma_semaphore, #tpu.memory_space<semaphore_mem>>
      %dma_start3A = arith.constant 0 : i32
      %dma_start3A_194 = tpu.memref_slice %arg6[%add3A_103, %dma_start3A] : memref<10240x128xf32, #tpu.memory_space<vmem_shared>> -> memref<16x128xf32, #tpu.memory_space<vmem_shared>>
      %dma_start3A_195 = arith.constant 0 : i32
      %dma_start3A_196 = tpu.memref_slice %arg6[%add3A_103, %dma_start3A_195] : memref<10240x128xf32, #tpu.memory_space<vmem_shared>> -> memref<16x128xf32, #tpu.memory_space<vmem_shared>>
      tpu.enqueue_dma source(%arg10 : memref<16x128xf32, #tpu.memory_space<vmem>>) target(%dma_start3A_196 : memref<16x128xf32, #tpu.memory_space<vmem_shared>>) target_semaphore(%run_scoped3A : memref<!tpu.dma_semaphore, #tpu.memory_space<semaphore_mem>>)
      %dma_wait3A = arith.constant 0 : i32
      %dma_wait3A_197 = tpu.memref_slice %arg6[%add3A_103, %dma_wait3A] : memref<10240x128xf32, #tpu.memory_space<vmem_shared>> -> memref<16x128xf32, #tpu.memory_space<vmem_shared>>
      %dma_wait3A_198 = arith.constant 0 : i32
      %dma_wait3A_199 = tpu.memref_slice %arg6[%add3A_103, %dma_wait3A_198] : memref<10240x128xf32, #tpu.memory_space<vmem_shared>> -> memref<16x128xf32, #tpu.memory_space<vmem_shared>>
      tpu.wait_dma2 semaphore(%run_scoped3A : memref<!tpu.dma_semaphore, #tpu.memory_space<semaphore_mem>>) src(%arg10 : memref<16x128xf32, #tpu.memory_space<vmem>>) dst(%dma_wait3A_199 : memref<16x128xf32, #tpu.memory_space<vmem_shared>>)
      tpu.yield
    }) : () -> ()
    %mul3A_104 = arith.constant 640 : i32
    %mul3A_105 = arith.muli %arg1, %mul3A_104 : i32
    %add3A_106 = arith.constant 384 : i32
    %add3A_107 = arith.addi %mul3A_105, %add3A_106 : i32
    "tpu.region"() ({
      %run_scoped3A = tpu.sem_alloc : memref<!tpu.dma_semaphore, #tpu.memory_space<semaphore_mem>>
      %dma_start3A = arith.constant 0 : i32
      %dma_start3A_194 = tpu.memref_slice %arg6[%add3A_107, %dma_start3A] : memref<10240x128xf32, #tpu.memory_space<vmem_shared>> -> memref<16x128xf32, #tpu.memory_space<vmem_shared>>
      %dma_start3A_195 = arith.constant 0 : i32
      %dma_start3A_196 = tpu.memref_slice %arg6[%add3A_107, %dma_start3A_195] : memref<10240x128xf32, #tpu.memory_space<vmem_shared>> -> memref<16x128xf32, #tpu.memory_space<vmem_shared>>
      tpu.enqueue_dma source(%arg10 : memref<16x128xf32, #tpu.memory_space<vmem>>) target(%dma_start3A_196 : memref<16x128xf32, #tpu.memory_space<vmem_shared>>) target_semaphore(%run_scoped3A : memref<!tpu.dma_semaphore, #tpu.memory_space<semaphore_mem>>)
      %dma_wait3A = arith.constant 0 : i32
      %dma_wait3A_197 = tpu.memref_slice %arg6[%add3A_107, %dma_wait3A] : memref<10240x128xf32, #tpu.memory_space<vmem_shared>> -> memref<16x128xf32, #tpu.memory_space<vmem_shared>>
      %dma_wait3A_198 = arith.constant 0 : i32
      %dma_wait3A_199 = tpu.memref_slice %arg6[%add3A_107, %dma_wait3A_198] : memref<10240x128xf32, #tpu.memory_space<vmem_shared>> -> memref<16x128xf32, #tpu.memory_space<vmem_shared>>
      tpu.wait_dma2 semaphore(%run_scoped3A : memref<!tpu.dma_semaphore, #tpu.memory_space<semaphore_mem>>) src(%arg10 : memref<16x128xf32, #tpu.memory_space<vmem>>) dst(%dma_wait3A_199 : memref<16x128xf32, #tpu.memory_space<vmem_shared>>)
      tpu.yield
    }) : () -> ()
    %mul3A_108 = arith.constant 640 : i32
    %mul3A_109 = arith.muli %arg1, %mul3A_108 : i32
    %add3A_110 = arith.constant 400 : i32
    %add3A_111 = arith.addi %mul3A_109, %add3A_110 : i32
    "tpu.region"() ({
      %run_scoped3A = tpu.sem_alloc : memref<!tpu.dma_semaphore, #tpu.memory_space<semaphore_mem>>
      %dma_start3A = arith.constant 0 : i32
      %dma_start3A_194 = tpu.memref_slice %arg6[%add3A_111, %dma_start3A] : memref<10240x128xf32, #tpu.memory_space<vmem_shared>> -> memref<16x128xf32, #tpu.memory_space<vmem_shared>>
      %dma_start3A_195 = arith.constant 0 : i32
      %dma_start3A_196 = tpu.memref_slice %arg6[%add3A_111, %dma_start3A_195] : memref<10240x128xf32, #tpu.memory_space<vmem_shared>> -> memref<16x128xf32, #tpu.memory_space<vmem_shared>>
      tpu.enqueue_dma source(%arg10 : memref<16x128xf32, #tpu.memory_space<vmem>>) target(%dma_start3A_196 : memref<16x128xf32, #tpu.memory_space<vmem_shared>>) target_semaphore(%run_scoped3A : memref<!tpu.dma_semaphore, #tpu.memory_space<semaphore_mem>>)
      %dma_wait3A = arith.constant 0 : i32
      %dma_wait3A_197 = tpu.memref_slice %arg6[%add3A_111, %dma_wait3A] : memref<10240x128xf32, #tpu.memory_space<vmem_shared>> -> memref<16x128xf32, #tpu.memory_space<vmem_shared>>
      %dma_wait3A_198 = arith.constant 0 : i32
      %dma_wait3A_199 = tpu.memref_slice %arg6[%add3A_111, %dma_wait3A_198] : memref<10240x128xf32, #tpu.memory_space<vmem_shared>> -> memref<16x128xf32, #tpu.memory_space<vmem_shared>>
      tpu.wait_dma2 semaphore(%run_scoped3A : memref<!tpu.dma_semaphore, #tpu.memory_space<semaphore_mem>>) src(%arg10 : memref<16x128xf32, #tpu.memory_space<vmem>>) dst(%dma_wait3A_199 : memref<16x128xf32, #tpu.memory_space<vmem_shared>>)
      tpu.yield
    }) : () -> ()
    %mul3A_112 = arith.constant 640 : i32
    %mul3A_113 = arith.muli %arg1, %mul3A_112 : i32
    %add3A_114 = arith.constant 416 : i32
    %add3A_115 = arith.addi %mul3A_113, %add3A_114 : i32
    "tpu.region"() ({
      %run_scoped3A = tpu.sem_alloc : memref<!tpu.dma_semaphore, #tpu.memory_space<semaphore_mem>>
      %dma_start3A = arith.constant 0 : i32
      %dma_start3A_194 = tpu.memref_slice %arg6[%add3A_115, %dma_start3A] : memref<10240x128xf32, #tpu.memory_space<vmem_shared>> -> memref<16x128xf32, #tpu.memory_space<vmem_shared>>
      %dma_start3A_195 = arith.constant 0 : i32
      %dma_start3A_196 = tpu.memref_slice %arg6[%add3A_115, %dma_start3A_195] : memref<10240x128xf32, #tpu.memory_space<vmem_shared>> -> memref<16x128xf32, #tpu.memory_space<vmem_shared>>
      tpu.enqueue_dma source(%arg10 : memref<16x128xf32, #tpu.memory_space<vmem>>) target(%dma_start3A_196 : memref<16x128xf32, #tpu.memory_space<vmem_shared>>) target_semaphore(%run_scoped3A : memref<!tpu.dma_semaphore, #tpu.memory_space<semaphore_mem>>)
      %dma_wait3A = arith.constant 0 : i32
      %dma_wait3A_197 = tpu.memref_slice %arg6[%add3A_115, %dma_wait3A] : memref<10240x128xf32, #tpu.memory_space<vmem_shared>> -> memref<16x128xf32, #tpu.memory_space<vmem_shared>>
      %dma_wait3A_198 = arith.constant 0 : i32
      %dma_wait3A_199 = tpu.memref_slice %arg6[%add3A_115, %dma_wait3A_198] : memref<10240x128xf32, #tpu.memory_space<vmem_shared>> -> memref<16x128xf32, #tpu.memory_space<vmem_shared>>
      tpu.wait_dma2 semaphore(%run_scoped3A : memref<!tpu.dma_semaphore, #tpu.memory_space<semaphore_mem>>) src(%arg10 : memref<16x128xf32, #tpu.memory_space<vmem>>) dst(%dma_wait3A_199 : memref<16x128xf32, #tpu.memory_space<vmem_shared>>)
      tpu.yield
    }) : () -> ()
    %mul3A_116 = arith.constant 640 : i32
    %mul3A_117 = arith.muli %arg1, %mul3A_116 : i32
    %add3A_118 = arith.constant 432 : i32
    %add3A_119 = arith.addi %mul3A_117, %add3A_118 : i32
    "tpu.region"() ({
      %run_scoped3A = tpu.sem_alloc : memref<!tpu.dma_semaphore, #tpu.memory_space<semaphore_mem>>
      %dma_start3A = arith.constant 0 : i32
      %dma_start3A_194 = tpu.memref_slice %arg6[%add3A_119, %dma_start3A] : memref<10240x128xf32, #tpu.memory_space<vmem_shared>> -> memref<16x128xf32, #tpu.memory_space<vmem_shared>>
      %dma_start3A_195 = arith.constant 0 : i32
      %dma_start3A_196 = tpu.memref_slice %arg6[%add3A_119, %dma_start3A_195] : memref<10240x128xf32, #tpu.memory_space<vmem_shared>> -> memref<16x128xf32, #tpu.memory_space<vmem_shared>>
      tpu.enqueue_dma source(%arg10 : memref<16x128xf32, #tpu.memory_space<vmem>>) target(%dma_start3A_196 : memref<16x128xf32, #tpu.memory_space<vmem_shared>>) target_semaphore(%run_scoped3A : memref<!tpu.dma_semaphore, #tpu.memory_space<semaphore_mem>>)
      %dma_wait3A = arith.constant 0 : i32
      %dma_wait3A_197 = tpu.memref_slice %arg6[%add3A_119, %dma_wait3A] : memref<10240x128xf32, #tpu.memory_space<vmem_shared>> -> memref<16x128xf32, #tpu.memory_space<vmem_shared>>
      %dma_wait3A_198 = arith.constant 0 : i32
      %dma_wait3A_199 = tpu.memref_slice %arg6[%add3A_119, %dma_wait3A_198] : memref<10240x128xf32, #tpu.memory_space<vmem_shared>> -> memref<16x128xf32, #tpu.memory_space<vmem_shared>>
      tpu.wait_dma2 semaphore(%run_scoped3A : memref<!tpu.dma_semaphore, #tpu.memory_space<semaphore_mem>>) src(%arg10 : memref<16x128xf32, #tpu.memory_space<vmem>>) dst(%dma_wait3A_199 : memref<16x128xf32, #tpu.memory_space<vmem_shared>>)
      tpu.yield
    }) : () -> ()
    %mul3A_120 = arith.constant 640 : i32
    %mul3A_121 = arith.muli %arg1, %mul3A_120 : i32
    %add3A_122 = arith.constant 448 : i32
    %add3A_123 = arith.addi %mul3A_121, %add3A_122 : i32
    "tpu.region"() ({
      %run_scoped3A = tpu.sem_alloc : memref<!tpu.dma_semaphore, #tpu.memory_space<semaphore_mem>>
      %dma_start3A = arith.constant 0 : i32
      %dma_start3A_194 = tpu.memref_slice %arg6[%add3A_123, %dma_start3A] : memref<10240x128xf32, #tpu.memory_space<vmem_shared>> -> memref<16x128xf32, #tpu.memory_space<vmem_shared>>
      %dma_start3A_195 = arith.constant 0 : i32
      %dma_start3A_196 = tpu.memref_slice %arg6[%add3A_123, %dma_start3A_195] : memref<10240x128xf32, #tpu.memory_space<vmem_shared>> -> memref<16x128xf32, #tpu.memory_space<vmem_shared>>
      tpu.enqueue_dma source(%arg10 : memref<16x128xf32, #tpu.memory_space<vmem>>) target(%dma_start3A_196 : memref<16x128xf32, #tpu.memory_space<vmem_shared>>) target_semaphore(%run_scoped3A : memref<!tpu.dma_semaphore, #tpu.memory_space<semaphore_mem>>)
      %dma_wait3A = arith.constant 0 : i32
      %dma_wait3A_197 = tpu.memref_slice %arg6[%add3A_123, %dma_wait3A] : memref<10240x128xf32, #tpu.memory_space<vmem_shared>> -> memref<16x128xf32, #tpu.memory_space<vmem_shared>>
      %dma_wait3A_198 = arith.constant 0 : i32
      %dma_wait3A_199 = tpu.memref_slice %arg6[%add3A_123, %dma_wait3A_198] : memref<10240x128xf32, #tpu.memory_space<vmem_shared>> -> memref<16x128xf32, #tpu.memory_space<vmem_shared>>
      tpu.wait_dma2 semaphore(%run_scoped3A : memref<!tpu.dma_semaphore, #tpu.memory_space<semaphore_mem>>) src(%arg10 : memref<16x128xf32, #tpu.memory_space<vmem>>) dst(%dma_wait3A_199 : memref<16x128xf32, #tpu.memory_space<vmem_shared>>)
      tpu.yield
    }) : () -> ()
    %mul3A_124 = arith.constant 640 : i32
    %mul3A_125 = arith.muli %arg1, %mul3A_124 : i32
    %add3A_126 = arith.constant 464 : i32
    %add3A_127 = arith.addi %mul3A_125, %add3A_126 : i32
    "tpu.region"() ({
      %run_scoped3A = tpu.sem_alloc : memref<!tpu.dma_semaphore, #tpu.memory_space<semaphore_mem>>
      %dma_start3A = arith.constant 0 : i32
      %dma_start3A_194 = tpu.memref_slice %arg6[%add3A_127, %dma_start3A] : memref<10240x128xf32, #tpu.memory_space<vmem_shared>> -> memref<16x128xf32, #tpu.memory_space<vmem_shared>>
      %dma_start3A_195 = arith.constant 0 : i32
      %dma_start3A_196 = tpu.memref_slice %arg6[%add3A_127, %dma_start3A_195] : memref<10240x128xf32, #tpu.memory_space<vmem_shared>> -> memref<16x128xf32, #tpu.memory_space<vmem_shared>>
      tpu.enqueue_dma source(%arg10 : memref<16x128xf32, #tpu.memory_space<vmem>>) target(%dma_start3A_196 : memref<16x128xf32, #tpu.memory_space<vmem_shared>>) target_semaphore(%run_scoped3A : memref<!tpu.dma_semaphore, #tpu.memory_space<semaphore_mem>>)
      %dma_wait3A = arith.constant 0 : i32
      %dma_wait3A_197 = tpu.memref_slice %arg6[%add3A_127, %dma_wait3A] : memref<10240x128xf32, #tpu.memory_space<vmem_shared>> -> memref<16x128xf32, #tpu.memory_space<vmem_shared>>
      %dma_wait3A_198 = arith.constant 0 : i32
      %dma_wait3A_199 = tpu.memref_slice %arg6[%add3A_127, %dma_wait3A_198] : memref<10240x128xf32, #tpu.memory_space<vmem_shared>> -> memref<16x128xf32, #tpu.memory_space<vmem_shared>>
      tpu.wait_dma2 semaphore(%run_scoped3A : memref<!tpu.dma_semaphore, #tpu.memory_space<semaphore_mem>>) src(%arg10 : memref<16x128xf32, #tpu.memory_space<vmem>>) dst(%dma_wait3A_199 : memref<16x128xf32, #tpu.memory_space<vmem_shared>>)
      tpu.yield
    }) : () -> ()
    %mul3A_128 = arith.constant 640 : i32
    %mul3A_129 = arith.muli %arg1, %mul3A_128 : i32
    %add3A_130 = arith.constant 480 : i32
    %add3A_131 = arith.addi %mul3A_129, %add3A_130 : i32
    "tpu.region"() ({
      %run_scoped3A = tpu.sem_alloc : memref<!tpu.dma_semaphore, #tpu.memory_space<semaphore_mem>>
      %dma_start3A = arith.constant 0 : i32
      %dma_start3A_194 = tpu.memref_slice %arg6[%add3A_131, %dma_start3A] : memref<10240x128xf32, #tpu.memory_space<vmem_shared>> -> memref<16x128xf32, #tpu.memory_space<vmem_shared>>
      %dma_start3A_195 = arith.constant 0 : i32
      %dma_start3A_196 = tpu.memref_slice %arg6[%add3A_131, %dma_start3A_195] : memref<10240x128xf32, #tpu.memory_space<vmem_shared>> -> memref<16x128xf32, #tpu.memory_space<vmem_shared>>
      tpu.enqueue_dma source(%arg10 : memref<16x128xf32, #tpu.memory_space<vmem>>) target(%dma_start3A_196 : memref<16x128xf32, #tpu.memory_space<vmem_shared>>) target_semaphore(%run_scoped3A : memref<!tpu.dma_semaphore, #tpu.memory_space<semaphore_mem>>)
      %dma_wait3A = arith.constant 0 : i32
      %dma_wait3A_197 = tpu.memref_slice %arg6[%add3A_131, %dma_wait3A] : memref<10240x128xf32, #tpu.memory_space<vmem_shared>> -> memref<16x128xf32, #tpu.memory_space<vmem_shared>>
      %dma_wait3A_198 = arith.constant 0 : i32
      %dma_wait3A_199 = tpu.memref_slice %arg6[%add3A_131, %dma_wait3A_198] : memref<10240x128xf32, #tpu.memory_space<vmem_shared>> -> memref<16x128xf32, #tpu.memory_space<vmem_shared>>
      tpu.wait_dma2 semaphore(%run_scoped3A : memref<!tpu.dma_semaphore, #tpu.memory_space<semaphore_mem>>) src(%arg10 : memref<16x128xf32, #tpu.memory_space<vmem>>) dst(%dma_wait3A_199 : memref<16x128xf32, #tpu.memory_space<vmem_shared>>)
      tpu.yield
    }) : () -> ()
    %mul3A_132 = arith.constant 640 : i32
    %mul3A_133 = arith.muli %arg1, %mul3A_132 : i32
    %add3A_134 = arith.constant 496 : i32
    %add3A_135 = arith.addi %mul3A_133, %add3A_134 : i32
    "tpu.region"() ({
      %run_scoped3A = tpu.sem_alloc : memref<!tpu.dma_semaphore, #tpu.memory_space<semaphore_mem>>
      %dma_start3A = arith.constant 0 : i32
      %dma_start3A_194 = tpu.memref_slice %arg6[%add3A_135, %dma_start3A] : memref<10240x128xf32, #tpu.memory_space<vmem_shared>> -> memref<16x128xf32, #tpu.memory_space<vmem_shared>>
      %dma_start3A_195 = arith.constant 0 : i32
      %dma_start3A_196 = tpu.memref_slice %arg6[%add3A_135, %dma_start3A_195] : memref<10240x128xf32, #tpu.memory_space<vmem_shared>> -> memref<16x128xf32, #tpu.memory_space<vmem_shared>>
      tpu.enqueue_dma source(%arg10 : memref<16x128xf32, #tpu.memory_space<vmem>>) target(%dma_start3A_196 : memref<16x128xf32, #tpu.memory_space<vmem_shared>>) target_semaphore(%run_scoped3A : memref<!tpu.dma_semaphore, #tpu.memory_space<semaphore_mem>>)
      %dma_wait3A = arith.constant 0 : i32
      %dma_wait3A_197 = tpu.memref_slice %arg6[%add3A_135, %dma_wait3A] : memref<10240x128xf32, #tpu.memory_space<vmem_shared>> -> memref<16x128xf32, #tpu.memory_space<vmem_shared>>
      %dma_wait3A_198 = arith.constant 0 : i32
      %dma_wait3A_199 = tpu.memref_slice %arg6[%add3A_135, %dma_wait3A_198] : memref<10240x128xf32, #tpu.memory_space<vmem_shared>> -> memref<16x128xf32, #tpu.memory_space<vmem_shared>>
      tpu.wait_dma2 semaphore(%run_scoped3A : memref<!tpu.dma_semaphore, #tpu.memory_space<semaphore_mem>>) src(%arg10 : memref<16x128xf32, #tpu.memory_space<vmem>>) dst(%dma_wait3A_199 : memref<16x128xf32, #tpu.memory_space<vmem_shared>>)
      tpu.yield
    }) : () -> ()
    %mul3A_136 = arith.constant 640 : i32
    %mul3A_137 = arith.muli %arg1, %mul3A_136 : i32
    %add3A_138 = arith.constant 512 : i32
    %add3A_139 = arith.addi %mul3A_137, %add3A_138 : i32
    "tpu.region"() ({
      %run_scoped3A = tpu.sem_alloc : memref<!tpu.dma_semaphore, #tpu.memory_space<semaphore_mem>>
      %dma_start3A = arith.constant 0 : i32
      %dma_start3A_194 = tpu.memref_slice %arg6[%add3A_139, %dma_start3A] : memref<10240x128xf32, #tpu.memory_space<vmem_shared>> -> memref<16x128xf32, #tpu.memory_space<vmem_shared>>
      %dma_start3A_195 = arith.constant 0 : i32
      %dma_start3A_196 = tpu.memref_slice %arg6[%add3A_139, %dma_start3A_195] : memref<10240x128xf32, #tpu.memory_space<vmem_shared>> -> memref<16x128xf32, #tpu.memory_space<vmem_shared>>
      tpu.enqueue_dma source(%arg10 : memref<16x128xf32, #tpu.memory_space<vmem>>) target(%dma_start3A_196 : memref<16x128xf32, #tpu.memory_space<vmem_shared>>) target_semaphore(%run_scoped3A : memref<!tpu.dma_semaphore, #tpu.memory_space<semaphore_mem>>)
      %dma_wait3A = arith.constant 0 : i32
      %dma_wait3A_197 = tpu.memref_slice %arg6[%add3A_139, %dma_wait3A] : memref<10240x128xf32, #tpu.memory_space<vmem_shared>> -> memref<16x128xf32, #tpu.memory_space<vmem_shared>>
      %dma_wait3A_198 = arith.constant 0 : i32
      %dma_wait3A_199 = tpu.memref_slice %arg6[%add3A_139, %dma_wait3A_198] : memref<10240x128xf32, #tpu.memory_space<vmem_shared>> -> memref<16x128xf32, #tpu.memory_space<vmem_shared>>
      tpu.wait_dma2 semaphore(%run_scoped3A : memref<!tpu.dma_semaphore, #tpu.memory_space<semaphore_mem>>) src(%arg10 : memref<16x128xf32, #tpu.memory_space<vmem>>) dst(%dma_wait3A_199 : memref<16x128xf32, #tpu.memory_space<vmem_shared>>)
      tpu.yield
    }) : () -> ()
    %mul3A_140 = arith.constant 640 : i32
    %mul3A_141 = arith.muli %arg1, %mul3A_140 : i32
    %add3A_142 = arith.constant 528 : i32
    %add3A_143 = arith.addi %mul3A_141, %add3A_142 : i32
    "tpu.region"() ({
      %run_scoped3A = tpu.sem_alloc : memref<!tpu.dma_semaphore, #tpu.memory_space<semaphore_mem>>
      %dma_start3A = arith.constant 0 : i32
      %dma_start3A_194 = tpu.memref_slice %arg6[%add3A_143, %dma_start3A] : memref<10240x128xf32, #tpu.memory_space<vmem_shared>> -> memref<16x128xf32, #tpu.memory_space<vmem_shared>>
      %dma_start3A_195 = arith.constant 0 : i32
      %dma_start3A_196 = tpu.memref_slice %arg6[%add3A_143, %dma_start3A_195] : memref<10240x128xf32, #tpu.memory_space<vmem_shared>> -> memref<16x128xf32, #tpu.memory_space<vmem_shared>>
      tpu.enqueue_dma source(%arg10 : memref<16x128xf32, #tpu.memory_space<vmem>>) target(%dma_start3A_196 : memref<16x128xf32, #tpu.memory_space<vmem_shared>>) target_semaphore(%run_scoped3A : memref<!tpu.dma_semaphore, #tpu.memory_space<semaphore_mem>>)
      %dma_wait3A = arith.constant 0 : i32
      %dma_wait3A_197 = tpu.memref_slice %arg6[%add3A_143, %dma_wait3A] : memref<10240x128xf32, #tpu.memory_space<vmem_shared>> -> memref<16x128xf32, #tpu.memory_space<vmem_shared>>
      %dma_wait3A_198 = arith.constant 0 : i32
      %dma_wait3A_199 = tpu.memref_slice %arg6[%add3A_143, %dma_wait3A_198] : memref<10240x128xf32, #tpu.memory_space<vmem_shared>> -> memref<16x128xf32, #tpu.memory_space<vmem_shared>>
      tpu.wait_dma2 semaphore(%run_scoped3A : memref<!tpu.dma_semaphore, #tpu.memory_space<semaphore_mem>>) src(%arg10 : memref<16x128xf32, #tpu.memory_space<vmem>>) dst(%dma_wait3A_199 : memref<16x128xf32, #tpu.memory_space<vmem_shared>>)
      tpu.yield
    }) : () -> ()
    %mul3A_144 = arith.constant 640 : i32
    %mul3A_145 = arith.muli %arg1, %mul3A_144 : i32
    %add3A_146 = arith.constant 544 : i32
    %add3A_147 = arith.addi %mul3A_145, %add3A_146 : i32
    "tpu.region"() ({
      %run_scoped3A = tpu.sem_alloc : memref<!tpu.dma_semaphore, #tpu.memory_space<semaphore_mem>>
      %dma_start3A = arith.constant 0 : i32
      %dma_start3A_194 = tpu.memref_slice %arg6[%add3A_147, %dma_start3A] : memref<10240x128xf32, #tpu.memory_space<vmem_shared>> -> memref<16x128xf32, #tpu.memory_space<vmem_shared>>
      %dma_start3A_195 = arith.constant 0 : i32
      %dma_start3A_196 = tpu.memref_slice %arg6[%add3A_147, %dma_start3A_195] : memref<10240x128xf32, #tpu.memory_space<vmem_shared>> -> memref<16x128xf32, #tpu.memory_space<vmem_shared>>
      tpu.enqueue_dma source(%arg10 : memref<16x128xf32, #tpu.memory_space<vmem>>) target(%dma_start3A_196 : memref<16x128xf32, #tpu.memory_space<vmem_shared>>) target_semaphore(%run_scoped3A : memref<!tpu.dma_semaphore, #tpu.memory_space<semaphore_mem>>)
      %dma_wait3A = arith.constant 0 : i32
      %dma_wait3A_197 = tpu.memref_slice %arg6[%add3A_147, %dma_wait3A] : memref<10240x128xf32, #tpu.memory_space<vmem_shared>> -> memref<16x128xf32, #tpu.memory_space<vmem_shared>>
      %dma_wait3A_198 = arith.constant 0 : i32
      %dma_wait3A_199 = tpu.memref_slice %arg6[%add3A_147, %dma_wait3A_198] : memref<10240x128xf32, #tpu.memory_space<vmem_shared>> -> memref<16x128xf32, #tpu.memory_space<vmem_shared>>
      tpu.wait_dma2 semaphore(%run_scoped3A : memref<!tpu.dma_semaphore, #tpu.memory_space<semaphore_mem>>) src(%arg10 : memref<16x128xf32, #tpu.memory_space<vmem>>) dst(%dma_wait3A_199 : memref<16x128xf32, #tpu.memory_space<vmem_shared>>)
      tpu.yield
    }) : () -> ()
    %mul3A_148 = arith.constant 640 : i32
    %mul3A_149 = arith.muli %arg1, %mul3A_148 : i32
    %add3A_150 = arith.constant 560 : i32
    %add3A_151 = arith.addi %mul3A_149, %add3A_150 : i32
    "tpu.region"() ({
      %run_scoped3A = tpu.sem_alloc : memref<!tpu.dma_semaphore, #tpu.memory_space<semaphore_mem>>
      %dma_start3A = arith.constant 0 : i32
      %dma_start3A_194 = tpu.memref_slice %arg6[%add3A_151, %dma_start3A] : memref<10240x128xf32, #tpu.memory_space<vmem_shared>> -> memref<16x128xf32, #tpu.memory_space<vmem_shared>>
      %dma_start3A_195 = arith.constant 0 : i32
      %dma_start3A_196 = tpu.memref_slice %arg6[%add3A_151, %dma_start3A_195] : memref<10240x128xf32, #tpu.memory_space<vmem_shared>> -> memref<16x128xf32, #tpu.memory_space<vmem_shared>>
      tpu.enqueue_dma source(%arg10 : memref<16x128xf32, #tpu.memory_space<vmem>>) target(%dma_start3A_196 : memref<16x128xf32, #tpu.memory_space<vmem_shared>>) target_semaphore(%run_scoped3A : memref<!tpu.dma_semaphore, #tpu.memory_space<semaphore_mem>>)
      %dma_wait3A = arith.constant 0 : i32
      %dma_wait3A_197 = tpu.memref_slice %arg6[%add3A_151, %dma_wait3A] : memref<10240x128xf32, #tpu.memory_space<vmem_shared>> -> memref<16x128xf32, #tpu.memory_space<vmem_shared>>
      %dma_wait3A_198 = arith.constant 0 : i32
      %dma_wait3A_199 = tpu.memref_slice %arg6[%add3A_151, %dma_wait3A_198] : memref<10240x128xf32, #tpu.memory_space<vmem_shared>> -> memref<16x128xf32, #tpu.memory_space<vmem_shared>>
      tpu.wait_dma2 semaphore(%run_scoped3A : memref<!tpu.dma_semaphore, #tpu.memory_space<semaphore_mem>>) src(%arg10 : memref<16x128xf32, #tpu.memory_space<vmem>>) dst(%dma_wait3A_199 : memref<16x128xf32, #tpu.memory_space<vmem_shared>>)
      tpu.yield
    }) : () -> ()
    %mul3A_152 = arith.constant 640 : i32
    %mul3A_153 = arith.muli %arg1, %mul3A_152 : i32
    %add3A_154 = arith.constant 576 : i32
    %add3A_155 = arith.addi %mul3A_153, %add3A_154 : i32
    "tpu.region"() ({
      %run_scoped3A = tpu.sem_alloc : memref<!tpu.dma_semaphore, #tpu.memory_space<semaphore_mem>>
      %dma_start3A = arith.constant 0 : i32
      %dma_start3A_194 = tpu.memref_slice %arg6[%add3A_155, %dma_start3A] : memref<10240x128xf32, #tpu.memory_space<vmem_shared>> -> memref<16x128xf32, #tpu.memory_space<vmem_shared>>
      %dma_start3A_195 = arith.constant 0 : i32
      %dma_start3A_196 = tpu.memref_slice %arg6[%add3A_155, %dma_start3A_195] : memref<10240x128xf32, #tpu.memory_space<vmem_shared>> -> memref<16x128xf32, #tpu.memory_space<vmem_shared>>
      tpu.enqueue_dma source(%arg10 : memref<16x128xf32, #tpu.memory_space<vmem>>) target(%dma_start3A_196 : memref<16x128xf32, #tpu.memory_space<vmem_shared>>) target_semaphore(%run_scoped3A : memref<!tpu.dma_semaphore, #tpu.memory_space<semaphore_mem>>)
      %dma_wait3A = arith.constant 0 : i32
      %dma_wait3A_197 = tpu.memref_slice %arg6[%add3A_155, %dma_wait3A] : memref<10240x128xf32, #tpu.memory_space<vmem_shared>> -> memref<16x128xf32, #tpu.memory_space<vmem_shared>>
      %dma_wait3A_198 = arith.constant 0 : i32
      %dma_wait3A_199 = tpu.memref_slice %arg6[%add3A_155, %dma_wait3A_198] : memref<10240x128xf32, #tpu.memory_space<vmem_shared>> -> memref<16x128xf32, #tpu.memory_space<vmem_shared>>
      tpu.wait_dma2 semaphore(%run_scoped3A : memref<!tpu.dma_semaphore, #tpu.memory_space<semaphore_mem>>) src(%arg10 : memref<16x128xf32, #tpu.memory_space<vmem>>) dst(%dma_wait3A_199 : memref<16x128xf32, #tpu.memory_space<vmem_shared>>)
      tpu.yield
    }) : () -> ()
    %mul3A_156 = arith.constant 640 : i32
    %mul3A_157 = arith.muli %arg1, %mul3A_156 : i32
    %add3A_158 = arith.constant 592 : i32
    %add3A_159 = arith.addi %mul3A_157, %add3A_158 : i32
    "tpu.region"() ({
      %run_scoped3A = tpu.sem_alloc : memref<!tpu.dma_semaphore, #tpu.memory_space<semaphore_mem>>
      %dma_start3A = arith.constant 0 : i32
      %dma_start3A_194 = tpu.memref_slice %arg6[%add3A_159, %dma_start3A] : memref<10240x128xf32, #tpu.memory_space<vmem_shared>> -> memref<16x128xf32, #tpu.memory_space<vmem_shared>>
      %dma_start3A_195 = arith.constant 0 : i32
      %dma_start3A_196 = tpu.memref_slice %arg6[%add3A_159, %dma_start3A_195] : memref<10240x128xf32, #tpu.memory_space<vmem_shared>> -> memref<16x128xf32, #tpu.memory_space<vmem_shared>>
      tpu.enqueue_dma source(%arg10 : memref<16x128xf32, #tpu.memory_space<vmem>>) target(%dma_start3A_196 : memref<16x128xf32, #tpu.memory_space<vmem_shared>>) target_semaphore(%run_scoped3A : memref<!tpu.dma_semaphore, #tpu.memory_space<semaphore_mem>>)
      %dma_wait3A = arith.constant 0 : i32
      %dma_wait3A_197 = tpu.memref_slice %arg6[%add3A_159, %dma_wait3A] : memref<10240x128xf32, #tpu.memory_space<vmem_shared>> -> memref<16x128xf32, #tpu.memory_space<vmem_shared>>
      %dma_wait3A_198 = arith.constant 0 : i32
      %dma_wait3A_199 = tpu.memref_slice %arg6[%add3A_159, %dma_wait3A_198] : memref<10240x128xf32, #tpu.memory_space<vmem_shared>> -> memref<16x128xf32, #tpu.memory_space<vmem_shared>>
      tpu.wait_dma2 semaphore(%run_scoped3A : memref<!tpu.dma_semaphore, #tpu.memory_space<semaphore_mem>>) src(%arg10 : memref<16x128xf32, #tpu.memory_space<vmem>>) dst(%dma_wait3A_199 : memref<16x128xf32, #tpu.memory_space<vmem_shared>>)
      tpu.yield
    }) : () -> ()
    %mul3A_160 = arith.constant 640 : i32
    %mul3A_161 = arith.muli %arg1, %mul3A_160 : i32
    %add3A_162 = arith.constant 608 : i32
    %add3A_163 = arith.addi %mul3A_161, %add3A_162 : i32
    "tpu.region"() ({
      %run_scoped3A = tpu.sem_alloc : memref<!tpu.dma_semaphore, #tpu.memory_space<semaphore_mem>>
      %dma_start3A = arith.constant 0 : i32
      %dma_start3A_194 = tpu.memref_slice %arg6[%add3A_163, %dma_start3A] : memref<10240x128xf32, #tpu.memory_space<vmem_shared>> -> memref<16x128xf32, #tpu.memory_space<vmem_shared>>
      %dma_start3A_195 = arith.constant 0 : i32
      %dma_start3A_196 = tpu.memref_slice %arg6[%add3A_163, %dma_start3A_195] : memref<10240x128xf32, #tpu.memory_space<vmem_shared>> -> memref<16x128xf32, #tpu.memory_space<vmem_shared>>
      tpu.enqueue_dma source(%arg10 : memref<16x128xf32, #tpu.memory_space<vmem>>) target(%dma_start3A_196 : memref<16x128xf32, #tpu.memory_space<vmem_shared>>) target_semaphore(%run_scoped3A : memref<!tpu.dma_semaphore, #tpu.memory_space<semaphore_mem>>)
      %dma_wait3A = arith.constant 0 : i32
      %dma_wait3A_197 = tpu.memref_slice %arg6[%add3A_163, %dma_wait3A] : memref<10240x128xf32, #tpu.memory_space<vmem_shared>> -> memref<16x128xf32, #tpu.memory_space<vmem_shared>>
      %dma_wait3A_198 = arith.constant 0 : i32
      %dma_wait3A_199 = tpu.memref_slice %arg6[%add3A_163, %dma_wait3A_198] : memref<10240x128xf32, #tpu.memory_space<vmem_shared>> -> memref<16x128xf32, #tpu.memory_space<vmem_shared>>
      tpu.wait_dma2 semaphore(%run_scoped3A : memref<!tpu.dma_semaphore, #tpu.memory_space<semaphore_mem>>) src(%arg10 : memref<16x128xf32, #tpu.memory_space<vmem>>) dst(%dma_wait3A_199 : memref<16x128xf32, #tpu.memory_space<vmem_shared>>)
      tpu.yield
    }) : () -> ()
    %mul3A_164 = arith.constant 640 : i32
    %mul3A_165 = arith.muli %arg1, %mul3A_164 : i32
    %add3A_166 = arith.constant 624 : i32
    %add3A_167 = arith.addi %mul3A_165, %add3A_166 : i32
    "tpu.region"() ({
      %run_scoped3A = tpu.sem_alloc : memref<!tpu.dma_semaphore, #tpu.memory_space<semaphore_mem>>
      %dma_start3A = arith.constant 0 : i32
      %dma_start3A_194 = tpu.memref_slice %arg6[%add3A_167, %dma_start3A] : memref<10240x128xf32, #tpu.memory_space<vmem_shared>> -> memref<16x128xf32, #tpu.memory_space<vmem_shared>>
      %dma_start3A_195 = arith.constant 0 : i32
      %dma_start3A_196 = tpu.memref_slice %arg6[%add3A_167, %dma_start3A_195] : memref<10240x128xf32, #tpu.memory_space<vmem_shared>> -> memref<16x128xf32, #tpu.memory_space<vmem_shared>>
      tpu.enqueue_dma source(%arg10 : memref<16x128xf32, #tpu.memory_space<vmem>>) target(%dma_start3A_196 : memref<16x128xf32, #tpu.memory_space<vmem_shared>>) target_semaphore(%run_scoped3A : memref<!tpu.dma_semaphore, #tpu.memory_space<semaphore_mem>>)
      %dma_wait3A = arith.constant 0 : i32
      %dma_wait3A_197 = tpu.memref_slice %arg6[%add3A_167, %dma_wait3A] : memref<10240x128xf32, #tpu.memory_space<vmem_shared>> -> memref<16x128xf32, #tpu.memory_space<vmem_shared>>
      %dma_wait3A_198 = arith.constant 0 : i32
      %dma_wait3A_199 = tpu.memref_slice %arg6[%add3A_167, %dma_wait3A_198] : memref<10240x128xf32, #tpu.memory_space<vmem_shared>> -> memref<16x128xf32, #tpu.memory_space<vmem_shared>>
      tpu.wait_dma2 semaphore(%run_scoped3A : memref<!tpu.dma_semaphore, #tpu.memory_space<semaphore_mem>>) src(%arg10 : memref<16x128xf32, #tpu.memory_space<vmem>>) dst(%dma_wait3A_199 : memref<16x128xf32, #tpu.memory_space<vmem_shared>>)
      tpu.yield
    }) : () -> ()
    %barrier3A = arith.constant 0 : index
    tpu.barrier barrier_id(%barrier3A)
    %scan3A_168 = arith.constant 0 : i32
    %scan3A_169 = arith.constant 10 : i32
    %scan3A_170 = arith.addi %scan3A_168, %scan3A_169 : i32
    %scan3A_171 = arith.constant 1 : i32
    scf.for %scan3A_194 = %scan3A_168 to %scan3A_170 step %scan3A_171  : i32 {
      %mul3A_195 = arith.constant 25 : i32
      %mul3A_196 = arith.muli %scan3A_194, %mul3A_195 : i32
      %add3A_197 = arith.addi %mul3A_2, %mul3A_196 : i32
      "tpu.region"() ({
        %run_scoped3A = tpu.sem_alloc : memref<!tpu.dma_semaphore, #tpu.memory_space<semaphore_mem>>
        %dma_start3A_259 = arith.constant 0 : i32
        %dma_start3A_260 = tpu.memref_slice %arg3[%add3A_197, %dma_start3A_259] : memref<8000x80xi32, #tpu.memory_space<hbm>> -> memref<25x80xi32, #tpu.memory_space<hbm>>
        %dma_start3A_261 = arith.constant 0 : i32
        %dma_start3A_262 = tpu.memref_slice %arg3[%add3A_197, %dma_start3A_261] : memref<8000x80xi32, #tpu.memory_space<hbm>> -> memref<25x80xi32, #tpu.memory_space<hbm>>
        tpu.enqueue_dma source(%dma_start3A_262 : memref<25x80xi32, #tpu.memory_space<hbm>>) target(%arg7 : memref<25x80xi32, #tpu.memory_space<vmem>>) target_semaphore(%run_scoped3A : memref<!tpu.dma_semaphore, #tpu.memory_space<semaphore_mem>>)
        %dma_wait3A_263 = arith.constant 0 : i32
        %dma_wait3A_264 = tpu.memref_slice %arg3[%add3A_197, %dma_wait3A_263] : memref<8000x80xi32, #tpu.memory_space<hbm>> -> memref<25x80xi32, #tpu.memory_space<hbm>>
        %dma_wait3A_265 = arith.constant 0 : i32
        %dma_wait3A_266 = tpu.memref_slice %arg3[%add3A_197, %dma_wait3A_265] : memref<8000x80xi32, #tpu.memory_space<hbm>> -> memref<25x80xi32, #tpu.memory_space<hbm>>
        tpu.wait_dma2 semaphore(%run_scoped3A : memref<!tpu.dma_semaphore, #tpu.memory_space<semaphore_mem>>) src(%dma_wait3A_266 : memref<25x80xi32, #tpu.memory_space<hbm>>) dst(%arg7 : memref<25x80xi32, #tpu.memory_space<vmem>>)
        tpu.yield
      }) : () -> ()
      %mul3A_198 = arith.constant 25 : i32
      %mul3A_199 = arith.muli %scan3A_194, %mul3A_198 : i32
      %add3A_200 = arith.addi %mul3A_2, %mul3A_199 : i32
      "tpu.region"() ({
        %run_scoped3A = tpu.sem_alloc : memref<!tpu.dma_semaphore, #tpu.memory_space<semaphore_mem>>
        %dma_start3A_259 = arith.constant 0 : i32
        %dma_start3A_260 = tpu.memref_slice %arg4[%add3A_200, %dma_start3A_259] : memref<8000x80xi32, #tpu.memory_space<hbm>> -> memref<25x80xi32, #tpu.memory_space<hbm>>
        %dma_start3A_261 = arith.constant 0 : i32
        %dma_start3A_262 = tpu.memref_slice %arg4[%add3A_200, %dma_start3A_261] : memref<8000x80xi32, #tpu.memory_space<hbm>> -> memref<25x80xi32, #tpu.memory_space<hbm>>
        tpu.enqueue_dma source(%dma_start3A_262 : memref<25x80xi32, #tpu.memory_space<hbm>>) target(%arg8 : memref<25x80xi32, #tpu.memory_space<vmem>>) target_semaphore(%run_scoped3A : memref<!tpu.dma_semaphore, #tpu.memory_space<semaphore_mem>>)
        %dma_wait3A_263 = arith.constant 0 : i32
        %dma_wait3A_264 = tpu.memref_slice %arg4[%add3A_200, %dma_wait3A_263] : memref<8000x80xi32, #tpu.memory_space<hbm>> -> memref<25x80xi32, #tpu.memory_space<hbm>>
        %dma_wait3A_265 = arith.constant 0 : i32
        %dma_wait3A_266 = tpu.memref_slice %arg4[%add3A_200, %dma_wait3A_265] : memref<8000x80xi32, #tpu.memory_space<hbm>> -> memref<25x80xi32, #tpu.memory_space<hbm>>
        tpu.wait_dma2 semaphore(%run_scoped3A : memref<!tpu.dma_semaphore, #tpu.memory_space<semaphore_mem>>) src(%dma_wait3A_266 : memref<25x80xi32, #tpu.memory_space<hbm>>) dst(%arg8 : memref<25x80xi32, #tpu.memory_space<vmem>>)
        tpu.yield
      }) : () -> ()
      %rem3A = arith.constant 0 : i32
      %rem3A_201 = arith.constant 4 : i32
      %rem3A_202 = arith.remsi %rem3A, %rem3A_201 : i32
      %dma_start3A = arith.constant 0 : i32
      %dma_start3A_203 = arith.constant 0 : i32
      %dma_start3A_204 = arith.constant 0 : i32
      %dma_start3A_205 = tpu.memref_slice %arg9[%rem3A_202, %dma_start3A_203, %dma_start3A_204] : memref<4x80x128xf32, #tpu.memory_space<vmem>> -> memref<1x80x128xf32, #tpu.memory_space<vmem>>
      %dma_start3A_206 = tpu.memref_squeeze %dma_start3A_205 : memref<1x80x128xf32, #tpu.memory_space<vmem>> -> memref<80x128xf32, #tpu.memory_space<vmem>>
      %dma_start3A_207 = arith.constant 0 : i32
      %dma_start3A_208 = tpu.memref_slice %arg7[%dma_start3A, %dma_start3A_207] : memref<25x80xi32, #tpu.memory_space<vmem>> -> memref<1x80xi32, #tpu.memory_space<vmem>>
      %dma_start3A_209 = tpu.memref_squeeze %dma_start3A_208 : memref<1x80xi32, #tpu.memory_space<vmem>> -> memref<80xi32, #tpu.memory_space<vmem>>
      %dma_start3A_210 = arith.constant 0 : i32
      %dma_start3A_211 = arith.constant 0 : i32
      %dma_start3A_212 = tpu.memref_slice %arg2[%dma_start3A_210, %dma_start3A_211] : memref<20000x128xf32, #tpu.memory_space<hbm>> -> memref<20000x128xf32, #tpu.memory_space<hbm>>
      tpu.enqueue_indirect_dma source(%dma_start3A_212 : memref<20000x128xf32, #tpu.memory_space<hbm>>) target(%dma_start3A_206 : memref<80x128xf32, #tpu.memory_space<vmem>>) offsets(%dma_start3A_209 : memref<80xi32, #tpu.memory_space<vmem>>) semaphore(%arg11 : memref<!tpu.dma_semaphore, #tpu.memory_space<semaphore_mem>>)
      %rem3A_213 = arith.constant 1 : i32
      %rem3A_214 = arith.constant 4 : i32
      %rem3A_215 = arith.remsi %rem3A_213, %rem3A_214 : i32
      %dma_start3A_216 = arith.constant 1 : i32
      %dma_start3A_217 = arith.constant 0 : i32
      %dma_start3A_218 = arith.constant 0 : i32
      %dma_start3A_219 = tpu.memref_slice %arg9[%rem3A_215, %dma_start3A_217, %dma_start3A_218] : memref<4x80x128xf32, #tpu.memory_space<vmem>> -> memref<1x80x128xf32, #tpu.memory_space<vmem>>
      %dma_start3A_220 = tpu.memref_squeeze %dma_start3A_219 : memref<1x80x128xf32, #tpu.memory_space<vmem>> -> memref<80x128xf32, #tpu.memory_space<vmem>>
      %dma_start3A_221 = arith.constant 0 : i32
      %dma_start3A_222 = tpu.memref_slice %arg7[%dma_start3A_216, %dma_start3A_221] : memref<25x80xi32, #tpu.memory_space<vmem>> -> memref<1x80xi32, #tpu.memory_space<vmem>>
      %dma_start3A_223 = tpu.memref_squeeze %dma_start3A_222 : memref<1x80xi32, #tpu.memory_space<vmem>> -> memref<80xi32, #tpu.memory_space<vmem>>
      %dma_start3A_224 = arith.constant 0 : i32
      %dma_start3A_225 = arith.constant 0 : i32
      %dma_start3A_226 = tpu.memref_slice %arg2[%dma_start3A_224, %dma_start3A_225] : memref<20000x128xf32, #tpu.memory_space<hbm>> -> memref<20000x128xf32, #tpu.memory_space<hbm>>
      tpu.enqueue_indirect_dma source(%dma_start3A_226 : memref<20000x128xf32, #tpu.memory_space<hbm>>) target(%dma_start3A_220 : memref<80x128xf32, #tpu.memory_space<vmem>>) offsets(%dma_start3A_223 : memref<80xi32, #tpu.memory_space<vmem>>) semaphore(%arg11 : memref<!tpu.dma_semaphore, #tpu.memory_space<semaphore_mem>>)
      %rem3A_227 = arith.constant 2 : i32
      %rem3A_228 = arith.constant 4 : i32
      %rem3A_229 = arith.remsi %rem3A_227, %rem3A_228 : i32
      %dma_start3A_230 = arith.constant 2 : i32
      %dma_start3A_231 = arith.constant 0 : i32
      %dma_start3A_232 = arith.constant 0 : i32
      %dma_start3A_233 = tpu.memref_slice %arg9[%rem3A_229, %dma_start3A_231, %dma_start3A_232] : memref<4x80x128xf32, #tpu.memory_space<vmem>> -> memref<1x80x128xf32, #tpu.memory_space<vmem>>
      %dma_start3A_234 = tpu.memref_squeeze %dma_start3A_233 : memref<1x80x128xf32, #tpu.memory_space<vmem>> -> memref<80x128xf32, #tpu.memory_space<vmem>>
      %dma_start3A_235 = arith.constant 0 : i32
      %dma_start3A_236 = tpu.memref_slice %arg7[%dma_start3A_230, %dma_start3A_235] : memref<25x80xi32, #tpu.memory_space<vmem>> -> memref<1x80xi32, #tpu.memory_space<vmem>>
      %dma_start3A_237 = tpu.memref_squeeze %dma_start3A_236 : memref<1x80xi32, #tpu.memory_space<vmem>> -> memref<80xi32, #tpu.memory_space<vmem>>
      %dma_start3A_238 = arith.constant 0 : i32
      %dma_start3A_239 = arith.constant 0 : i32
      %dma_start3A_240 = tpu.memref_slice %arg2[%dma_start3A_238, %dma_start3A_239] : memref<20000x128xf32, #tpu.memory_space<hbm>> -> memref<20000x128xf32, #tpu.memory_space<hbm>>
      tpu.enqueue_indirect_dma source(%dma_start3A_240 : memref<20000x128xf32, #tpu.memory_space<hbm>>) target(%dma_start3A_234 : memref<80x128xf32, #tpu.memory_space<vmem>>) offsets(%dma_start3A_237 : memref<80xi32, #tpu.memory_space<vmem>>) semaphore(%arg11 : memref<!tpu.dma_semaphore, #tpu.memory_space<semaphore_mem>>)
      %scan3A_241 = arith.constant 0 : i32
      %scan3A_242 = arith.constant 25 : i32
      %scan3A_243 = arith.addi %scan3A_241, %scan3A_242 : i32
      %scan3A_244 = arith.constant 1 : i32
      scf.for %scan3A_259 = %scan3A_241 to %scan3A_243 step %scan3A_244  : i32 {
        %rem3A_260 = arith.constant 4 : i32
        %rem3A_261 = arith.remsi %scan3A_259, %rem3A_260 : i32
        %dma_wait3A_262 = arith.constant 0 : i32
        %dma_wait3A_263 = arith.constant 0 : i32
        %dma_wait3A_264 = tpu.memref_slice %arg9[%rem3A_261, %dma_wait3A_262, %dma_wait3A_263] : memref<4x80x128xf32, #tpu.memory_space<vmem>> -> memref<1x80x128xf32, #tpu.memory_space<vmem>>
        %dma_wait3A_265 = tpu.memref_squeeze %dma_wait3A_264 : memref<1x80x128xf32, #tpu.memory_space<vmem>> -> memref<80x128xf32, #tpu.memory_space<vmem>>
        %dma_wait3A_266 = arith.constant 0 : i32
        %dma_wait3A_267 = tpu.memref_slice %arg7[%scan3A_259, %dma_wait3A_266] : memref<25x80xi32, #tpu.memory_space<vmem>> -> memref<1x80xi32, #tpu.memory_space<vmem>>
        %dma_wait3A_268 = tpu.memref_squeeze %dma_wait3A_267 : memref<1x80xi32, #tpu.memory_space<vmem>> -> memref<80xi32, #tpu.memory_space<vmem>>
        %dma_wait3A_269 = arith.constant 0 : i32
        %dma_wait3A_270 = arith.constant 0 : i32
        %dma_wait3A_271 = tpu.memref_slice %arg2[%dma_wait3A_269, %dma_wait3A_270] : memref<20000x128xf32, #tpu.memory_space<hbm>> -> memref<20000x128xf32, #tpu.memory_space<hbm>>
        tpu.wait_indirect_dma semaphore(%arg11 : memref<!tpu.dma_semaphore, #tpu.memory_space<semaphore_mem>>) src(%dma_wait3A_271 : memref<20000x128xf32, #tpu.memory_space<hbm>>) dst(%dma_wait3A_265 : memref<80x128xf32, #tpu.memory_space<vmem>>)
        %rem3A_272 = arith.constant 4 : i32
        %rem3A_273 = arith.remsi %scan3A_259, %rem3A_272 : i32
        %dma_start3A_274 = arith.constant 0 : i32
        %dma_start3A_275 = arith.constant 0 : i32
        %dma_start3A_276 = tpu.memref_slice %arg9[%rem3A_273, %dma_start3A_274, %dma_start3A_275] : memref<4x80x128xf32, #tpu.memory_space<vmem>> -> memref<1x80x128xf32, #tpu.memory_space<vmem>>
        %dma_start3A_277 = tpu.memref_squeeze %dma_start3A_276 : memref<1x80x128xf32, #tpu.memory_space<vmem>> -> memref<80x128xf32, #tpu.memory_space<vmem>>
        %dma_start3A_278 = arith.constant 0 : i32
        %dma_start3A_279 = tpu.memref_slice %arg8[%scan3A_259, %dma_start3A_278] : memref<25x80xi32, #tpu.memory_space<vmem>> -> memref<1x80xi32, #tpu.memory_space<vmem>>
        %dma_start3A_280 = tpu.memref_squeeze %dma_start3A_279 : memref<1x80xi32, #tpu.memory_space<vmem>> -> memref<80xi32, #tpu.memory_space<vmem>>
        %dma_start3A_281 = arith.constant 0 : i32
        %dma_start3A_282 = arith.constant 0 : i32
        %dma_start3A_283 = tpu.memref_slice %arg6[%dma_start3A_281, %dma_start3A_282] : memref<10240x128xf32, #tpu.memory_space<vmem_shared>> -> memref<10240x128xf32, #tpu.memory_space<vmem_shared>>
        tpu.enqueue_indirect_dma source(%dma_start3A_277 : memref<80x128xf32, #tpu.memory_space<vmem>>) target(%dma_start3A_283 : memref<10240x128xf32, #tpu.memory_space<vmem_shared>>) offsets(%dma_start3A_280 : memref<80xi32, #tpu.memory_space<vmem>>) semaphore(%arg12 : memref<!tpu.dma_semaphore, #tpu.memory_space<semaphore_mem>>) {add = true}
        %ge3A = arith.constant 1 : i32
        %ge3A_284 = arith.cmpi sge, %scan3A_259, %ge3A : i32
        %convert_element_type3A = arith.extui %ge3A_284 : i1 to i32
        %cond3A = arith.constant 0 : i32
        %cond3A_285 = arith.cmpi ne, %convert_element_type3A, %cond3A : i32
        scf.if %cond3A_285 {
          %sub3A = arith.constant 1 : i32
          %sub3A_290 = arith.subi %scan3A_259, %sub3A : i32
          %rem3A_291 = arith.constant 4 : i32
          %rem3A_292 = arith.remsi %sub3A_290, %rem3A_291 : i32
          %dma_wait3A_293 = arith.constant 0 : i32
          %dma_wait3A_294 = arith.constant 0 : i32
          %dma_wait3A_295 = tpu.memref_slice %arg9[%rem3A_292, %dma_wait3A_293, %dma_wait3A_294] : memref<4x80x128xf32, #tpu.memory_space<vmem>> -> memref<1x80x128xf32, #tpu.memory_space<vmem>>
          %dma_wait3A_296 = tpu.memref_squeeze %dma_wait3A_295 : memref<1x80x128xf32, #tpu.memory_space<vmem>> -> memref<80x128xf32, #tpu.memory_space<vmem>>
          %dma_wait3A_297 = arith.constant 0 : i32
          %dma_wait3A_298 = tpu.memref_slice %arg8[%sub3A_290, %dma_wait3A_297] : memref<25x80xi32, #tpu.memory_space<vmem>> -> memref<1x80xi32, #tpu.memory_space<vmem>>
          %dma_wait3A_299 = tpu.memref_squeeze %dma_wait3A_298 : memref<1x80xi32, #tpu.memory_space<vmem>> -> memref<80xi32, #tpu.memory_space<vmem>>
          %dma_wait3A_300 = arith.constant 0 : i32
          %dma_wait3A_301 = arith.constant 0 : i32
          %dma_wait3A_302 = tpu.memref_slice %arg6[%dma_wait3A_300, %dma_wait3A_301] : memref<10240x128xf32, #tpu.memory_space<vmem_shared>> -> memref<10240x128xf32, #tpu.memory_space<vmem_shared>>
          tpu.wait_indirect_dma semaphore(%arg12 : memref<!tpu.dma_semaphore, #tpu.memory_space<semaphore_mem>>) src(%dma_wait3A_296 : memref<80x128xf32, #tpu.memory_space<vmem>>) dst(%dma_wait3A_302 : memref<10240x128xf32, #tpu.memory_space<vmem_shared>>)
        } else {
        }
        %le3A = arith.constant 21 : i32
        %le3A_286 = arith.cmpi sle, %scan3A_259, %le3A : i32
        %convert_element_type3A_287 = arith.extui %le3A_286 : i1 to i32
        %cond3A_288 = arith.constant 0 : i32
        %cond3A_289 = arith.cmpi ne, %convert_element_type3A_287, %cond3A_288 : i32
        scf.if %cond3A_289 {
          %add3A_290 = arith.constant 3 : i32
          %add3A_291 = arith.addi %scan3A_259, %add3A_290 : i32
          %rem3A_292 = arith.constant 4 : i32
          %rem3A_293 = arith.remsi %add3A_291, %rem3A_292 : i32
          %dma_start3A_294 = arith.constant 0 : i32
          %dma_start3A_295 = arith.constant 0 : i32
          %dma_start3A_296 = tpu.memref_slice %arg9[%rem3A_293, %dma_start3A_294, %dma_start3A_295] : memref<4x80x128xf32, #tpu.memory_space<vmem>> -> memref<1x80x128xf32, #tpu.memory_space<vmem>>
          %dma_start3A_297 = tpu.memref_squeeze %dma_start3A_296 : memref<1x80x128xf32, #tpu.memory_space<vmem>> -> memref<80x128xf32, #tpu.memory_space<vmem>>
          %dma_start3A_298 = arith.constant 0 : i32
          %dma_start3A_299 = tpu.memref_slice %arg7[%add3A_291, %dma_start3A_298] : memref<25x80xi32, #tpu.memory_space<vmem>> -> memref<1x80xi32, #tpu.memory_space<vmem>>
          %dma_start3A_300 = tpu.memref_squeeze %dma_start3A_299 : memref<1x80xi32, #tpu.memory_space<vmem>> -> memref<80xi32, #tpu.memory_space<vmem>>
          %dma_start3A_301 = arith.constant 0 : i32
          %dma_start3A_302 = arith.constant 0 : i32
          %dma_start3A_303 = tpu.memref_slice %arg2[%dma_start3A_301, %dma_start3A_302] : memref<20000x128xf32, #tpu.memory_space<hbm>> -> memref<20000x128xf32, #tpu.memory_space<hbm>>
          tpu.enqueue_indirect_dma source(%dma_start3A_303 : memref<20000x128xf32, #tpu.memory_space<hbm>>) target(%dma_start3A_297 : memref<80x128xf32, #tpu.memory_space<vmem>>) offsets(%dma_start3A_300 : memref<80xi32, #tpu.memory_space<vmem>>) semaphore(%arg11 : memref<!tpu.dma_semaphore, #tpu.memory_space<semaphore_mem>>)
        } else {
        }
      }
      %scan3A_245 = arith.constant 25 : i32
      %rem3A_246 = arith.constant 24 : i32
      %rem3A_247 = arith.constant 4 : i32
      %rem3A_248 = arith.remsi %rem3A_246, %rem3A_247 : i32
      %dma_wait3A = arith.constant 24 : i32
      %dma_wait3A_249 = arith.constant 0 : i32
      %dma_wait3A_250 = arith.constant 0 : i32
      %dma_wait3A_251 = tpu.memref_slice %arg9[%rem3A_248, %dma_wait3A_249, %dma_wait3A_250] : memref<4x80x128xf32, #tpu.memory_space<vmem>> -> memref<1x80x128xf32, #tpu.memory_space<vmem>>
      %dma_wait3A_252 = tpu.memref_squeeze %dma_wait3A_251 : memref<1x80x128xf32, #tpu.memory_space<vmem>> -> memref<80x128xf32, #tpu.memory_space<vmem>>
      %dma_wait3A_253 = arith.constant 0 : i32
      %dma_wait3A_254 = tpu.memref_slice %arg8[%dma_wait3A, %dma_wait3A_253] : memref<25x80xi32, #tpu.memory_space<vmem>> -> memref<1x80xi32, #tpu.memory_space<vmem>>
      %dma_wait3A_255 = tpu.memref_squeeze %dma_wait3A_254 : memref<1x80xi32, #tpu.memory_space<vmem>> -> memref<80xi32, #tpu.memory_space<vmem>>
      %dma_wait3A_256 = arith.constant 0 : i32
      %dma_wait3A_257 = arith.constant 0 : i32
      %dma_wait3A_258 = tpu.memref_slice %arg6[%dma_wait3A_256, %dma_wait3A_257] : memref<10240x128xf32, #tpu.memory_space<vmem_shared>> -> memref<10240x128xf32, #tpu.memory_space<vmem_shared>>
      tpu.wait_indirect_dma semaphore(%arg12 : memref<!tpu.dma_semaphore, #tpu.memory_space<semaphore_mem>>) src(%dma_wait3A_252 : memref<80x128xf32, #tpu.memory_space<vmem>>) dst(%dma_wait3A_258 : memref<10240x128xf32, #tpu.memory_space<vmem_shared>>)
    }
    %scan3A_172 = arith.constant 10 : i32
    %barrier3A_173 = arith.constant 0 : index
    tpu.barrier barrier_id(%barrier3A_173)
    %mul3A_174 = arith.constant 640 : i32
    %mul3A_175 = arith.muli %arg1, %mul3A_174 : i32
    %add3A_176 = arith.constant 0 : i32
    %add3A_177 = arith.addi %mul3A_175, %add3A_176 : i32
    "tpu.region"() ({
      %run_scoped3A = tpu.sem_alloc : memref<!tpu.dma_semaphore, #tpu.memory_space<semaphore_mem>>
      %dma_start3A = arith.constant 0 : i32
      %dma_start3A_194 = arith.constant 0 : i32
      %dma_start3A_195 = tpu.memref_slice %arg5[%arg0, %dma_start3A, %dma_start3A_194] : memref<2x10240x128xf32, #tpu.memory_space<hbm>> -> memref<1x10240x128xf32, #tpu.memory_space<hbm>>
      %dma_start3A_196 = tpu.memref_squeeze %dma_start3A_195 : memref<1x10240x128xf32, #tpu.memory_space<hbm>> -> memref<10240x128xf32, #tpu.memory_space<hbm>>
      %dma_start3A_197 = arith.constant 0 : i32
      %dma_start3A_198 = tpu.memref_slice %dma_start3A_196[%add3A_177, %dma_start3A_197] : memref<10240x128xf32, #tpu.memory_space<hbm>> -> memref<128x128xf32, #tpu.memory_space<hbm>>
      %dma_start3A_199 = arith.constant 0 : i32
      %dma_start3A_200 = tpu.memref_slice %arg6[%add3A_177, %dma_start3A_199] : memref<10240x128xf32, #tpu.memory_space<vmem_shared>> -> memref<128x128xf32, #tpu.memory_space<vmem_shared>>
      tpu.enqueue_dma source(%dma_start3A_200 : memref<128x128xf32, #tpu.memory_space<vmem_shared>>) target(%dma_start3A_198 : memref<128x128xf32, #tpu.memory_space<hbm>>) target_semaphore(%run_scoped3A : memref<!tpu.dma_semaphore, #tpu.memory_space<semaphore_mem>>)
      %dma_wait3A = arith.constant 0 : i32
      %dma_wait3A_201 = arith.constant 0 : i32
      %dma_wait3A_202 = tpu.memref_slice %arg5[%arg0, %dma_wait3A, %dma_wait3A_201] : memref<2x10240x128xf32, #tpu.memory_space<hbm>> -> memref<1x10240x128xf32, #tpu.memory_space<hbm>>
      %dma_wait3A_203 = tpu.memref_squeeze %dma_wait3A_202 : memref<1x10240x128xf32, #tpu.memory_space<hbm>> -> memref<10240x128xf32, #tpu.memory_space<hbm>>
      %dma_wait3A_204 = arith.constant 0 : i32
      %dma_wait3A_205 = tpu.memref_slice %dma_wait3A_203[%add3A_177, %dma_wait3A_204] : memref<10240x128xf32, #tpu.memory_space<hbm>> -> memref<128x128xf32, #tpu.memory_space<hbm>>
      %dma_wait3A_206 = arith.constant 0 : i32
      %dma_wait3A_207 = tpu.memref_slice %arg6[%add3A_177, %dma_wait3A_206] : memref<10240x128xf32, #tpu.memory_space<vmem_shared>> -> memref<128x128xf32, #tpu.memory_space<vmem_shared>>
      tpu.wait_dma2 semaphore(%run_scoped3A : memref<!tpu.dma_semaphore, #tpu.memory_space<semaphore_mem>>) src(%dma_wait3A_207 : memref<128x128xf32, #tpu.memory_space<vmem_shared>>) dst(%dma_wait3A_205 : memref<128x128xf32, #tpu.memory_space<hbm>>)
      tpu.yield
    }) : () -> ()
    %mul3A_178 = arith.constant 640 : i32
    %mul3A_179 = arith.muli %arg1, %mul3A_178 : i32
    %add3A_180 = arith.constant 128 : i32
    %add3A_181 = arith.addi %mul3A_179, %add3A_180 : i32
    "tpu.region"() ({
      %run_scoped3A = tpu.sem_alloc : memref<!tpu.dma_semaphore, #tpu.memory_space<semaphore_mem>>
      %dma_start3A = arith.constant 0 : i32
      %dma_start3A_194 = arith.constant 0 : i32
      %dma_start3A_195 = tpu.memref_slice %arg5[%arg0, %dma_start3A, %dma_start3A_194] : memref<2x10240x128xf32, #tpu.memory_space<hbm>> -> memref<1x10240x128xf32, #tpu.memory_space<hbm>>
      %dma_start3A_196 = tpu.memref_squeeze %dma_start3A_195 : memref<1x10240x128xf32, #tpu.memory_space<hbm>> -> memref<10240x128xf32, #tpu.memory_space<hbm>>
      %dma_start3A_197 = arith.constant 0 : i32
      %dma_start3A_198 = tpu.memref_slice %dma_start3A_196[%add3A_181, %dma_start3A_197] : memref<10240x128xf32, #tpu.memory_space<hbm>> -> memref<128x128xf32, #tpu.memory_space<hbm>>
      %dma_start3A_199 = arith.constant 0 : i32
      %dma_start3A_200 = tpu.memref_slice %arg6[%add3A_181, %dma_start3A_199] : memref<10240x128xf32, #tpu.memory_space<vmem_shared>> -> memref<128x128xf32, #tpu.memory_space<vmem_shared>>
      tpu.enqueue_dma source(%dma_start3A_200 : memref<128x128xf32, #tpu.memory_space<vmem_shared>>) target(%dma_start3A_198 : memref<128x128xf32, #tpu.memory_space<hbm>>) target_semaphore(%run_scoped3A : memref<!tpu.dma_semaphore, #tpu.memory_space<semaphore_mem>>)
      %dma_wait3A = arith.constant 0 : i32
      %dma_wait3A_201 = arith.constant 0 : i32
      %dma_wait3A_202 = tpu.memref_slice %arg5[%arg0, %dma_wait3A, %dma_wait3A_201] : memref<2x10240x128xf32, #tpu.memory_space<hbm>> -> memref<1x10240x128xf32, #tpu.memory_space<hbm>>
      %dma_wait3A_203 = tpu.memref_squeeze %dma_wait3A_202 : memref<1x10240x128xf32, #tpu.memory_space<hbm>> -> memref<10240x128xf32, #tpu.memory_space<hbm>>
      %dma_wait3A_204 = arith.constant 0 : i32
      %dma_wait3A_205 = tpu.memref_slice %dma_wait3A_203[%add3A_181, %dma_wait3A_204] : memref<10240x128xf32, #tpu.memory_space<hbm>> -> memref<128x128xf32, #tpu.memory_space<hbm>>
      %dma_wait3A_206 = arith.constant 0 : i32
      %dma_wait3A_207 = tpu.memref_slice %arg6[%add3A_181, %dma_wait3A_206] : memref<10240x128xf32, #tpu.memory_space<vmem_shared>> -> memref<128x128xf32, #tpu.memory_space<vmem_shared>>
      tpu.wait_dma2 semaphore(%run_scoped3A : memref<!tpu.dma_semaphore, #tpu.memory_space<semaphore_mem>>) src(%dma_wait3A_207 : memref<128x128xf32, #tpu.memory_space<vmem_shared>>) dst(%dma_wait3A_205 : memref<128x128xf32, #tpu.memory_space<hbm>>)
      tpu.yield
    }) : () -> ()
    %mul3A_182 = arith.constant 640 : i32
    %mul3A_183 = arith.muli %arg1, %mul3A_182 : i32
    %add3A_184 = arith.constant 256 : i32
    %add3A_185 = arith.addi %mul3A_183, %add3A_184 : i32
    "tpu.region"() ({
      %run_scoped3A = tpu.sem_alloc : memref<!tpu.dma_semaphore, #tpu.memory_space<semaphore_mem>>
      %dma_start3A = arith.constant 0 : i32
      %dma_start3A_194 = arith.constant 0 : i32
      %dma_start3A_195 = tpu.memref_slice %arg5[%arg0, %dma_start3A, %dma_start3A_194] : memref<2x10240x128xf32, #tpu.memory_space<hbm>> -> memref<1x10240x128xf32, #tpu.memory_space<hbm>>
      %dma_start3A_196 = tpu.memref_squeeze %dma_start3A_195 : memref<1x10240x128xf32, #tpu.memory_space<hbm>> -> memref<10240x128xf32, #tpu.memory_space<hbm>>
      %dma_start3A_197 = arith.constant 0 : i32
      %dma_start3A_198 = tpu.memref_slice %dma_start3A_196[%add3A_185, %dma_start3A_197] : memref<10240x128xf32, #tpu.memory_space<hbm>> -> memref<128x128xf32, #tpu.memory_space<hbm>>
      %dma_start3A_199 = arith.constant 0 : i32
      %dma_start3A_200 = tpu.memref_slice %arg6[%add3A_185, %dma_start3A_199] : memref<10240x128xf32, #tpu.memory_space<vmem_shared>> -> memref<128x128xf32, #tpu.memory_space<vmem_shared>>
      tpu.enqueue_dma source(%dma_start3A_200 : memref<128x128xf32, #tpu.memory_space<vmem_shared>>) target(%dma_start3A_198 : memref<128x128xf32, #tpu.memory_space<hbm>>) target_semaphore(%run_scoped3A : memref<!tpu.dma_semaphore, #tpu.memory_space<semaphore_mem>>)
      %dma_wait3A = arith.constant 0 : i32
      %dma_wait3A_201 = arith.constant 0 : i32
      %dma_wait3A_202 = tpu.memref_slice %arg5[%arg0, %dma_wait3A, %dma_wait3A_201] : memref<2x10240x128xf32, #tpu.memory_space<hbm>> -> memref<1x10240x128xf32, #tpu.memory_space<hbm>>
      %dma_wait3A_203 = tpu.memref_squeeze %dma_wait3A_202 : memref<1x10240x128xf32, #tpu.memory_space<hbm>> -> memref<10240x128xf32, #tpu.memory_space<hbm>>
      %dma_wait3A_204 = arith.constant 0 : i32
      %dma_wait3A_205 = tpu.memref_slice %dma_wait3A_203[%add3A_185, %dma_wait3A_204] : memref<10240x128xf32, #tpu.memory_space<hbm>> -> memref<128x128xf32, #tpu.memory_space<hbm>>
      %dma_wait3A_206 = arith.constant 0 : i32
      %dma_wait3A_207 = tpu.memref_slice %arg6[%add3A_185, %dma_wait3A_206] : memref<10240x128xf32, #tpu.memory_space<vmem_shared>> -> memref<128x128xf32, #tpu.memory_space<vmem_shared>>
      tpu.wait_dma2 semaphore(%run_scoped3A : memref<!tpu.dma_semaphore, #tpu.memory_space<semaphore_mem>>) src(%dma_wait3A_207 : memref<128x128xf32, #tpu.memory_space<vmem_shared>>) dst(%dma_wait3A_205 : memref<128x128xf32, #tpu.memory_space<hbm>>)
      tpu.yield
    }) : () -> ()
    %mul3A_186 = arith.constant 640 : i32
    %mul3A_187 = arith.muli %arg1, %mul3A_186 : i32
    %add3A_188 = arith.constant 384 : i32
    %add3A_189 = arith.addi %mul3A_187, %add3A_188 : i32
    "tpu.region"() ({
      %run_scoped3A = tpu.sem_alloc : memref<!tpu.dma_semaphore, #tpu.memory_space<semaphore_mem>>
      %dma_start3A = arith.constant 0 : i32
      %dma_start3A_194 = arith.constant 0 : i32
      %dma_start3A_195 = tpu.memref_slice %arg5[%arg0, %dma_start3A, %dma_start3A_194] : memref<2x10240x128xf32, #tpu.memory_space<hbm>> -> memref<1x10240x128xf32, #tpu.memory_space<hbm>>
      %dma_start3A_196 = tpu.memref_squeeze %dma_start3A_195 : memref<1x10240x128xf32, #tpu.memory_space<hbm>> -> memref<10240x128xf32, #tpu.memory_space<hbm>>
      %dma_start3A_197 = arith.constant 0 : i32
      %dma_start3A_198 = tpu.memref_slice %dma_start3A_196[%add3A_189, %dma_start3A_197] : memref<10240x128xf32, #tpu.memory_space<hbm>> -> memref<128x128xf32, #tpu.memory_space<hbm>>
      %dma_start3A_199 = arith.constant 0 : i32
      %dma_start3A_200 = tpu.memref_slice %arg6[%add3A_189, %dma_start3A_199] : memref<10240x128xf32, #tpu.memory_space<vmem_shared>> -> memref<128x128xf32, #tpu.memory_space<vmem_shared>>
      tpu.enqueue_dma source(%dma_start3A_200 : memref<128x128xf32, #tpu.memory_space<vmem_shared>>) target(%dma_start3A_198 : memref<128x128xf32, #tpu.memory_space<hbm>>) target_semaphore(%run_scoped3A : memref<!tpu.dma_semaphore, #tpu.memory_space<semaphore_mem>>)
      %dma_wait3A = arith.constant 0 : i32
      %dma_wait3A_201 = arith.constant 0 : i32
      %dma_wait3A_202 = tpu.memref_slice %arg5[%arg0, %dma_wait3A, %dma_wait3A_201] : memref<2x10240x128xf32, #tpu.memory_space<hbm>> -> memref<1x10240x128xf32, #tpu.memory_space<hbm>>
      %dma_wait3A_203 = tpu.memref_squeeze %dma_wait3A_202 : memref<1x10240x128xf32, #tpu.memory_space<hbm>> -> memref<10240x128xf32, #tpu.memory_space<hbm>>
      %dma_wait3A_204 = arith.constant 0 : i32
      %dma_wait3A_205 = tpu.memref_slice %dma_wait3A_203[%add3A_189, %dma_wait3A_204] : memref<10240x128xf32, #tpu.memory_space<hbm>> -> memref<128x128xf32, #tpu.memory_space<hbm>>
      %dma_wait3A_206 = arith.constant 0 : i32
      %dma_wait3A_207 = tpu.memref_slice %arg6[%add3A_189, %dma_wait3A_206] : memref<10240x128xf32, #tpu.memory_space<vmem_shared>> -> memref<128x128xf32, #tpu.memory_space<vmem_shared>>
      tpu.wait_dma2 semaphore(%run_scoped3A : memref<!tpu.dma_semaphore, #tpu.memory_space<semaphore_mem>>) src(%dma_wait3A_207 : memref<128x128xf32, #tpu.memory_space<vmem_shared>>) dst(%dma_wait3A_205 : memref<128x128xf32, #tpu.memory_space<hbm>>)
      tpu.yield
    }) : () -> ()
    %mul3A_190 = arith.constant 640 : i32
    %mul3A_191 = arith.muli %arg1, %mul3A_190 : i32
    %add3A_192 = arith.constant 512 : i32
    %add3A_193 = arith.addi %mul3A_191, %add3A_192 : i32
    "tpu.region"() ({
      %run_scoped3A = tpu.sem_alloc : memref<!tpu.dma_semaphore, #tpu.memory_space<semaphore_mem>>
      %dma_start3A = arith.constant 0 : i32
      %dma_start3A_194 = arith.constant 0 : i32
      %dma_start3A_195 = tpu.memref_slice %arg5[%arg0, %dma_start3A, %dma_start3A_194] : memref<2x10240x128xf32, #tpu.memory_space<hbm>> -> memref<1x10240x128xf32, #tpu.memory_space<hbm>>
      %dma_start3A_196 = tpu.memref_squeeze %dma_start3A_195 : memref<1x10240x128xf32, #tpu.memory_space<hbm>> -> memref<10240x128xf32, #tpu.memory_space<hbm>>
      %dma_start3A_197 = arith.constant 0 : i32
      %dma_start3A_198 = tpu.memref_slice %dma_start3A_196[%add3A_193, %dma_start3A_197] : memref<10240x128xf32, #tpu.memory_space<hbm>> -> memref<128x128xf32, #tpu.memory_space<hbm>>
      %dma_start3A_199 = arith.constant 0 : i32
      %dma_start3A_200 = tpu.memref_slice %arg6[%add3A_193, %dma_start3A_199] : memref<10240x128xf32, #tpu.memory_space<vmem_shared>> -> memref<128x128xf32, #tpu.memory_space<vmem_shared>>
      tpu.enqueue_dma source(%dma_start3A_200 : memref<128x128xf32, #tpu.memory_space<vmem_shared>>) target(%dma_start3A_198 : memref<128x128xf32, #tpu.memory_space<hbm>>) target_semaphore(%run_scoped3A : memref<!tpu.dma_semaphore, #tpu.memory_space<semaphore_mem>>)
      %dma_wait3A = arith.constant 0 : i32
      %dma_wait3A_201 = arith.constant 0 : i32
      %dma_wait3A_202 = tpu.memref_slice %arg5[%arg0, %dma_wait3A, %dma_wait3A_201] : memref<2x10240x128xf32, #tpu.memory_space<hbm>> -> memref<1x10240x128xf32, #tpu.memory_space<hbm>>
      %dma_wait3A_203 = tpu.memref_squeeze %dma_wait3A_202 : memref<1x10240x128xf32, #tpu.memory_space<hbm>> -> memref<10240x128xf32, #tpu.memory_space<hbm>>
      %dma_wait3A_204 = arith.constant 0 : i32
      %dma_wait3A_205 = tpu.memref_slice %dma_wait3A_203[%add3A_193, %dma_wait3A_204] : memref<10240x128xf32, #tpu.memory_space<hbm>> -> memref<128x128xf32, #tpu.memory_space<hbm>>
      %dma_wait3A_206 = arith.constant 0 : i32
      %dma_wait3A_207 = tpu.memref_slice %arg6[%add3A_193, %dma_wait3A_206] : memref<10240x128xf32, #tpu.memory_space<vmem_shared>> -> memref<128x128xf32, #tpu.memory_space<vmem_shared>>
      tpu.wait_dma2 semaphore(%run_scoped3A : memref<!tpu.dma_semaphore, #tpu.memory_space<semaphore_mem>>) src(%dma_wait3A_207 : memref<128x128xf32, #tpu.memory_space<vmem_shared>>) dst(%dma_wait3A_205 : memref<128x128xf32, #tpu.memory_space<hbm>>)
      tpu.yield
    }) : () -> ()
    return
  }
}

#map = affine_map<(d0, d1) -> (0, 0)>
#map1 = affine_map<(d0, d1) -> (0, 0, 0)>
module attributes {stable_mosaic.version = 14 : i64} {
  func.func @_agg_body(%arg0: i32, %arg1: i32, %arg2: memref<20000x128xf32, #tpu.memory_space<hbm>>, %arg3: memref<8000x80xi32, #tpu.memory_space<hbm>>, %arg4: memref<8000x80xi32, #tpu.memory_space<hbm>>, %arg5: memref<2x10240x128xf32, #tpu.memory_space<hbm>>, %arg6: memref<10240x128xf32, #tpu.memory_space<vmem_shared>>, %arg7: memref<25x80xi32, #tpu.memory_space<vmem>>, %arg8: memref<25x80xi32, #tpu.memory_space<vmem>>, %arg9: memref<4x80x128xf32, #tpu.memory_space<vmem>>, %arg10: memref<16x128xf32, #tpu.memory_space<vmem>>, %arg11: memref<!tpu.dma_semaphore, #tpu.memory_space<semaphore_mem>>, %arg12: memref<!tpu.dma_semaphore, #tpu.memory_space<semaphore_mem>>) attributes {dimension_semantics = [#tpu.dimension_semantics<core_parallel>, #tpu.dimension_semantics<subcore_parallel>], iteration_bounds = array<i64: 2, 16>, scalar_prefetch = 0 : i64, scratch_operands = 7 : i64, tpu.core_type = #tpu.core_type<sc_vector_subcore>, window_params = [{transform_indices = #map}, {transform_indices = #map}, {transform_indices = #map}, {transform_indices = #map1}]} {
    %mul3A = arith.constant 16 : i32
    %mul3A_0 = arith.muli %arg0, %mul3A : i32
    %add3A = arith.addi %mul3A_0, %arg1 : i32
    %mul3A_1 = arith.constant 250 : i32
    %mul3A_2 = arith.muli %add3A, %mul3A_1 : i32
    %broadcast_in_dim3A = arith.constant 0.000000e+00 : f32
    %broadcast_in_dim3A_3 = vector.broadcast %broadcast_in_dim3A : f32 to vector<16xf32>
    %scan3A = arith.constant 0 : i32
    %scan3A_4 = arith.constant 16 : i32
    %scan3A_5 = arith.addi %scan3A, %scan3A_4 : i32
    %scan3A_6 = arith.constant 1 : i32
    scf.for %scan3A_194 = %scan3A to %scan3A_5 step %scan3A_6  : i32 {
      %scan3A_195 = arith.constant 0 : i32
      %scan3A_196 = arith.constant 8 : i32
      %scan3A_197 = arith.addi %scan3A_195, %scan3A_196 : i32
      %scan3A_198 = arith.constant 1 : i32
      scf.for %scan3A_200 = %scan3A_195 to %scan3A_197 step %scan3A_198  : i32 {
        %mul3A_201 = arith.constant 16 : i32
        %mul3A_202 = arith.muli %scan3A_200, %mul3A_201 : i32
        %swap3A = arith.index_cast %scan3A_194 : i32 to index
        %swap3A_203 = arith.index_cast %mul3A_202 : i32 to index
        %swap3A_204 = tpu.vector_load %arg10[%swap3A, %swap3A_203] {strides = array<i32>} : memref<16x128xf32, #tpu.memory_space<vmem>>, vector<16xf32>,
        tpu.vector_store %arg10[%swap3A, %swap3A_203], %broadcast_in_dim3A_3 {strides = array<i32>} : memref<16x128xf32, #tpu.memory_space<vmem>>, vector<16xf32>,
      }
      %scan3A_199 = arith.constant 8 : i32
    }
    %scan3A_7 = arith.constant 16 : i32
    %mul3A_8 = arith.constant 640 : i32
    %mul3A_9 = arith.muli %arg1, %mul3A_8 : i32
    %add3A_10 = arith.constant 0 : i32
    %add3A_11 = arith.addi %mul3A_9, %add3A_10 : i32
    "tpu.region"() ({
      %run_scoped3A = tpu.sem_alloc : memref<!tpu.dma_semaphore, #tpu.memory_space<semaphore_mem>>
      %dma_start3A = arith.constant 0 : i32
      %dma_start3A_194 = tpu.memref_slice %arg6[%add3A_11, %dma_start3A] : memref<10240x128xf32, #tpu.memory_space<vmem_shared>> -> memref<16x128xf32, #tpu.memory_space<vmem_shared>>
      %dma_start3A_195 = arith.constant 0 : i32
      %dma_start3A_196 = tpu.memref_slice %arg6[%add3A_11, %dma_start3A_195] : memref<10240x128xf32, #tpu.memory_space<vmem_shared>> -> memref<16x128xf32, #tpu.memory_space<vmem_shared>>
      tpu.enqueue_dma source(%arg10 : memref<16x128xf32, #tpu.memory_space<vmem>>) target(%dma_start3A_196 : memref<16x128xf32, #tpu.memory_space<vmem_shared>>) target_semaphore(%run_scoped3A : memref<!tpu.dma_semaphore, #tpu.memory_space<semaphore_mem>>)
      %dma_wait3A = arith.constant 0 : i32
      %dma_wait3A_197 = tpu.memref_slice %arg6[%add3A_11, %dma_wait3A] : memref<10240x128xf32, #tpu.memory_space<vmem_shared>> -> memref<16x128xf32, #tpu.memory_space<vmem_shared>>
      %dma_wait3A_198 = arith.constant 0 : i32
      %dma_wait3A_199 = tpu.memref_slice %arg6[%add3A_11, %dma_wait3A_198] : memref<10240x128xf32, #tpu.memory_space<vmem_shared>> -> memref<16x128xf32, #tpu.memory_space<vmem_shared>>
      tpu.wait_dma2 semaphore(%run_scoped3A : memref<!tpu.dma_semaphore, #tpu.memory_space<semaphore_mem>>) src(%arg10 : memref<16x128xf32, #tpu.memory_space<vmem>>) dst(%dma_wait3A_199 : memref<16x128xf32, #tpu.memory_space<vmem_shared>>)
      tpu.yield
    }) : () -> ()
    %mul3A_12 = arith.constant 640 : i32
    %mul3A_13 = arith.muli %arg1, %mul3A_12 : i32
    %add3A_14 = arith.constant 16 : i32
    %add3A_15 = arith.addi %mul3A_13, %add3A_14 : i32
    "tpu.region"() ({
      %run_scoped3A = tpu.sem_alloc : memref<!tpu.dma_semaphore, #tpu.memory_space<semaphore_mem>>
      %dma_start3A = arith.constant 0 : i32
      %dma_start3A_194 = tpu.memref_slice %arg6[%add3A_15, %dma_start3A] : memref<10240x128xf32, #tpu.memory_space<vmem_shared>> -> memref<16x128xf32, #tpu.memory_space<vmem_shared>>
      %dma_start3A_195 = arith.constant 0 : i32
      %dma_start3A_196 = tpu.memref_slice %arg6[%add3A_15, %dma_start3A_195] : memref<10240x128xf32, #tpu.memory_space<vmem_shared>> -> memref<16x128xf32, #tpu.memory_space<vmem_shared>>
      tpu.enqueue_dma source(%arg10 : memref<16x128xf32, #tpu.memory_space<vmem>>) target(%dma_start3A_196 : memref<16x128xf32, #tpu.memory_space<vmem_shared>>) target_semaphore(%run_scoped3A : memref<!tpu.dma_semaphore, #tpu.memory_space<semaphore_mem>>)
      %dma_wait3A = arith.constant 0 : i32
      %dma_wait3A_197 = tpu.memref_slice %arg6[%add3A_15, %dma_wait3A] : memref<10240x128xf32, #tpu.memory_space<vmem_shared>> -> memref<16x128xf32, #tpu.memory_space<vmem_shared>>
      %dma_wait3A_198 = arith.constant 0 : i32
      %dma_wait3A_199 = tpu.memref_slice %arg6[%add3A_15, %dma_wait3A_198] : memref<10240x128xf32, #tpu.memory_space<vmem_shared>> -> memref<16x128xf32, #tpu.memory_space<vmem_shared>>
      tpu.wait_dma2 semaphore(%run_scoped3A : memref<!tpu.dma_semaphore, #tpu.memory_space<semaphore_mem>>) src(%arg10 : memref<16x128xf32, #tpu.memory_space<vmem>>) dst(%dma_wait3A_199 : memref<16x128xf32, #tpu.memory_space<vmem_shared>>)
      tpu.yield
    }) : () -> ()
    %mul3A_16 = arith.constant 640 : i32
    %mul3A_17 = arith.muli %arg1, %mul3A_16 : i32
    %add3A_18 = arith.constant 32 : i32
    %add3A_19 = arith.addi %mul3A_17, %add3A_18 : i32
    "tpu.region"() ({
      %run_scoped3A = tpu.sem_alloc : memref<!tpu.dma_semaphore, #tpu.memory_space<semaphore_mem>>
      %dma_start3A = arith.constant 0 : i32
      %dma_start3A_194 = tpu.memref_slice %arg6[%add3A_19, %dma_start3A] : memref<10240x128xf32, #tpu.memory_space<vmem_shared>> -> memref<16x128xf32, #tpu.memory_space<vmem_shared>>
      %dma_start3A_195 = arith.constant 0 : i32
      %dma_start3A_196 = tpu.memref_slice %arg6[%add3A_19, %dma_start3A_195] : memref<10240x128xf32, #tpu.memory_space<vmem_shared>> -> memref<16x128xf32, #tpu.memory_space<vmem_shared>>
      tpu.enqueue_dma source(%arg10 : memref<16x128xf32, #tpu.memory_space<vmem>>) target(%dma_start3A_196 : memref<16x128xf32, #tpu.memory_space<vmem_shared>>) target_semaphore(%run_scoped3A : memref<!tpu.dma_semaphore, #tpu.memory_space<semaphore_mem>>)
      %dma_wait3A = arith.constant 0 : i32
      %dma_wait3A_197 = tpu.memref_slice %arg6[%add3A_19, %dma_wait3A] : memref<10240x128xf32, #tpu.memory_space<vmem_shared>> -> memref<16x128xf32, #tpu.memory_space<vmem_shared>>
      %dma_wait3A_198 = arith.constant 0 : i32
      %dma_wait3A_199 = tpu.memref_slice %arg6[%add3A_19, %dma_wait3A_198] : memref<10240x128xf32, #tpu.memory_space<vmem_shared>> -> memref<16x128xf32, #tpu.memory_space<vmem_shared>>
      tpu.wait_dma2 semaphore(%run_scoped3A : memref<!tpu.dma_semaphore, #tpu.memory_space<semaphore_mem>>) src(%arg10 : memref<16x128xf32, #tpu.memory_space<vmem>>) dst(%dma_wait3A_199 : memref<16x128xf32, #tpu.memory_space<vmem_shared>>)
      tpu.yield
    }) : () -> ()
    %mul3A_20 = arith.constant 640 : i32
    %mul3A_21 = arith.muli %arg1, %mul3A_20 : i32
    %add3A_22 = arith.constant 48 : i32
    %add3A_23 = arith.addi %mul3A_21, %add3A_22 : i32
    "tpu.region"() ({
      %run_scoped3A = tpu.sem_alloc : memref<!tpu.dma_semaphore, #tpu.memory_space<semaphore_mem>>
      %dma_start3A = arith.constant 0 : i32
      %dma_start3A_194 = tpu.memref_slice %arg6[%add3A_23, %dma_start3A] : memref<10240x128xf32, #tpu.memory_space<vmem_shared>> -> memref<16x128xf32, #tpu.memory_space<vmem_shared>>
      %dma_start3A_195 = arith.constant 0 : i32
      %dma_start3A_196 = tpu.memref_slice %arg6[%add3A_23, %dma_start3A_195] : memref<10240x128xf32, #tpu.memory_space<vmem_shared>> -> memref<16x128xf32, #tpu.memory_space<vmem_shared>>
      tpu.enqueue_dma source(%arg10 : memref<16x128xf32, #tpu.memory_space<vmem>>) target(%dma_start3A_196 : memref<16x128xf32, #tpu.memory_space<vmem_shared>>) target_semaphore(%run_scoped3A : memref<!tpu.dma_semaphore, #tpu.memory_space<semaphore_mem>>)
      %dma_wait3A = arith.constant 0 : i32
      %dma_wait3A_197 = tpu.memref_slice %arg6[%add3A_23, %dma_wait3A] : memref<10240x128xf32, #tpu.memory_space<vmem_shared>> -> memref<16x128xf32, #tpu.memory_space<vmem_shared>>
      %dma_wait3A_198 = arith.constant 0 : i32
      %dma_wait3A_199 = tpu.memref_slice %arg6[%add3A_23, %dma_wait3A_198] : memref<10240x128xf32, #tpu.memory_space<vmem_shared>> -> memref<16x128xf32, #tpu.memory_space<vmem_shared>>
      tpu.wait_dma2 semaphore(%run_scoped3A : memref<!tpu.dma_semaphore, #tpu.memory_space<semaphore_mem>>) src(%arg10 : memref<16x128xf32, #tpu.memory_space<vmem>>) dst(%dma_wait3A_199 : memref<16x128xf32, #tpu.memory_space<vmem_shared>>)
      tpu.yield
    }) : () -> ()
    %mul3A_24 = arith.constant 640 : i32
    %mul3A_25 = arith.muli %arg1, %mul3A_24 : i32
    %add3A_26 = arith.constant 64 : i32
    %add3A_27 = arith.addi %mul3A_25, %add3A_26 : i32
    "tpu.region"() ({
      %run_scoped3A = tpu.sem_alloc : memref<!tpu.dma_semaphore, #tpu.memory_space<semaphore_mem>>
      %dma_start3A = arith.constant 0 : i32
      %dma_start3A_194 = tpu.memref_slice %arg6[%add3A_27, %dma_start3A] : memref<10240x128xf32, #tpu.memory_space<vmem_shared>> -> memref<16x128xf32, #tpu.memory_space<vmem_shared>>
      %dma_start3A_195 = arith.constant 0 : i32
      %dma_start3A_196 = tpu.memref_slice %arg6[%add3A_27, %dma_start3A_195] : memref<10240x128xf32, #tpu.memory_space<vmem_shared>> -> memref<16x128xf32, #tpu.memory_space<vmem_shared>>
      tpu.enqueue_dma source(%arg10 : memref<16x128xf32, #tpu.memory_space<vmem>>) target(%dma_start3A_196 : memref<16x128xf32, #tpu.memory_space<vmem_shared>>) target_semaphore(%run_scoped3A : memref<!tpu.dma_semaphore, #tpu.memory_space<semaphore_mem>>)
      %dma_wait3A = arith.constant 0 : i32
      %dma_wait3A_197 = tpu.memref_slice %arg6[%add3A_27, %dma_wait3A] : memref<10240x128xf32, #tpu.memory_space<vmem_shared>> -> memref<16x128xf32, #tpu.memory_space<vmem_shared>>
      %dma_wait3A_198 = arith.constant 0 : i32
      %dma_wait3A_199 = tpu.memref_slice %arg6[%add3A_27, %dma_wait3A_198] : memref<10240x128xf32, #tpu.memory_space<vmem_shared>> -> memref<16x128xf32, #tpu.memory_space<vmem_shared>>
      tpu.wait_dma2 semaphore(%run_scoped3A : memref<!tpu.dma_semaphore, #tpu.memory_space<semaphore_mem>>) src(%arg10 : memref<16x128xf32, #tpu.memory_space<vmem>>) dst(%dma_wait3A_199 : memref<16x128xf32, #tpu.memory_space<vmem_shared>>)
      tpu.yield
    }) : () -> ()
    %mul3A_28 = arith.constant 640 : i32
    %mul3A_29 = arith.muli %arg1, %mul3A_28 : i32
    %add3A_30 = arith.constant 80 : i32
    %add3A_31 = arith.addi %mul3A_29, %add3A_30 : i32
    "tpu.region"() ({
      %run_scoped3A = tpu.sem_alloc : memref<!tpu.dma_semaphore, #tpu.memory_space<semaphore_mem>>
      %dma_start3A = arith.constant 0 : i32
      %dma_start3A_194 = tpu.memref_slice %arg6[%add3A_31, %dma_start3A] : memref<10240x128xf32, #tpu.memory_space<vmem_shared>> -> memref<16x128xf32, #tpu.memory_space<vmem_shared>>
      %dma_start3A_195 = arith.constant 0 : i32
      %dma_start3A_196 = tpu.memref_slice %arg6[%add3A_31, %dma_start3A_195] : memref<10240x128xf32, #tpu.memory_space<vmem_shared>> -> memref<16x128xf32, #tpu.memory_space<vmem_shared>>
      tpu.enqueue_dma source(%arg10 : memref<16x128xf32, #tpu.memory_space<vmem>>) target(%dma_start3A_196 : memref<16x128xf32, #tpu.memory_space<vmem_shared>>) target_semaphore(%run_scoped3A : memref<!tpu.dma_semaphore, #tpu.memory_space<semaphore_mem>>)
      %dma_wait3A = arith.constant 0 : i32
      %dma_wait3A_197 = tpu.memref_slice %arg6[%add3A_31, %dma_wait3A] : memref<10240x128xf32, #tpu.memory_space<vmem_shared>> -> memref<16x128xf32, #tpu.memory_space<vmem_shared>>
      %dma_wait3A_198 = arith.constant 0 : i32
      %dma_wait3A_199 = tpu.memref_slice %arg6[%add3A_31, %dma_wait3A_198] : memref<10240x128xf32, #tpu.memory_space<vmem_shared>> -> memref<16x128xf32, #tpu.memory_space<vmem_shared>>
      tpu.wait_dma2 semaphore(%run_scoped3A : memref<!tpu.dma_semaphore, #tpu.memory_space<semaphore_mem>>) src(%arg10 : memref<16x128xf32, #tpu.memory_space<vmem>>) dst(%dma_wait3A_199 : memref<16x128xf32, #tpu.memory_space<vmem_shared>>)
      tpu.yield
    }) : () -> ()
    %mul3A_32 = arith.constant 640 : i32
    %mul3A_33 = arith.muli %arg1, %mul3A_32 : i32
    %add3A_34 = arith.constant 96 : i32
    %add3A_35 = arith.addi %mul3A_33, %add3A_34 : i32
    "tpu.region"() ({
      %run_scoped3A = tpu.sem_alloc : memref<!tpu.dma_semaphore, #tpu.memory_space<semaphore_mem>>
      %dma_start3A = arith.constant 0 : i32
      %dma_start3A_194 = tpu.memref_slice %arg6[%add3A_35, %dma_start3A] : memref<10240x128xf32, #tpu.memory_space<vmem_shared>> -> memref<16x128xf32, #tpu.memory_space<vmem_shared>>
      %dma_start3A_195 = arith.constant 0 : i32
      %dma_start3A_196 = tpu.memref_slice %arg6[%add3A_35, %dma_start3A_195] : memref<10240x128xf32, #tpu.memory_space<vmem_shared>> -> memref<16x128xf32, #tpu.memory_space<vmem_shared>>
      tpu.enqueue_dma source(%arg10 : memref<16x128xf32, #tpu.memory_space<vmem>>) target(%dma_start3A_196 : memref<16x128xf32, #tpu.memory_space<vmem_shared>>) target_semaphore(%run_scoped3A : memref<!tpu.dma_semaphore, #tpu.memory_space<semaphore_mem>>)
      %dma_wait3A = arith.constant 0 : i32
      %dma_wait3A_197 = tpu.memref_slice %arg6[%add3A_35, %dma_wait3A] : memref<10240x128xf32, #tpu.memory_space<vmem_shared>> -> memref<16x128xf32, #tpu.memory_space<vmem_shared>>
      %dma_wait3A_198 = arith.constant 0 : i32
      %dma_wait3A_199 = tpu.memref_slice %arg6[%add3A_35, %dma_wait3A_198] : memref<10240x128xf32, #tpu.memory_space<vmem_shared>> -> memref<16x128xf32, #tpu.memory_space<vmem_shared>>
      tpu.wait_dma2 semaphore(%run_scoped3A : memref<!tpu.dma_semaphore, #tpu.memory_space<semaphore_mem>>) src(%arg10 : memref<16x128xf32, #tpu.memory_space<vmem>>) dst(%dma_wait3A_199 : memref<16x128xf32, #tpu.memory_space<vmem_shared>>)
      tpu.yield
    }) : () -> ()
    %mul3A_36 = arith.constant 640 : i32
    %mul3A_37 = arith.muli %arg1, %mul3A_36 : i32
    %add3A_38 = arith.constant 112 : i32
    %add3A_39 = arith.addi %mul3A_37, %add3A_38 : i32
    "tpu.region"() ({
      %run_scoped3A = tpu.sem_alloc : memref<!tpu.dma_semaphore, #tpu.memory_space<semaphore_mem>>
      %dma_start3A = arith.constant 0 : i32
      %dma_start3A_194 = tpu.memref_slice %arg6[%add3A_39, %dma_start3A] : memref<10240x128xf32, #tpu.memory_space<vmem_shared>> -> memref<16x128xf32, #tpu.memory_space<vmem_shared>>
      %dma_start3A_195 = arith.constant 0 : i32
      %dma_start3A_196 = tpu.memref_slice %arg6[%add3A_39, %dma_start3A_195] : memref<10240x128xf32, #tpu.memory_space<vmem_shared>> -> memref<16x128xf32, #tpu.memory_space<vmem_shared>>
      tpu.enqueue_dma source(%arg10 : memref<16x128xf32, #tpu.memory_space<vmem>>) target(%dma_start3A_196 : memref<16x128xf32, #tpu.memory_space<vmem_shared>>) target_semaphore(%run_scoped3A : memref<!tpu.dma_semaphore, #tpu.memory_space<semaphore_mem>>)
      %dma_wait3A = arith.constant 0 : i32
      %dma_wait3A_197 = tpu.memref_slice %arg6[%add3A_39, %dma_wait3A] : memref<10240x128xf32, #tpu.memory_space<vmem_shared>> -> memref<16x128xf32, #tpu.memory_space<vmem_shared>>
      %dma_wait3A_198 = arith.constant 0 : i32
      %dma_wait3A_199 = tpu.memref_slice %arg6[%add3A_39, %dma_wait3A_198] : memref<10240x128xf32, #tpu.memory_space<vmem_shared>> -> memref<16x128xf32, #tpu.memory_space<vmem_shared>>
      tpu.wait_dma2 semaphore(%run_scoped3A : memref<!tpu.dma_semaphore, #tpu.memory_space<semaphore_mem>>) src(%arg10 : memref<16x128xf32, #tpu.memory_space<vmem>>) dst(%dma_wait3A_199 : memref<16x128xf32, #tpu.memory_space<vmem_shared>>)
      tpu.yield
    }) : () -> ()
    %mul3A_40 = arith.constant 640 : i32
    %mul3A_41 = arith.muli %arg1, %mul3A_40 : i32
    %add3A_42 = arith.constant 128 : i32
    %add3A_43 = arith.addi %mul3A_41, %add3A_42 : i32
    "tpu.region"() ({
      %run_scoped3A = tpu.sem_alloc : memref<!tpu.dma_semaphore, #tpu.memory_space<semaphore_mem>>
      %dma_start3A = arith.constant 0 : i32
      %dma_start3A_194 = tpu.memref_slice %arg6[%add3A_43, %dma_start3A] : memref<10240x128xf32, #tpu.memory_space<vmem_shared>> -> memref<16x128xf32, #tpu.memory_space<vmem_shared>>
      %dma_start3A_195 = arith.constant 0 : i32
      %dma_start3A_196 = tpu.memref_slice %arg6[%add3A_43, %dma_start3A_195] : memref<10240x128xf32, #tpu.memory_space<vmem_shared>> -> memref<16x128xf32, #tpu.memory_space<vmem_shared>>
      tpu.enqueue_dma source(%arg10 : memref<16x128xf32, #tpu.memory_space<vmem>>) target(%dma_start3A_196 : memref<16x128xf32, #tpu.memory_space<vmem_shared>>) target_semaphore(%run_scoped3A : memref<!tpu.dma_semaphore, #tpu.memory_space<semaphore_mem>>)
      %dma_wait3A = arith.constant 0 : i32
      %dma_wait3A_197 = tpu.memref_slice %arg6[%add3A_43, %dma_wait3A] : memref<10240x128xf32, #tpu.memory_space<vmem_shared>> -> memref<16x128xf32, #tpu.memory_space<vmem_shared>>
      %dma_wait3A_198 = arith.constant 0 : i32
      %dma_wait3A_199 = tpu.memref_slice %arg6[%add3A_43, %dma_wait3A_198] : memref<10240x128xf32, #tpu.memory_space<vmem_shared>> -> memref<16x128xf32, #tpu.memory_space<vmem_shared>>
      tpu.wait_dma2 semaphore(%run_scoped3A : memref<!tpu.dma_semaphore, #tpu.memory_space<semaphore_mem>>) src(%arg10 : memref<16x128xf32, #tpu.memory_space<vmem>>) dst(%dma_wait3A_199 : memref<16x128xf32, #tpu.memory_space<vmem_shared>>)
      tpu.yield
    }) : () -> ()
    %mul3A_44 = arith.constant 640 : i32
    %mul3A_45 = arith.muli %arg1, %mul3A_44 : i32
    %add3A_46 = arith.constant 144 : i32
    %add3A_47 = arith.addi %mul3A_45, %add3A_46 : i32
    "tpu.region"() ({
      %run_scoped3A = tpu.sem_alloc : memref<!tpu.dma_semaphore, #tpu.memory_space<semaphore_mem>>
      %dma_start3A = arith.constant 0 : i32
      %dma_start3A_194 = tpu.memref_slice %arg6[%add3A_47, %dma_start3A] : memref<10240x128xf32, #tpu.memory_space<vmem_shared>> -> memref<16x128xf32, #tpu.memory_space<vmem_shared>>
      %dma_start3A_195 = arith.constant 0 : i32
      %dma_start3A_196 = tpu.memref_slice %arg6[%add3A_47, %dma_start3A_195] : memref<10240x128xf32, #tpu.memory_space<vmem_shared>> -> memref<16x128xf32, #tpu.memory_space<vmem_shared>>
      tpu.enqueue_dma source(%arg10 : memref<16x128xf32, #tpu.memory_space<vmem>>) target(%dma_start3A_196 : memref<16x128xf32, #tpu.memory_space<vmem_shared>>) target_semaphore(%run_scoped3A : memref<!tpu.dma_semaphore, #tpu.memory_space<semaphore_mem>>)
      %dma_wait3A = arith.constant 0 : i32
      %dma_wait3A_197 = tpu.memref_slice %arg6[%add3A_47, %dma_wait3A] : memref<10240x128xf32, #tpu.memory_space<vmem_shared>> -> memref<16x128xf32, #tpu.memory_space<vmem_shared>>
      %dma_wait3A_198 = arith.constant 0 : i32
      %dma_wait3A_199 = tpu.memref_slice %arg6[%add3A_47, %dma_wait3A_198] : memref<10240x128xf32, #tpu.memory_space<vmem_shared>> -> memref<16x128xf32, #tpu.memory_space<vmem_shared>>
      tpu.wait_dma2 semaphore(%run_scoped3A : memref<!tpu.dma_semaphore, #tpu.memory_space<semaphore_mem>>) src(%arg10 : memref<16x128xf32, #tpu.memory_space<vmem>>) dst(%dma_wait3A_199 : memref<16x128xf32, #tpu.memory_space<vmem_shared>>)
      tpu.yield
    }) : () -> ()
    %mul3A_48 = arith.constant 640 : i32
    %mul3A_49 = arith.muli %arg1, %mul3A_48 : i32
    %add3A_50 = arith.constant 160 : i32
    %add3A_51 = arith.addi %mul3A_49, %add3A_50 : i32
    "tpu.region"() ({
      %run_scoped3A = tpu.sem_alloc : memref<!tpu.dma_semaphore, #tpu.memory_space<semaphore_mem>>
      %dma_start3A = arith.constant 0 : i32
      %dma_start3A_194 = tpu.memref_slice %arg6[%add3A_51, %dma_start3A] : memref<10240x128xf32, #tpu.memory_space<vmem_shared>> -> memref<16x128xf32, #tpu.memory_space<vmem_shared>>
      %dma_start3A_195 = arith.constant 0 : i32
      %dma_start3A_196 = tpu.memref_slice %arg6[%add3A_51, %dma_start3A_195] : memref<10240x128xf32, #tpu.memory_space<vmem_shared>> -> memref<16x128xf32, #tpu.memory_space<vmem_shared>>
      tpu.enqueue_dma source(%arg10 : memref<16x128xf32, #tpu.memory_space<vmem>>) target(%dma_start3A_196 : memref<16x128xf32, #tpu.memory_space<vmem_shared>>) target_semaphore(%run_scoped3A : memref<!tpu.dma_semaphore, #tpu.memory_space<semaphore_mem>>)
      %dma_wait3A = arith.constant 0 : i32
      %dma_wait3A_197 = tpu.memref_slice %arg6[%add3A_51, %dma_wait3A] : memref<10240x128xf32, #tpu.memory_space<vmem_shared>> -> memref<16x128xf32, #tpu.memory_space<vmem_shared>>
      %dma_wait3A_198 = arith.constant 0 : i32
      %dma_wait3A_199 = tpu.memref_slice %arg6[%add3A_51, %dma_wait3A_198] : memref<10240x128xf32, #tpu.memory_space<vmem_shared>> -> memref<16x128xf32, #tpu.memory_space<vmem_shared>>
      tpu.wait_dma2 semaphore(%run_scoped3A : memref<!tpu.dma_semaphore, #tpu.memory_space<semaphore_mem>>) src(%arg10 : memref<16x128xf32, #tpu.memory_space<vmem>>) dst(%dma_wait3A_199 : memref<16x128xf32, #tpu.memory_space<vmem_shared>>)
      tpu.yield
    }) : () -> ()
    %mul3A_52 = arith.constant 640 : i32
    %mul3A_53 = arith.muli %arg1, %mul3A_52 : i32
    %add3A_54 = arith.constant 176 : i32
    %add3A_55 = arith.addi %mul3A_53, %add3A_54 : i32
    "tpu.region"() ({
      %run_scoped3A = tpu.sem_alloc : memref<!tpu.dma_semaphore, #tpu.memory_space<semaphore_mem>>
      %dma_start3A = arith.constant 0 : i32
      %dma_start3A_194 = tpu.memref_slice %arg6[%add3A_55, %dma_start3A] : memref<10240x128xf32, #tpu.memory_space<vmem_shared>> -> memref<16x128xf32, #tpu.memory_space<vmem_shared>>
      %dma_start3A_195 = arith.constant 0 : i32
      %dma_start3A_196 = tpu.memref_slice %arg6[%add3A_55, %dma_start3A_195] : memref<10240x128xf32, #tpu.memory_space<vmem_shared>> -> memref<16x128xf32, #tpu.memory_space<vmem_shared>>
      tpu.enqueue_dma source(%arg10 : memref<16x128xf32, #tpu.memory_space<vmem>>) target(%dma_start3A_196 : memref<16x128xf32, #tpu.memory_space<vmem_shared>>) target_semaphore(%run_scoped3A : memref<!tpu.dma_semaphore, #tpu.memory_space<semaphore_mem>>)
      %dma_wait3A = arith.constant 0 : i32
      %dma_wait3A_197 = tpu.memref_slice %arg6[%add3A_55, %dma_wait3A] : memref<10240x128xf32, #tpu.memory_space<vmem_shared>> -> memref<16x128xf32, #tpu.memory_space<vmem_shared>>
      %dma_wait3A_198 = arith.constant 0 : i32
      %dma_wait3A_199 = tpu.memref_slice %arg6[%add3A_55, %dma_wait3A_198] : memref<10240x128xf32, #tpu.memory_space<vmem_shared>> -> memref<16x128xf32, #tpu.memory_space<vmem_shared>>
      tpu.wait_dma2 semaphore(%run_scoped3A : memref<!tpu.dma_semaphore, #tpu.memory_space<semaphore_mem>>) src(%arg10 : memref<16x128xf32, #tpu.memory_space<vmem>>) dst(%dma_wait3A_199 : memref<16x128xf32, #tpu.memory_space<vmem_shared>>)
      tpu.yield
    }) : () -> ()
    %mul3A_56 = arith.constant 640 : i32
    %mul3A_57 = arith.muli %arg1, %mul3A_56 : i32
    %add3A_58 = arith.constant 192 : i32
    %add3A_59 = arith.addi %mul3A_57, %add3A_58 : i32
    "tpu.region"() ({
      %run_scoped3A = tpu.sem_alloc : memref<!tpu.dma_semaphore, #tpu.memory_space<semaphore_mem>>
      %dma_start3A = arith.constant 0 : i32
      %dma_start3A_194 = tpu.memref_slice %arg6[%add3A_59, %dma_start3A] : memref<10240x128xf32, #tpu.memory_space<vmem_shared>> -> memref<16x128xf32, #tpu.memory_space<vmem_shared>>
      %dma_start3A_195 = arith.constant 0 : i32
      %dma_start3A_196 = tpu.memref_slice %arg6[%add3A_59, %dma_start3A_195] : memref<10240x128xf32, #tpu.memory_space<vmem_shared>> -> memref<16x128xf32, #tpu.memory_space<vmem_shared>>
      tpu.enqueue_dma source(%arg10 : memref<16x128xf32, #tpu.memory_space<vmem>>) target(%dma_start3A_196 : memref<16x128xf32, #tpu.memory_space<vmem_shared>>) target_semaphore(%run_scoped3A : memref<!tpu.dma_semaphore, #tpu.memory_space<semaphore_mem>>)
      %dma_wait3A = arith.constant 0 : i32
      %dma_wait3A_197 = tpu.memref_slice %arg6[%add3A_59, %dma_wait3A] : memref<10240x128xf32, #tpu.memory_space<vmem_shared>> -> memref<16x128xf32, #tpu.memory_space<vmem_shared>>
      %dma_wait3A_198 = arith.constant 0 : i32
      %dma_wait3A_199 = tpu.memref_slice %arg6[%add3A_59, %dma_wait3A_198] : memref<10240x128xf32, #tpu.memory_space<vmem_shared>> -> memref<16x128xf32, #tpu.memory_space<vmem_shared>>
      tpu.wait_dma2 semaphore(%run_scoped3A : memref<!tpu.dma_semaphore, #tpu.memory_space<semaphore_mem>>) src(%arg10 : memref<16x128xf32, #tpu.memory_space<vmem>>) dst(%dma_wait3A_199 : memref<16x128xf32, #tpu.memory_space<vmem_shared>>)
      tpu.yield
    }) : () -> ()
    %mul3A_60 = arith.constant 640 : i32
    %mul3A_61 = arith.muli %arg1, %mul3A_60 : i32
    %add3A_62 = arith.constant 208 : i32
    %add3A_63 = arith.addi %mul3A_61, %add3A_62 : i32
    "tpu.region"() ({
      %run_scoped3A = tpu.sem_alloc : memref<!tpu.dma_semaphore, #tpu.memory_space<semaphore_mem>>
      %dma_start3A = arith.constant 0 : i32
      %dma_start3A_194 = tpu.memref_slice %arg6[%add3A_63, %dma_start3A] : memref<10240x128xf32, #tpu.memory_space<vmem_shared>> -> memref<16x128xf32, #tpu.memory_space<vmem_shared>>
      %dma_start3A_195 = arith.constant 0 : i32
      %dma_start3A_196 = tpu.memref_slice %arg6[%add3A_63, %dma_start3A_195] : memref<10240x128xf32, #tpu.memory_space<vmem_shared>> -> memref<16x128xf32, #tpu.memory_space<vmem_shared>>
      tpu.enqueue_dma source(%arg10 : memref<16x128xf32, #tpu.memory_space<vmem>>) target(%dma_start3A_196 : memref<16x128xf32, #tpu.memory_space<vmem_shared>>) target_semaphore(%run_scoped3A : memref<!tpu.dma_semaphore, #tpu.memory_space<semaphore_mem>>)
      %dma_wait3A = arith.constant 0 : i32
      %dma_wait3A_197 = tpu.memref_slice %arg6[%add3A_63, %dma_wait3A] : memref<10240x128xf32, #tpu.memory_space<vmem_shared>> -> memref<16x128xf32, #tpu.memory_space<vmem_shared>>
      %dma_wait3A_198 = arith.constant 0 : i32
      %dma_wait3A_199 = tpu.memref_slice %arg6[%add3A_63, %dma_wait3A_198] : memref<10240x128xf32, #tpu.memory_space<vmem_shared>> -> memref<16x128xf32, #tpu.memory_space<vmem_shared>>
      tpu.wait_dma2 semaphore(%run_scoped3A : memref<!tpu.dma_semaphore, #tpu.memory_space<semaphore_mem>>) src(%arg10 : memref<16x128xf32, #tpu.memory_space<vmem>>) dst(%dma_wait3A_199 : memref<16x128xf32, #tpu.memory_space<vmem_shared>>)
      tpu.yield
    }) : () -> ()
    %mul3A_64 = arith.constant 640 : i32
    %mul3A_65 = arith.muli %arg1, %mul3A_64 : i32
    %add3A_66 = arith.constant 224 : i32
    %add3A_67 = arith.addi %mul3A_65, %add3A_66 : i32
    "tpu.region"() ({
      %run_scoped3A = tpu.sem_alloc : memref<!tpu.dma_semaphore, #tpu.memory_space<semaphore_mem>>
      %dma_start3A = arith.constant 0 : i32
      %dma_start3A_194 = tpu.memref_slice %arg6[%add3A_67, %dma_start3A] : memref<10240x128xf32, #tpu.memory_space<vmem_shared>> -> memref<16x128xf32, #tpu.memory_space<vmem_shared>>
      %dma_start3A_195 = arith.constant 0 : i32
      %dma_start3A_196 = tpu.memref_slice %arg6[%add3A_67, %dma_start3A_195] : memref<10240x128xf32, #tpu.memory_space<vmem_shared>> -> memref<16x128xf32, #tpu.memory_space<vmem_shared>>
      tpu.enqueue_dma source(%arg10 : memref<16x128xf32, #tpu.memory_space<vmem>>) target(%dma_start3A_196 : memref<16x128xf32, #tpu.memory_space<vmem_shared>>) target_semaphore(%run_scoped3A : memref<!tpu.dma_semaphore, #tpu.memory_space<semaphore_mem>>)
      %dma_wait3A = arith.constant 0 : i32
      %dma_wait3A_197 = tpu.memref_slice %arg6[%add3A_67, %dma_wait3A] : memref<10240x128xf32, #tpu.memory_space<vmem_shared>> -> memref<16x128xf32, #tpu.memory_space<vmem_shared>>
      %dma_wait3A_198 = arith.constant 0 : i32
      %dma_wait3A_199 = tpu.memref_slice %arg6[%add3A_67, %dma_wait3A_198] : memref<10240x128xf32, #tpu.memory_space<vmem_shared>> -> memref<16x128xf32, #tpu.memory_space<vmem_shared>>
      tpu.wait_dma2 semaphore(%run_scoped3A : memref<!tpu.dma_semaphore, #tpu.memory_space<semaphore_mem>>) src(%arg10 : memref<16x128xf32, #tpu.memory_space<vmem>>) dst(%dma_wait3A_199 : memref<16x128xf32, #tpu.memory_space<vmem_shared>>)
      tpu.yield
    }) : () -> ()
    %mul3A_68 = arith.constant 640 : i32
    %mul3A_69 = arith.muli %arg1, %mul3A_68 : i32
    %add3A_70 = arith.constant 240 : i32
    %add3A_71 = arith.addi %mul3A_69, %add3A_70 : i32
    "tpu.region"() ({
      %run_scoped3A = tpu.sem_alloc : memref<!tpu.dma_semaphore, #tpu.memory_space<semaphore_mem>>
      %dma_start3A = arith.constant 0 : i32
      %dma_start3A_194 = tpu.memref_slice %arg6[%add3A_71, %dma_start3A] : memref<10240x128xf32, #tpu.memory_space<vmem_shared>> -> memref<16x128xf32, #tpu.memory_space<vmem_shared>>
      %dma_start3A_195 = arith.constant 0 : i32
      %dma_start3A_196 = tpu.memref_slice %arg6[%add3A_71, %dma_start3A_195] : memref<10240x128xf32, #tpu.memory_space<vmem_shared>> -> memref<16x128xf32, #tpu.memory_space<vmem_shared>>
      tpu.enqueue_dma source(%arg10 : memref<16x128xf32, #tpu.memory_space<vmem>>) target(%dma_start3A_196 : memref<16x128xf32, #tpu.memory_space<vmem_shared>>) target_semaphore(%run_scoped3A : memref<!tpu.dma_semaphore, #tpu.memory_space<semaphore_mem>>)
      %dma_wait3A = arith.constant 0 : i32
      %dma_wait3A_197 = tpu.memref_slice %arg6[%add3A_71, %dma_wait3A] : memref<10240x128xf32, #tpu.memory_space<vmem_shared>> -> memref<16x128xf32, #tpu.memory_space<vmem_shared>>
      %dma_wait3A_198 = arith.constant 0 : i32
      %dma_wait3A_199 = tpu.memref_slice %arg6[%add3A_71, %dma_wait3A_198] : memref<10240x128xf32, #tpu.memory_space<vmem_shared>> -> memref<16x128xf32, #tpu.memory_space<vmem_shared>>
      tpu.wait_dma2 semaphore(%run_scoped3A : memref<!tpu.dma_semaphore, #tpu.memory_space<semaphore_mem>>) src(%arg10 : memref<16x128xf32, #tpu.memory_space<vmem>>) dst(%dma_wait3A_199 : memref<16x128xf32, #tpu.memory_space<vmem_shared>>)
      tpu.yield
    }) : () -> ()
    %mul3A_72 = arith.constant 640 : i32
    %mul3A_73 = arith.muli %arg1, %mul3A_72 : i32
    %add3A_74 = arith.constant 256 : i32
    %add3A_75 = arith.addi %mul3A_73, %add3A_74 : i32
    "tpu.region"() ({
      %run_scoped3A = tpu.sem_alloc : memref<!tpu.dma_semaphore, #tpu.memory_space<semaphore_mem>>
      %dma_start3A = arith.constant 0 : i32
      %dma_start3A_194 = tpu.memref_slice %arg6[%add3A_75, %dma_start3A] : memref<10240x128xf32, #tpu.memory_space<vmem_shared>> -> memref<16x128xf32, #tpu.memory_space<vmem_shared>>
      %dma_start3A_195 = arith.constant 0 : i32
      %dma_start3A_196 = tpu.memref_slice %arg6[%add3A_75, %dma_start3A_195] : memref<10240x128xf32, #tpu.memory_space<vmem_shared>> -> memref<16x128xf32, #tpu.memory_space<vmem_shared>>
      tpu.enqueue_dma source(%arg10 : memref<16x128xf32, #tpu.memory_space<vmem>>) target(%dma_start3A_196 : memref<16x128xf32, #tpu.memory_space<vmem_shared>>) target_semaphore(%run_scoped3A : memref<!tpu.dma_semaphore, #tpu.memory_space<semaphore_mem>>)
      %dma_wait3A = arith.constant 0 : i32
      %dma_wait3A_197 = tpu.memref_slice %arg6[%add3A_75, %dma_wait3A] : memref<10240x128xf32, #tpu.memory_space<vmem_shared>> -> memref<16x128xf32, #tpu.memory_space<vmem_shared>>
      %dma_wait3A_198 = arith.constant 0 : i32
      %dma_wait3A_199 = tpu.memref_slice %arg6[%add3A_75, %dma_wait3A_198] : memref<10240x128xf32, #tpu.memory_space<vmem_shared>> -> memref<16x128xf32, #tpu.memory_space<vmem_shared>>
      tpu.wait_dma2 semaphore(%run_scoped3A : memref<!tpu.dma_semaphore, #tpu.memory_space<semaphore_mem>>) src(%arg10 : memref<16x128xf32, #tpu.memory_space<vmem>>) dst(%dma_wait3A_199 : memref<16x128xf32, #tpu.memory_space<vmem_shared>>)
      tpu.yield
    }) : () -> ()
    %mul3A_76 = arith.constant 640 : i32
    %mul3A_77 = arith.muli %arg1, %mul3A_76 : i32
    %add3A_78 = arith.constant 272 : i32
    %add3A_79 = arith.addi %mul3A_77, %add3A_78 : i32
    "tpu.region"() ({
      %run_scoped3A = tpu.sem_alloc : memref<!tpu.dma_semaphore, #tpu.memory_space<semaphore_mem>>
      %dma_start3A = arith.constant 0 : i32
      %dma_start3A_194 = tpu.memref_slice %arg6[%add3A_79, %dma_start3A] : memref<10240x128xf32, #tpu.memory_space<vmem_shared>> -> memref<16x128xf32, #tpu.memory_space<vmem_shared>>
      %dma_start3A_195 = arith.constant 0 : i32
      %dma_start3A_196 = tpu.memref_slice %arg6[%add3A_79, %dma_start3A_195] : memref<10240x128xf32, #tpu.memory_space<vmem_shared>> -> memref<16x128xf32, #tpu.memory_space<vmem_shared>>
      tpu.enqueue_dma source(%arg10 : memref<16x128xf32, #tpu.memory_space<vmem>>) target(%dma_start3A_196 : memref<16x128xf32, #tpu.memory_space<vmem_shared>>) target_semaphore(%run_scoped3A : memref<!tpu.dma_semaphore, #tpu.memory_space<semaphore_mem>>)
      %dma_wait3A = arith.constant 0 : i32
      %dma_wait3A_197 = tpu.memref_slice %arg6[%add3A_79, %dma_wait3A] : memref<10240x128xf32, #tpu.memory_space<vmem_shared>> -> memref<16x128xf32, #tpu.memory_space<vmem_shared>>
      %dma_wait3A_198 = arith.constant 0 : i32
      %dma_wait3A_199 = tpu.memref_slice %arg6[%add3A_79, %dma_wait3A_198] : memref<10240x128xf32, #tpu.memory_space<vmem_shared>> -> memref<16x128xf32, #tpu.memory_space<vmem_shared>>
      tpu.wait_dma2 semaphore(%run_scoped3A : memref<!tpu.dma_semaphore, #tpu.memory_space<semaphore_mem>>) src(%arg10 : memref<16x128xf32, #tpu.memory_space<vmem>>) dst(%dma_wait3A_199 : memref<16x128xf32, #tpu.memory_space<vmem_shared>>)
      tpu.yield
    }) : () -> ()
    %mul3A_80 = arith.constant 640 : i32
    %mul3A_81 = arith.muli %arg1, %mul3A_80 : i32
    %add3A_82 = arith.constant 288 : i32
    %add3A_83 = arith.addi %mul3A_81, %add3A_82 : i32
    "tpu.region"() ({
      %run_scoped3A = tpu.sem_alloc : memref<!tpu.dma_semaphore, #tpu.memory_space<semaphore_mem>>
      %dma_start3A = arith.constant 0 : i32
      %dma_start3A_194 = tpu.memref_slice %arg6[%add3A_83, %dma_start3A] : memref<10240x128xf32, #tpu.memory_space<vmem_shared>> -> memref<16x128xf32, #tpu.memory_space<vmem_shared>>
      %dma_start3A_195 = arith.constant 0 : i32
      %dma_start3A_196 = tpu.memref_slice %arg6[%add3A_83, %dma_start3A_195] : memref<10240x128xf32, #tpu.memory_space<vmem_shared>> -> memref<16x128xf32, #tpu.memory_space<vmem_shared>>
      tpu.enqueue_dma source(%arg10 : memref<16x128xf32, #tpu.memory_space<vmem>>) target(%dma_start3A_196 : memref<16x128xf32, #tpu.memory_space<vmem_shared>>) target_semaphore(%run_scoped3A : memref<!tpu.dma_semaphore, #tpu.memory_space<semaphore_mem>>)
      %dma_wait3A = arith.constant 0 : i32
      %dma_wait3A_197 = tpu.memref_slice %arg6[%add3A_83, %dma_wait3A] : memref<10240x128xf32, #tpu.memory_space<vmem_shared>> -> memref<16x128xf32, #tpu.memory_space<vmem_shared>>
      %dma_wait3A_198 = arith.constant 0 : i32
      %dma_wait3A_199 = tpu.memref_slice %arg6[%add3A_83, %dma_wait3A_198] : memref<10240x128xf32, #tpu.memory_space<vmem_shared>> -> memref<16x128xf32, #tpu.memory_space<vmem_shared>>
      tpu.wait_dma2 semaphore(%run_scoped3A : memref<!tpu.dma_semaphore, #tpu.memory_space<semaphore_mem>>) src(%arg10 : memref<16x128xf32, #tpu.memory_space<vmem>>) dst(%dma_wait3A_199 : memref<16x128xf32, #tpu.memory_space<vmem_shared>>)
      tpu.yield
    }) : () -> ()
    %mul3A_84 = arith.constant 640 : i32
    %mul3A_85 = arith.muli %arg1, %mul3A_84 : i32
    %add3A_86 = arith.constant 304 : i32
    %add3A_87 = arith.addi %mul3A_85, %add3A_86 : i32
    "tpu.region"() ({
      %run_scoped3A = tpu.sem_alloc : memref<!tpu.dma_semaphore, #tpu.memory_space<semaphore_mem>>
      %dma_start3A = arith.constant 0 : i32
      %dma_start3A_194 = tpu.memref_slice %arg6[%add3A_87, %dma_start3A] : memref<10240x128xf32, #tpu.memory_space<vmem_shared>> -> memref<16x128xf32, #tpu.memory_space<vmem_shared>>
      %dma_start3A_195 = arith.constant 0 : i32
      %dma_start3A_196 = tpu.memref_slice %arg6[%add3A_87, %dma_start3A_195] : memref<10240x128xf32, #tpu.memory_space<vmem_shared>> -> memref<16x128xf32, #tpu.memory_space<vmem_shared>>
      tpu.enqueue_dma source(%arg10 : memref<16x128xf32, #tpu.memory_space<vmem>>) target(%dma_start3A_196 : memref<16x128xf32, #tpu.memory_space<vmem_shared>>) target_semaphore(%run_scoped3A : memref<!tpu.dma_semaphore, #tpu.memory_space<semaphore_mem>>)
      %dma_wait3A = arith.constant 0 : i32
      %dma_wait3A_197 = tpu.memref_slice %arg6[%add3A_87, %dma_wait3A] : memref<10240x128xf32, #tpu.memory_space<vmem_shared>> -> memref<16x128xf32, #tpu.memory_space<vmem_shared>>
      %dma_wait3A_198 = arith.constant 0 : i32
      %dma_wait3A_199 = tpu.memref_slice %arg6[%add3A_87, %dma_wait3A_198] : memref<10240x128xf32, #tpu.memory_space<vmem_shared>> -> memref<16x128xf32, #tpu.memory_space<vmem_shared>>
      tpu.wait_dma2 semaphore(%run_scoped3A : memref<!tpu.dma_semaphore, #tpu.memory_space<semaphore_mem>>) src(%arg10 : memref<16x128xf32, #tpu.memory_space<vmem>>) dst(%dma_wait3A_199 : memref<16x128xf32, #tpu.memory_space<vmem_shared>>)
      tpu.yield
    }) : () -> ()
    %mul3A_88 = arith.constant 640 : i32
    %mul3A_89 = arith.muli %arg1, %mul3A_88 : i32
    %add3A_90 = arith.constant 320 : i32
    %add3A_91 = arith.addi %mul3A_89, %add3A_90 : i32
    "tpu.region"() ({
      %run_scoped3A = tpu.sem_alloc : memref<!tpu.dma_semaphore, #tpu.memory_space<semaphore_mem>>
      %dma_start3A = arith.constant 0 : i32
      %dma_start3A_194 = tpu.memref_slice %arg6[%add3A_91, %dma_start3A] : memref<10240x128xf32, #tpu.memory_space<vmem_shared>> -> memref<16x128xf32, #tpu.memory_space<vmem_shared>>
      %dma_start3A_195 = arith.constant 0 : i32
      %dma_start3A_196 = tpu.memref_slice %arg6[%add3A_91, %dma_start3A_195] : memref<10240x128xf32, #tpu.memory_space<vmem_shared>> -> memref<16x128xf32, #tpu.memory_space<vmem_shared>>
      tpu.enqueue_dma source(%arg10 : memref<16x128xf32, #tpu.memory_space<vmem>>) target(%dma_start3A_196 : memref<16x128xf32, #tpu.memory_space<vmem_shared>>) target_semaphore(%run_scoped3A : memref<!tpu.dma_semaphore, #tpu.memory_space<semaphore_mem>>)
      %dma_wait3A = arith.constant 0 : i32
      %dma_wait3A_197 = tpu.memref_slice %arg6[%add3A_91, %dma_wait3A] : memref<10240x128xf32, #tpu.memory_space<vmem_shared>> -> memref<16x128xf32, #tpu.memory_space<vmem_shared>>
      %dma_wait3A_198 = arith.constant 0 : i32
      %dma_wait3A_199 = tpu.memref_slice %arg6[%add3A_91, %dma_wait3A_198] : memref<10240x128xf32, #tpu.memory_space<vmem_shared>> -> memref<16x128xf32, #tpu.memory_space<vmem_shared>>
      tpu.wait_dma2 semaphore(%run_scoped3A : memref<!tpu.dma_semaphore, #tpu.memory_space<semaphore_mem>>) src(%arg10 : memref<16x128xf32, #tpu.memory_space<vmem>>) dst(%dma_wait3A_199 : memref<16x128xf32, #tpu.memory_space<vmem_shared>>)
      tpu.yield
    }) : () -> ()
    %mul3A_92 = arith.constant 640 : i32
    %mul3A_93 = arith.muli %arg1, %mul3A_92 : i32
    %add3A_94 = arith.constant 336 : i32
    %add3A_95 = arith.addi %mul3A_93, %add3A_94 : i32
    "tpu.region"() ({
      %run_scoped3A = tpu.sem_alloc : memref<!tpu.dma_semaphore, #tpu.memory_space<semaphore_mem>>
      %dma_start3A = arith.constant 0 : i32
      %dma_start3A_194 = tpu.memref_slice %arg6[%add3A_95, %dma_start3A] : memref<10240x128xf32, #tpu.memory_space<vmem_shared>> -> memref<16x128xf32, #tpu.memory_space<vmem_shared>>
      %dma_start3A_195 = arith.constant 0 : i32
      %dma_start3A_196 = tpu.memref_slice %arg6[%add3A_95, %dma_start3A_195] : memref<10240x128xf32, #tpu.memory_space<vmem_shared>> -> memref<16x128xf32, #tpu.memory_space<vmem_shared>>
      tpu.enqueue_dma source(%arg10 : memref<16x128xf32, #tpu.memory_space<vmem>>) target(%dma_start3A_196 : memref<16x128xf32, #tpu.memory_space<vmem_shared>>) target_semaphore(%run_scoped3A : memref<!tpu.dma_semaphore, #tpu.memory_space<semaphore_mem>>)
      %dma_wait3A = arith.constant 0 : i32
      %dma_wait3A_197 = tpu.memref_slice %arg6[%add3A_95, %dma_wait3A] : memref<10240x128xf32, #tpu.memory_space<vmem_shared>> -> memref<16x128xf32, #tpu.memory_space<vmem_shared>>
      %dma_wait3A_198 = arith.constant 0 : i32
      %dma_wait3A_199 = tpu.memref_slice %arg6[%add3A_95, %dma_wait3A_198] : memref<10240x128xf32, #tpu.memory_space<vmem_shared>> -> memref<16x128xf32, #tpu.memory_space<vmem_shared>>
      tpu.wait_dma2 semaphore(%run_scoped3A : memref<!tpu.dma_semaphore, #tpu.memory_space<semaphore_mem>>) src(%arg10 : memref<16x128xf32, #tpu.memory_space<vmem>>) dst(%dma_wait3A_199 : memref<16x128xf32, #tpu.memory_space<vmem_shared>>)
      tpu.yield
    }) : () -> ()
    %mul3A_96 = arith.constant 640 : i32
    %mul3A_97 = arith.muli %arg1, %mul3A_96 : i32
    %add3A_98 = arith.constant 352 : i32
    %add3A_99 = arith.addi %mul3A_97, %add3A_98 : i32
    "tpu.region"() ({
      %run_scoped3A = tpu.sem_alloc : memref<!tpu.dma_semaphore, #tpu.memory_space<semaphore_mem>>
      %dma_start3A = arith.constant 0 : i32
      %dma_start3A_194 = tpu.memref_slice %arg6[%add3A_99, %dma_start3A] : memref<10240x128xf32, #tpu.memory_space<vmem_shared>> -> memref<16x128xf32, #tpu.memory_space<vmem_shared>>
      %dma_start3A_195 = arith.constant 0 : i32
      %dma_start3A_196 = tpu.memref_slice %arg6[%add3A_99, %dma_start3A_195] : memref<10240x128xf32, #tpu.memory_space<vmem_shared>> -> memref<16x128xf32, #tpu.memory_space<vmem_shared>>
      tpu.enqueue_dma source(%arg10 : memref<16x128xf32, #tpu.memory_space<vmem>>) target(%dma_start3A_196 : memref<16x128xf32, #tpu.memory_space<vmem_shared>>) target_semaphore(%run_scoped3A : memref<!tpu.dma_semaphore, #tpu.memory_space<semaphore_mem>>)
      %dma_wait3A = arith.constant 0 : i32
      %dma_wait3A_197 = tpu.memref_slice %arg6[%add3A_99, %dma_wait3A] : memref<10240x128xf32, #tpu.memory_space<vmem_shared>> -> memref<16x128xf32, #tpu.memory_space<vmem_shared>>
      %dma_wait3A_198 = arith.constant 0 : i32
      %dma_wait3A_199 = tpu.memref_slice %arg6[%add3A_99, %dma_wait3A_198] : memref<10240x128xf32, #tpu.memory_space<vmem_shared>> -> memref<16x128xf32, #tpu.memory_space<vmem_shared>>
      tpu.wait_dma2 semaphore(%run_scoped3A : memref<!tpu.dma_semaphore, #tpu.memory_space<semaphore_mem>>) src(%arg10 : memref<16x128xf32, #tpu.memory_space<vmem>>) dst(%dma_wait3A_199 : memref<16x128xf32, #tpu.memory_space<vmem_shared>>)
      tpu.yield
    }) : () -> ()
    %mul3A_100 = arith.constant 640 : i32
    %mul3A_101 = arith.muli %arg1, %mul3A_100 : i32
    %add3A_102 = arith.constant 368 : i32
    %add3A_103 = arith.addi %mul3A_101, %add3A_102 : i32
    "tpu.region"() ({
      %run_scoped3A = tpu.sem_alloc : memref<!tpu.dma_semaphore, #tpu.memory_space<semaphore_mem>>
      %dma_start3A = arith.constant 0 : i32
      %dma_start3A_194 = tpu.memref_slice %arg6[%add3A_103, %dma_start3A] : memref<10240x128xf32, #tpu.memory_space<vmem_shared>> -> memref<16x128xf32, #tpu.memory_space<vmem_shared>>
      %dma_start3A_195 = arith.constant 0 : i32
      %dma_start3A_196 = tpu.memref_slice %arg6[%add3A_103, %dma_start3A_195] : memref<10240x128xf32, #tpu.memory_space<vmem_shared>> -> memref<16x128xf32, #tpu.memory_space<vmem_shared>>
      tpu.enqueue_dma source(%arg10 : memref<16x128xf32, #tpu.memory_space<vmem>>) target(%dma_start3A_196 : memref<16x128xf32, #tpu.memory_space<vmem_shared>>) target_semaphore(%run_scoped3A : memref<!tpu.dma_semaphore, #tpu.memory_space<semaphore_mem>>)
      %dma_wait3A = arith.constant 0 : i32
      %dma_wait3A_197 = tpu.memref_slice %arg6[%add3A_103, %dma_wait3A] : memref<10240x128xf32, #tpu.memory_space<vmem_shared>> -> memref<16x128xf32, #tpu.memory_space<vmem_shared>>
      %dma_wait3A_198 = arith.constant 0 : i32
      %dma_wait3A_199 = tpu.memref_slice %arg6[%add3A_103, %dma_wait3A_198] : memref<10240x128xf32, #tpu.memory_space<vmem_shared>> -> memref<16x128xf32, #tpu.memory_space<vmem_shared>>
      tpu.wait_dma2 semaphore(%run_scoped3A : memref<!tpu.dma_semaphore, #tpu.memory_space<semaphore_mem>>) src(%arg10 : memref<16x128xf32, #tpu.memory_space<vmem>>) dst(%dma_wait3A_199 : memref<16x128xf32, #tpu.memory_space<vmem_shared>>)
      tpu.yield
    }) : () -> ()
    %mul3A_104 = arith.constant 640 : i32
    %mul3A_105 = arith.muli %arg1, %mul3A_104 : i32
    %add3A_106 = arith.constant 384 : i32
    %add3A_107 = arith.addi %mul3A_105, %add3A_106 : i32
    "tpu.region"() ({
      %run_scoped3A = tpu.sem_alloc : memref<!tpu.dma_semaphore, #tpu.memory_space<semaphore_mem>>
      %dma_start3A = arith.constant 0 : i32
      %dma_start3A_194 = tpu.memref_slice %arg6[%add3A_107, %dma_start3A] : memref<10240x128xf32, #tpu.memory_space<vmem_shared>> -> memref<16x128xf32, #tpu.memory_space<vmem_shared>>
      %dma_start3A_195 = arith.constant 0 : i32
      %dma_start3A_196 = tpu.memref_slice %arg6[%add3A_107, %dma_start3A_195] : memref<10240x128xf32, #tpu.memory_space<vmem_shared>> -> memref<16x128xf32, #tpu.memory_space<vmem_shared>>
      tpu.enqueue_dma source(%arg10 : memref<16x128xf32, #tpu.memory_space<vmem>>) target(%dma_start3A_196 : memref<16x128xf32, #tpu.memory_space<vmem_shared>>) target_semaphore(%run_scoped3A : memref<!tpu.dma_semaphore, #tpu.memory_space<semaphore_mem>>)
      %dma_wait3A = arith.constant 0 : i32
      %dma_wait3A_197 = tpu.memref_slice %arg6[%add3A_107, %dma_wait3A] : memref<10240x128xf32, #tpu.memory_space<vmem_shared>> -> memref<16x128xf32, #tpu.memory_space<vmem_shared>>
      %dma_wait3A_198 = arith.constant 0 : i32
      %dma_wait3A_199 = tpu.memref_slice %arg6[%add3A_107, %dma_wait3A_198] : memref<10240x128xf32, #tpu.memory_space<vmem_shared>> -> memref<16x128xf32, #tpu.memory_space<vmem_shared>>
      tpu.wait_dma2 semaphore(%run_scoped3A : memref<!tpu.dma_semaphore, #tpu.memory_space<semaphore_mem>>) src(%arg10 : memref<16x128xf32, #tpu.memory_space<vmem>>) dst(%dma_wait3A_199 : memref<16x128xf32, #tpu.memory_space<vmem_shared>>)
      tpu.yield
    }) : () -> ()
    %mul3A_108 = arith.constant 640 : i32
    %mul3A_109 = arith.muli %arg1, %mul3A_108 : i32
    %add3A_110 = arith.constant 400 : i32
    %add3A_111 = arith.addi %mul3A_109, %add3A_110 : i32
    "tpu.region"() ({
      %run_scoped3A = tpu.sem_alloc : memref<!tpu.dma_semaphore, #tpu.memory_space<semaphore_mem>>
      %dma_start3A = arith.constant 0 : i32
      %dma_start3A_194 = tpu.memref_slice %arg6[%add3A_111, %dma_start3A] : memref<10240x128xf32, #tpu.memory_space<vmem_shared>> -> memref<16x128xf32, #tpu.memory_space<vmem_shared>>
      %dma_start3A_195 = arith.constant 0 : i32
      %dma_start3A_196 = tpu.memref_slice %arg6[%add3A_111, %dma_start3A_195] : memref<10240x128xf32, #tpu.memory_space<vmem_shared>> -> memref<16x128xf32, #tpu.memory_space<vmem_shared>>
      tpu.enqueue_dma source(%arg10 : memref<16x128xf32, #tpu.memory_space<vmem>>) target(%dma_start3A_196 : memref<16x128xf32, #tpu.memory_space<vmem_shared>>) target_semaphore(%run_scoped3A : memref<!tpu.dma_semaphore, #tpu.memory_space<semaphore_mem>>)
      %dma_wait3A = arith.constant 0 : i32
      %dma_wait3A_197 = tpu.memref_slice %arg6[%add3A_111, %dma_wait3A] : memref<10240x128xf32, #tpu.memory_space<vmem_shared>> -> memref<16x128xf32, #tpu.memory_space<vmem_shared>>
      %dma_wait3A_198 = arith.constant 0 : i32
      %dma_wait3A_199 = tpu.memref_slice %arg6[%add3A_111, %dma_wait3A_198] : memref<10240x128xf32, #tpu.memory_space<vmem_shared>> -> memref<16x128xf32, #tpu.memory_space<vmem_shared>>
      tpu.wait_dma2 semaphore(%run_scoped3A : memref<!tpu.dma_semaphore, #tpu.memory_space<semaphore_mem>>) src(%arg10 : memref<16x128xf32, #tpu.memory_space<vmem>>) dst(%dma_wait3A_199 : memref<16x128xf32, #tpu.memory_space<vmem_shared>>)
      tpu.yield
    }) : () -> ()
    %mul3A_112 = arith.constant 640 : i32
    %mul3A_113 = arith.muli %arg1, %mul3A_112 : i32
    %add3A_114 = arith.constant 416 : i32
    %add3A_115 = arith.addi %mul3A_113, %add3A_114 : i32
    "tpu.region"() ({
      %run_scoped3A = tpu.sem_alloc : memref<!tpu.dma_semaphore, #tpu.memory_space<semaphore_mem>>
      %dma_start3A = arith.constant 0 : i32
      %dma_start3A_194 = tpu.memref_slice %arg6[%add3A_115, %dma_start3A] : memref<10240x128xf32, #tpu.memory_space<vmem_shared>> -> memref<16x128xf32, #tpu.memory_space<vmem_shared>>
      %dma_start3A_195 = arith.constant 0 : i32
      %dma_start3A_196 = tpu.memref_slice %arg6[%add3A_115, %dma_start3A_195] : memref<10240x128xf32, #tpu.memory_space<vmem_shared>> -> memref<16x128xf32, #tpu.memory_space<vmem_shared>>
      tpu.enqueue_dma source(%arg10 : memref<16x128xf32, #tpu.memory_space<vmem>>) target(%dma_start3A_196 : memref<16x128xf32, #tpu.memory_space<vmem_shared>>) target_semaphore(%run_scoped3A : memref<!tpu.dma_semaphore, #tpu.memory_space<semaphore_mem>>)
      %dma_wait3A = arith.constant 0 : i32
      %dma_wait3A_197 = tpu.memref_slice %arg6[%add3A_115, %dma_wait3A] : memref<10240x128xf32, #tpu.memory_space<vmem_shared>> -> memref<16x128xf32, #tpu.memory_space<vmem_shared>>
      %dma_wait3A_198 = arith.constant 0 : i32
      %dma_wait3A_199 = tpu.memref_slice %arg6[%add3A_115, %dma_wait3A_198] : memref<10240x128xf32, #tpu.memory_space<vmem_shared>> -> memref<16x128xf32, #tpu.memory_space<vmem_shared>>
      tpu.wait_dma2 semaphore(%run_scoped3A : memref<!tpu.dma_semaphore, #tpu.memory_space<semaphore_mem>>) src(%arg10 : memref<16x128xf32, #tpu.memory_space<vmem>>) dst(%dma_wait3A_199 : memref<16x128xf32, #tpu.memory_space<vmem_shared>>)
      tpu.yield
    }) : () -> ()
    %mul3A_116 = arith.constant 640 : i32
    %mul3A_117 = arith.muli %arg1, %mul3A_116 : i32
    %add3A_118 = arith.constant 432 : i32
    %add3A_119 = arith.addi %mul3A_117, %add3A_118 : i32
    "tpu.region"() ({
      %run_scoped3A = tpu.sem_alloc : memref<!tpu.dma_semaphore, #tpu.memory_space<semaphore_mem>>
      %dma_start3A = arith.constant 0 : i32
      %dma_start3A_194 = tpu.memref_slice %arg6[%add3A_119, %dma_start3A] : memref<10240x128xf32, #tpu.memory_space<vmem_shared>> -> memref<16x128xf32, #tpu.memory_space<vmem_shared>>
      %dma_start3A_195 = arith.constant 0 : i32
      %dma_start3A_196 = tpu.memref_slice %arg6[%add3A_119, %dma_start3A_195] : memref<10240x128xf32, #tpu.memory_space<vmem_shared>> -> memref<16x128xf32, #tpu.memory_space<vmem_shared>>
      tpu.enqueue_dma source(%arg10 : memref<16x128xf32, #tpu.memory_space<vmem>>) target(%dma_start3A_196 : memref<16x128xf32, #tpu.memory_space<vmem_shared>>) target_semaphore(%run_scoped3A : memref<!tpu.dma_semaphore, #tpu.memory_space<semaphore_mem>>)
      %dma_wait3A = arith.constant 0 : i32
      %dma_wait3A_197 = tpu.memref_slice %arg6[%add3A_119, %dma_wait3A] : memref<10240x128xf32, #tpu.memory_space<vmem_shared>> -> memref<16x128xf32, #tpu.memory_space<vmem_shared>>
      %dma_wait3A_198 = arith.constant 0 : i32
      %dma_wait3A_199 = tpu.memref_slice %arg6[%add3A_119, %dma_wait3A_198] : memref<10240x128xf32, #tpu.memory_space<vmem_shared>> -> memref<16x128xf32, #tpu.memory_space<vmem_shared>>
      tpu.wait_dma2 semaphore(%run_scoped3A : memref<!tpu.dma_semaphore, #tpu.memory_space<semaphore_mem>>) src(%arg10 : memref<16x128xf32, #tpu.memory_space<vmem>>) dst(%dma_wait3A_199 : memref<16x128xf32, #tpu.memory_space<vmem_shared>>)
      tpu.yield
    }) : () -> ()
    %mul3A_120 = arith.constant 640 : i32
    %mul3A_121 = arith.muli %arg1, %mul3A_120 : i32
    %add3A_122 = arith.constant 448 : i32
    %add3A_123 = arith.addi %mul3A_121, %add3A_122 : i32
    "tpu.region"() ({
      %run_scoped3A = tpu.sem_alloc : memref<!tpu.dma_semaphore, #tpu.memory_space<semaphore_mem>>
      %dma_start3A = arith.constant 0 : i32
      %dma_start3A_194 = tpu.memref_slice %arg6[%add3A_123, %dma_start3A] : memref<10240x128xf32, #tpu.memory_space<vmem_shared>> -> memref<16x128xf32, #tpu.memory_space<vmem_shared>>
      %dma_start3A_195 = arith.constant 0 : i32
      %dma_start3A_196 = tpu.memref_slice %arg6[%add3A_123, %dma_start3A_195] : memref<10240x128xf32, #tpu.memory_space<vmem_shared>> -> memref<16x128xf32, #tpu.memory_space<vmem_shared>>
      tpu.enqueue_dma source(%arg10 : memref<16x128xf32, #tpu.memory_space<vmem>>) target(%dma_start3A_196 : memref<16x128xf32, #tpu.memory_space<vmem_shared>>) target_semaphore(%run_scoped3A : memref<!tpu.dma_semaphore, #tpu.memory_space<semaphore_mem>>)
      %dma_wait3A = arith.constant 0 : i32
      %dma_wait3A_197 = tpu.memref_slice %arg6[%add3A_123, %dma_wait3A] : memref<10240x128xf32, #tpu.memory_space<vmem_shared>> -> memref<16x128xf32, #tpu.memory_space<vmem_shared>>
      %dma_wait3A_198 = arith.constant 0 : i32
      %dma_wait3A_199 = tpu.memref_slice %arg6[%add3A_123, %dma_wait3A_198] : memref<10240x128xf32, #tpu.memory_space<vmem_shared>> -> memref<16x128xf32, #tpu.memory_space<vmem_shared>>
      tpu.wait_dma2 semaphore(%run_scoped3A : memref<!tpu.dma_semaphore, #tpu.memory_space<semaphore_mem>>) src(%arg10 : memref<16x128xf32, #tpu.memory_space<vmem>>) dst(%dma_wait3A_199 : memref<16x128xf32, #tpu.memory_space<vmem_shared>>)
      tpu.yield
    }) : () -> ()
    %mul3A_124 = arith.constant 640 : i32
    %mul3A_125 = arith.muli %arg1, %mul3A_124 : i32
    %add3A_126 = arith.constant 464 : i32
    %add3A_127 = arith.addi %mul3A_125, %add3A_126 : i32
    "tpu.region"() ({
      %run_scoped3A = tpu.sem_alloc : memref<!tpu.dma_semaphore, #tpu.memory_space<semaphore_mem>>
      %dma_start3A = arith.constant 0 : i32
      %dma_start3A_194 = tpu.memref_slice %arg6[%add3A_127, %dma_start3A] : memref<10240x128xf32, #tpu.memory_space<vmem_shared>> -> memref<16x128xf32, #tpu.memory_space<vmem_shared>>
      %dma_start3A_195 = arith.constant 0 : i32
      %dma_start3A_196 = tpu.memref_slice %arg6[%add3A_127, %dma_start3A_195] : memref<10240x128xf32, #tpu.memory_space<vmem_shared>> -> memref<16x128xf32, #tpu.memory_space<vmem_shared>>
      tpu.enqueue_dma source(%arg10 : memref<16x128xf32, #tpu.memory_space<vmem>>) target(%dma_start3A_196 : memref<16x128xf32, #tpu.memory_space<vmem_shared>>) target_semaphore(%run_scoped3A : memref<!tpu.dma_semaphore, #tpu.memory_space<semaphore_mem>>)
      %dma_wait3A = arith.constant 0 : i32
      %dma_wait3A_197 = tpu.memref_slice %arg6[%add3A_127, %dma_wait3A] : memref<10240x128xf32, #tpu.memory_space<vmem_shared>> -> memref<16x128xf32, #tpu.memory_space<vmem_shared>>
      %dma_wait3A_198 = arith.constant 0 : i32
      %dma_wait3A_199 = tpu.memref_slice %arg6[%add3A_127, %dma_wait3A_198] : memref<10240x128xf32, #tpu.memory_space<vmem_shared>> -> memref<16x128xf32, #tpu.memory_space<vmem_shared>>
      tpu.wait_dma2 semaphore(%run_scoped3A : memref<!tpu.dma_semaphore, #tpu.memory_space<semaphore_mem>>) src(%arg10 : memref<16x128xf32, #tpu.memory_space<vmem>>) dst(%dma_wait3A_199 : memref<16x128xf32, #tpu.memory_space<vmem_shared>>)
      tpu.yield
    }) : () -> ()
    %mul3A_128 = arith.constant 640 : i32
    %mul3A_129 = arith.muli %arg1, %mul3A_128 : i32
    %add3A_130 = arith.constant 480 : i32
    %add3A_131 = arith.addi %mul3A_129, %add3A_130 : i32
    "tpu.region"() ({
      %run_scoped3A = tpu.sem_alloc : memref<!tpu.dma_semaphore, #tpu.memory_space<semaphore_mem>>
      %dma_start3A = arith.constant 0 : i32
      %dma_start3A_194 = tpu.memref_slice %arg6[%add3A_131, %dma_start3A] : memref<10240x128xf32, #tpu.memory_space<vmem_shared>> -> memref<16x128xf32, #tpu.memory_space<vmem_shared>>
      %dma_start3A_195 = arith.constant 0 : i32
      %dma_start3A_196 = tpu.memref_slice %arg6[%add3A_131, %dma_start3A_195] : memref<10240x128xf32, #tpu.memory_space<vmem_shared>> -> memref<16x128xf32, #tpu.memory_space<vmem_shared>>
      tpu.enqueue_dma source(%arg10 : memref<16x128xf32, #tpu.memory_space<vmem>>) target(%dma_start3A_196 : memref<16x128xf32, #tpu.memory_space<vmem_shared>>) target_semaphore(%run_scoped3A : memref<!tpu.dma_semaphore, #tpu.memory_space<semaphore_mem>>)
      %dma_wait3A = arith.constant 0 : i32
      %dma_wait3A_197 = tpu.memref_slice %arg6[%add3A_131, %dma_wait3A] : memref<10240x128xf32, #tpu.memory_space<vmem_shared>> -> memref<16x128xf32, #tpu.memory_space<vmem_shared>>
      %dma_wait3A_198 = arith.constant 0 : i32
      %dma_wait3A_199 = tpu.memref_slice %arg6[%add3A_131, %dma_wait3A_198] : memref<10240x128xf32, #tpu.memory_space<vmem_shared>> -> memref<16x128xf32, #tpu.memory_space<vmem_shared>>
      tpu.wait_dma2 semaphore(%run_scoped3A : memref<!tpu.dma_semaphore, #tpu.memory_space<semaphore_mem>>) src(%arg10 : memref<16x128xf32, #tpu.memory_space<vmem>>) dst(%dma_wait3A_199 : memref<16x128xf32, #tpu.memory_space<vmem_shared>>)
      tpu.yield
    }) : () -> ()
    %mul3A_132 = arith.constant 640 : i32
    %mul3A_133 = arith.muli %arg1, %mul3A_132 : i32
    %add3A_134 = arith.constant 496 : i32
    %add3A_135 = arith.addi %mul3A_133, %add3A_134 : i32
    "tpu.region"() ({
      %run_scoped3A = tpu.sem_alloc : memref<!tpu.dma_semaphore, #tpu.memory_space<semaphore_mem>>
      %dma_start3A = arith.constant 0 : i32
      %dma_start3A_194 = tpu.memref_slice %arg6[%add3A_135, %dma_start3A] : memref<10240x128xf32, #tpu.memory_space<vmem_shared>> -> memref<16x128xf32, #tpu.memory_space<vmem_shared>>
      %dma_start3A_195 = arith.constant 0 : i32
      %dma_start3A_196 = tpu.memref_slice %arg6[%add3A_135, %dma_start3A_195] : memref<10240x128xf32, #tpu.memory_space<vmem_shared>> -> memref<16x128xf32, #tpu.memory_space<vmem_shared>>
      tpu.enqueue_dma source(%arg10 : memref<16x128xf32, #tpu.memory_space<vmem>>) target(%dma_start3A_196 : memref<16x128xf32, #tpu.memory_space<vmem_shared>>) target_semaphore(%run_scoped3A : memref<!tpu.dma_semaphore, #tpu.memory_space<semaphore_mem>>)
      %dma_wait3A = arith.constant 0 : i32
      %dma_wait3A_197 = tpu.memref_slice %arg6[%add3A_135, %dma_wait3A] : memref<10240x128xf32, #tpu.memory_space<vmem_shared>> -> memref<16x128xf32, #tpu.memory_space<vmem_shared>>
      %dma_wait3A_198 = arith.constant 0 : i32
      %dma_wait3A_199 = tpu.memref_slice %arg6[%add3A_135, %dma_wait3A_198] : memref<10240x128xf32, #tpu.memory_space<vmem_shared>> -> memref<16x128xf32, #tpu.memory_space<vmem_shared>>
      tpu.wait_dma2 semaphore(%run_scoped3A : memref<!tpu.dma_semaphore, #tpu.memory_space<semaphore_mem>>) src(%arg10 : memref<16x128xf32, #tpu.memory_space<vmem>>) dst(%dma_wait3A_199 : memref<16x128xf32, #tpu.memory_space<vmem_shared>>)
      tpu.yield
    }) : () -> ()
    %mul3A_136 = arith.constant 640 : i32
    %mul3A_137 = arith.muli %arg1, %mul3A_136 : i32
    %add3A_138 = arith.constant 512 : i32
    %add3A_139 = arith.addi %mul3A_137, %add3A_138 : i32
    "tpu.region"() ({
      %run_scoped3A = tpu.sem_alloc : memref<!tpu.dma_semaphore, #tpu.memory_space<semaphore_mem>>
      %dma_start3A = arith.constant 0 : i32
      %dma_start3A_194 = tpu.memref_slice %arg6[%add3A_139, %dma_start3A] : memref<10240x128xf32, #tpu.memory_space<vmem_shared>> -> memref<16x128xf32, #tpu.memory_space<vmem_shared>>
      %dma_start3A_195 = arith.constant 0 : i32
      %dma_start3A_196 = tpu.memref_slice %arg6[%add3A_139, %dma_start3A_195] : memref<10240x128xf32, #tpu.memory_space<vmem_shared>> -> memref<16x128xf32, #tpu.memory_space<vmem_shared>>
      tpu.enqueue_dma source(%arg10 : memref<16x128xf32, #tpu.memory_space<vmem>>) target(%dma_start3A_196 : memref<16x128xf32, #tpu.memory_space<vmem_shared>>) target_semaphore(%run_scoped3A : memref<!tpu.dma_semaphore, #tpu.memory_space<semaphore_mem>>)
      %dma_wait3A = arith.constant 0 : i32
      %dma_wait3A_197 = tpu.memref_slice %arg6[%add3A_139, %dma_wait3A] : memref<10240x128xf32, #tpu.memory_space<vmem_shared>> -> memref<16x128xf32, #tpu.memory_space<vmem_shared>>
      %dma_wait3A_198 = arith.constant 0 : i32
      %dma_wait3A_199 = tpu.memref_slice %arg6[%add3A_139, %dma_wait3A_198] : memref<10240x128xf32, #tpu.memory_space<vmem_shared>> -> memref<16x128xf32, #tpu.memory_space<vmem_shared>>
      tpu.wait_dma2 semaphore(%run_scoped3A : memref<!tpu.dma_semaphore, #tpu.memory_space<semaphore_mem>>) src(%arg10 : memref<16x128xf32, #tpu.memory_space<vmem>>) dst(%dma_wait3A_199 : memref<16x128xf32, #tpu.memory_space<vmem_shared>>)
      tpu.yield
    }) : () -> ()
    %mul3A_140 = arith.constant 640 : i32
    %mul3A_141 = arith.muli %arg1, %mul3A_140 : i32
    %add3A_142 = arith.constant 528 : i32
    %add3A_143 = arith.addi %mul3A_141, %add3A_142 : i32
    "tpu.region"() ({
      %run_scoped3A = tpu.sem_alloc : memref<!tpu.dma_semaphore, #tpu.memory_space<semaphore_mem>>
      %dma_start3A = arith.constant 0 : i32
      %dma_start3A_194 = tpu.memref_slice %arg6[%add3A_143, %dma_start3A] : memref<10240x128xf32, #tpu.memory_space<vmem_shared>> -> memref<16x128xf32, #tpu.memory_space<vmem_shared>>
      %dma_start3A_195 = arith.constant 0 : i32
      %dma_start3A_196 = tpu.memref_slice %arg6[%add3A_143, %dma_start3A_195] : memref<10240x128xf32, #tpu.memory_space<vmem_shared>> -> memref<16x128xf32, #tpu.memory_space<vmem_shared>>
      tpu.enqueue_dma source(%arg10 : memref<16x128xf32, #tpu.memory_space<vmem>>) target(%dma_start3A_196 : memref<16x128xf32, #tpu.memory_space<vmem_shared>>) target_semaphore(%run_scoped3A : memref<!tpu.dma_semaphore, #tpu.memory_space<semaphore_mem>>)
      %dma_wait3A = arith.constant 0 : i32
      %dma_wait3A_197 = tpu.memref_slice %arg6[%add3A_143, %dma_wait3A] : memref<10240x128xf32, #tpu.memory_space<vmem_shared>> -> memref<16x128xf32, #tpu.memory_space<vmem_shared>>
      %dma_wait3A_198 = arith.constant 0 : i32
      %dma_wait3A_199 = tpu.memref_slice %arg6[%add3A_143, %dma_wait3A_198] : memref<10240x128xf32, #tpu.memory_space<vmem_shared>> -> memref<16x128xf32, #tpu.memory_space<vmem_shared>>
      tpu.wait_dma2 semaphore(%run_scoped3A : memref<!tpu.dma_semaphore, #tpu.memory_space<semaphore_mem>>) src(%arg10 : memref<16x128xf32, #tpu.memory_space<vmem>>) dst(%dma_wait3A_199 : memref<16x128xf32, #tpu.memory_space<vmem_shared>>)
      tpu.yield
    }) : () -> ()
    %mul3A_144 = arith.constant 640 : i32
    %mul3A_145 = arith.muli %arg1, %mul3A_144 : i32
    %add3A_146 = arith.constant 544 : i32
    %add3A_147 = arith.addi %mul3A_145, %add3A_146 : i32
    "tpu.region"() ({
      %run_scoped3A = tpu.sem_alloc : memref<!tpu.dma_semaphore, #tpu.memory_space<semaphore_mem>>
      %dma_start3A = arith.constant 0 : i32
      %dma_start3A_194 = tpu.memref_slice %arg6[%add3A_147, %dma_start3A] : memref<10240x128xf32, #tpu.memory_space<vmem_shared>> -> memref<16x128xf32, #tpu.memory_space<vmem_shared>>
      %dma_start3A_195 = arith.constant 0 : i32
      %dma_start3A_196 = tpu.memref_slice %arg6[%add3A_147, %dma_start3A_195] : memref<10240x128xf32, #tpu.memory_space<vmem_shared>> -> memref<16x128xf32, #tpu.memory_space<vmem_shared>>
      tpu.enqueue_dma source(%arg10 : memref<16x128xf32, #tpu.memory_space<vmem>>) target(%dma_start3A_196 : memref<16x128xf32, #tpu.memory_space<vmem_shared>>) target_semaphore(%run_scoped3A : memref<!tpu.dma_semaphore, #tpu.memory_space<semaphore_mem>>)
      %dma_wait3A = arith.constant 0 : i32
      %dma_wait3A_197 = tpu.memref_slice %arg6[%add3A_147, %dma_wait3A] : memref<10240x128xf32, #tpu.memory_space<vmem_shared>> -> memref<16x128xf32, #tpu.memory_space<vmem_shared>>
      %dma_wait3A_198 = arith.constant 0 : i32
      %dma_wait3A_199 = tpu.memref_slice %arg6[%add3A_147, %dma_wait3A_198] : memref<10240x128xf32, #tpu.memory_space<vmem_shared>> -> memref<16x128xf32, #tpu.memory_space<vmem_shared>>
      tpu.wait_dma2 semaphore(%run_scoped3A : memref<!tpu.dma_semaphore, #tpu.memory_space<semaphore_mem>>) src(%arg10 : memref<16x128xf32, #tpu.memory_space<vmem>>) dst(%dma_wait3A_199 : memref<16x128xf32, #tpu.memory_space<vmem_shared>>)
      tpu.yield
    }) : () -> ()
    %mul3A_148 = arith.constant 640 : i32
    %mul3A_149 = arith.muli %arg1, %mul3A_148 : i32
    %add3A_150 = arith.constant 560 : i32
    %add3A_151 = arith.addi %mul3A_149, %add3A_150 : i32
    "tpu.region"() ({
      %run_scoped3A = tpu.sem_alloc : memref<!tpu.dma_semaphore, #tpu.memory_space<semaphore_mem>>
      %dma_start3A = arith.constant 0 : i32
      %dma_start3A_194 = tpu.memref_slice %arg6[%add3A_151, %dma_start3A] : memref<10240x128xf32, #tpu.memory_space<vmem_shared>> -> memref<16x128xf32, #tpu.memory_space<vmem_shared>>
      %dma_start3A_195 = arith.constant 0 : i32
      %dma_start3A_196 = tpu.memref_slice %arg6[%add3A_151, %dma_start3A_195] : memref<10240x128xf32, #tpu.memory_space<vmem_shared>> -> memref<16x128xf32, #tpu.memory_space<vmem_shared>>
      tpu.enqueue_dma source(%arg10 : memref<16x128xf32, #tpu.memory_space<vmem>>) target(%dma_start3A_196 : memref<16x128xf32, #tpu.memory_space<vmem_shared>>) target_semaphore(%run_scoped3A : memref<!tpu.dma_semaphore, #tpu.memory_space<semaphore_mem>>)
      %dma_wait3A = arith.constant 0 : i32
      %dma_wait3A_197 = tpu.memref_slice %arg6[%add3A_151, %dma_wait3A] : memref<10240x128xf32, #tpu.memory_space<vmem_shared>> -> memref<16x128xf32, #tpu.memory_space<vmem_shared>>
      %dma_wait3A_198 = arith.constant 0 : i32
      %dma_wait3A_199 = tpu.memref_slice %arg6[%add3A_151, %dma_wait3A_198] : memref<10240x128xf32, #tpu.memory_space<vmem_shared>> -> memref<16x128xf32, #tpu.memory_space<vmem_shared>>
      tpu.wait_dma2 semaphore(%run_scoped3A : memref<!tpu.dma_semaphore, #tpu.memory_space<semaphore_mem>>) src(%arg10 : memref<16x128xf32, #tpu.memory_space<vmem>>) dst(%dma_wait3A_199 : memref<16x128xf32, #tpu.memory_space<vmem_shared>>)
      tpu.yield
    }) : () -> ()
    %mul3A_152 = arith.constant 640 : i32
    %mul3A_153 = arith.muli %arg1, %mul3A_152 : i32
    %add3A_154 = arith.constant 576 : i32
    %add3A_155 = arith.addi %mul3A_153, %add3A_154 : i32
    "tpu.region"() ({
      %run_scoped3A = tpu.sem_alloc : memref<!tpu.dma_semaphore, #tpu.memory_space<semaphore_mem>>
      %dma_start3A = arith.constant 0 : i32
      %dma_start3A_194 = tpu.memref_slice %arg6[%add3A_155, %dma_start3A] : memref<10240x128xf32, #tpu.memory_space<vmem_shared>> -> memref<16x128xf32, #tpu.memory_space<vmem_shared>>
      %dma_start3A_195 = arith.constant 0 : i32
      %dma_start3A_196 = tpu.memref_slice %arg6[%add3A_155, %dma_start3A_195] : memref<10240x128xf32, #tpu.memory_space<vmem_shared>> -> memref<16x128xf32, #tpu.memory_space<vmem_shared>>
      tpu.enqueue_dma source(%arg10 : memref<16x128xf32, #tpu.memory_space<vmem>>) target(%dma_start3A_196 : memref<16x128xf32, #tpu.memory_space<vmem_shared>>) target_semaphore(%run_scoped3A : memref<!tpu.dma_semaphore, #tpu.memory_space<semaphore_mem>>)
      %dma_wait3A = arith.constant 0 : i32
      %dma_wait3A_197 = tpu.memref_slice %arg6[%add3A_155, %dma_wait3A] : memref<10240x128xf32, #tpu.memory_space<vmem_shared>> -> memref<16x128xf32, #tpu.memory_space<vmem_shared>>
      %dma_wait3A_198 = arith.constant 0 : i32
      %dma_wait3A_199 = tpu.memref_slice %arg6[%add3A_155, %dma_wait3A_198] : memref<10240x128xf32, #tpu.memory_space<vmem_shared>> -> memref<16x128xf32, #tpu.memory_space<vmem_shared>>
      tpu.wait_dma2 semaphore(%run_scoped3A : memref<!tpu.dma_semaphore, #tpu.memory_space<semaphore_mem>>) src(%arg10 : memref<16x128xf32, #tpu.memory_space<vmem>>) dst(%dma_wait3A_199 : memref<16x128xf32, #tpu.memory_space<vmem_shared>>)
      tpu.yield
    }) : () -> ()
    %mul3A_156 = arith.constant 640 : i32
    %mul3A_157 = arith.muli %arg1, %mul3A_156 : i32
    %add3A_158 = arith.constant 592 : i32
    %add3A_159 = arith.addi %mul3A_157, %add3A_158 : i32
    "tpu.region"() ({
      %run_scoped3A = tpu.sem_alloc : memref<!tpu.dma_semaphore, #tpu.memory_space<semaphore_mem>>
      %dma_start3A = arith.constant 0 : i32
      %dma_start3A_194 = tpu.memref_slice %arg6[%add3A_159, %dma_start3A] : memref<10240x128xf32, #tpu.memory_space<vmem_shared>> -> memref<16x128xf32, #tpu.memory_space<vmem_shared>>
      %dma_start3A_195 = arith.constant 0 : i32
      %dma_start3A_196 = tpu.memref_slice %arg6[%add3A_159, %dma_start3A_195] : memref<10240x128xf32, #tpu.memory_space<vmem_shared>> -> memref<16x128xf32, #tpu.memory_space<vmem_shared>>
      tpu.enqueue_dma source(%arg10 : memref<16x128xf32, #tpu.memory_space<vmem>>) target(%dma_start3A_196 : memref<16x128xf32, #tpu.memory_space<vmem_shared>>) target_semaphore(%run_scoped3A : memref<!tpu.dma_semaphore, #tpu.memory_space<semaphore_mem>>)
      %dma_wait3A = arith.constant 0 : i32
      %dma_wait3A_197 = tpu.memref_slice %arg6[%add3A_159, %dma_wait3A] : memref<10240x128xf32, #tpu.memory_space<vmem_shared>> -> memref<16x128xf32, #tpu.memory_space<vmem_shared>>
      %dma_wait3A_198 = arith.constant 0 : i32
      %dma_wait3A_199 = tpu.memref_slice %arg6[%add3A_159, %dma_wait3A_198] : memref<10240x128xf32, #tpu.memory_space<vmem_shared>> -> memref<16x128xf32, #tpu.memory_space<vmem_shared>>
      tpu.wait_dma2 semaphore(%run_scoped3A : memref<!tpu.dma_semaphore, #tpu.memory_space<semaphore_mem>>) src(%arg10 : memref<16x128xf32, #tpu.memory_space<vmem>>) dst(%dma_wait3A_199 : memref<16x128xf32, #tpu.memory_space<vmem_shared>>)
      tpu.yield
    }) : () -> ()
    %mul3A_160 = arith.constant 640 : i32
    %mul3A_161 = arith.muli %arg1, %mul3A_160 : i32
    %add3A_162 = arith.constant 608 : i32
    %add3A_163 = arith.addi %mul3A_161, %add3A_162 : i32
    "tpu.region"() ({
      %run_scoped3A = tpu.sem_alloc : memref<!tpu.dma_semaphore, #tpu.memory_space<semaphore_mem>>
      %dma_start3A = arith.constant 0 : i32
      %dma_start3A_194 = tpu.memref_slice %arg6[%add3A_163, %dma_start3A] : memref<10240x128xf32, #tpu.memory_space<vmem_shared>> -> memref<16x128xf32, #tpu.memory_space<vmem_shared>>
      %dma_start3A_195 = arith.constant 0 : i32
      %dma_start3A_196 = tpu.memref_slice %arg6[%add3A_163, %dma_start3A_195] : memref<10240x128xf32, #tpu.memory_space<vmem_shared>> -> memref<16x128xf32, #tpu.memory_space<vmem_shared>>
      tpu.enqueue_dma source(%arg10 : memref<16x128xf32, #tpu.memory_space<vmem>>) target(%dma_start3A_196 : memref<16x128xf32, #tpu.memory_space<vmem_shared>>) target_semaphore(%run_scoped3A : memref<!tpu.dma_semaphore, #tpu.memory_space<semaphore_mem>>)
      %dma_wait3A = arith.constant 0 : i32
      %dma_wait3A_197 = tpu.memref_slice %arg6[%add3A_163, %dma_wait3A] : memref<10240x128xf32, #tpu.memory_space<vmem_shared>> -> memref<16x128xf32, #tpu.memory_space<vmem_shared>>
      %dma_wait3A_198 = arith.constant 0 : i32
      %dma_wait3A_199 = tpu.memref_slice %arg6[%add3A_163, %dma_wait3A_198] : memref<10240x128xf32, #tpu.memory_space<vmem_shared>> -> memref<16x128xf32, #tpu.memory_space<vmem_shared>>
      tpu.wait_dma2 semaphore(%run_scoped3A : memref<!tpu.dma_semaphore, #tpu.memory_space<semaphore_mem>>) src(%arg10 : memref<16x128xf32, #tpu.memory_space<vmem>>) dst(%dma_wait3A_199 : memref<16x128xf32, #tpu.memory_space<vmem_shared>>)
      tpu.yield
    }) : () -> ()
    %mul3A_164 = arith.constant 640 : i32
    %mul3A_165 = arith.muli %arg1, %mul3A_164 : i32
    %add3A_166 = arith.constant 624 : i32
    %add3A_167 = arith.addi %mul3A_165, %add3A_166 : i32
    "tpu.region"() ({
      %run_scoped3A = tpu.sem_alloc : memref<!tpu.dma_semaphore, #tpu.memory_space<semaphore_mem>>
      %dma_start3A = arith.constant 0 : i32
      %dma_start3A_194 = tpu.memref_slice %arg6[%add3A_167, %dma_start3A] : memref<10240x128xf32, #tpu.memory_space<vmem_shared>> -> memref<16x128xf32, #tpu.memory_space<vmem_shared>>
      %dma_start3A_195 = arith.constant 0 : i32
      %dma_start3A_196 = tpu.memref_slice %arg6[%add3A_167, %dma_start3A_195] : memref<10240x128xf32, #tpu.memory_space<vmem_shared>> -> memref<16x128xf32, #tpu.memory_space<vmem_shared>>
      tpu.enqueue_dma source(%arg10 : memref<16x128xf32, #tpu.memory_space<vmem>>) target(%dma_start3A_196 : memref<16x128xf32, #tpu.memory_space<vmem_shared>>) target_semaphore(%run_scoped3A : memref<!tpu.dma_semaphore, #tpu.memory_space<semaphore_mem>>)
      %dma_wait3A = arith.constant 0 : i32
      %dma_wait3A_197 = tpu.memref_slice %arg6[%add3A_167, %dma_wait3A] : memref<10240x128xf32, #tpu.memory_space<vmem_shared>> -> memref<16x128xf32, #tpu.memory_space<vmem_shared>>
      %dma_wait3A_198 = arith.constant 0 : i32
      %dma_wait3A_199 = tpu.memref_slice %arg6[%add3A_167, %dma_wait3A_198] : memref<10240x128xf32, #tpu.memory_space<vmem_shared>> -> memref<16x128xf32, #tpu.memory_space<vmem_shared>>
      tpu.wait_dma2 semaphore(%run_scoped3A : memref<!tpu.dma_semaphore, #tpu.memory_space<semaphore_mem>>) src(%arg10 : memref<16x128xf32, #tpu.memory_space<vmem>>) dst(%dma_wait3A_199 : memref<16x128xf32, #tpu.memory_space<vmem_shared>>)
      tpu.yield
    }) : () -> ()
    %barrier3A = arith.constant 0 : index
    tpu.barrier barrier_id(%barrier3A)
    %scan3A_168 = arith.constant 0 : i32
    %scan3A_169 = arith.constant 10 : i32
    %scan3A_170 = arith.addi %scan3A_168, %scan3A_169 : i32
    %scan3A_171 = arith.constant 1 : i32
    scf.for %scan3A_194 = %scan3A_168 to %scan3A_170 step %scan3A_171  : i32 {
      %mul3A_195 = arith.constant 25 : i32
      %mul3A_196 = arith.muli %scan3A_194, %mul3A_195 : i32
      %add3A_197 = arith.addi %mul3A_2, %mul3A_196 : i32
      "tpu.region"() ({
        %run_scoped3A = tpu.sem_alloc : memref<!tpu.dma_semaphore, #tpu.memory_space<semaphore_mem>>
        %dma_start3A_259 = arith.constant 0 : i32
        %dma_start3A_260 = tpu.memref_slice %arg3[%add3A_197, %dma_start3A_259] : memref<8000x80xi32, #tpu.memory_space<hbm>> -> memref<25x80xi32, #tpu.memory_space<hbm>>
        %dma_start3A_261 = arith.constant 0 : i32
        %dma_start3A_262 = tpu.memref_slice %arg3[%add3A_197, %dma_start3A_261] : memref<8000x80xi32, #tpu.memory_space<hbm>> -> memref<25x80xi32, #tpu.memory_space<hbm>>
        tpu.enqueue_dma source(%dma_start3A_262 : memref<25x80xi32, #tpu.memory_space<hbm>>) target(%arg7 : memref<25x80xi32, #tpu.memory_space<vmem>>) target_semaphore(%run_scoped3A : memref<!tpu.dma_semaphore, #tpu.memory_space<semaphore_mem>>)
        %dma_wait3A_263 = arith.constant 0 : i32
        %dma_wait3A_264 = tpu.memref_slice %arg3[%add3A_197, %dma_wait3A_263] : memref<8000x80xi32, #tpu.memory_space<hbm>> -> memref<25x80xi32, #tpu.memory_space<hbm>>
        %dma_wait3A_265 = arith.constant 0 : i32
        %dma_wait3A_266 = tpu.memref_slice %arg3[%add3A_197, %dma_wait3A_265] : memref<8000x80xi32, #tpu.memory_space<hbm>> -> memref<25x80xi32, #tpu.memory_space<hbm>>
        tpu.wait_dma2 semaphore(%run_scoped3A : memref<!tpu.dma_semaphore, #tpu.memory_space<semaphore_mem>>) src(%dma_wait3A_266 : memref<25x80xi32, #tpu.memory_space<hbm>>) dst(%arg7 : memref<25x80xi32, #tpu.memory_space<vmem>>)
        tpu.yield
      }) : () -> ()
      %mul3A_198 = arith.constant 25 : i32
      %mul3A_199 = arith.muli %scan3A_194, %mul3A_198 : i32
      %add3A_200 = arith.addi %mul3A_2, %mul3A_199 : i32
      "tpu.region"() ({
        %run_scoped3A = tpu.sem_alloc : memref<!tpu.dma_semaphore, #tpu.memory_space<semaphore_mem>>
        %dma_start3A_259 = arith.constant 0 : i32
        %dma_start3A_260 = tpu.memref_slice %arg4[%add3A_200, %dma_start3A_259] : memref<8000x80xi32, #tpu.memory_space<hbm>> -> memref<25x80xi32, #tpu.memory_space<hbm>>
        %dma_start3A_261 = arith.constant 0 : i32
        %dma_start3A_262 = tpu.memref_slice %arg4[%add3A_200, %dma_start3A_261] : memref<8000x80xi32, #tpu.memory_space<hbm>> -> memref<25x80xi32, #tpu.memory_space<hbm>>
        tpu.enqueue_dma source(%dma_start3A_262 : memref<25x80xi32, #tpu.memory_space<hbm>>) target(%arg8 : memref<25x80xi32, #tpu.memory_space<vmem>>) target_semaphore(%run_scoped3A : memref<!tpu.dma_semaphore, #tpu.memory_space<semaphore_mem>>)
        %dma_wait3A_263 = arith.constant 0 : i32
        %dma_wait3A_264 = tpu.memref_slice %arg4[%add3A_200, %dma_wait3A_263] : memref<8000x80xi32, #tpu.memory_space<hbm>> -> memref<25x80xi32, #tpu.memory_space<hbm>>
        %dma_wait3A_265 = arith.constant 0 : i32
        %dma_wait3A_266 = tpu.memref_slice %arg4[%add3A_200, %dma_wait3A_265] : memref<8000x80xi32, #tpu.memory_space<hbm>> -> memref<25x80xi32, #tpu.memory_space<hbm>>
        tpu.wait_dma2 semaphore(%run_scoped3A : memref<!tpu.dma_semaphore, #tpu.memory_space<semaphore_mem>>) src(%dma_wait3A_266 : memref<25x80xi32, #tpu.memory_space<hbm>>) dst(%arg8 : memref<25x80xi32, #tpu.memory_space<vmem>>)
        tpu.yield
      }) : () -> ()
      %rem3A = arith.constant 0 : i32
      %rem3A_201 = arith.constant 4 : i32
      %rem3A_202 = arith.remsi %rem3A, %rem3A_201 : i32
      %dma_start3A = arith.constant 0 : i32
      %dma_start3A_203 = arith.constant 0 : i32
      %dma_start3A_204 = arith.constant 0 : i32
      %dma_start3A_205 = tpu.memref_slice %arg9[%rem3A_202, %dma_start3A_203, %dma_start3A_204] : memref<4x80x128xf32, #tpu.memory_space<vmem>> -> memref<1x80x128xf32, #tpu.memory_space<vmem>>
      %dma_start3A_206 = tpu.memref_squeeze %dma_start3A_205 : memref<1x80x128xf32, #tpu.memory_space<vmem>> -> memref<80x128xf32, #tpu.memory_space<vmem>>
      %dma_start3A_207 = arith.constant 0 : i32
      %dma_start3A_208 = tpu.memref_slice %arg7[%dma_start3A, %dma_start3A_207] : memref<25x80xi32, #tpu.memory_space<vmem>> -> memref<1x80xi32, #tpu.memory_space<vmem>>
      %dma_start3A_209 = tpu.memref_squeeze %dma_start3A_208 : memref<1x80xi32, #tpu.memory_space<vmem>> -> memref<80xi32, #tpu.memory_space<vmem>>
      %dma_start3A_210 = arith.constant 0 : i32
      %dma_start3A_211 = arith.constant 0 : i32
      %dma_start3A_212 = tpu.memref_slice %arg2[%dma_start3A_210, %dma_start3A_211] : memref<20000x128xf32, #tpu.memory_space<hbm>> -> memref<20000x128xf32, #tpu.memory_space<hbm>>
      tpu.enqueue_indirect_dma source(%dma_start3A_212 : memref<20000x128xf32, #tpu.memory_space<hbm>>) target(%dma_start3A_206 : memref<80x128xf32, #tpu.memory_space<vmem>>) offsets(%dma_start3A_209 : memref<80xi32, #tpu.memory_space<vmem>>) semaphore(%arg11 : memref<!tpu.dma_semaphore, #tpu.memory_space<semaphore_mem>>)
      %rem3A_213 = arith.constant 1 : i32
      %rem3A_214 = arith.constant 4 : i32
      %rem3A_215 = arith.remsi %rem3A_213, %rem3A_214 : i32
      %dma_start3A_216 = arith.constant 1 : i32
      %dma_start3A_217 = arith.constant 0 : i32
      %dma_start3A_218 = arith.constant 0 : i32
      %dma_start3A_219 = tpu.memref_slice %arg9[%rem3A_215, %dma_start3A_217, %dma_start3A_218] : memref<4x80x128xf32, #tpu.memory_space<vmem>> -> memref<1x80x128xf32, #tpu.memory_space<vmem>>
      %dma_start3A_220 = tpu.memref_squeeze %dma_start3A_219 : memref<1x80x128xf32, #tpu.memory_space<vmem>> -> memref<80x128xf32, #tpu.memory_space<vmem>>
      %dma_start3A_221 = arith.constant 0 : i32
      %dma_start3A_222 = tpu.memref_slice %arg7[%dma_start3A_216, %dma_start3A_221] : memref<25x80xi32, #tpu.memory_space<vmem>> -> memref<1x80xi32, #tpu.memory_space<vmem>>
      %dma_start3A_223 = tpu.memref_squeeze %dma_start3A_222 : memref<1x80xi32, #tpu.memory_space<vmem>> -> memref<80xi32, #tpu.memory_space<vmem>>
      %dma_start3A_224 = arith.constant 0 : i32
      %dma_start3A_225 = arith.constant 0 : i32
      %dma_start3A_226 = tpu.memref_slice %arg2[%dma_start3A_224, %dma_start3A_225] : memref<20000x128xf32, #tpu.memory_space<hbm>> -> memref<20000x128xf32, #tpu.memory_space<hbm>>
      tpu.enqueue_indirect_dma source(%dma_start3A_226 : memref<20000x128xf32, #tpu.memory_space<hbm>>) target(%dma_start3A_220 : memref<80x128xf32, #tpu.memory_space<vmem>>) offsets(%dma_start3A_223 : memref<80xi32, #tpu.memory_space<vmem>>) semaphore(%arg11 : memref<!tpu.dma_semaphore, #tpu.memory_space<semaphore_mem>>)
      %rem3A_227 = arith.constant 2 : i32
      %rem3A_228 = arith.constant 4 : i32
      %rem3A_229 = arith.remsi %rem3A_227, %rem3A_228 : i32
      %dma_start3A_230 = arith.constant 2 : i32
      %dma_start3A_231 = arith.constant 0 : i32
      %dma_start3A_232 = arith.constant 0 : i32
      %dma_start3A_233 = tpu.memref_slice %arg9[%rem3A_229, %dma_start3A_231, %dma_start3A_232] : memref<4x80x128xf32, #tpu.memory_space<vmem>> -> memref<1x80x128xf32, #tpu.memory_space<vmem>>
      %dma_start3A_234 = tpu.memref_squeeze %dma_start3A_233 : memref<1x80x128xf32, #tpu.memory_space<vmem>> -> memref<80x128xf32, #tpu.memory_space<vmem>>
      %dma_start3A_235 = arith.constant 0 : i32
      %dma_start3A_236 = tpu.memref_slice %arg7[%dma_start3A_230, %dma_start3A_235] : memref<25x80xi32, #tpu.memory_space<vmem>> -> memref<1x80xi32, #tpu.memory_space<vmem>>
      %dma_start3A_237 = tpu.memref_squeeze %dma_start3A_236 : memref<1x80xi32, #tpu.memory_space<vmem>> -> memref<80xi32, #tpu.memory_space<vmem>>
      %dma_start3A_238 = arith.constant 0 : i32
      %dma_start3A_239 = arith.constant 0 : i32
      %dma_start3A_240 = tpu.memref_slice %arg2[%dma_start3A_238, %dma_start3A_239] : memref<20000x128xf32, #tpu.memory_space<hbm>> -> memref<20000x128xf32, #tpu.memory_space<hbm>>
      tpu.enqueue_indirect_dma source(%dma_start3A_240 : memref<20000x128xf32, #tpu.memory_space<hbm>>) target(%dma_start3A_234 : memref<80x128xf32, #tpu.memory_space<vmem>>) offsets(%dma_start3A_237 : memref<80xi32, #tpu.memory_space<vmem>>) semaphore(%arg11 : memref<!tpu.dma_semaphore, #tpu.memory_space<semaphore_mem>>)
      %scan3A_241 = arith.constant 0 : i32
      %scan3A_242 = arith.constant 25 : i32
      %scan3A_243 = arith.addi %scan3A_241, %scan3A_242 : i32
      %scan3A_244 = arith.constant 1 : i32
      scf.for %scan3A_259 = %scan3A_241 to %scan3A_243 step %scan3A_244  : i32 {
        %rem3A_260 = arith.constant 4 : i32
        %rem3A_261 = arith.remsi %scan3A_259, %rem3A_260 : i32
        %dma_wait3A_262 = arith.constant 0 : i32
        %dma_wait3A_263 = arith.constant 0 : i32
        %dma_wait3A_264 = tpu.memref_slice %arg9[%rem3A_261, %dma_wait3A_262, %dma_wait3A_263] : memref<4x80x128xf32, #tpu.memory_space<vmem>> -> memref<1x80x128xf32, #tpu.memory_space<vmem>>
        %dma_wait3A_265 = tpu.memref_squeeze %dma_wait3A_264 : memref<1x80x128xf32, #tpu.memory_space<vmem>> -> memref<80x128xf32, #tpu.memory_space<vmem>>
        %dma_wait3A_266 = arith.constant 0 : i32
        %dma_wait3A_267 = tpu.memref_slice %arg7[%scan3A_259, %dma_wait3A_266] : memref<25x80xi32, #tpu.memory_space<vmem>> -> memref<1x80xi32, #tpu.memory_space<vmem>>
        %dma_wait3A_268 = tpu.memref_squeeze %dma_wait3A_267 : memref<1x80xi32, #tpu.memory_space<vmem>> -> memref<80xi32, #tpu.memory_space<vmem>>
        %dma_wait3A_269 = arith.constant 0 : i32
        %dma_wait3A_270 = arith.constant 0 : i32
        %dma_wait3A_271 = tpu.memref_slice %arg2[%dma_wait3A_269, %dma_wait3A_270] : memref<20000x128xf32, #tpu.memory_space<hbm>> -> memref<20000x128xf32, #tpu.memory_space<hbm>>
        tpu.wait_indirect_dma semaphore(%arg11 : memref<!tpu.dma_semaphore, #tpu.memory_space<semaphore_mem>>) src(%dma_wait3A_271 : memref<20000x128xf32, #tpu.memory_space<hbm>>) dst(%dma_wait3A_265 : memref<80x128xf32, #tpu.memory_space<vmem>>)
        %rem3A_272 = arith.constant 4 : i32
        %rem3A_273 = arith.remsi %scan3A_259, %rem3A_272 : i32
        %dma_start3A_274 = arith.constant 0 : i32
        %dma_start3A_275 = arith.constant 0 : i32
        %dma_start3A_276 = tpu.memref_slice %arg9[%rem3A_273, %dma_start3A_274, %dma_start3A_275] : memref<4x80x128xf32, #tpu.memory_space<vmem>> -> memref<1x80x128xf32, #tpu.memory_space<vmem>>
        %dma_start3A_277 = tpu.memref_squeeze %dma_start3A_276 : memref<1x80x128xf32, #tpu.memory_space<vmem>> -> memref<80x128xf32, #tpu.memory_space<vmem>>
        %dma_start3A_278 = arith.constant 0 : i32
        %dma_start3A_279 = tpu.memref_slice %arg8[%scan3A_259, %dma_start3A_278] : memref<25x80xi32, #tpu.memory_space<vmem>> -> memref<1x80xi32, #tpu.memory_space<vmem>>
        %dma_start3A_280 = tpu.memref_squeeze %dma_start3A_279 : memref<1x80xi32, #tpu.memory_space<vmem>> -> memref<80xi32, #tpu.memory_space<vmem>>
        %dma_start3A_281 = arith.constant 0 : i32
        %dma_start3A_282 = arith.constant 0 : i32
        %dma_start3A_283 = tpu.memref_slice %arg6[%dma_start3A_281, %dma_start3A_282] : memref<10240x128xf32, #tpu.memory_space<vmem_shared>> -> memref<10240x128xf32, #tpu.memory_space<vmem_shared>>
        tpu.enqueue_indirect_dma source(%dma_start3A_277 : memref<80x128xf32, #tpu.memory_space<vmem>>) target(%dma_start3A_283 : memref<10240x128xf32, #tpu.memory_space<vmem_shared>>) offsets(%dma_start3A_280 : memref<80xi32, #tpu.memory_space<vmem>>) semaphore(%arg12 : memref<!tpu.dma_semaphore, #tpu.memory_space<semaphore_mem>>) {add = true}
        %ge3A = arith.constant 1 : i32
        %ge3A_284 = arith.cmpi sge, %scan3A_259, %ge3A : i32
        %convert_element_type3A = arith.extui %ge3A_284 : i1 to i32
        %cond3A = arith.constant 0 : i32
        %cond3A_285 = arith.cmpi ne, %convert_element_type3A, %cond3A : i32
        scf.if %cond3A_285 {
          %sub3A = arith.constant 1 : i32
          %sub3A_290 = arith.subi %scan3A_259, %sub3A : i32
          %rem3A_291 = arith.constant 4 : i32
          %rem3A_292 = arith.remsi %sub3A_290, %rem3A_291 : i32
          %dma_wait3A_293 = arith.constant 0 : i32
          %dma_wait3A_294 = arith.constant 0 : i32
          %dma_wait3A_295 = tpu.memref_slice %arg9[%rem3A_292, %dma_wait3A_293, %dma_wait3A_294] : memref<4x80x128xf32, #tpu.memory_space<vmem>> -> memref<1x80x128xf32, #tpu.memory_space<vmem>>
          %dma_wait3A_296 = tpu.memref_squeeze %dma_wait3A_295 : memref<1x80x128xf32, #tpu.memory_space<vmem>> -> memref<80x128xf32, #tpu.memory_space<vmem>>
          %dma_wait3A_297 = arith.constant 0 : i32
          %dma_wait3A_298 = tpu.memref_slice %arg8[%sub3A_290, %dma_wait3A_297] : memref<25x80xi32, #tpu.memory_space<vmem>> -> memref<1x80xi32, #tpu.memory_space<vmem>>
          %dma_wait3A_299 = tpu.memref_squeeze %dma_wait3A_298 : memref<1x80xi32, #tpu.memory_space<vmem>> -> memref<80xi32, #tpu.memory_space<vmem>>
          %dma_wait3A_300 = arith.constant 0 : i32
          %dma_wait3A_301 = arith.constant 0 : i32
          %dma_wait3A_302 = tpu.memref_slice %arg6[%dma_wait3A_300, %dma_wait3A_301] : memref<10240x128xf32, #tpu.memory_space<vmem_shared>> -> memref<10240x128xf32, #tpu.memory_space<vmem_shared>>
          tpu.wait_indirect_dma semaphore(%arg12 : memref<!tpu.dma_semaphore, #tpu.memory_space<semaphore_mem>>) src(%dma_wait3A_296 : memref<80x128xf32, #tpu.memory_space<vmem>>) dst(%dma_wait3A_302 : memref<10240x128xf32, #tpu.memory_space<vmem_shared>>)
        } else {
        }
        %le3A = arith.constant 21 : i32
        %le3A_286 = arith.cmpi sle, %scan3A_259, %le3A : i32
        %convert_element_type3A_287 = arith.extui %le3A_286 : i1 to i32
        %cond3A_288 = arith.constant 0 : i32
        %cond3A_289 = arith.cmpi ne, %convert_element_type3A_287, %cond3A_288 : i32
        scf.if %cond3A_289 {
          %add3A_290 = arith.constant 3 : i32
          %add3A_291 = arith.addi %scan3A_259, %add3A_290 : i32
          %rem3A_292 = arith.constant 4 : i32
          %rem3A_293 = arith.remsi %add3A_291, %rem3A_292 : i32
          %dma_start3A_294 = arith.constant 0 : i32
          %dma_start3A_295 = arith.constant 0 : i32
          %dma_start3A_296 = tpu.memref_slice %arg9[%rem3A_293, %dma_start3A_294, %dma_start3A_295] : memref<4x80x128xf32, #tpu.memory_space<vmem>> -> memref<1x80x128xf32, #tpu.memory_space<vmem>>
          %dma_start3A_297 = tpu.memref_squeeze %dma_start3A_296 : memref<1x80x128xf32, #tpu.memory_space<vmem>> -> memref<80x128xf32, #tpu.memory_space<vmem>>
          %dma_start3A_298 = arith.constant 0 : i32
          %dma_start3A_299 = tpu.memref_slice %arg7[%add3A_291, %dma_start3A_298] : memref<25x80xi32, #tpu.memory_space<vmem>> -> memref<1x80xi32, #tpu.memory_space<vmem>>
          %dma_start3A_300 = tpu.memref_squeeze %dma_start3A_299 : memref<1x80xi32, #tpu.memory_space<vmem>> -> memref<80xi32, #tpu.memory_space<vmem>>
          %dma_start3A_301 = arith.constant 0 : i32
          %dma_start3A_302 = arith.constant 0 : i32
          %dma_start3A_303 = tpu.memref_slice %arg2[%dma_start3A_301, %dma_start3A_302] : memref<20000x128xf32, #tpu.memory_space<hbm>> -> memref<20000x128xf32, #tpu.memory_space<hbm>>
          tpu.enqueue_indirect_dma source(%dma_start3A_303 : memref<20000x128xf32, #tpu.memory_space<hbm>>) target(%dma_start3A_297 : memref<80x128xf32, #tpu.memory_space<vmem>>) offsets(%dma_start3A_300 : memref<80xi32, #tpu.memory_space<vmem>>) semaphore(%arg11 : memref<!tpu.dma_semaphore, #tpu.memory_space<semaphore_mem>>)
        } else {
        }
      }
      %scan3A_245 = arith.constant 25 : i32
      %rem3A_246 = arith.constant 24 : i32
      %rem3A_247 = arith.constant 4 : i32
      %rem3A_248 = arith.remsi %rem3A_246, %rem3A_247 : i32
      %dma_wait3A = arith.constant 24 : i32
      %dma_wait3A_249 = arith.constant 0 : i32
      %dma_wait3A_250 = arith.constant 0 : i32
      %dma_wait3A_251 = tpu.memref_slice %arg9[%rem3A_248, %dma_wait3A_249, %dma_wait3A_250] : memref<4x80x128xf32, #tpu.memory_space<vmem>> -> memref<1x80x128xf32, #tpu.memory_space<vmem>>
      %dma_wait3A_252 = tpu.memref_squeeze %dma_wait3A_251 : memref<1x80x128xf32, #tpu.memory_space<vmem>> -> memref<80x128xf32, #tpu.memory_space<vmem>>
      %dma_wait3A_253 = arith.constant 0 : i32
      %dma_wait3A_254 = tpu.memref_slice %arg8[%dma_wait3A, %dma_wait3A_253] : memref<25x80xi32, #tpu.memory_space<vmem>> -> memref<1x80xi32, #tpu.memory_space<vmem>>
      %dma_wait3A_255 = tpu.memref_squeeze %dma_wait3A_254 : memref<1x80xi32, #tpu.memory_space<vmem>> -> memref<80xi32, #tpu.memory_space<vmem>>
      %dma_wait3A_256 = arith.constant 0 : i32
      %dma_wait3A_257 = arith.constant 0 : i32
      %dma_wait3A_258 = tpu.memref_slice %arg6[%dma_wait3A_256, %dma_wait3A_257] : memref<10240x128xf32, #tpu.memory_space<vmem_shared>> -> memref<10240x128xf32, #tpu.memory_space<vmem_shared>>
      tpu.wait_indirect_dma semaphore(%arg12 : memref<!tpu.dma_semaphore, #tpu.memory_space<semaphore_mem>>) src(%dma_wait3A_252 : memref<80x128xf32, #tpu.memory_space<vmem>>) dst(%dma_wait3A_258 : memref<10240x128xf32, #tpu.memory_space<vmem_shared>>)
    }
    %scan3A_172 = arith.constant 10 : i32
    %barrier3A_173 = arith.constant 0 : index
    tpu.barrier barrier_id(%barrier3A_173)
    %mul3A_174 = arith.constant 640 : i32
    %mul3A_175 = arith.muli %arg1, %mul3A_174 : i32
    %add3A_176 = arith.constant 0 : i32
    %add3A_177 = arith.addi %mul3A_175, %add3A_176 : i32
    "tpu.region"() ({
      %run_scoped3A = tpu.sem_alloc : memref<!tpu.dma_semaphore, #tpu.memory_space<semaphore_mem>>
      %dma_start3A = arith.constant 0 : i32
      %dma_start3A_194 = arith.constant 0 : i32
      %dma_start3A_195 = tpu.memref_slice %arg5[%arg0, %dma_start3A, %dma_start3A_194] : memref<2x10240x128xf32, #tpu.memory_space<hbm>> -> memref<1x10240x128xf32, #tpu.memory_space<hbm>>
      %dma_start3A_196 = tpu.memref_squeeze %dma_start3A_195 : memref<1x10240x128xf32, #tpu.memory_space<hbm>> -> memref<10240x128xf32, #tpu.memory_space<hbm>>
      %dma_start3A_197 = arith.constant 0 : i32
      %dma_start3A_198 = tpu.memref_slice %dma_start3A_196[%add3A_177, %dma_start3A_197] : memref<10240x128xf32, #tpu.memory_space<hbm>> -> memref<128x128xf32, #tpu.memory_space<hbm>>
      %dma_start3A_199 = arith.constant 0 : i32
      %dma_start3A_200 = tpu.memref_slice %arg6[%add3A_177, %dma_start3A_199] : memref<10240x128xf32, #tpu.memory_space<vmem_shared>> -> memref<128x128xf32, #tpu.memory_space<vmem_shared>>
      tpu.enqueue_dma source(%dma_start3A_200 : memref<128x128xf32, #tpu.memory_space<vmem_shared>>) target(%dma_start3A_198 : memref<128x128xf32, #tpu.memory_space<hbm>>) target_semaphore(%run_scoped3A : memref<!tpu.dma_semaphore, #tpu.memory_space<semaphore_mem>>)
      %dma_wait3A = arith.constant 0 : i32
      %dma_wait3A_201 = arith.constant 0 : i32
      %dma_wait3A_202 = tpu.memref_slice %arg5[%arg0, %dma_wait3A, %dma_wait3A_201] : memref<2x10240x128xf32, #tpu.memory_space<hbm>> -> memref<1x10240x128xf32, #tpu.memory_space<hbm>>
      %dma_wait3A_203 = tpu.memref_squeeze %dma_wait3A_202 : memref<1x10240x128xf32, #tpu.memory_space<hbm>> -> memref<10240x128xf32, #tpu.memory_space<hbm>>
      %dma_wait3A_204 = arith.constant 0 : i32
      %dma_wait3A_205 = tpu.memref_slice %dma_wait3A_203[%add3A_177, %dma_wait3A_204] : memref<10240x128xf32, #tpu.memory_space<hbm>> -> memref<128x128xf32, #tpu.memory_space<hbm>>
      %dma_wait3A_206 = arith.constant 0 : i32
      %dma_wait3A_207 = tpu.memref_slice %arg6[%add3A_177, %dma_wait3A_206] : memref<10240x128xf32, #tpu.memory_space<vmem_shared>> -> memref<128x128xf32, #tpu.memory_space<vmem_shared>>
      tpu.wait_dma2 semaphore(%run_scoped3A : memref<!tpu.dma_semaphore, #tpu.memory_space<semaphore_mem>>) src(%dma_wait3A_207 : memref<128x128xf32, #tpu.memory_space<vmem_shared>>) dst(%dma_wait3A_205 : memref<128x128xf32, #tpu.memory_space<hbm>>)
      tpu.yield
    }) : () -> ()
    %mul3A_178 = arith.constant 640 : i32
    %mul3A_179 = arith.muli %arg1, %mul3A_178 : i32
    %add3A_180 = arith.constant 128 : i32
    %add3A_181 = arith.addi %mul3A_179, %add3A_180 : i32
    "tpu.region"() ({
      %run_scoped3A = tpu.sem_alloc : memref<!tpu.dma_semaphore, #tpu.memory_space<semaphore_mem>>
      %dma_start3A = arith.constant 0 : i32
      %dma_start3A_194 = arith.constant 0 : i32
      %dma_start3A_195 = tpu.memref_slice %arg5[%arg0, %dma_start3A, %dma_start3A_194] : memref<2x10240x128xf32, #tpu.memory_space<hbm>> -> memref<1x10240x128xf32, #tpu.memory_space<hbm>>
      %dma_start3A_196 = tpu.memref_squeeze %dma_start3A_195 : memref<1x10240x128xf32, #tpu.memory_space<hbm>> -> memref<10240x128xf32, #tpu.memory_space<hbm>>
      %dma_start3A_197 = arith.constant 0 : i32
      %dma_start3A_198 = tpu.memref_slice %dma_start3A_196[%add3A_181, %dma_start3A_197] : memref<10240x128xf32, #tpu.memory_space<hbm>> -> memref<128x128xf32, #tpu.memory_space<hbm>>
      %dma_start3A_199 = arith.constant 0 : i32
      %dma_start3A_200 = tpu.memref_slice %arg6[%add3A_181, %dma_start3A_199] : memref<10240x128xf32, #tpu.memory_space<vmem_shared>> -> memref<128x128xf32, #tpu.memory_space<vmem_shared>>
      tpu.enqueue_dma source(%dma_start3A_200 : memref<128x128xf32, #tpu.memory_space<vmem_shared>>) target(%dma_start3A_198 : memref<128x128xf32, #tpu.memory_space<hbm>>) target_semaphore(%run_scoped3A : memref<!tpu.dma_semaphore, #tpu.memory_space<semaphore_mem>>)
      %dma_wait3A = arith.constant 0 : i32
      %dma_wait3A_201 = arith.constant 0 : i32
      %dma_wait3A_202 = tpu.memref_slice %arg5[%arg0, %dma_wait3A, %dma_wait3A_201] : memref<2x10240x128xf32, #tpu.memory_space<hbm>> -> memref<1x10240x128xf32, #tpu.memory_space<hbm>>
      %dma_wait3A_203 = tpu.memref_squeeze %dma_wait3A_202 : memref<1x10240x128xf32, #tpu.memory_space<hbm>> -> memref<10240x128xf32, #tpu.memory_space<hbm>>
      %dma_wait3A_204 = arith.constant 0 : i32
      %dma_wait3A_205 = tpu.memref_slice %dma_wait3A_203[%add3A_181, %dma_wait3A_204] : memref<10240x128xf32, #tpu.memory_space<hbm>> -> memref<128x128xf32, #tpu.memory_space<hbm>>
      %dma_wait3A_206 = arith.constant 0 : i32
      %dma_wait3A_207 = tpu.memref_slice %arg6[%add3A_181, %dma_wait3A_206] : memref<10240x128xf32, #tpu.memory_space<vmem_shared>> -> memref<128x128xf32, #tpu.memory_space<vmem_shared>>
      tpu.wait_dma2 semaphore(%run_scoped3A : memref<!tpu.dma_semaphore, #tpu.memory_space<semaphore_mem>>) src(%dma_wait3A_207 : memref<128x128xf32, #tpu.memory_space<vmem_shared>>) dst(%dma_wait3A_205 : memref<128x128xf32, #tpu.memory_space<hbm>>)
      tpu.yield
    }) : () -> ()
    %mul3A_182 = arith.constant 640 : i32
    %mul3A_183 = arith.muli %arg1, %mul3A_182 : i32
    %add3A_184 = arith.constant 256 : i32
    %add3A_185 = arith.addi %mul3A_183, %add3A_184 : i32
    "tpu.region"() ({
      %run_scoped3A = tpu.sem_alloc : memref<!tpu.dma_semaphore, #tpu.memory_space<semaphore_mem>>
      %dma_start3A = arith.constant 0 : i32
      %dma_start3A_194 = arith.constant 0 : i32
      %dma_start3A_195 = tpu.memref_slice %arg5[%arg0, %dma_start3A, %dma_start3A_194] : memref<2x10240x128xf32, #tpu.memory_space<hbm>> -> memref<1x10240x128xf32, #tpu.memory_space<hbm>>
      %dma_start3A_196 = tpu.memref_squeeze %dma_start3A_195 : memref<1x10240x128xf32, #tpu.memory_space<hbm>> -> memref<10240x128xf32, #tpu.memory_space<hbm>>
      %dma_start3A_197 = arith.constant 0 : i32
      %dma_start3A_198 = tpu.memref_slice %dma_start3A_196[%add3A_185, %dma_start3A_197] : memref<10240x128xf32, #tpu.memory_space<hbm>> -> memref<128x128xf32, #tpu.memory_space<hbm>>
      %dma_start3A_199 = arith.constant 0 : i32
      %dma_start3A_200 = tpu.memref_slice %arg6[%add3A_185, %dma_start3A_199] : memref<10240x128xf32, #tpu.memory_space<vmem_shared>> -> memref<128x128xf32, #tpu.memory_space<vmem_shared>>
      tpu.enqueue_dma source(%dma_start3A_200 : memref<128x128xf32, #tpu.memory_space<vmem_shared>>) target(%dma_start3A_198 : memref<128x128xf32, #tpu.memory_space<hbm>>) target_semaphore(%run_scoped3A : memref<!tpu.dma_semaphore, #tpu.memory_space<semaphore_mem>>)
      %dma_wait3A = arith.constant 0 : i32
      %dma_wait3A_201 = arith.constant 0 : i32
      %dma_wait3A_202 = tpu.memref_slice %arg5[%arg0, %dma_wait3A, %dma_wait3A_201] : memref<2x10240x128xf32, #tpu.memory_space<hbm>> -> memref<1x10240x128xf32, #tpu.memory_space<hbm>>
      %dma_wait3A_203 = tpu.memref_squeeze %dma_wait3A_202 : memref<1x10240x128xf32, #tpu.memory_space<hbm>> -> memref<10240x128xf32, #tpu.memory_space<hbm>>
      %dma_wait3A_204 = arith.constant 0 : i32
      %dma_wait3A_205 = tpu.memref_slice %dma_wait3A_203[%add3A_185, %dma_wait3A_204] : memref<10240x128xf32, #tpu.memory_space<hbm>> -> memref<128x128xf32, #tpu.memory_space<hbm>>
      %dma_wait3A_206 = arith.constant 0 : i32
      %dma_wait3A_207 = tpu.memref_slice %arg6[%add3A_185, %dma_wait3A_206] : memref<10240x128xf32, #tpu.memory_space<vmem_shared>> -> memref<128x128xf32, #tpu.memory_space<vmem_shared>>
      tpu.wait_dma2 semaphore(%run_scoped3A : memref<!tpu.dma_semaphore, #tpu.memory_space<semaphore_mem>>) src(%dma_wait3A_207 : memref<128x128xf32, #tpu.memory_space<vmem_shared>>) dst(%dma_wait3A_205 : memref<128x128xf32, #tpu.memory_space<hbm>>)
      tpu.yield
    }) : () -> ()
    %mul3A_186 = arith.constant 640 : i32
    %mul3A_187 = arith.muli %arg1, %mul3A_186 : i32
    %add3A_188 = arith.constant 384 : i32
    %add3A_189 = arith.addi %mul3A_187, %add3A_188 : i32
    "tpu.region"() ({
      %run_scoped3A = tpu.sem_alloc : memref<!tpu.dma_semaphore, #tpu.memory_space<semaphore_mem>>
      %dma_start3A = arith.constant 0 : i32
      %dma_start3A_194 = arith.constant 0 : i32
      %dma_start3A_195 = tpu.memref_slice %arg5[%arg0, %dma_start3A, %dma_start3A_194] : memref<2x10240x128xf32, #tpu.memory_space<hbm>> -> memref<1x10240x128xf32, #tpu.memory_space<hbm>>
      %dma_start3A_196 = tpu.memref_squeeze %dma_start3A_195 : memref<1x10240x128xf32, #tpu.memory_space<hbm>> -> memref<10240x128xf32, #tpu.memory_space<hbm>>
      %dma_start3A_197 = arith.constant 0 : i32
      %dma_start3A_198 = tpu.memref_slice %dma_start3A_196[%add3A_189, %dma_start3A_197] : memref<10240x128xf32, #tpu.memory_space<hbm>> -> memref<128x128xf32, #tpu.memory_space<hbm>>
      %dma_start3A_199 = arith.constant 0 : i32
      %dma_start3A_200 = tpu.memref_slice %arg6[%add3A_189, %dma_start3A_199] : memref<10240x128xf32, #tpu.memory_space<vmem_shared>> -> memref<128x128xf32, #tpu.memory_space<vmem_shared>>
      tpu.enqueue_dma source(%dma_start3A_200 : memref<128x128xf32, #tpu.memory_space<vmem_shared>>) target(%dma_start3A_198 : memref<128x128xf32, #tpu.memory_space<hbm>>) target_semaphore(%run_scoped3A : memref<!tpu.dma_semaphore, #tpu.memory_space<semaphore_mem>>)
      %dma_wait3A = arith.constant 0 : i32
      %dma_wait3A_201 = arith.constant 0 : i32
      %dma_wait3A_202 = tpu.memref_slice %arg5[%arg0, %dma_wait3A, %dma_wait3A_201] : memref<2x10240x128xf32, #tpu.memory_space<hbm>> -> memref<1x10240x128xf32, #tpu.memory_space<hbm>>
      %dma_wait3A_203 = tpu.memref_squeeze %dma_wait3A_202 : memref<1x10240x128xf32, #tpu.memory_space<hbm>> -> memref<10240x128xf32, #tpu.memory_space<hbm>>
      %dma_wait3A_204 = arith.constant 0 : i32
      %dma_wait3A_205 = tpu.memref_slice %dma_wait3A_203[%add3A_189, %dma_wait3A_204] : memref<10240x128xf32, #tpu.memory_space<hbm>> -> memref<128x128xf32, #tpu.memory_space<hbm>>
      %dma_wait3A_206 = arith.constant 0 : i32
      %dma_wait3A_207 = tpu.memref_slice %arg6[%add3A_189, %dma_wait3A_206] : memref<10240x128xf32, #tpu.memory_space<vmem_shared>> -> memref<128x128xf32, #tpu.memory_space<vmem_shared>>
      tpu.wait_dma2 semaphore(%run_scoped3A : memref<!tpu.dma_semaphore, #tpu.memory_space<semaphore_mem>>) src(%dma_wait3A_207 : memref<128x128xf32, #tpu.memory_space<vmem_shared>>) dst(%dma_wait3A_205 : memref<128x128xf32, #tpu.memory_space<hbm>>)
      tpu.yield
    }) : () -> ()
    %mul3A_190 = arith.constant 640 : i32
    %mul3A_191 = arith.muli %arg1, %mul3A_190 : i32
    %add3A_192 = arith.constant 512 : i32
    %add3A_193 = arith.addi %mul3A_191, %add3A_192 : i32
    "tpu.region"() ({
      %run_scoped3A = tpu.sem_alloc : memref<!tpu.dma_semaphore, #tpu.memory_space<semaphore_mem>>
      %dma_start3A = arith.constant 0 : i32
      %dma_start3A_194 = arith.constant 0 : i32
      %dma_start3A_195 = tpu.memref_slice %arg5[%arg0, %dma_start3A, %dma_start3A_194] : memref<2x10240x128xf32, #tpu.memory_space<hbm>> -> memref<1x10240x128xf32, #tpu.memory_space<hbm>>
      %dma_start3A_196 = tpu.memref_squeeze %dma_start3A_195 : memref<1x10240x128xf32, #tpu.memory_space<hbm>> -> memref<10240x128xf32, #tpu.memory_space<hbm>>
      %dma_start3A_197 = arith.constant 0 : i32
      %dma_start3A_198 = tpu.memref_slice %dma_start3A_196[%add3A_193, %dma_start3A_197] : memref<10240x128xf32, #tpu.memory_space<hbm>> -> memref<128x128xf32, #tpu.memory_space<hbm>>
      %dma_start3A_199 = arith.constant 0 : i32
      %dma_start3A_200 = tpu.memref_slice %arg6[%add3A_193, %dma_start3A_199] : memref<10240x128xf32, #tpu.memory_space<vmem_shared>> -> memref<128x128xf32, #tpu.memory_space<vmem_shared>>
      tpu.enqueue_dma source(%dma_start3A_200 : memref<128x128xf32, #tpu.memory_space<vmem_shared>>) target(%dma_start3A_198 : memref<128x128xf32, #tpu.memory_space<hbm>>) target_semaphore(%run_scoped3A : memref<!tpu.dma_semaphore, #tpu.memory_space<semaphore_mem>>)
      %dma_wait3A = arith.constant 0 : i32
      %dma_wait3A_201 = arith.constant 0 : i32
      %dma_wait3A_202 = tpu.memref_slice %arg5[%arg0, %dma_wait3A, %dma_wait3A_201] : memref<2x10240x128xf32, #tpu.memory_space<hbm>> -> memref<1x10240x128xf32, #tpu.memory_space<hbm>>
      %dma_wait3A_203 = tpu.memref_squeeze %dma_wait3A_202 : memref<1x10240x128xf32, #tpu.memory_space<hbm>> -> memref<10240x128xf32, #tpu.memory_space<hbm>>
      %dma_wait3A_204 = arith.constant 0 : i32
      %dma_wait3A_205 = tpu.memref_slice %dma_wait3A_203[%add3A_193, %dma_wait3A_204] : memref<10240x128xf32, #tpu.memory_space<hbm>> -> memref<128x128xf32, #tpu.memory_space<hbm>>
      %dma_wait3A_206 = arith.constant 0 : i32
      %dma_wait3A_207 = tpu.memref_slice %arg6[%add3A_193, %dma_wait3A_206] : memref<10240x128xf32, #tpu.memory_space<vmem_shared>> -> memref<128x128xf32, #tpu.memory_space<vmem_shared>>
      tpu.wait_dma2 semaphore(%run_scoped3A : memref<!tpu.dma_semaphore, #tpu.memory_space<semaphore_mem>>) src(%dma_wait3A_207 : memref<128x128xf32, #tpu.memory_space<vmem_shared>>) dst(%dma_wait3A_205 : memref<128x128xf32, #tpu.memory_space<hbm>>)
      tpu.yield
    }) : () -> ()
    return
  }
}

module attributes {stable_mosaic.version = 14 : i64} {
  func.func @_pre_body(%arg0: i32, %arg1: memref<1000x128xf32, #tpu.memory_space<vmem>>, %arg2: memref<1000x1xf32, #tpu.memory_space<vmem>>, %arg3: memref<1000x1xf32, #tpu.memory_space<vmem>>, %arg4: memref<2x1000x128xf32, #tpu.memory_space<vmem>>) attributes {dimension_semantics = [#tpu.dimension_semantics<arbitrary>], iteration_bounds = array<i64: 10>, scalar_prefetch = 0 : i64, scratch_operands = 0 : i64, tpu.core_type = #tpu.core_type<tc>, window_params = [{transform_indices = @transform_0, window_bounds = array<i64: 1000, 128>}, {transform_indices = @transform_1, window_bounds = array<i64: 1000, 1>}, {transform_indices = @transform_2, window_bounds = array<i64: 1000, 1>}, {transform_indices = @transform_3, window_bounds = array<i64: 2, 1000, 128>}]} {
    %get3A = arith.constant 0 : index
    %get3A_0 = arith.constant 0 : index
    %get3A_1 = vector.load %arg1[%get3A, %get3A_0] : memref<1000x128xf32, #tpu.memory_space<vmem>>, vector<1000x128xf32>
    %get3A_2 = arith.constant 0 : index
    %get3A_3 = arith.constant 0 : index
    %get3A_4 = vector.load %arg3[%get3A_2, %get3A_3] : memref<1000x1xf32, #tpu.memory_space<vmem>>, vector<1000x1xf32>
    %gt3A = arith.constant 0.000000e+00 : f32
    %gt3A_5 = vector.broadcast %gt3A : f32 to vector<1000x1xf32>
    %gt3A_6 = arith.cmpf ogt, %get3A_4, %gt3A_5 : vector<1000x1xf32>
    %rsqrt3A = math.rsqrt %get3A_4 : vector<1000x1xf32>
    %jit3A = arith.constant 0.000000e+00 : f32
    %broadcast_in_dim3A = vector.broadcast %jit3A : f32 to vector<1000x1xf32>
    %select_n3A = arith.select %gt3A_6, %rsqrt3A, %broadcast_in_dim3A : vector<1000x1xi1>, vector<1000x1xf32>
    %mul3A = vector.broadcast %select_n3A : vector<1000x1xf32> to vector<1000x128xf32>
    %mul3A_7 = arith.mulf %mul3A, %get3A_1 : vector<1000x128xf32>
    %swap3A = arith.constant 0 : index
    %swap3A_8 = arith.constant 0 : index
    %swap3A_9 = arith.constant 0 : index
    %swap3A_10 = vector.load %arg4[%swap3A, %swap3A_8, %swap3A_9] : memref<2x1000x128xf32, #tpu.memory_space<vmem>>, vector<1x1000x128xf32>
    %swap3A_11 = vector.shape_cast %swap3A_10 : vector<1x1000x128xf32> to vector<1000x128xf32>
    %swap3A_12 = vector.shape_cast %mul3A_7 : vector<1000x128xf32> to vector<1x1000x128xf32>
    tpu.vector_store %arg4[%swap3A, %swap3A_8, %swap3A_9], %swap3A_12 {strides = array<i32>} : memref<2x1000x128xf32, #tpu.memory_space<vmem>>, vector<1x1000x128xf32>,
    %get3A_13 = arith.constant 0 : index
    %get3A_14 = arith.constant 0 : index
    %get3A_15 = vector.load %arg2[%get3A_13, %get3A_14] : memref<1000x1xf32, #tpu.memory_space<vmem>>, vector<1000x1xf32>
    %gt3A_16 = arith.constant 0.000000e+00 : f32
    %gt3A_17 = vector.broadcast %gt3A_16 : f32 to vector<1000x1xf32>
    %gt3A_18 = arith.cmpf ogt, %get3A_15, %gt3A_17 : vector<1000x1xf32>
    %rsqrt3A_19 = math.rsqrt %get3A_15 : vector<1000x1xf32>
    %jit3A_20 = arith.constant 0.000000e+00 : f32
    %broadcast_in_dim3A_21 = vector.broadcast %jit3A_20 : f32 to vector<1000x1xf32>
    %select_n3A_22 = arith.select %gt3A_18, %rsqrt3A_19, %broadcast_in_dim3A_21 : vector<1000x1xi1>, vector<1000x1xf32>
    %mul3A_23 = vector.broadcast %select_n3A_22 : vector<1000x1xf32> to vector<1000x128xf32>
    %mul3A_24 = arith.mulf %mul3A_23, %get3A_1 : vector<1000x128xf32>
    %swap3A_25 = arith.constant 1 : index
    %swap3A_26 = arith.constant 0 : index
    %swap3A_27 = arith.constant 0 : index
    %swap3A_28 = vector.load %arg4[%swap3A_25, %swap3A_26, %swap3A_27] : memref<2x1000x128xf32, #tpu.memory_space<vmem>>, vector<1x1000x128xf32>
    %swap3A_29 = vector.shape_cast %swap3A_28 : vector<1x1000x128xf32> to vector<1000x128xf32>
    %swap3A_30 = vector.shape_cast %mul3A_24 : vector<1000x128xf32> to vector<1x1000x128xf32>
    tpu.vector_store %arg4[%swap3A_25, %swap3A_26, %swap3A_27], %swap3A_30 {strides = array<i32>} : memref<2x1000x128xf32, #tpu.memory_space<vmem>>, vector<1x1000x128xf32>,
    return
  }
  func.func @transform_0(%arg0: i32) -> (i32, i32) {
    %c0_i32 = arith.constant 0 : i32
    %c0_i32_0 = arith.constant 0 : i32
    return %arg0, %c0_i32 : i32, i32
  }
  func.func @transform_1(%arg0: i32) -> (i32, i32) {
    %c0_i32 = arith.constant 0 : i32
    %c0_i32_0 = arith.constant 0 : i32
    return %arg0, %c0_i32 : i32, i32
  }
  func.func @transform_2(%arg0: i32) -> (i32, i32) {
    %c0_i32 = arith.constant 0 : i32
    %c0_i32_0 = arith.constant 0 : i32
    return %arg0, %c0_i32 : i32, i32
  }
  func.func @transform_3(%arg0: i32) -> (i32, i32, i32) {
    %c0_i32 = arith.constant 0 : i32
    %c0_i32_0 = arith.constant 0 : i32
    %c0_i32_1 = arith.constant 0 : i32
    return %c0_i32, %arg0, %c0_i32_0 : i32, i32, i32
  }
}

module attributes {stable_mosaic.version = 14 : i64} {
  func.func @_mid_body(%arg0: i32, %arg1: memref<2x1000x128xf32, #tpu.memory_space<vmem>>, %arg2: memref<1000x1xf32, #tpu.memory_space<vmem>>, %arg3: memref<1000x1xf32, #tpu.memory_space<vmem>>, %arg4: memref<128x256xf32, #tpu.memory_space<vmem>>, %arg5: memref<1x256xf32, #tpu.memory_space<vmem>>, %arg6: memref<128x256xf32, #tpu.memory_space<vmem>>, %arg7: memref<1x256xf32, #tpu.memory_space<vmem>>, %arg8: memref<256x128xf32, #tpu.memory_space<vmem>>, %arg9: memref<256x128xf32, #tpu.memory_space<vmem>>, %arg10: memref<2x1000x128xf32, #tpu.memory_space<vmem>>) attributes {dimension_semantics = [#tpu.dimension_semantics<arbitrary>], iteration_bounds = array<i64: 10>, scalar_prefetch = 0 : i64, scratch_operands = 0 : i64, tpu.core_type = #tpu.core_type<tc>, window_params = [{transform_indices = @transform_0, window_bounds = array<i64: 2, 1000, 128>}, {transform_indices = @transform_1, window_bounds = array<i64: 1000, 1>}, {transform_indices = @transform_2, window_bounds = array<i64: 1000, 1>}, {pipeline_mode = #tpu.pipeline_mode<synchronous>, transform_indices = @transform_3, window_bounds = array<i64: 128, 256>}, {pipeline_mode = #tpu.pipeline_mode<synchronous>, transform_indices = @transform_4, window_bounds = array<i64: 1, 256>}, {pipeline_mode = #tpu.pipeline_mode<synchronous>, transform_indices = @transform_5, window_bounds = array<i64: 128, 256>}, {pipeline_mode = #tpu.pipeline_mode<synchronous>, transform_indices = @transform_6, window_bounds = array<i64: 1, 256>}, {pipeline_mode = #tpu.pipeline_mode<synchronous>, transform_indices = @transform_7, window_bounds = array<i64: 256, 128>}, {pipeline_mode = #tpu.pipeline_mode<synchronous>, transform_indices = @transform_8, window_bounds = array<i64: 256, 128>}, {transform_indices = @transform_9, window_bounds = array<i64: 2, 1000, 128>}]} {
    %get3A = arith.constant 0 : index
    %get3A_0 = arith.constant 0 : index
    %get3A_1 = vector.load %arg2[%get3A, %get3A_0] : memref<1000x1xf32, #tpu.memory_space<vmem>>, vector<1000x1xf32>
    %gt3A = arith.constant 0.000000e+00 : f32
    %gt3A_2 = vector.broadcast %gt3A : f32 to vector<1000x1xf32>
    %gt3A_3 = arith.cmpf ogt, %get3A_1, %gt3A_2 : vector<1000x1xf32>
    %rsqrt3A = math.rsqrt %get3A_1 : vector<1000x1xf32>
    %jit3A = arith.constant 0.000000e+00 : f32
    %broadcast_in_dim3A = vector.broadcast %jit3A : f32 to vector<1000x1xf32>
    %select_n3A = arith.select %gt3A_3, %rsqrt3A, %broadcast_in_dim3A : vector<1000x1xi1>, vector<1000x1xf32>
    %get3A_4 = arith.constant 0 : index
    %get3A_5 = arith.constant 0 : index
    %get3A_6 = vector.load %arg3[%get3A_4, %get3A_5] : memref<1000x1xf32, #tpu.memory_space<vmem>>, vector<1000x1xf32>
    %gt3A_7 = arith.constant 0.000000e+00 : f32
    %gt3A_8 = vector.broadcast %gt3A_7 : f32 to vector<1000x1xf32>
    %gt3A_9 = arith.cmpf ogt, %get3A_6, %gt3A_8 : vector<1000x1xf32>
    %rsqrt3A_10 = math.rsqrt %get3A_6 : vector<1000x1xf32>
    %jit3A_11 = arith.constant 0.000000e+00 : f32
    %broadcast_in_dim3A_12 = vector.broadcast %jit3A_11 : f32 to vector<1000x1xf32>
    %select_n3A_13 = arith.select %gt3A_9, %rsqrt3A_10, %broadcast_in_dim3A_12 : vector<1000x1xi1>, vector<1000x1xf32>
    %get3A_14 = arith.constant 0 : index
    %get3A_15 = arith.constant 0 : index
    %get3A_16 = arith.constant 0 : index
    %get3A_17 = vector.load %arg1[%get3A_14, %get3A_15, %get3A_16] : memref<2x1000x128xf32, #tpu.memory_space<vmem>>, vector<1x1000x128xf32>
    %get3A_18 = vector.shape_cast %get3A_17 : vector<1x1000x128xf32> to vector<1000x128xf32>
    %mul3A = vector.broadcast %select_n3A : vector<1000x1xf32> to vector<1000x128xf32>
    %mul3A_19 = arith.mulf %mul3A, %get3A_18 : vector<1000x128xf32>
    %get3A_20 = arith.constant 1 : index
    %get3A_21 = arith.constant 0 : index
    %get3A_22 = arith.constant 0 : index
    %get3A_23 = vector.load %arg1[%get3A_20, %get3A_21, %get3A_22] : memref<2x1000x128xf32, #tpu.memory_space<vmem>>, vector<1x1000x128xf32>
    %get3A_24 = vector.shape_cast %get3A_23 : vector<1x1000x128xf32> to vector<1000x128xf32>
    %mul3A_25 = vector.broadcast %select_n3A_13 : vector<1000x1xf32> to vector<1000x128xf32>
    %mul3A_26 = arith.mulf %mul3A_25, %get3A_24 : vector<1000x128xf32>
    %get3A_27 = arith.constant 0 : index
    %get3A_28 = arith.constant 0 : index
    %get3A_29 = vector.load %arg4[%get3A_27, %get3A_28] : memref<128x256xf32, #tpu.memory_space<vmem>>, vector<128x256xf32>
    %dot_general3A = arith.constant dense<0.000000e+00> : vector<1000x256xf32>
    %dot_general3A_30 = tpu.matmul %mul3A_19, %get3A_29, %dot_general3A {dimension_numbers = #tpu.dot_dimension_numbers<[1], [0], [0], [1], [0, 0, 1, 1], [], []>, transpose_lhs_hint = false} : vector<1000x128xf32>, vector<128x256xf32>, vector<1000x256xf32> -> vector<1000x256xf32>
    %get3A_31 = arith.constant 0 : index
    %get3A_32 = arith.constant 0 : index
    %get3A_33 = vector.load %arg5[%get3A_31, %get3A_32] : memref<1x256xf32, #tpu.memory_space<vmem>>, vector<1x256xf32>
    %add3A = vector.broadcast %get3A_33 : vector<1x256xf32> to vector<1000x256xf32>
    %add3A_34 = arith.addf %dot_general3A_30, %add3A : vector<1000x256xf32>
    %mul3A_35 = arith.constant 5.000000e-01 : f32
    %mul3A_36 = vector.broadcast %mul3A_35 : f32 to vector<1000x256xf32>
    %mul3A_37 = arith.mulf %mul3A_36, %add3A_34 : vector<1000x256xf32>
    %get3A_38 = arith.constant 0 : index
    %get3A_39 = arith.constant 0 : index
    %get3A_40 = vector.load %arg6[%get3A_38, %get3A_39] : memref<128x256xf32, #tpu.memory_space<vmem>>, vector<128x256xf32>
    %dot_general3A_41 = arith.constant dense<0.000000e+00> : vector<1000x256xf32>
    %dot_general3A_42 = tpu.matmul %mul3A_26, %get3A_40, %dot_general3A_41 {dimension_numbers = #tpu.dot_dimension_numbers<[1], [0], [0], [1], [0, 0, 1, 1], [], []>, transpose_lhs_hint = false} : vector<1000x128xf32>, vector<128x256xf32>, vector<1000x256xf32> -> vector<1000x256xf32>
    %get3A_43 = arith.constant 0 : index
    %get3A_44 = arith.constant 0 : index
    %get3A_45 = vector.load %arg7[%get3A_43, %get3A_44] : memref<1x256xf32, #tpu.memory_space<vmem>>, vector<1x256xf32>
    %add3A_46 = vector.broadcast %get3A_45 : vector<1x256xf32> to vector<1000x256xf32>
    %add3A_47 = arith.addf %dot_general3A_42, %add3A_46 : vector<1000x256xf32>
    %mul3A_48 = arith.constant 5.000000e-01 : f32
    %mul3A_49 = vector.broadcast %mul3A_48 : f32 to vector<1000x256xf32>
    %mul3A_50 = arith.mulf %mul3A_49, %add3A_47 : vector<1000x256xf32>
    %add3A_51 = arith.addf %mul3A_37, %mul3A_50 : vector<1000x256xf32>
    %max3A = arith.constant 0.000000e+00 : f32
    %max3A_52 = vector.broadcast %max3A : f32 to vector<1000x256xf32>
    %max3A_53 = arith.maximumf %add3A_51, %max3A_52 : vector<1000x256xf32>
    %get3A_54 = arith.constant 0 : index
    %get3A_55 = arith.constant 0 : index
    %get3A_56 = vector.load %arg8[%get3A_54, %get3A_55] : memref<256x128xf32, #tpu.memory_space<vmem>>, vector<256x128xf32>
    %dot_general3A_57 = arith.constant dense<0.000000e+00> : vector<1000x128xf32>
    %dot_general3A_58 = tpu.matmul %max3A_53, %get3A_56, %dot_general3A_57 {dimension_numbers = #tpu.dot_dimension_numbers<[1], [0], [0], [1], [0, 0, 1, 1], [], []>, transpose_lhs_hint = false} : vector<1000x256xf32>, vector<256x128xf32>, vector<1000x128xf32> -> vector<1000x128xf32>
    %mul3A_59 = vector.broadcast %select_n3A_13 : vector<1000x1xf32> to vector<1000x128xf32>
    %mul3A_60 = arith.mulf %mul3A_59, %dot_general3A_58 : vector<1000x128xf32>
    %swap3A = arith.constant 0 : index
    %swap3A_61 = arith.constant 0 : index
    %swap3A_62 = arith.constant 0 : index
    %swap3A_63 = vector.load %arg10[%swap3A, %swap3A_61, %swap3A_62] : memref<2x1000x128xf32, #tpu.memory_space<vmem>>, vector<1x1000x128xf32>
    %swap3A_64 = vector.shape_cast %swap3A_63 : vector<1x1000x128xf32> to vector<1000x128xf32>
    %swap3A_65 = vector.shape_cast %mul3A_60 : vector<1000x128xf32> to vector<1x1000x128xf32>
    tpu.vector_store %arg10[%swap3A, %swap3A_61, %swap3A_62], %swap3A_65 {strides = array<i32>} : memref<2x1000x128xf32, #tpu.memory_space<vmem>>, vector<1x1000x128xf32>,
    %get3A_66 = arith.constant 0 : index
    %get3A_67 = arith.constant 0 : index
    %get3A_68 = vector.load %arg9[%get3A_66, %get3A_67] : memref<256x128xf32, #tpu.memory_space<vmem>>, vector<256x128xf32>
    %dot_general3A_69 = arith.constant dense<0.000000e+00> : vector<1000x128xf32>
    %dot_general3A_70 = tpu.matmul %max3A_53, %get3A_68, %dot_general3A_69 {dimension_numbers = #tpu.dot_dimension_numbers<[1], [0], [0], [1], [0, 0, 1, 1], [], []>, transpose_lhs_hint = false} : vector<1000x256xf32>, vector<256x128xf32>, vector<1000x128xf32> -> vector<1000x128xf32>
    %mul3A_71 = vector.broadcast %select_n3A : vector<1000x1xf32> to vector<1000x128xf32>
    %mul3A_72 = arith.mulf %mul3A_71, %dot_general3A_70 : vector<1000x128xf32>
    %swap3A_73 = arith.constant 1 : index
    %swap3A_74 = arith.constant 0 : index
    %swap3A_75 = arith.constant 0 : index
    %swap3A_76 = vector.load %arg10[%swap3A_73, %swap3A_74, %swap3A_75] : memref<2x1000x128xf32, #tpu.memory_space<vmem>>, vector<1x1000x128xf32>
    %swap3A_77 = vector.shape_cast %swap3A_76 : vector<1x1000x128xf32> to vector<1000x128xf32>
    %swap3A_78 = vector.shape_cast %mul3A_72 : vector<1000x128xf32> to vector<1x1000x128xf32>
    tpu.vector_store %arg10[%swap3A_73, %swap3A_74, %swap3A_75], %swap3A_78 {strides = array<i32>} : memref<2x1000x128xf32, #tpu.memory_space<vmem>>, vector<1x1000x128xf32>,
    return
  }
  func.func @transform_0(%arg0: i32) -> (i32, i32, i32) {
    %c0_i32 = arith.constant 0 : i32
    %c0_i32_0 = arith.constant 0 : i32
    %c0_i32_1 = arith.constant 0 : i32
    return %c0_i32, %arg0, %c0_i32_0 : i32, i32, i32
  }
  func.func @transform_1(%arg0: i32) -> (i32, i32) {
    %c0_i32 = arith.constant 0 : i32
    %c0_i32_0 = arith.constant 0 : i32
    return %arg0, %c0_i32 : i32, i32
  }
  func.func @transform_2(%arg0: i32) -> (i32, i32) {
    %c0_i32 = arith.constant 0 : i32
    %c0_i32_0 = arith.constant 0 : i32
    return %arg0, %c0_i32 : i32, i32
  }
  func.func @transform_3(%arg0: i32) -> (i32, i32) {
    %c0_i32 = arith.constant 0 : i32
    %c0_i32_0 = arith.constant 0 : i32
    %c0_i32_1 = arith.constant 0 : i32
    return %c0_i32, %c0_i32_0 : i32, i32
  }
  func.func @transform_4(%arg0: i32) -> (i32, i32) {
    %c0_i32 = arith.constant 0 : i32
    %c0_i32_0 = arith.constant 0 : i32
    %c0_i32_1 = arith.constant 0 : i32
    return %c0_i32, %c0_i32_0 : i32, i32
  }
  func.func @transform_5(%arg0: i32) -> (i32, i32) {
    %c0_i32 = arith.constant 0 : i32
    %c0_i32_0 = arith.constant 0 : i32
    %c0_i32_1 = arith.constant 0 : i32
    return %c0_i32, %c0_i32_0 : i32, i32
  }
  func.func @transform_6(%arg0: i32) -> (i32, i32) {
    %c0_i32 = arith.constant 0 : i32
    %c0_i32_0 = arith.constant 0 : i32
    %c0_i32_1 = arith.constant 0 : i32
    return %c0_i32, %c0_i32_0 : i32, i32
  }
  func.func @transform_7(%arg0: i32) -> (i32, i32) {
    %c0_i32 = arith.constant 0 : i32
    %c0_i32_0 = arith.constant 0 : i32
    %c0_i32_1 = arith.constant 0 : i32
    return %c0_i32, %c0_i32_0 : i32, i32
  }
  func.func @transform_8(%arg0: i32) -> (i32, i32) {
    %c0_i32 = arith.constant 0 : i32
    %c0_i32_0 = arith.constant 0 : i32
    %c0_i32_1 = arith.constant 0 : i32
    return %c0_i32, %c0_i32_0 : i32, i32
  }
  func.func @transform_9(%arg0: i32) -> (i32, i32, i32) {
    %c0_i32 = arith.constant 0 : i32
    %c0_i32_0 = arith.constant 0 : i32
    %c0_i32_1 = arith.constant 0 : i32
    return %c0_i32, %arg0, %c0_i32_0 : i32, i32, i32
  }
}

module attributes {stable_mosaic.version = 14 : i64} {
  func.func @_fin_body(%arg0: i32, %arg1: memref<2x1000x128xf32, #tpu.memory_space<vmem>>, %arg2: memref<1000x1xf32, #tpu.memory_space<vmem>>, %arg3: memref<1000x1xf32, #tpu.memory_space<vmem>>, %arg4: memref<1x128xf32, #tpu.memory_space<vmem>>, %arg5: memref<1x128xf32, #tpu.memory_space<vmem>>, %arg6: memref<1000x128xf32, #tpu.memory_space<vmem>>) attributes {dimension_semantics = [#tpu.dimension_semantics<arbitrary>], iteration_bounds = array<i64: 10>, scalar_prefetch = 0 : i64, scratch_operands = 0 : i64, tpu.core_type = #tpu.core_type<tc>, window_params = [{transform_indices = @transform_0, window_bounds = array<i64: 2, 1000, 128>}, {transform_indices = @transform_1, window_bounds = array<i64: 1000, 1>}, {transform_indices = @transform_2, window_bounds = array<i64: 1000, 1>}, {pipeline_mode = #tpu.pipeline_mode<synchronous>, transform_indices = @transform_3, window_bounds = array<i64: 1, 128>}, {pipeline_mode = #tpu.pipeline_mode<synchronous>, transform_indices = @transform_4, window_bounds = array<i64: 1, 128>}, {transform_indices = @transform_5, window_bounds = array<i64: 1000, 128>}]} {
    %get3A = arith.constant 0 : index
    %get3A_0 = arith.constant 0 : index
    %get3A_1 = vector.load %arg2[%get3A, %get3A_0] : memref<1000x1xf32, #tpu.memory_space<vmem>>, vector<1000x1xf32>
    %gt3A = arith.constant 0.000000e+00 : f32
    %gt3A_2 = vector.broadcast %gt3A : f32 to vector<1000x1xf32>
    %gt3A_3 = arith.cmpf ogt, %get3A_1, %gt3A_2 : vector<1000x1xf32>
    %rsqrt3A = math.rsqrt %get3A_1 : vector<1000x1xf32>
    %jit3A = arith.constant 0.000000e+00 : f32
    %broadcast_in_dim3A = vector.broadcast %jit3A : f32 to vector<1000x1xf32>
    %select_n3A = arith.select %gt3A_3, %rsqrt3A, %broadcast_in_dim3A : vector<1000x1xi1>, vector<1000x1xf32>
    %get3A_4 = arith.constant 0 : index
    %get3A_5 = arith.constant 0 : index
    %get3A_6 = vector.load %arg3[%get3A_4, %get3A_5] : memref<1000x1xf32, #tpu.memory_space<vmem>>, vector<1000x1xf32>
    %gt3A_7 = arith.constant 0.000000e+00 : f32
    %gt3A_8 = vector.broadcast %gt3A_7 : f32 to vector<1000x1xf32>
    %gt3A_9 = arith.cmpf ogt, %get3A_6, %gt3A_8 : vector<1000x1xf32>
    %rsqrt3A_10 = math.rsqrt %get3A_6 : vector<1000x1xf32>
    %jit3A_11 = arith.constant 0.000000e+00 : f32
    %broadcast_in_dim3A_12 = vector.broadcast %jit3A_11 : f32 to vector<1000x1xf32>
    %select_n3A_13 = arith.select %gt3A_9, %rsqrt3A_10, %broadcast_in_dim3A_12 : vector<1000x1xi1>, vector<1000x1xf32>
    %get3A_14 = arith.constant 0 : index
    %get3A_15 = arith.constant 0 : index
    %get3A_16 = arith.constant 0 : index
    %get3A_17 = vector.load %arg1[%get3A_14, %get3A_15, %get3A_16] : memref<2x1000x128xf32, #tpu.memory_space<vmem>>, vector<1x1000x128xf32>
    %get3A_18 = vector.shape_cast %get3A_17 : vector<1x1000x128xf32> to vector<1000x128xf32>
    %mul3A = vector.broadcast %select_n3A : vector<1000x1xf32> to vector<1000x128xf32>
    %mul3A_19 = arith.mulf %mul3A, %get3A_18 : vector<1000x128xf32>
    %get3A_20 = arith.constant 0 : index
    %get3A_21 = arith.constant 0 : index
    %get3A_22 = vector.load %arg4[%get3A_20, %get3A_21] : memref<1x128xf32, #tpu.memory_space<vmem>>, vector<1x128xf32>
    %add3A = vector.broadcast %get3A_22 : vector<1x128xf32> to vector<1000x128xf32>
    %add3A_23 = arith.addf %mul3A_19, %add3A : vector<1000x128xf32>
    %mul3A_24 = arith.constant 5.000000e-01 : f32
    %mul3A_25 = vector.broadcast %mul3A_24 : f32 to vector<1000x128xf32>
    %mul3A_26 = arith.mulf %mul3A_25, %add3A_23 : vector<1000x128xf32>
    %get3A_27 = arith.constant 1 : index
    %get3A_28 = arith.constant 0 : index
    %get3A_29 = arith.constant 0 : index
    %get3A_30 = vector.load %arg1[%get3A_27, %get3A_28, %get3A_29] : memref<2x1000x128xf32, #tpu.memory_space<vmem>>, vector<1x1000x128xf32>
    %get3A_31 = vector.shape_cast %get3A_30 : vector<1x1000x128xf32> to vector<1000x128xf32>
    %mul3A_32 = vector.broadcast %select_n3A_13 : vector<1000x1xf32> to vector<1000x128xf32>
    %mul3A_33 = arith.mulf %mul3A_32, %get3A_31 : vector<1000x128xf32>
    %get3A_34 = arith.constant 0 : index
    %get3A_35 = arith.constant 0 : index
    %get3A_36 = vector.load %arg5[%get3A_34, %get3A_35] : memref<1x128xf32, #tpu.memory_space<vmem>>, vector<1x128xf32>
    %add3A_37 = vector.broadcast %get3A_36 : vector<1x128xf32> to vector<1000x128xf32>
    %add3A_38 = arith.addf %mul3A_33, %add3A_37 : vector<1000x128xf32>
    %mul3A_39 = arith.constant 5.000000e-01 : f32
    %mul3A_40 = vector.broadcast %mul3A_39 : f32 to vector<1000x128xf32>
    %mul3A_41 = arith.mulf %mul3A_40, %add3A_38 : vector<1000x128xf32>
    %add3A_42 = arith.addf %mul3A_26, %mul3A_41 : vector<1000x128xf32>
    %swap3A = arith.constant 0 : index
    %swap3A_43 = arith.constant 0 : index
    %swap3A_44 = vector.load %arg6[%swap3A, %swap3A_43] : memref<1000x128xf32, #tpu.memory_space<vmem>>, vector<1000x128xf32>
    tpu.vector_store %arg6[%swap3A, %swap3A_43], %add3A_42 {strides = array<i32>} : memref<1000x128xf32, #tpu.memory_space<vmem>>, vector<1000x128xf32>,
    return
  }
  func.func @transform_0(%arg0: i32) -> (i32, i32, i32) {
    %c0_i32 = arith.constant 0 : i32
    %c0_i32_0 = arith.constant 0 : i32
    %c0_i32_1 = arith.constant 0 : i32
    return %c0_i32, %arg0, %c0_i32_0 : i32, i32, i32
  }
  func.func @transform_1(%arg0: i32) -> (i32, i32) {
    %c0_i32 = arith.constant 0 : i32
    %c0_i32_0 = arith.constant 0 : i32
    return %arg0, %c0_i32 : i32, i32
  }
  func.func @transform_2(%arg0: i32) -> (i32, i32) {
    %c0_i32 = arith.constant 0 : i32
    %c0_i32_0 = arith.constant 0 : i32
    return %arg0, %c0_i32 : i32, i32
  }
  func.func @transform_3(%arg0: i32) -> (i32, i32) {
    %c0_i32 = arith.constant 0 : i32
    %c0_i32_0 = arith.constant 0 : i32
    %c0_i32_1 = arith.constant 0 : i32
    return %c0_i32, %c0_i32_0 : i32, i32
  }
  func.func @transform_4(%arg0: i32) -> (i32, i32) {
    %c0_i32 = arith.constant 0 : i32
    %c0_i32_0 = arith.constant 0 : i32
    %c0_i32_1 = arith.constant 0 : i32
    return %c0_i32, %c0_i32_0 : i32, i32
  }
  func.func @transform_5(%arg0: i32) -> (i32, i32) {
    %c0_i32 = arith.constant 0 : i32
    %c0_i32_0 = arith.constant 0 : i32
    return %arg0, %c0_i32 : i32, i32
  }
}

</mosaic_0001>

<sc_bundles>
// kernel: kernel.11.cloned.1.call-start
scs
__scs_entry_jumppad:
0x0: {  	(pc) =	sbr.rel $0x88, $3  }
0x1: {  	(tag) =	ssettag $0x0;
	lr =	simm.s32 $0x1  }
0x2: {  	[smem:$0x3F97] =	sst lr;
	_ =	strace $0xD0000000  }
0x3: {  	_ = 	snop  }
0x4: {  	_ = 	snop  }
0x5: {  	_ = 	snop  }
0x6: {  	_ = 	snop  }
0x7: {  	_ = 	snop  }
__scs_overlays_trampoline_lowered:
0x8: {  	[smem:$0x3FA6] =	sst s0  }
0x9: {  	[smem:$0x3FA7] =	sst s1  }
0xa: {  	[smem:$0x3FA8] =	sst s2  }
0xb: {  	[smem:$0x3FA9] =	sst s3  }
0xc: {  	[smem:$0x3FAA] =	sst s4  }
0xd: {  	[smem:$0x3FAB] =	sst s5  }
0xe: {  	[smem:$0x3FAC] =	sst s6  }
0xf: {  	[smem:$0x3FAD] =	sst s7  }
0x10: {  	[smem:$0x3FAE] =	sst s8  }
0x11: {  	[smem:$0x3FAF] =	sst s9;
	s0 =	simm.s32 @!p0 $0x0  }
0x12: {  	s1 =	sld [smem:$0x3F95];
	s0 =	simm.s32 @p0 $0x1  }
0x13: {  	[smem:$0x3FB0] =	sst s0;
	s0 =	simm.s32 @!p1 $0x0  }
0x14: {  	s2 =	sld [smem:$0x3F94];
	s0 =	simm.s32 @p1 $0x1  }
0x15: {  	[smem:$0x3FB1] =	sst s0;
	s0 =	simm.s32 @!p2 $0x0  }
0x16: {  	s3 =	sld [smem:$0x3FDB];
	s0 =	simm.s32 @p2 $0x1  }
0x17: {  	s4 =	simm.s32 $0x1BF5;
	[smem:$0x3FB3] =	sst s0  }
0x18: {  	s0 =	sld [smem:$0x3F96];
	_ =	swait.ge [sflag:s4], $0x0  }
0x19: {  	s7 =	sld [smem:$0x3F97]  }
0x1a: {  	s8 =	sadd.s32 $0xFFFFE003, lr  }
0x1b: {  	s9 =	sadd.s32 $0xFFFFFEF7, lr;
	s5 =	simm.s32 $0xFFFFFFFF;
	p2 =	slt.u32 s8, $0xFFFFF086  }
0x1c: {  	p1 =	slt.u32 s9, $0xF7A;
	s5 =	simm.s32 @!p2 $0x0  }
0x1d: {  	s5 =	simm.s32 @p1 $0x1;
	p0 =	seq.s32 s7, s2  }
0x1e: {  	s7 =	smul.u32 @!p0 $0xF7A, s2;
	p2 =	seq.s32 @!p0 s5, $0x0  }
0x1f: {  	s9 =	smul.u32 $0xF7A, s1;
	s8 =	simm.s32 @!p0 $0x1BF5;
	p2 =	por !p2, p0  }
0x20: {  	[sflag:s8] =	ssyncset.s32 @!p0 $0xFFFFF086;
	s6 =	sadd.s32 @!p0 s3, s7;
	s7 =	simm.s32 @!p0 $0x108  }
0x21: {  	s3 =	sadd.s32 s3, s9;
	s6 =	sadd.s32 @!p0 $0x88, s6;
	s7 =	simm.s32 @p2 $0x1082  }
0x22: {  	[simem:s7], [sflag:s8] =	dma.local @!p0 [hbm:s6], $0xF7A  }
0x23: {  	s9 =	sor.u32 $0xD0000000, s2;
	s6 =	simm.s32 $0x108;
	_ =	swait.ge @!p0 [sflag:s8], $0x0  }
0x24: {  	s3 =	sadd.s32 $0x88, s3;
	s6 =	simm.s32 @!p1 $0x1082;
	[sflag:s4] =	ssyncset.s32 $0xFFFFF086  }
0x25: {  	[simem:s6], [sflag:s4] =	dma.local [hbm:s3], $0xF7A  }
0x26: {  	[smem:$0x3F97] =	sst s1;
	(tag) =	ssettag s2;
	_ =	strace s9  }
0x27: {  	s1 =	sld [smem:$0x3FA7]  }
0x28: {  	s2 =	sld [smem:$0x3FA8]  }
0x29: {  	s4 =	sld [smem:$0x3FAA]  }
0x2a: {  	p0 =	seq.s32 s5, $0x0;
	s5 =	sld [smem:$0x3FAB]  }
0x2b: {  	s6 =	sld [smem:$0x3FAC]  }
0x2c: {  	s7 =	sld [smem:$0x3FAD]  }
0x2d: {  	s3 =	simm.s32 $0x108;
	s8 =	sld [smem:$0x3FAE]  }
0x2e: {  	s3 =	simm.s32 @!p0 $0x1082;
	s9 =	sld [smem:$0x3FAF]  }
0x2f: {  	lr =	sadd.s32 s0, s3;
	s0 =	sld [smem:$0x3FA6]  }
0x30: {  	s3 =	sld [smem:$0x3FA9]  }
0x31: {  	[smem:$0x3FB2] =	sst s10  }
0x32: {  	s10 =	sld [smem:$0x3FB0];
	_ =	sdelay $0x3  }
0x33: {  	p0 =	seq.s32 s10, $0x1;
	s10 =	sld [smem:$0x3FB2];
	_ =	sdelay $0x3  }
0x34: {  	[smem:$0x3FB2] =	sst s10  }
0x35: {  	s10 =	sld [smem:$0x3FB1];
	_ =	sdelay $0x3  }
0x36: {  	p1 =	seq.s32 s10, $0x1;
	s10 =	sld [smem:$0x3FB2];
	_ =	sdelay $0x3  }
0x37: {  	[smem:$0x3FB2] =	sst s10  }
0x38: {  	s10 =	sld [smem:$0x3FB3]  }
0x39: {  	_ = 	snop;
	(pc) =	sbr.ind lr, $3  }
0x3a: {  	_ = 	snop  }
0x3b: {  	_ = 	snop  }
0x3c: {  	p2 =	seq.s32 s10, $0x1;
	s10 =	sld [smem:$0x3FB2]  }
0x3d: {  	_ =	shalt  }
0x3e: {  	_ =	shalt  }
0x3f: {  	_ =	shalt  }
0x40: {  	_ =	shalt  }
0x41: {  	_ =	shalt  }
0x42: {  	_ =	shalt  }
0x43: {  	_ =	shalt  }
0x44: {  	_ =	shalt  }
0x45: {  	_ =	shalt  }
0x46: {  	_ =	shalt  }
0x47: {  	_ =	shalt  }
0x48: {  	_ =	shalt  }
0x49: {  	_ =	shalt  }
0x4a: {  	_ =	shalt  }
0x4b: {  	_ =	shalt  }
0x4c: {  	_ =	shalt  }
0x4d: {  	_ =	shalt  }
0x4e: {  	_ =	shalt  }
0x4f: {  	_ =	shalt  }
0x50: {  	_ =	shalt  }
0x51: {  	_ =	shalt  }
0x52: {  	_ =	shalt  }
0x53: {  	_ =	shalt  }
0x54: {  	_ =	shalt  }
0x55: {  	_ =	shalt  }
0x56: {  	_ =	shalt  }
0x57: {  	_ =	shalt  }
0x58: {  	_ =	shalt  }
0x59: {  	_ =	shalt  }
0x5a: {  	_ =	shalt  }
0x5b: {  	_ =	shalt  }
0x5c: {  	_ =	shalt  }
0x5d: {  	_ =	shalt  }
0x5e: {  	_ =	shalt  }
0x5f: {  	_ =	shalt  }
0x60: {  	_ =	shalt  }
0x61: {  	_ =	shalt  }
0x62: {  	_ =	shalt  }
0x63: {  	_ =	shalt  }
0x64: {  	_ =	shalt  }
0x65: {  	_ =	shalt  }
0x66: {  	_ =	shalt  }
0x67: {  	_ =	shalt  }
0x68: {  	_ =	shalt  }
0x69: {  	_ =	shalt  }
0x6a: {  	_ =	shalt  }
0x6b: {  	_ =	shalt  }
0x6c: {  	_ =	shalt  }
0x6d: {  	_ =	shalt  }
0x6e: {  	_ =	shalt  }
0x6f: {  	_ =	shalt  }
0x70: {  	_ =	shalt  }
0x71: {  	_ =	shalt  }
0x72: {  	_ =	shalt  }
0x73: {  	_ =	shalt  }
0x74: {  	_ =	shalt  }
0x75: {  	_ =	shalt  }
0x76: {  	_ =	shalt  }
0x77: {  	_ =	shalt  }
0x78: {  	_ =	shalt  }
0x79: {  	_ =	shalt  }
0x7a: {  	_ =	shalt  }
0x7b: {  	_ =	shalt  }
0x7c: {  	_ =	shalt  }
0x7d: {  	_ =	shalt  }
0x7e: {  	_ =	shalt  }
0x7f: {  	_ =	shalt  }
0x80: {  	_ =	shalt  }
0x81: {  	_ =	shalt  }
0x82: {  	_ =	shalt  }
0x83: {  	_ =	shalt  }
0x84: {  	_ =	shalt  }
0x85: {  	_ =	shalt  }
0x86: {  	_ =	shalt  }
0x87: {  	_ =	shalt  }
.Lfunc_end0:
.L_simem_size_0:
called_computation.1_lowered:
.L_overlay_start_0:
0x88: {  	s2 =	sld [smem:$0x3FD9]  }
0x89: {  	s3 =	sld [smem:$0x3FFE];
	_ =	sdelay $0x1  }
0x8a: {  	s1 =	srdreg.scid  }
0x8b: {  	s0 =	sand.u32 $0x1, s1  }
0x8c: {  	s16 =	sshll.u32 s0, $0xA;
	s2 =	sadd.s32 s3, s2  }
0x8d: {  	s2 =	sadd.s32 s2, s16  }
0x8e: {  	[smem:$0x3FBE] =	sst s2  }
0x8f: {  	_ = 	snop  }
0x90: {  	(tm) =	ssettm $0x1  }
0x91: {  	s17 =	sld [smem:$0x3FFB];
	_ =	sdelay $0x3  }
0x92: {  	_ =	strace s17  }
0x93: {  	s2 =	sld [smem:$0x3FFC];
	_ =	sdelay $0x3  }
0x94: {  	_ =	strace s2  }
0x95: {  	s2 =	sld [smem:$0x3FFD];
	_ =	sdelay $0x3  }
0x96: {  	_ =	strace s2  }
0x97: {  	_ =	strace $0x8FFFFFFF  }
0x98: {  	s18 =	sld [smem:$0x3FDB];
	_ =	sdelay $0x1  }
0x99: {  	s19 =	simm.s32 $_scs_section_size  }
0x9a: {  	s4 =	simm.s32 $_size__tile_overlayer_lowered;
	s5 =	simm.s32 $_tile_overlayer_lowered  }
0x9b: {  	s22 =	simm.s32 $0x1BFF;
	s21 =	sshll.u32 s5, $0x1;
	s2 =	sadd.s32 s19, s18  }
0x9c: {  	s6 =	simm.s32 $0x0;
	s20 =	sshll.u32 s4, $0x1;
	s4 =	sadd.s32 s21, s2  }
0x9d: {  	[timem:s6], [sflag:s22] =	dma.local [hbm:s4], s20  }
0x9e: {  	_ =	swait.ge [sflag:s22], s20  }
0x9f: {  	s3 =	ssub.s32 $0x0, s20;
	[sflag:s22] =	ssyncset.done $0x0  }
0xa0: {  	[sflag:s22] =	ssyncadd.s32 s3;
	_ =	sdelay $0x1  }
0xa1: {  	s23 =	simm.s32 $0x1B8B  }
0xa2: {  	_ =	swait.ge [sflag:s23], $0x1  }
0xa3: {  	[sflag:s23] =	ssyncset.done $0x0  }
0xa4: {  	s25 =	simm.s32 $0x1B8E;
	s24 =	sld [smem:$0x3FFE];
	[sflag:s23] =	ssyncadd.s32 $0xFFFFFFFF  }
0xa5: {  	s26 =	simm.s32 $execute0_lowered;
	[smem:$0x3FD2] =	sst s25  }
0xa6: {  	s4 =	sshll.u32 s26, $0x1;
	_ =	strace $0x80000049;
	[dreg:$0x1] =	wrdreg $0xFFFFFFFF  }
0xa7: {  	s28 =	simm.s32 $_size_execute0_lowered;
	s2 =	sadd.s32 s2, s4;
	[dreg:$0x0] =	wrdreg $0x0  }
0xa8: {  	s4 =	sshll.u32 s28, $0x1;
	[dreg:$0x2] =	wrdreg s2  }
0xa9: {  	[dreg:$0x3] =	wrdreg s4  }
0xaa: {  	[dreg:$0x4] =	wrdreg $0xC0  }
0xab: {  	_ =	task [dreg:s6], $0x5FFFF  }
0xac: {  	[dreg:$0x1] =	wrdreg $0xFFFFFFFF  }
0xad: {  	[dreg:$0x0] =	wrdreg $0x60  }
0xae: {  	[dreg:$0x2] =	wrdreg s24  }
0xaf: {  	[dreg:$0x3] =	wrdreg $0x0  }
0xb0: {  	[dreg:$0x4] =	wrdreg $0x9  }
0xb1: {  	_ =	task.clear_ibuf [dreg:s6], $0x5FFFF;
	_ =	strace $0x90000049  }
0xb2: {  	s29 =	simm.s32 $0x9;
	_ =	strace $0x8000004B  }
0xb3: {  	_ =	swait.ge [sflag:s29], $0x1  }
0xb4: {  	[sflag:s29] =	ssyncadd.s32 $0xFFFFFFFF  }
0xb5: {  	_ =	strace $0x9000004B  }
0xb6: {  	_ =	sfence  }
0xb7: {  	s30 =	sld [smem:$0x0];
	_ =	sdelay $0x2  }
0xb8: {  	s31 =	sshll.u32 s1, $0xD;
	s1 =	sshrl.u32 s1, $0x2  }
0xb9: {  	s3 =	sand.u32 $0x4000, s31;
	s1 =	sadd.s32 s1, s30  }
0xba: {  	s0 =	sor.u32 s3, s0;
	s1 =	sshll.u32 s1, $0x11  }
0xbb: {  	s0 =	sor.u32 s1, s0  }
0xbc: {  	s0 =	sadd.s32 $0x8F2B, s0  }
0xbd: {  	[sflag:s0] =	ssyncadd.remote.s32 $0x1  }
0xbe: {  	_ =	sfence.sel $0xFFFF  }
0xbf: {  	[dreg:$0x0] =	wrdreg $0xFFFFFFFF;
	(pc) =	sbr.abs _section_cstart, $3  }
0xc0: {  	[dreg:$0x1] =	wrdreg $0xFFFFFFFF  }
0xc1: {  	_ =	task.clear_ibuf [dreg:s6], $0x2FFFF;
	_ =	strace $0x9FFFFFFF  }
0xc2: {  	(tm) =	ssettm $0x7FFFFFFF  }
0xc3: {  	_ =	shalt  }
tec
execute0_lowered:
.L_overlay_start_1:
0x0: {  	(tag) =	ssettag $0x1  }
0x1: {  	s0 =	rddreg [dreg:$0x0]  }
0x2: {  	s1 =	rddreg [dreg:$0x1];
	s2 =	simm.s32 $0x0;
	s3 =	srdreg.scid  }
0x3: {  	s11 =	stileid.u32;
	[smem:$0x7FF] =	sst s2  }
0x4: {  	s3 =	sand.u32 $0x1, s3;
	s4 =	sadd.s32 $0x2A200, s0;
	s9 =	smul.u32 $0x50000, s11  }
0x5: {  	s5 =	sadd.s32 $0x16800, s0;
	s6 =	sadd.s32 $0x2E00, s0;
	s10 =	smul.u32 $0x14000, s11  }
0x6: {  	_ =	strace $0x8000004A;
	s7 =	smul.u32 $0x28000, s3;
	s8 =	ssub.s32 $0x2, s3  }
0x7: {  	s14 =	sshrl.u32 s8, $0x1;
	s9 =	sshrl.u32 s9, $0x2;
	s20 =	sadd.s32 s10, s1  }
0x8: {  	s21 =	sadd.s32 $0x4000, s10;
	s12 =	sadd.s32 $0xC000, s10;
	s8 =	ssub.s32 s8, s14  }
0x9: {  	s14 =	sshrl.u32 s21, $0x3;
	s21 =	sadd.s32 s21, s1;
	[dreg:$0xe] =	wrdreg s20  }
0xa: {  	s9 =	sadd.s32 s9, s1;
	s30 =	sadd.s32 s12, s1;
	[dreg:$0xf] =	wrdreg s21  }
0xb: {  	s3 =	sshll.u32 s3, $0x4;
	s15 =	sadd.s32 $0x800, s9;
	[dreg:$0x11] =	wrdreg s30  }
0xc: {  	s3 =	sor.u32 s11, s3;
	s16 =	sadd.s32 $0x1000, s9;
	[dreg:$0x3] =	wrdreg s15  }
0xd: {  	s22 =	sadd.s32 $0x8000, s10;
	s17 =	sadd.s32 $0x1800, s9;
	[dreg:$0x4] =	wrdreg s16  }
0xe: {  	s13 =	sadd.s32 $0x10000, s10;
	s18 =	sadd.s32 $0x2000, s9;
	[dreg:$0x5] =	wrdreg s17  }
0xf: {  	s10 =	sshrl.u32 s10, $0x3;
	s19 =	sadd.s32 $0x2800, s9;
	[dreg:$0x6] =	wrdreg s18  }
0x10: {  	s0 =	sadd.s32 s7, s0;
	s26 =	sadd.s32 $0x3000, s9;
	[dreg:$0x7] =	wrdreg s19  }
0x11: {  	s7 =	smul.u32 $0xFA, s3;
	s3 =	sadd.s32 $0x3800, s9;
	[dreg:$0xd] =	wrdreg s26  }
0x12: {  	s0 =	sadd.s32 $0x78400, s0;
	s11 =	sadd.s32 $0x5000, s9;
	[dreg:$0x12] =	wrdreg s3  }
0x13: {  	s10 =	sadd.s32 s10, s0;
	[dreg:$0x14] =	wrdreg s11  }
0x14: {  	s31 =	sadd.s32 s13, s1;
	s23 =	sadd.s32 s14, s0;
	[dreg:$0x8] =	wrdreg s10  }
0x15: {  	s16 =	sshrl.u32 s12, $0x3;
	s12 =	sadd.s32 $0x5800, s9;
	[dreg:$0x9] =	wrdreg s23  }
0x16: {  	s17 =	sshrl.u32 s13, $0x3;
	s13 =	sadd.s32 $0x6000, s9;
	[dreg:$0x15] =	wrdreg s12  }
0x17: {  	s14 =	sadd.s32 $0x6800, s9;
	[dreg:$0x16] =	wrdreg s13  }
0x18: {  	s18 =	sadd.s32 $0x9000, s9;
	[dreg:$0x17] =	wrdreg s14  }
0x19: {  	s19 =	sadd.s32 $0x9800, s9;
	[dreg:$0x1b] =	wrdreg s18  }
0x1a: {  	s26 =	sadd.s32 $0xB800, s9;
	[dreg:$0x1c] =	wrdreg s19  }
0x1b: {  	s3 =	sadd.s32 $0xC800, s9;
	[smem:$0x7EE] =	sst s26  }
0x1c: {  	s11 =	sadd.s32 $0xD800, s9;
	[smem:$0x7EF] =	sst s3  }
0x1d: {  	s15 =	sshrl.u32 s22, $0x3;
	s22 =	sadd.s32 s22, s1;
	[smem:$0x7F1] =	sst s11  }
0x1e: {  	s24 =	sadd.s32 s15, s0;
	[dreg:$0x10] =	wrdreg s22  }
0x1f: {  	s25 =	sadd.s32 s16, s0;
	[dreg:$0xa] =	wrdreg s24  }
0x20: {  	s0 =	sadd.s32 s17, s0;
	[dreg:$0xb] =	wrdreg s25  }
0x21: {  	s10 =	sadd.s32 $0x4800, s9;
	[dreg:$0xc] =	wrdreg s0  }
0x22: {  	s15 =	sadd.s32 $0x7000, s9;
	[dreg:$0x13] =	wrdreg s10  }
0x23: {  	s16 =	sadd.s32 $0x7800, s9;
	[dreg:$0x18] =	wrdreg s15  }
0x24: {  	s17 =	sadd.s32 $0x8800, s9;
	[dreg:$0x19] =	wrdreg s16  }
0x25: {  	s23 =	sadd.s32 $0xA000, s9;
	[dreg:$0x1a] =	wrdreg s17  }
0x26: {  	s12 =	sadd.s32 $0xE000, s9;
	[dreg:$0x1d] =	wrdreg s23  }
0x27: {  	s13 =	sadd.s32 $0xE800, s9;
	[smem:$0x7F2] =	sst s12  }
0x28: {  	s14 =	sadd.s32 $0xF000, s9;
	[smem:$0x7F3] =	sst s13  }
0x29: {  	s18 =	sadd.s32 $0x11800, s9;
	[smem:$0x7F4] =	sst s14  }
0x2a: {  	s19 =	sadd.s32 $0x12000, s9;
	[smem:$0x7F8] =	sst s18  }
0x2b: {  	s28 =	simm.s32 $0x2;
	s26 =	smax.u32 s8, $0x1;
	[smem:$0x7F9] =	sst s19  }
0x2c: {  	s29 =	simm.s32 $0x0;
	s24 =	sadd.s32 $0xA800, s9;
	[smem:$0x7FD] =	sst s26  }
0x2d: {  	s11 =	simm.s32 $0x3;
	s25 =	sadd.s32 $0xB000, s9;
	[dreg:$0x1e] =	wrdreg s24  }
0x2e: {  	s10 =	sadd.s32 $0xD000, s9;
	s15 =	sadd.s32 $0xF800, s9;
	[dreg:$0x1f] =	wrdreg s25  }
0x2f: {  	s16 =	sadd.s32 $0x10800, s9;
	s17 =	sadd.s32 $0x11000, s9;
	[smem:$0x7F0] =	sst s10  }
0x30: {  	s23 =	sadd.s32 $0x12800, s9;
	s12 =	simm.s32 $0x14000;
	[smem:$0x7F5] =	sst s15  }
0x31: {  	s13 =	simm.s32 $0x147D0;
	s14 =	simm.s32 $0x50;
	[smem:$0x7F6] =	sst s16  }
0x32: {  	s18 =	simm.s32 $0x140A0;
	s19 =	simm.s32 $0x19FA0;
	[smem:$0x7F7] =	sst s17  }
0x33: {  	s26 =	simm.s32 $0x1C7A0;
	[smem:$0x7FA] =	sst s23;
	s24 =	sadd.s32 $0x13000, s9  }
0x34: {  	s25 =	sadd.s32 $0x13800, s9;
	s10 =	simm.s32 $0x1EFA0;
	s15 =	simm.s32 $0x14FA0  }
0x35: {  	s16 =	simm.s32 $0x14050;
	s17 =	simm.s32 $0x177A0;
	[smem:$0x7FB] =	sst s24  }
0x36: {  	v0 =	vimm.f32 $0.0e+00;
	[smem:$0x7FC] =	sst s25;
	s24 =	simm.s32 $0x1;
	s25 =	simm.s32 $0x140F0  }
.LBB2_1:
0x37: {  	s0 =	simm.s32 $0x0;
	s3 =	simm.s32 $0x200  }
.LBB2_2:
0x38: {  	p0 =	sne.s32 s3, $0x1E00;
	[tilespmem:s0+$0x1F010] =	vst v0  }
0x39: {  	[tilespmem:s0+$0x1EFA0] =	vst v0  }
0x3a: {  	[tilespmem:s0+$0x1EFB0] =	vst v0  }
.Ltmp0:
0x3b: {  	[tilespmem:s0+$0x1EFC0] =	vst v0;
	(pc) =	sbr.rel @p0 .LBB2_2-.Ltmp0, $4  }
0x3c: {  	[tilespmem:s0+$0x1EFD0] =	vst v0  }
0x3d: {  	[tilespmem:s0+$0x1EFE0] =	vst v0  }
0x3e: {  	[tilespmem:s0+$0x1EFF0] =	vst v0  }
0x3f: {  	[tilespmem:s0+$0x1F000] =	vst v0;
	s0 =	sshra.s32 s3, $0x2;
	s3 =	sadd.s32 $0x200, s3  }
0x40: {  	[tilespmem:s0+$0x1F010] =	vst v0  }
0x41: {  	[tilespmem:s0+$0x1EFA0] =	vst v0  }
0x42: {  	[tilespmem:s0+$0x1EFB0] =	vst v0  }
0x43: {  	[tilespmem:s0+$0x1EFC0] =	vst v0  }
0x44: {  	[tilespmem:s0+$0x1EFD0] =	vst v0  }
0x45: {  	[tilespmem:s0+$0x1EFE0] =	vst v0  }
0x46: {  	[tilespmem:s0+$0x1EFF0] =	vst v0  }
0x47: {  	[tilespmem:s0+$0x1F000] =	vst v0  }
0x48: {  	[spmem:s20] =	stream.linear.scatter [tilespmem:s10], [sflag:$0x3], $0x800, $0x38;
	[tilespmem:$0x1F7A0] =	vst v63  }
0x49: {  	_ =	swait.ge [sflag:s11], $0x800  }
0x4a: {  	[sflag:s11] =	ssyncset.done $0x0  }
0x4b: {  	s9 =	rddreg [dreg:$0x3];
	[sflag:s11] =	ssyncadd.s32 $0xFFFFF800  }
0x4c: {  	[spmem:s9] =	stream.linear.scatter [tilespmem:s10], [sflag:$0x3], $0x800, $0x38;
	[tilespmem:$0x1F7A0] =	vst v63  }
0x4d: {  	_ =	swait.ge [sflag:s11], $0x800  }
0x4e: {  	[sflag:s11] =	ssyncset.done $0x0  }
0x4f: {  	s20 =	rddreg [dreg:$0x4];
	[sflag:s11] =	ssyncadd.s32 $0xFFFFF800  }
0x50: {  	[spmem:s20] =	stream.linear.scatter [tilespmem:s10], [sflag:$0x3], $0x800, $0x38;
	[tilespmem:$0x1F7A0] =	vst v63  }
0x51: {  	_ =	swait.ge [sflag:s11], $0x800  }
0x52: {  	[sflag:s11] =	ssyncset.done $0x0  }
0x53: {  	s23 =	rddreg [dreg:$0x5];
	[sflag:s11] =	ssyncadd.s32 $0xFFFFF800  }
0x54: {  	[spmem:s23] =	stream.linear.scatter [tilespmem:s10], [sflag:$0x3], $0x800, $0x38;
	[tilespmem:$0x1F7A0] =	vst v63  }
0x55: {  	_ =	swait.ge [sflag:s11], $0x800  }
0x56: {  	[sflag:s11] =	ssyncset.done $0x0  }
0x57: {  	s3 =	rddreg [dreg:$0x6];
	[sflag:s11] =	ssyncadd.s32 $0xFFFFF800  }
0x58: {  	[spmem:s3] =	stream.linear.scatter [tilespmem:s10], [sflag:$0x3], $0x800, $0x38;
	[tilespmem:$0x1F7A0] =	vst v63  }
0x59: {  	_ =	swait.ge [sflag:s11], $0x800  }
0x5a: {  	[sflag:s11] =	ssyncset.done $0x0  }
0x5b: {  	s8 =	rddreg [dreg:$0x7];
	[sflag:s11] =	ssyncadd.s32 $0xFFFFF800  }
0x5c: {  	[spmem:s8] =	stream.linear.scatter [tilespmem:s10], [sflag:$0x3], $0x800, $0x38;
	[tilespmem:$0x1F7A0] =	vst v63  }
0x5d: {  	_ =	swait.ge [sflag:s11], $0x800  }
0x5e: {  	[sflag:s11] =	ssyncset.done $0x0  }
0x5f: {  	s9 =	rddreg [dreg:$0xd];
	[sflag:s11] =	ssyncadd.s32 $0xFFFFF800  }
0x60: {  	[spmem:s9] =	stream.linear.scatter [tilespmem:s10], [sflag:$0x3], $0x800, $0x38;
	[tilespmem:$0x1F7A0] =	vst v63  }
0x61: {  	_ =	swait.ge [sflag:s11], $0x800  }
0x62: {  	[sflag:s11] =	ssyncset.done $0x0  }
0x63: {  	s20 =	rddreg [dreg:$0x12];
	[sflag:s11] =	ssyncadd.s32 $0xFFFFF800  }
0x64: {  	[spmem:s20] =	stream.linear.scatter [tilespmem:s10], [sflag:$0x3], $0x800, $0x38;
	[tilespmem:$0x1F7A0] =	vst v63  }
0x65: {  	_ =	swait.ge [sflag:s11], $0x800  }
0x66: {  	[sflag:s11] =	ssyncset.done $0x0  }
0x67: {  	[sflag:s11] =	ssyncadd.s32 $0xFFFFF800  }
0x68: {  	[spmem:s21] =	stream.linear.scatter [tilespmem:s10], [sflag:$0x3], $0x800, $0x38;
	[tilespmem:$0x1F7A0] =	vst v63  }
0x69: {  	_ =	swait.ge [sflag:s11], $0x800  }
0x6a: {  	[sflag:s11] =	ssyncset.done $0x0  }
0x6b: {  	s23 =	rddreg [dreg:$0x13];
	[sflag:s11] =	ssyncadd.s32 $0xFFFFF800  }
0x6c: {  	[spmem:s23] =	stream.linear.scatter [tilespmem:s10], [sflag:$0x3], $0x800, $0x38;
	[tilespmem:$0x1F7A0] =	vst v63  }
0x6d: {  	_ =	swait.ge [sflag:s11], $0x800  }
0x6e: {  	[sflag:s11] =	ssyncset.done $0x0  }
0x6f: {  	s3 =	rddreg [dreg:$0x14];
	[sflag:s11] =	ssyncadd.s32 $0xFFFFF800  }
0x70: {  	[spmem:s3] =	stream.linear.scatter [tilespmem:s10], [sflag:$0x3], $0x800, $0x38;
	[tilespmem:$0x1F7A0] =	vst v63  }
0x71: {  	_ =	swait.ge [sflag:s11], $0x800  }
0x72: {  	[sflag:s11] =	ssyncset.done $0x0  }
0x73: {  	s8 =	rddreg [dreg:$0x15];
	[sflag:s11] =	ssyncadd.s32 $0xFFFFF800  }
0x74: {  	[spmem:s8] =	stream.linear.scatter [tilespmem:s10], [sflag:$0x3], $0x800, $0x38;
	[tilespmem:$0x1F7A0] =	vst v63  }
0x75: {  	_ =	swait.ge [sflag:s11], $0x800  }
0x76: {  	[sflag:s11] =	ssyncset.done $0x0  }
0x77: {  	s9 =	rddreg [dreg:$0x16];
	[sflag:s11] =	ssyncadd.s32 $0xFFFFF800  }
0x78: {  	[spmem:s9] =	stream.linear.scatter [tilespmem:s10], [sflag:$0x3], $0x800, $0x38;
	[tilespmem:$0x1F7A0] =	vst v63  }
0x79: {  	_ =	swait.ge [sflag:s11], $0x800  }
0x7a: {  	[sflag:s11] =	ssyncset.done $0x0  }
0x7b: {  	s20 =	rddreg [dreg:$0x17];
	[sflag:s11] =	ssyncadd.s32 $0xFFFFF800  }
0x7c: {  	[spmem:s20] =	stream.linear.scatter [tilespmem:s10], [sflag:$0x3], $0x800, $0x38;
	[tilespmem:$0x1F7A0] =	vst v63  }
0x7d: {  	_ =	swait.ge [sflag:s11], $0x800  }
0x7e: {  	[sflag:s11] =	ssyncset.done $0x0  }
0x7f: {  	s21 =	rddreg [dreg:$0x18];
	[sflag:s11] =	ssyncadd.s32 $0xFFFFF800  }
0x80: {  	[spmem:s21] =	stream.linear.scatter [tilespmem:s10], [sflag:$0x3], $0x800, $0x38;
	[tilespmem:$0x1F7A0] =	vst v63  }
0x81: {  	_ =	swait.ge [sflag:s11], $0x800  }
0x82: {  	[sflag:s11] =	ssyncset.done $0x0  }
0x83: {  	s23 =	rddreg [dreg:$0x19];
	[sflag:s11] =	ssyncadd.s32 $0xFFFFF800  }
0x84: {  	[spmem:s23] =	stream.linear.scatter [tilespmem:s10], [sflag:$0x3], $0x800, $0x38;
	[tilespmem:$0x1F7A0] =	vst v63  }
0x85: {  	_ =	swait.ge [sflag:s11], $0x800  }
0x86: {  	[sflag:s11] =	ssyncset.done $0x0  }
0x87: {  	[sflag:s11] =	ssyncadd.s32 $0xFFFFF800  }
0x88: {  	[spmem:s22] =	stream.linear.scatter [tilespmem:s10], [sflag:$0x3], $0x800, $0x38;
	[tilespmem:$0x1F7A0] =	vst v63  }
0x89: {  	_ =	swait.ge [sflag:s11], $0x800  }
0x8a: {  	[sflag:s11] =	ssyncset.done $0x0  }
0x8b: {  	s3 =	rddreg [dreg:$0x1a];
	[sflag:s11] =	ssyncadd.s32 $0xFFFFF800  }
0x8c: {  	[spmem:s3] =	stream.linear.scatter [tilespmem:s10], [sflag:$0x3], $0x800, $0x38;
	[tilespmem:$0x1F7A0] =	vst v63  }
0x8d: {  	_ =	swait.ge [sflag:s11], $0x800  }
0x8e: {  	[sflag:s11] =	ssyncset.done $0x0  }
0x8f: {  	s8 =	rddreg [dreg:$0x1b];
	[sflag:s11] =	ssyncadd.s32 $0xFFFFF800  }
0x90: {  	[spmem:s8] =	stream.linear.scatter [tilespmem:s10], [sflag:$0x3], $0x800, $0x38;
	[tilespmem:$0x1F7A0] =	vst v63  }
0x91: {  	_ =	swait.ge [sflag:s11], $0x800  }
0x92: {  	[sflag:s11] =	ssyncset.done $0x0  }
0x93: {  	s9 =	rddreg [dreg:$0x1c];
	[sflag:s11] =	ssyncadd.s32 $0xFFFFF800  }
0x94: {  	[spmem:s9] =	stream.linear.scatter [tilespmem:s10], [sflag:$0x3], $0x800, $0x38;
	[tilespmem:$0x1F7A0] =	vst v63  }
0x95: {  	_ =	swait.ge [sflag:s11], $0x800  }
0x96: {  	[sflag:s11] =	ssyncset.done $0x0  }
0x97: {  	s20 =	rddreg [dreg:$0x1d];
	[sflag:s11] =	ssyncadd.s32 $0xFFFFF800  }
0x98: {  	[spmem:s20] =	stream.linear.scatter [tilespmem:s10], [sflag:$0x3], $0x800, $0x38;
	[tilespmem:$0x1F7A0] =	vst v63  }
0x99: {  	_ =	swait.ge [sflag:s11], $0x800  }
0x9a: {  	[sflag:s11] =	ssyncset.done $0x0  }
0x9b: {  	s21 =	rddreg [dreg:$0x1e];
	[sflag:s11] =	ssyncadd.s32 $0xFFFFF800  }
0x9c: {  	[spmem:s21] =	stream.linear.scatter [tilespmem:s10], [sflag:$0x3], $0x800, $0x38;
	[tilespmem:$0x1F7A0] =	vst v63  }
0x9d: {  	_ =	swait.ge [sflag:s11], $0x800  }
0x9e: {  	[sflag:s11] =	ssyncset.done $0x0  }
0x9f: {  	s22 =	rddreg [dreg:$0x1f];
	[sflag:s11] =	ssyncadd.s32 $0xFFFFF800  }
0xa0: {  	[spmem:s22] =	stream.linear.scatter [tilespmem:s10], [sflag:$0x3], $0x800, $0x38;
	[tilespmem:$0x1F7A0] =	vst v63  }
0xa1: {  	_ =	swait.ge [sflag:s11], $0x800  }
0xa2: {  	s23 =	sld [smem:$0x7EE]  }
0xa3: {  	[sflag:s11] =	ssyncset.done $0x0  }
0xa4: {  	[sflag:s11] =	ssyncadd.s32 $0xFFFFF800  }
0xa5: {  	[spmem:s23] =	stream.linear.scatter [tilespmem:s10], [sflag:$0x3], $0x800, $0x38;
	[tilespmem:$0x1F7A0] =	vst v63  }
0xa6: {  	_ =	swait.ge [sflag:s11], $0x800  }
0xa7: {  	[sflag:s11] =	ssyncset.done $0x0  }
0xa8: {  	[sflag:s11] =	ssyncadd.s32 $0xFFFFF800  }
0xa9: {  	[spmem:s30] =	stream.linear.scatter [tilespmem:s10], [sflag:$0x3], $0x800, $0x38;
	[tilespmem:$0x1F7A0] =	vst v63  }
0xaa: {  	_ =	swait.ge [sflag:s11], $0x800  }
0xab: {  	s3 =	sld [smem:$0x7EF]  }
0xac: {  	[sflag:s11] =	ssyncset.done $0x0  }
0xad: {  	[sflag:s11] =	ssyncadd.s32 $0xFFFFF800  }
0xae: {  	[spmem:s3] =	stream.linear.scatter [tilespmem:s10], [sflag:$0x3], $0x800, $0x38;
	[tilespmem:$0x1F7A0] =	vst v63  }
0xaf: {  	_ =	swait.ge [sflag:s11], $0x800  }
0xb0: {  	s8 =	sld [smem:$0x7F0]  }
0xb1: {  	[sflag:s11] =	ssyncset.done $0x0  }
0xb2: {  	[sflag:s11] =	ssyncadd.s32 $0xFFFFF800  }
0xb3: {  	[spmem:s8] =	stream.linear.scatter [tilespmem:s10], [sflag:$0x3], $0x800, $0x38;
	[tilespmem:$0x1F7A0] =	vst v63  }
0xb4: {  	_ =	swait.ge [sflag:s11], $0x800  }
0xb5: {  	s9 =	sld [smem:$0x7F1]  }
0xb6: {  	[sflag:s11] =	ssyncset.done $0x0  }
0xb7: {  	[sflag:s11] =	ssyncadd.s32 $0xFFFFF800  }
0xb8: {  	[spmem:s9] =	stream.linear.scatter [tilespmem:s10], [sflag:$0x3], $0x800, $0x38;
	[tilespmem:$0x1F7A0] =	vst v63  }
0xb9: {  	_ =	swait.ge [sflag:s11], $0x800  }
0xba: {  	s20 =	sld [smem:$0x7F2]  }
0xbb: {  	[sflag:s11] =	ssyncset.done $0x0  }
0xbc: {  	[sflag:s11] =	ssyncadd.s32 $0xFFFFF800  }
0xbd: {  	[spmem:s20] =	stream.linear.scatter [tilespmem:s10], [sflag:$0x3], $0x800, $0x38;
	[tilespmem:$0x1F7A0] =	vst v63  }
0xbe: {  	_ =	swait.ge [sflag:s11], $0x800  }
0xbf: {  	s21 =	sld [smem:$0x7F3]  }
0xc0: {  	[sflag:s11] =	ssyncset.done $0x0  }
0xc1: {  	[sflag:s11] =	ssyncadd.s32 $0xFFFFF800  }
0xc2: {  	[spmem:s21] =	stream.linear.scatter [tilespmem:s10], [sflag:$0x3], $0x800, $0x38;
	[tilespmem:$0x1F7A0] =	vst v63  }
0xc3: {  	_ =	swait.ge [sflag:s11], $0x800  }
0xc4: {  	s22 =	sld [smem:$0x7F4]  }
0xc5: {  	[sflag:s11] =	ssyncset.done $0x0  }
0xc6: {  	[sflag:s11] =	ssyncadd.s32 $0xFFFFF800  }
0xc7: {  	[spmem:s22] =	stream.linear.scatter [tilespmem:s10], [sflag:$0x3], $0x800, $0x38;
	[tilespmem:$0x1F7A0] =	vst v63  }
0xc8: {  	_ =	swait.ge [sflag:s11], $0x800  }
0xc9: {  	s23 =	sld [smem:$0x7F5]  }
0xca: {  	[sflag:s11] =	ssyncset.done $0x0  }
0xcb: {  	[sflag:s11] =	ssyncadd.s32 $0xFFFFF800  }
0xcc: {  	[spmem:s23] =	stream.linear.scatter [tilespmem:s10], [sflag:$0x3], $0x800, $0x38;
	[tilespmem:$0x1F7A0] =	vst v63  }
0xcd: {  	_ =	swait.ge [sflag:s11], $0x800  }
0xce: {  	[sflag:s11] =	ssyncset.done $0x0  }
0xcf: {  	[sflag:s11] =	ssyncadd.s32 $0xFFFFF800  }
0xd0: {  	[spmem:s31] =	stream.linear.scatter [tilespmem:s10], [sflag:$0x3], $0x800, $0x38;
	[tilespmem:$0x1F7A0] =	vst v63  }
0xd1: {  	_ =	swait.ge [sflag:s11], $0x800  }
0xd2: {  	s3 =	sld [smem:$0x7F6]  }
0xd3: {  	[sflag:s11] =	ssyncset.done $0x0  }
0xd4: {  	[sflag:s11] =	ssyncadd.s32 $0xFFFFF800  }
0xd5: {  	[spmem:s3] =	stream.linear.scatter [tilespmem:s10], [sflag:$0x3], $0x800, $0x38;
	[tilespmem:$0x1F7A0] =	vst v63  }
0xd6: {  	_ =	swait.ge [sflag:s11], $0x800  }
0xd7: {  	s8 =	sld [smem:$0x7F7]  }
0xd8: {  	[sflag:s11] =	ssyncset.done $0x0  }
0xd9: {  	[sflag:s11] =	ssyncadd.s32 $0xFFFFF800  }
0xda: {  	[spmem:s8] =	stream.linear.scatter [tilespmem:s10], [sflag:$0x3], $0x800, $0x38;
	[tilespmem:$0x1F7A0] =	vst v63  }
0xdb: {  	_ =	swait.ge [sflag:s11], $0x800  }
0xdc: {  	s9 =	sld [smem:$0x7F8]  }
0xdd: {  	[sflag:s11] =	ssyncset.done $0x0  }
0xde: {  	[sflag:s11] =	ssyncadd.s32 $0xFFFFF800  }
0xdf: {  	[spmem:s9] =	stream.linear.scatter [tilespmem:s10], [sflag:$0x3], $0x800, $0x38;
	[tilespmem:$0x1F7A0] =	vst v63  }
0xe0: {  	_ =	swait.ge [sflag:s11], $0x800  }
0xe1: {  	s20 =	sld [smem:$0x7F9]  }
0xe2: {  	[sflag:s11] =	ssyncset.done $0x0  }
0xe3: {  	[sflag:s11] =	ssyncadd.s32 $0xFFFFF800  }
0xe4: {  	[spmem:s20] =	stream.linear.scatter [tilespmem:s10], [sflag:$0x3], $0x800, $0x38;
	[tilespmem:$0x1F7A0] =	vst v63  }
0xe5: {  	_ =	swait.ge [sflag:s11], $0x800  }
0xe6: {  	s21 =	sld [smem:$0x7FA]  }
0xe7: {  	[sflag:s11] =	ssyncset.done $0x0  }
0xe8: {  	[sflag:s11] =	ssyncadd.s32 $0xFFFFF800  }
0xe9: {  	[spmem:s21] =	stream.linear.scatter [tilespmem:s10], [sflag:$0x3], $0x800, $0x38;
	[tilespmem:$0x1F7A0] =	vst v63  }
0xea: {  	_ =	swait.ge [sflag:s11], $0x800  }
0xeb: {  	s22 =	sld [smem:$0x7FB]  }
0xec: {  	[sflag:s11] =	ssyncset.done $0x0  }
0xed: {  	[sflag:s11] =	ssyncadd.s32 $0xFFFFF800  }
0xee: {  	[spmem:s22] =	stream.linear.scatter [tilespmem:s10], [sflag:$0x3], $0x800, $0x38;
	[tilespmem:$0x1F7A0] =	vst v63  }
0xef: {  	_ =	swait.ge [sflag:s11], $0x800  }
0xf0: {  	s23 =	smov.u32 s31;
	s31 =	sld [smem:$0x7FC]  }
0xf1: {  	[sflag:s11] =	ssyncset.done $0x0  }
0xf2: {  	[sflag:s11] =	ssyncadd.s32 $0xFFFFF800  }
0xf3: {  	[spmem:s31] =	stream.linear.scatter [tilespmem:s10], [sflag:$0x3], $0x800, $0x38;
	[tilespmem:$0x1F7A0] =	vst v63  }
0xf4: {  	_ =	swait.ge [sflag:s11], $0x800  }
0xf5: {  	[sflag:s11] =	ssyncset.done $0x0  }
0xf6: {  	[sflag:s11] =	ssyncadd.s32 $0xFFFFF800  }
0xf7: {  	s30 =	simm.s32 $0x0;
	[bflag:$0x0] =	sbarrier.arrive $0xFFFF  }
.LBB2_4:
0xf8: {  	s0 =	smul.u32 $0x19, s30;
	_ =	sdelay $0x1  }
0xf9: {  	s0 =	sadd.s32 s7, s0  }
0xfa: {  	s0 =	smul.u32 $0xA, s0;
	_ =	sdelay $0x1  }
0xfb: {  	s3 =	sadd.s32 s5, s0  }
0xfc: {  	[tilespmem:s12], [sflag:$0x3] =	stream.linear.gather [hbm4b:s3+s2], $0x7D0, $0x38;
	[tilespmem:$0x1F7A0] =	vst v63  }
0xfd: {  	_ =	swait.ge [sflag:s11], $0x7D0  }
0xfe: {  	[sflag:s11] =	ssyncset.done $0x0  }
0xff: {  	s0 =	sadd.s32 s6, s0;
	[sflag:s11] =	ssyncadd.s32 $0xFFFFF830  }
0x100: {  	[tilespmem:s13], [sflag:$0x3] =	stream.linear.gather [hbm4b:s0+s2], $0x7D0, $0x38;
	[tilespmem:$0x1F7A0] =	vst v63  }
0x101: {  	_ =	swait.ge [sflag:s11], $0x7D0  }
0x102: {  	[sflag:s11] =	ssyncset.done $0x0  }
0x103: {  	[sflag:s11] =	ssyncadd.s32 $0xFFFFF830  }
0x104: {  	[tilespmem:s15], [sflag:$0x1] =	stream.indirect.gather [hbm4b:s4+s14], $0x80, s12, s14, $0xb8;
	[tilespmem:$0x1F7A0] =	vst v63  }
0x105: {  	_ = 	snop  }
0x106: {  	[tilespmem:s17], [sflag:$0x1] =	stream.indirect.gather [hbm4b:s4+s14], $0x80, s16, s14, $0xb8;
	[tilespmem:$0x1F7A0] =	vst v63  }
0x107: {  	_ = 	snop  }
0x108: {  	[tilespmem:s19], [sflag:$0x1] =	stream.indirect.gather [hbm4b:s4+s14], $0x80, s18, s14, $0xb8;
	[tilespmem:$0x1F7A0] =	vst v63  }
0x109: {  	_ =	swait.ge [sflag:s24], $0x2800  }
0x10a: {  	s22 =	simm.s32 $0x1;
	[sflag:s24] =	ssyncset.done $0x0  }
0x10b: {  	s0 =	sand.u32 $0x3, s22;
	[sflag:s24] =	ssyncadd.s32 $0xFFFFD800  }
0x10c: {  	[spmem:s1] =	stream.indirect.scatter.add.f32 [tilespmem:s15], [sflag:$0x2], $0x80, s13, s14, $0xb8;
	[tilespmem:$0x1F7A0] =	vst v63  }
0x10d: {  	s8 =	simm.s32 $0x14820;
	s0 =	smul.u32 $0xA000, s0  }
0x10e: {  	[tilespmem:s26], [sflag:$0x1] =	stream.indirect.gather [hbm4b:s4+s14], $0x80, s25, s14, $0xb8;
	[tilespmem:$0x1F7A0] =	vst v63  }
0x10f: {  	s31 =	simm.s32 $0x14140;
	p0 =	por $0x0, $0x0;
	_ =	swait.ge [sflag:s24], $0x2800  }
0x110: {  	s3 =	simm.s32 $0x4;
	s0 =	sshrl.u32 s0, $0x2;
	[sflag:s24] =	ssyncset.done $0x0  }
0x111: {  	s3 =	sand.u32 @!p0 $0x3, s3;
	s0 =	sadd.s32 $0x14FA0, s0;
	[sflag:s24] =	ssyncadd.s32 $0xFFFFD800  }
0x112: {  	[spmem:s1] =	stream.indirect.scatter.add.f32 [tilespmem:s0], [sflag:$0x2], $0x80, s8, s14, $0xb8;
	[tilespmem:$0x1F7A0] =	vst v63  }
0x113: {  	s9 =	simm.s32 $0x14190;
	s8 =	smul.u32 @!p0 $0xA000, s3;
	_ =	swait.ge [sflag:s28], $0x2800  }
0x114: {  	s0 =	simm.s32 $0x5;
	s3 =	simm.s32 $0x14870;
	[sflag:s28] =	ssyncset.done $0x0  }
0x115: {  	s20 =	sshrl.u32 @!p0 s8, $0x2;
	s8 =	simm.s32 @!p0 $0x50;
	[sflag:s28] =	ssyncadd.s32 $0xFFFFD800  }
.LBB2_5:
0x116: {  	s21 =	sadd.s32 $0xFFFFFFFD, s0  }
0x117: {  	s20 =	sadd.s32 @!p0 $0x14FA0, s20;
	s22 =	smov.u32 s0;
	s0 =	sadd.s32 $0x1, s0  }
0x118: {  	[tilespmem:s20], [sflag:$0x1] =	stream.indirect.gather @!p0 [hbm4b:s4+s8], $0x80, s31, s8, $0xb8;
	[tilespmem:$0x1F7A0] =	vst v63  }
0x119: {  	s8 =	sand.u32 $0x3, s21;
	p1 =	sne.s32 s0, $0x1C;
	s31 =	smov.u32 s9  }
0x11a: {  	s8 =	smul.u32 $0xA000, s8  }
0x11b: {  	p0 =	sgt.u32 s21, $0x15;
	_ =	swait.ge [sflag:s24], $0x2800  }
0x11c: {  	s20 =	sand.u32 @!p0 $0x3, s22;
	s8 =	sshrl.u32 s8, $0x2;
	[sflag:s24] =	ssyncset.done $0x0  }
.Ltmp1:
0x11d: {  	s8 =	sadd.s32 $0x14FA0, s8;
	[sflag:s24] =	ssyncadd.s32 $0xFFFFD800;
	(pc) =	sbr.rel @p1 .LBB2_5-.Ltmp1, $4  }
0x11e: {  	[spmem:s1] =	stream.indirect.scatter.add.f32 [tilespmem:s8], [sflag:$0x2], $0x80, s3, s14, $0xb8;
	[tilespmem:$0x1F7A0] =	vst v63  }
0x11f: {  	s8 =	smul.u32 @!p0 $0xA000, s20;
	_ =	swait.ge [sflag:s28], $0x2800  }
0x120: {  	s9 =	sadd.s32 $0x50, s9;
	s3 =	sadd.s32 $0x50, s3;
	[sflag:s28] =	ssyncset.done $0x0  }
0x121: {  	s20 =	sshrl.u32 @!p0 s8, $0x2;
	s8 =	simm.s32 @!p0 $0x50;
	[sflag:s28] =	ssyncadd.s32 $0xFFFFD800  }
0x122: {  	s0 =	sadd.s32 @!p0 $0x14FA0, s20;
	s30 =	sadd.s32 $0x1, s30  }
0x123: {  	[tilespmem:s0], [sflag:$0x1] =	stream.indirect.gather @!p0 [hbm4b:s4+s8], $0x80, s31, s8, $0xb8;
	[tilespmem:$0x1F7A0] =	vst v63  }
0x124: {  	p0 =	sne.s32 s30, $0xA  }
.Ltmp2:
0x125: {  	_ = 	snop;
	(pc) =	sbr.rel @p0 .LBB2_4-.Ltmp2, $4  }
0x126: {  	_ = 	snop  }
0x127: {  	_ =	swait.ge [sflag:s28], $0x2800  }
0x128: {  	[sflag:s28] =	ssyncset.done $0x0  }
0x129: {  	[sflag:s28] =	ssyncadd.s32 $0xFFFFD800  }
0x12a: {  	s0 =	stileid.u32;
	[bflag:$0x0] =	sbarrier.arrive $0xFFFF  }
0x12b: {  	s0 =	sshll.u32 s0, $0x6;
	s20 =	rddreg [dreg:$0xe]  }
0x12c: {  	s8 =	rddreg [dreg:$0x8];
	s0 =	sor.u32 $0x1C03, s0;
	s3 =	sshrl.u32 s20, $0x3  }
0x12d: {  	[hbm:s8], [sflag:s0] =	dma.local [spmem:s3], $0x800  }
0x12e: {  	_ =	swait.ge [sflag:s11], $0x800  }
0x12f: {  	[sflag:s11] =	ssyncset.done $0x0;
	s21 =	rddreg [dreg:$0xf]  }
0x130: {  	s22 =	rddreg [dreg:$0x9];
	[sflag:s11] =	ssyncadd.s32 $0xFFFFF800;
	s9 =	sshrl.u32 s21, $0x3  }
0x131: {  	[hbm:s22], [sflag:s0] =	dma.local [spmem:s9], $0x800  }
0x132: {  	_ =	swait.ge [sflag:s11], $0x800  }
0x133: {  	[sflag:s11] =	ssyncset.done $0x0;
	s22 =	rddreg [dreg:$0x10]  }
0x134: {  	s9 =	rddreg [dreg:$0xa];
	[sflag:s11] =	ssyncadd.s32 $0xFFFFF800;
	s8 =	sshrl.u32 s22, $0x3  }
0x135: {  	[hbm:s9], [sflag:s0] =	dma.local [spmem:s8], $0x800  }
0x136: {  	_ =	swait.ge [sflag:s11], $0x800  }
0x137: {  	[sflag:s11] =	ssyncset.done $0x0;
	s30 =	rddreg [dreg:$0x11]  }
0x138: {  	s9 =	rddreg [dreg:$0xb];
	[sflag:s11] =	ssyncadd.s32 $0xFFFFF800;
	s8 =	sshrl.u32 s30, $0x3  }
0x139: {  	[hbm:s9], [sflag:s0] =	dma.local [spmem:s8], $0x800  }
0x13a: {  	_ =	swait.ge [sflag:s11], $0x800  }
0x13b: {  	[sflag:s11] =	ssyncset.done $0x0  }
0x13c: {  	s8 =	sshrl.u32 s23, $0x3;
	s9 =	rddreg [dreg:$0xc];
	[sflag:s11] =	ssyncadd.s32 $0xFFFFF800  }
0x13d: {  	[hbm:s9], [sflag:s0] =	dma.local [spmem:s8], $0x800  }
0x13e: {  	_ =	swait.ge [sflag:s11], $0x800  }
0x13f: {  	s31 =	smov.u32 s23;
	s23 =	sld [smem:$0x7FD];
	_ =	sdelay $0x1  }
0x140: {  	s29 =	sadd.s32 $0x1, s29  }
0x141: {  	p0 =	sne.s32 s29, s23  }
.Ltmp3:
0x142: {  	_ = 	snop;
	(pc) =	sbr.rel @p0 .LBB2_1-.Ltmp3, $3  }
0x143: {  	_ =	sdelay $0x1  }
0x144: {  	[sflag:s11] =	ssyncset.done $0x0  }
0x145: {  	[sflag:s11] =	ssyncadd.s32 $0xFFFFF800  }
0x146: {  	_ =	sfence.sel $0x180000  }
0x147: {  	[bflag:$0x0] =	sbarrier.arrive $0xFFFF  }
0x148: {  	_ =	strace $0x9000004A  }
0x149: {  	s0 =	stileid.u32;
	[bflag:$0x2] =	sbarrier.arrive $0xFFFF  }
0x14a: {  	p0 =	sne.s32 s0, $0x0;
	s0 =	rddreg [dreg:$0x2]  }
0x14b: {  	s0 =	sadd.s32 @!p0 $0x100000, s0  }
0x14c: {  	[sflag:s0] =	ssyncadd.tile.s32 @!p0 $0x1;
	_ =	shalt  }
.Lfunc_end2:
_tile_overlayer_lowered:
.L_overlay_start_2:
0x14d: {  	(tag) =	ssettag $0x2  }
0x14e: {  	s0 =	rddreg [dreg:$0x0];
	s2 =	stileid.u32  }
0x14f: {  	s1 =	rddreg [dreg:$0x1];
	p0 =	sne.s32 s2, $0x0  }
0x150: {  	s3 =	rddreg [dreg:$0x2];
	[bflag:$0x3] =	sbarrier.arrive $0xFFFF;
	s2 =	simm.s32 @!p0 $0x1C03  }
0x151: {  	[timem:s3], [sflag:s2] =	dma.local @!p0 [hbm:s0], s1  }
0x152: {  	s0 =	simm.s32 @!p0 $0x3  }
0x153: {  	_ =	swait.ge @!p0 [sflag:s0], s1  }
0x154: {  	s1 =	ssub.s32 @!p0 $0x0, s1;
	[sflag:s0] =	ssyncset.done @!p0 $0x0  }
0x155: {  	[sflag:s0] =	ssyncadd.s32 @!p0 s1  }
0x156: {  	[bflag:$0x3] =	sbarrier.arrive $0xFFFF  }
0x157: {  	_ =	shalt  }

// kernel: kernel.14.cloned.1.call-start
scs
__scs_entry_jumppad:
0x0: {  	(pc) =	sbr.rel $0x88, $3  }
0x1: {  	(tag) =	ssettag $0x0;
	lr =	simm.s32 $0x1  }
0x2: {  	[smem:$0x3F97] =	sst lr;
	_ =	strace $0xD0000000  }
0x3: {  	_ = 	snop  }
0x4: {  	_ = 	snop  }
0x5: {  	_ = 	snop  }
0x6: {  	_ = 	snop  }
0x7: {  	_ = 	snop  }
__scs_overlays_trampoline_lowered:
0x8: {  	[smem:$0x3FA6] =	sst s0  }
0x9: {  	[smem:$0x3FA7] =	sst s1  }
0xa: {  	[smem:$0x3FA8] =	sst s2  }
0xb: {  	[smem:$0x3FA9] =	sst s3  }
0xc: {  	[smem:$0x3FAA] =	sst s4  }
0xd: {  	[smem:$0x3FAB] =	sst s5  }
0xe: {  	[smem:$0x3FAC] =	sst s6  }
0xf: {  	[smem:$0x3FAD] =	sst s7  }
0x10: {  	[smem:$0x3FAE] =	sst s8  }
0x11: {  	[smem:$0x3FAF] =	sst s9;
	s0 =	simm.s32 @!p0 $0x0  }
0x12: {  	s1 =	sld [smem:$0x3F95];
	s0 =	simm.s32 @p0 $0x1  }
0x13: {  	[smem:$0x3FB0] =	sst s0;
	s0 =	simm.s32 @!p1 $0x0  }
0x14: {  	s2 =	sld [smem:$0x3F94];
	s0 =	simm.s32 @p1 $0x1  }
0x15: {  	[smem:$0x3FB1] =	sst s0;
	s0 =	simm.s32 @!p2 $0x0  }
0x16: {  	s3 =	sld [smem:$0x3FDB];
	s0 =	simm.s32 @p2 $0x1  }
0x17: {  	s4 =	simm.s32 $0x1BF5;
	[smem:$0x3FB3] =	sst s0  }
0x18: {  	s0 =	sld [smem:$0x3F96];
	_ =	swait.ge [sflag:s4], $0x0  }
0x19: {  	s7 =	sld [smem:$0x3F97]  }
0x1a: {  	s8 =	sadd.s32 $0xFFFFE003, lr  }
0x1b: {  	s9 =	sadd.s32 $0xFFFFFEF7, lr;
	s5 =	simm.s32 $0xFFFFFFFF;
	p2 =	slt.u32 s8, $0xFFFFF086  }
0x1c: {  	p1 =	slt.u32 s9, $0xF7A;
	s5 =	simm.s32 @!p2 $0x0  }
0x1d: {  	s5 =	simm.s32 @p1 $0x1;
	p0 =	seq.s32 s7, s2  }
0x1e: {  	s7 =	smul.u32 @!p0 $0xF7A, s2;
	p2 =	seq.s32 @!p0 s5, $0x0  }
0x1f: {  	s9 =	smul.u32 $0xF7A, s1;
	s8 =	simm.s32 @!p0 $0x1BF5;
	p2 =	por !p2, p0  }
0x20: {  	[sflag:s8] =	ssyncset.s32 @!p0 $0xFFFFF086;
	s6 =	sadd.s32 @!p0 s3, s7;
	s7 =	simm.s32 @!p0 $0x108  }
0x21: {  	s3 =	sadd.s32 s3, s9;
	s6 =	sadd.s32 @!p0 $0x88, s6;
	s7 =	simm.s32 @p2 $0x1082  }
0x22: {  	[simem:s7], [sflag:s8] =	dma.local @!p0 [hbm:s6], $0xF7A  }
0x23: {  	s9 =	sor.u32 $0xD0000000, s2;
	s6 =	simm.s32 $0x108;
	_ =	swait.ge @!p0 [sflag:s8], $0x0  }
0x24: {  	s3 =	sadd.s32 $0x88, s3;
	s6 =	simm.s32 @!p1 $0x1082;
	[sflag:s4] =	ssyncset.s32 $0xFFFFF086  }
0x25: {  	[simem:s6], [sflag:s4] =	dma.local [hbm:s3], $0xF7A  }
0x26: {  	[smem:$0x3F97] =	sst s1;
	(tag) =	ssettag s2;
	_ =	strace s9  }
0x27: {  	s1 =	sld [smem:$0x3FA7]  }
0x28: {  	s2 =	sld [smem:$0x3FA8]  }
0x29: {  	s4 =	sld [smem:$0x3FAA]  }
0x2a: {  	p0 =	seq.s32 s5, $0x0;
	s5 =	sld [smem:$0x3FAB]  }
0x2b: {  	s6 =	sld [smem:$0x3FAC]  }
0x2c: {  	s7 =	sld [smem:$0x3FAD]  }
0x2d: {  	s3 =	simm.s32 $0x108;
	s8 =	sld [smem:$0x3FAE]  }
0x2e: {  	s3 =	simm.s32 @!p0 $0x1082;
	s9 =	sld [smem:$0x3FAF]  }
0x2f: {  	lr =	sadd.s32 s0, s3;
	s0 =	sld [smem:$0x3FA6]  }
0x30: {  	s3 =	sld [smem:$0x3FA9]  }
0x31: {  	[smem:$0x3FB2] =	sst s10  }
0x32: {  	s10 =	sld [smem:$0x3FB0];
	_ =	sdelay $0x3  }
0x33: {  	p0 =	seq.s32 s10, $0x1;
	s10 =	sld [smem:$0x3FB2];
	_ =	sdelay $0x3  }
0x34: {  	[smem:$0x3FB2] =	sst s10  }
0x35: {  	s10 =	sld [smem:$0x3FB1];
	_ =	sdelay $0x3  }
0x36: {  	p1 =	seq.s32 s10, $0x1;
	s10 =	sld [smem:$0x3FB2];
	_ =	sdelay $0x3  }
0x37: {  	[smem:$0x3FB2] =	sst s10  }
0x38: {  	s10 =	sld [smem:$0x3FB3]  }
0x39: {  	_ = 	snop;
	(pc) =	sbr.ind lr, $3  }
0x3a: {  	_ = 	snop  }
0x3b: {  	_ = 	snop  }
0x3c: {  	p2 =	seq.s32 s10, $0x1;
	s10 =	sld [smem:$0x3FB2]  }
0x3d: {  	_ =	shalt  }
0x3e: {  	_ =	shalt  }
0x3f: {  	_ =	shalt  }
0x40: {  	_ =	shalt  }
0x41: {  	_ =	shalt  }
0x42: {  	_ =	shalt  }
0x43: {  	_ =	shalt  }
0x44: {  	_ =	shalt  }
0x45: {  	_ =	shalt  }
0x46: {  	_ =	shalt  }
0x47: {  	_ =	shalt  }
0x48: {  	_ =	shalt  }
0x49: {  	_ =	shalt  }
0x4a: {  	_ =	shalt  }
0x4b: {  	_ =	shalt  }
0x4c: {  	_ =	shalt  }
0x4d: {  	_ =	shalt  }
0x4e: {  	_ =	shalt  }
0x4f: {  	_ =	shalt  }
0x50: {  	_ =	shalt  }
0x51: {  	_ =	shalt  }
0x52: {  	_ =	shalt  }
0x53: {  	_ =	shalt  }
0x54: {  	_ =	shalt  }
0x55: {  	_ =	shalt  }
0x56: {  	_ =	shalt  }
0x57: {  	_ =	shalt  }
0x58: {  	_ =	shalt  }
0x59: {  	_ =	shalt  }
0x5a: {  	_ =	shalt  }
0x5b: {  	_ =	shalt  }
0x5c: {  	_ =	shalt  }
0x5d: {  	_ =	shalt  }
0x5e: {  	_ =	shalt  }
0x5f: {  	_ =	shalt  }
0x60: {  	_ =	shalt  }
0x61: {  	_ =	shalt  }
0x62: {  	_ =	shalt  }
0x63: {  	_ =	shalt  }
0x64: {  	_ =	shalt  }
0x65: {  	_ =	shalt  }
0x66: {  	_ =	shalt  }
0x67: {  	_ =	shalt  }
0x68: {  	_ =	shalt  }
0x69: {  	_ =	shalt  }
0x6a: {  	_ =	shalt  }
0x6b: {  	_ =	shalt  }
0x6c: {  	_ =	shalt  }
0x6d: {  	_ =	shalt  }
0x6e: {  	_ =	shalt  }
0x6f: {  	_ =	shalt  }
0x70: {  	_ =	shalt  }
0x71: {  	_ =	shalt  }
0x72: {  	_ =	shalt  }
0x73: {  	_ =	shalt  }
0x74: {  	_ =	shalt  }
0x75: {  	_ =	shalt  }
0x76: {  	_ =	shalt  }
0x77: {  	_ =	shalt  }
0x78: {  	_ =	shalt  }
0x79: {  	_ =	shalt  }
0x7a: {  	_ =	shalt  }
0x7b: {  	_ =	shalt  }
0x7c: {  	_ =	shalt  }
0x7d: {  	_ =	shalt  }
0x7e: {  	_ =	shalt  }
0x7f: {  	_ =	shalt  }
0x80: {  	_ =	shalt  }
0x81: {  	_ =	shalt  }
0x82: {  	_ =	shalt  }
0x83: {  	_ =	shalt  }
0x84: {  	_ =	shalt  }
0x85: {  	_ =	shalt  }
0x86: {  	_ =	shalt  }
0x87: {  	_ =	shalt  }
.Lfunc_end0:
.L_simem_size_0:
called_computation.2_lowered:
.L_overlay_start_0:
0x88: {  	s2 =	sld [smem:$0x3FD9]  }
0x89: {  	s3 =	sld [smem:$0x3FFE];
	_ =	sdelay $0x1  }
0x8a: {  	s1 =	srdreg.scid  }
0x8b: {  	s0 =	sand.u32 $0x1, s1  }
0x8c: {  	s16 =	sshll.u32 s0, $0xA;
	s2 =	sadd.s32 s3, s2  }
0x8d: {  	s2 =	sadd.s32 s2, s16  }
0x8e: {  	[smem:$0x3FBE] =	sst s2  }
0x8f: {  	_ = 	snop  }
0x90: {  	(tm) =	ssettm $0x1  }
0x91: {  	s17 =	sld [smem:$0x3FFB];
	_ =	sdelay $0x3  }
0x92: {  	_ =	strace s17  }
0x93: {  	s2 =	sld [smem:$0x3FFC];
	_ =	sdelay $0x3  }
0x94: {  	_ =	strace s2  }
0x95: {  	s2 =	sld [smem:$0x3FFD];
	_ =	sdelay $0x3  }
0x96: {  	_ =	strace s2  }
0x97: {  	_ =	strace $0x8FFFFFFF  }
0x98: {  	s18 =	sld [smem:$0x3FDB];
	_ =	sdelay $0x1  }
0x99: {  	s19 =	simm.s32 $_scs_section_size  }
0x9a: {  	s4 =	simm.s32 $_size__tile_overlayer_lowered;
	s5 =	simm.s32 $_tile_overlayer_lowered  }
0x9b: {  	s22 =	simm.s32 $0x1BFF;
	s21 =	sshll.u32 s5, $0x1;
	s2 =	sadd.s32 s19, s18  }
0x9c: {  	s6 =	simm.s32 $0x0;
	s20 =	sshll.u32 s4, $0x1;
	s4 =	sadd.s32 s21, s2  }
0x9d: {  	[timem:s6], [sflag:s22] =	dma.local [hbm:s4], s20  }
0x9e: {  	_ =	swait.ge [sflag:s22], s20  }
0x9f: {  	s3 =	ssub.s32 $0x0, s20;
	[sflag:s22] =	ssyncset.done $0x0  }
0xa0: {  	[sflag:s22] =	ssyncadd.s32 s3;
	_ =	sdelay $0x1  }
0xa1: {  	s23 =	simm.s32 $0x1B8B  }
0xa2: {  	_ =	swait.ge [sflag:s23], $0x1  }
0xa3: {  	[sflag:s23] =	ssyncset.done $0x0  }
0xa4: {  	s25 =	simm.s32 $0x1B8E;
	s24 =	sld [smem:$0x3FFE];
	[sflag:s23] =	ssyncadd.s32 $0xFFFFFFFF  }
0xa5: {  	s26 =	simm.s32 $execute0_lowered;
	[smem:$0x3FD2] =	sst s25  }
0xa6: {  	s4 =	sshll.u32 s26, $0x1;
	_ =	strace $0x8000004C;
	[dreg:$0x1] =	wrdreg $0xFFFFFFFF  }
0xa7: {  	s28 =	simm.s32 $_size_execute0_lowered;
	s2 =	sadd.s32 s2, s4;
	[dreg:$0x0] =	wrdreg $0x0  }
0xa8: {  	s4 =	sshll.u32 s28, $0x1;
	[dreg:$0x2] =	wrdreg s2  }
0xa9: {  	[dreg:$0x3] =	wrdreg s4  }
0xaa: {  	[dreg:$0x4] =	wrdreg $0xC0  }
0xab: {  	_ =	task [dreg:s6], $0x5FFFF  }
0xac: {  	[dreg:$0x1] =	wrdreg $0xFFFFFFFF  }
0xad: {  	[dreg:$0x0] =	wrdreg $0x60  }
0xae: {  	[dreg:$0x2] =	wrdreg s24  }
0xaf: {  	[dreg:$0x3] =	wrdreg $0x0  }
0xb0: {  	[dreg:$0x4] =	wrdreg $0x9  }
0xb1: {  	_ =	task.clear_ibuf [dreg:s6], $0x5FFFF;
	_ =	strace $0x9000004C  }
0xb2: {  	s29 =	simm.s32 $0x9;
	_ =	strace $0x8000004E  }
0xb3: {  	_ =	swait.ge [sflag:s29], $0x1  }
0xb4: {  	[sflag:s29] =	ssyncadd.s32 $0xFFFFFFFF  }
0xb5: {  	_ =	strace $0x9000004E  }
0xb6: {  	_ =	sfence  }
0xb7: {  	s30 =	sld [smem:$0x0];
	_ =	sdelay $0x2  }
0xb8: {  	s31 =	sshll.u32 s1, $0xD;
	s1 =	sshrl.u32 s1, $0x2  }
0xb9: {  	s3 =	sand.u32 $0x4000, s31;
	s1 =	sadd.s32 s1, s30  }
0xba: {  	s0 =	sor.u32 s3, s0;
	s1 =	sshll.u32 s1, $0x11  }
0xbb: {  	s0 =	sor.u32 s1, s0  }
0xbc: {  	s0 =	sadd.s32 $0x8F2B, s0  }
0xbd: {  	[sflag:s0] =	ssyncadd.remote.s32 $0x1  }
0xbe: {  	_ =	sfence.sel $0xFFFF  }
0xbf: {  	[dreg:$0x0] =	wrdreg $0xFFFFFFFF;
	(pc) =	sbr.abs _section_cstart, $3  }
0xc0: {  	[dreg:$0x1] =	wrdreg $0xFFFFFFFF  }
0xc1: {  	_ =	task.clear_ibuf [dreg:s6], $0x2FFFF;
	_ =	strace $0x9FFFFFFF  }
0xc2: {  	(tm) =	ssettm $0x7FFFFFFF  }
0xc3: {  	_ =	shalt  }
tec
execute0_lowered:
.L_overlay_start_1:
0x0: {  	(tag) =	ssettag $0x1  }
0x1: {  	s0 =	rddreg [dreg:$0x0]  }
0x2: {  	s1 =	rddreg [dreg:$0x1];
	s2 =	simm.s32 $0x0;
	s3 =	srdreg.scid  }
0x3: {  	s11 =	stileid.u32;
	[smem:$0x7FF] =	sst s2  }
0x4: {  	s3 =	sand.u32 $0x1, s3;
	s4 =	sadd.s32 $0x2A200, s0;
	s9 =	smul.u32 $0x50000, s11  }
0x5: {  	s5 =	sadd.s32 $0x16800, s0;
	s6 =	sadd.s32 $0x2E00, s0;
	s10 =	smul.u32 $0x14000, s11  }
0x6: {  	_ =	strace $0x8000004D;
	s7 =	smul.u32 $0x28000, s3;
	s8 =	ssub.s32 $0x2, s3  }
0x7: {  	s14 =	sshrl.u32 s8, $0x1;
	s9 =	sshrl.u32 s9, $0x2;
	s20 =	sadd.s32 s10, s1  }
0x8: {  	s21 =	sadd.s32 $0x4000, s10;
	s12 =	sadd.s32 $0xC000, s10;
	s8 =	ssub.s32 s8, s14  }
0x9: {  	s14 =	sshrl.u32 s21, $0x3;
	s21 =	sadd.s32 s21, s1;
	[dreg:$0xe] =	wrdreg s20  }
0xa: {  	s9 =	sadd.s32 s9, s1;
	s30 =	sadd.s32 s12, s1;
	[dreg:$0xf] =	wrdreg s21  }
0xb: {  	s3 =	sshll.u32 s3, $0x4;
	s15 =	sadd.s32 $0x800, s9;
	[dreg:$0x11] =	wrdreg s30  }
0xc: {  	s3 =	sor.u32 s11, s3;
	s16 =	sadd.s32 $0x1000, s9;
	[dreg:$0x3] =	wrdreg s15  }
0xd: {  	s22 =	sadd.s32 $0x8000, s10;
	s17 =	sadd.s32 $0x1800, s9;
	[dreg:$0x4] =	wrdreg s16  }
0xe: {  	s13 =	sadd.s32 $0x10000, s10;
	s18 =	sadd.s32 $0x2000, s9;
	[dreg:$0x5] =	wrdreg s17  }
0xf: {  	s10 =	sshrl.u32 s10, $0x3;
	s19 =	sadd.s32 $0x2800, s9;
	[dreg:$0x6] =	wrdreg s18  }
0x10: {  	s0 =	sadd.s32 s7, s0;
	s26 =	sadd.s32 $0x3000, s9;
	[dreg:$0x7] =	wrdreg s19  }
0x11: {  	s7 =	smul.u32 $0xFA, s3;
	s3 =	sadd.s32 $0x3800, s9;
	[dreg:$0xd] =	wrdreg s26  }
0x12: {  	s0 =	sadd.s32 $0x78400, s0;
	s11 =	sadd.s32 $0x5000, s9;
	[dreg:$0x12] =	wrdreg s3  }
0x13: {  	s10 =	sadd.s32 s10, s0;
	[dreg:$0x14] =	wrdreg s11  }
0x14: {  	s31 =	sadd.s32 s13, s1;
	s23 =	sadd.s32 s14, s0;
	[dreg:$0x8] =	wrdreg s10  }
0x15: {  	s16 =	sshrl.u32 s12, $0x3;
	s12 =	sadd.s32 $0x5800, s9;
	[dreg:$0x9] =	wrdreg s23  }
0x16: {  	s17 =	sshrl.u32 s13, $0x3;
	s13 =	sadd.s32 $0x6000, s9;
	[dreg:$0x15] =	wrdreg s12  }
0x17: {  	s14 =	sadd.s32 $0x6800, s9;
	[dreg:$0x16] =	wrdreg s13  }
0x18: {  	s18 =	sadd.s32 $0x9000, s9;
	[dreg:$0x17] =	wrdreg s14  }
0x19: {  	s19 =	sadd.s32 $0x9800, s9;
	[dreg:$0x1b] =	wrdreg s18  }
0x1a: {  	s26 =	sadd.s32 $0xB800, s9;
	[dreg:$0x1c] =	wrdreg s19  }
0x1b: {  	s3 =	sadd.s32 $0xC800, s9;
	[smem:$0x7EE] =	sst s26  }
0x1c: {  	s11 =	sadd.s32 $0xD800, s9;
	[smem:$0x7EF] =	sst s3  }
0x1d: {  	s15 =	sshrl.u32 s22, $0x3;
	s22 =	sadd.s32 s22, s1;
	[smem:$0x7F1] =	sst s11  }
0x1e: {  	s24 =	sadd.s32 s15, s0;
	[dreg:$0x10] =	wrdreg s22  }
0x1f: {  	s25 =	sadd.s32 s16, s0;
	[dreg:$0xa] =	wrdreg s24  }
0x20: {  	s0 =	sadd.s32 s17, s0;
	[dreg:$0xb] =	wrdreg s25  }
0x21: {  	s10 =	sadd.s32 $0x4800, s9;
	[dreg:$0xc] =	wrdreg s0  }
0x22: {  	s15 =	sadd.s32 $0x7000, s9;
	[dreg:$0x13] =	wrdreg s10  }
0x23: {  	s16 =	sadd.s32 $0x7800, s9;
	[dreg:$0x18] =	wrdreg s15  }
0x24: {  	s17 =	sadd.s32 $0x8800, s9;
	[dreg:$0x19] =	wrdreg s16  }
0x25: {  	s23 =	sadd.s32 $0xA000, s9;
	[dreg:$0x1a] =	wrdreg s17  }
0x26: {  	s12 =	sadd.s32 $0xE000, s9;
	[dreg:$0x1d] =	wrdreg s23  }
0x27: {  	s13 =	sadd.s32 $0xE800, s9;
	[smem:$0x7F2] =	sst s12  }
0x28: {  	s14 =	sadd.s32 $0xF000, s9;
	[smem:$0x7F3] =	sst s13  }
0x29: {  	s18 =	sadd.s32 $0x11800, s9;
	[smem:$0x7F4] =	sst s14  }
0x2a: {  	s19 =	sadd.s32 $0x12000, s9;
	[smem:$0x7F8] =	sst s18  }
0x2b: {  	s28 =	simm.s32 $0x2;
	s26 =	smax.u32 s8, $0x1;
	[smem:$0x7F9] =	sst s19  }
0x2c: {  	s29 =	simm.s32 $0x0;
	s24 =	sadd.s32 $0xA800, s9;
	[smem:$0x7FD] =	sst s26  }
0x2d: {  	s11 =	simm.s32 $0x3;
	s25 =	sadd.s32 $0xB000, s9;
	[dreg:$0x1e] =	wrdreg s24  }
0x2e: {  	s10 =	sadd.s32 $0xD000, s9;
	s15 =	sadd.s32 $0xF800, s9;
	[dreg:$0x1f] =	wrdreg s25  }
0x2f: {  	s16 =	sadd.s32 $0x10800, s9;
	s17 =	sadd.s32 $0x11000, s9;
	[smem:$0x7F0] =	sst s10  }
0x30: {  	s23 =	sadd.s32 $0x12800, s9;
	s12 =	simm.s32 $0x14000;
	[smem:$0x7F5] =	sst s15  }
0x31: {  	s13 =	simm.s32 $0x147D0;
	s14 =	simm.s32 $0x50;
	[smem:$0x7F6] =	sst s16  }
0x32: {  	s18 =	simm.s32 $0x140A0;
	s19 =	simm.s32 $0x19FA0;
	[smem:$0x7F7] =	sst s17  }
0x33: {  	s26 =	simm.s32 $0x1C7A0;
	[smem:$0x7FA] =	sst s23;
	s24 =	sadd.s32 $0x13000, s9  }
0x34: {  	s25 =	sadd.s32 $0x13800, s9;
	s10 =	simm.s32 $0x1EFA0;
	s15 =	simm.s32 $0x14FA0  }
0x35: {  	s16 =	simm.s32 $0x14050;
	s17 =	simm.s32 $0x177A0;
	[smem:$0x7FB] =	sst s24  }
0x36: {  	v0 =	vimm.f32 $0.0e+00;
	[smem:$0x7FC] =	sst s25;
	s24 =	simm.s32 $0x1;
	s25 =	simm.s32 $0x140F0  }
.LBB2_1:
0x37: {  	s0 =	simm.s32 $0x0;
	s3 =	simm.s32 $0x200  }
.LBB2_2:
0x38: {  	p0 =	sne.s32 s3, $0x1E00;
	[tilespmem:s0+$0x1F010] =	vst v0  }
0x39: {  	[tilespmem:s0+$0x1EFA0] =	vst v0  }
0x3a: {  	[tilespmem:s0+$0x1EFB0] =	vst v0  }
.Ltmp0:
0x3b: {  	[tilespmem:s0+$0x1EFC0] =	vst v0;
	(pc) =	sbr.rel @p0 .LBB2_2-.Ltmp0, $4  }
0x3c: {  	[tilespmem:s0+$0x1EFD0] =	vst v0  }
0x3d: {  	[tilespmem:s0+$0x1EFE0] =	vst v0  }
0x3e: {  	[tilespmem:s0+$0x1EFF0] =	vst v0  }
0x3f: {  	[tilespmem:s0+$0x1F000] =	vst v0;
	s0 =	sshra.s32 s3, $0x2;
	s3 =	sadd.s32 $0x200, s3  }
0x40: {  	[tilespmem:s0+$0x1F010] =	vst v0  }
0x41: {  	[tilespmem:s0+$0x1EFA0] =	vst v0  }
0x42: {  	[tilespmem:s0+$0x1EFB0] =	vst v0  }
0x43: {  	[tilespmem:s0+$0x1EFC0] =	vst v0  }
0x44: {  	[tilespmem:s0+$0x1EFD0] =	vst v0  }
0x45: {  	[tilespmem:s0+$0x1EFE0] =	vst v0  }
0x46: {  	[tilespmem:s0+$0x1EFF0] =	vst v0  }
0x47: {  	[tilespmem:s0+$0x1F000] =	vst v0  }
0x48: {  	[spmem:s20] =	stream.linear.scatter [tilespmem:s10], [sflag:$0x3], $0x800, $0x38;
	[tilespmem:$0x1F7A0] =	vst v63  }
0x49: {  	_ =	swait.ge [sflag:s11], $0x800  }
0x4a: {  	[sflag:s11] =	ssyncset.done $0x0  }
0x4b: {  	s9 =	rddreg [dreg:$0x3];
	[sflag:s11] =	ssyncadd.s32 $0xFFFFF800  }
0x4c: {  	[spmem:s9] =	stream.linear.scatter [tilespmem:s10], [sflag:$0x3], $0x800, $0x38;
	[tilespmem:$0x1F7A0] =	vst v63  }
0x4d: {  	_ =	swait.ge [sflag:s11], $0x800  }
0x4e: {  	[sflag:s11] =	ssyncset.done $0x0  }
0x4f: {  	s20 =	rddreg [dreg:$0x4];
	[sflag:s11] =	ssyncadd.s32 $0xFFFFF800  }
0x50: {  	[spmem:s20] =	stream.linear.scatter [tilespmem:s10], [sflag:$0x3], $0x800, $0x38;
	[tilespmem:$0x1F7A0] =	vst v63  }
0x51: {  	_ =	swait.ge [sflag:s11], $0x800  }
0x52: {  	[sflag:s11] =	ssyncset.done $0x0  }
0x53: {  	s23 =	rddreg [dreg:$0x5];
	[sflag:s11] =	ssyncadd.s32 $0xFFFFF800  }
0x54: {  	[spmem:s23] =	stream.linear.scatter [tilespmem:s10], [sflag:$0x3], $0x800, $0x38;
	[tilespmem:$0x1F7A0] =	vst v63  }
0x55: {  	_ =	swait.ge [sflag:s11], $0x800  }
0x56: {  	[sflag:s11] =	ssyncset.done $0x0  }
0x57: {  	s3 =	rddreg [dreg:$0x6];
	[sflag:s11] =	ssyncadd.s32 $0xFFFFF800  }
0x58: {  	[spmem:s3] =	stream.linear.scatter [tilespmem:s10], [sflag:$0x3], $0x800, $0x38;
	[tilespmem:$0x1F7A0] =	vst v63  }
0x59: {  	_ =	swait.ge [sflag:s11], $0x800  }
0x5a: {  	[sflag:s11] =	ssyncset.done $0x0  }
0x5b: {  	s8 =	rddreg [dreg:$0x7];
	[sflag:s11] =	ssyncadd.s32 $0xFFFFF800  }
0x5c: {  	[spmem:s8] =	stream.linear.scatter [tilespmem:s10], [sflag:$0x3], $0x800, $0x38;
	[tilespmem:$0x1F7A0] =	vst v63  }
0x5d: {  	_ =	swait.ge [sflag:s11], $0x800  }
0x5e: {  	[sflag:s11] =	ssyncset.done $0x0  }
0x5f: {  	s9 =	rddreg [dreg:$0xd];
	[sflag:s11] =	ssyncadd.s32 $0xFFFFF800  }
0x60: {  	[spmem:s9] =	stream.linear.scatter [tilespmem:s10], [sflag:$0x3], $0x800, $0x38;
	[tilespmem:$0x1F7A0] =	vst v63  }
0x61: {  	_ =	swait.ge [sflag:s11], $0x800  }
0x62: {  	[sflag:s11] =	ssyncset.done $0x0  }
0x63: {  	s20 =	rddreg [dreg:$0x12];
	[sflag:s11] =	ssyncadd.s32 $0xFFFFF800  }
0x64: {  	[spmem:s20] =	stream.linear.scatter [tilespmem:s10], [sflag:$0x3], $0x800, $0x38;
	[tilespmem:$0x1F7A0] =	vst v63  }
0x65: {  	_ =	swait.ge [sflag:s11], $0x800  }
0x66: {  	[sflag:s11] =	ssyncset.done $0x0  }
0x67: {  	[sflag:s11] =	ssyncadd.s32 $0xFFFFF800  }
0x68: {  	[spmem:s21] =	stream.linear.scatter [tilespmem:s10], [sflag:$0x3], $0x800, $0x38;
	[tilespmem:$0x1F7A0] =	vst v63  }
0x69: {  	_ =	swait.ge [sflag:s11], $0x800  }
0x6a: {  	[sflag:s11] =	ssyncset.done $0x0  }
0x6b: {  	s23 =	rddreg [dreg:$0x13];
	[sflag:s11] =	ssyncadd.s32 $0xFFFFF800  }
0x6c: {  	[spmem:s23] =	stream.linear.scatter [tilespmem:s10], [sflag:$0x3], $0x800, $0x38;
	[tilespmem:$0x1F7A0] =	vst v63  }
0x6d: {  	_ =	swait.ge [sflag:s11], $0x800  }
0x6e: {  	[sflag:s11] =	ssyncset.done $0x0  }
0x6f: {  	s3 =	rddreg [dreg:$0x14];
	[sflag:s11] =	ssyncadd.s32 $0xFFFFF800  }
0x70: {  	[spmem:s3] =	stream.linear.scatter [tilespmem:s10], [sflag:$0x3], $0x800, $0x38;
	[tilespmem:$0x1F7A0] =	vst v63  }
0x71: {  	_ =	swait.ge [sflag:s11], $0x800  }
0x72: {  	[sflag:s11] =	ssyncset.done $0x0  }
0x73: {  	s8 =	rddreg [dreg:$0x15];
	[sflag:s11] =	ssyncadd.s32 $0xFFFFF800  }
0x74: {  	[spmem:s8] =	stream.linear.scatter [tilespmem:s10], [sflag:$0x3], $0x800, $0x38;
	[tilespmem:$0x1F7A0] =	vst v63  }
0x75: {  	_ =	swait.ge [sflag:s11], $0x800  }
0x76: {  	[sflag:s11] =	ssyncset.done $0x0  }
0x77: {  	s9 =	rddreg [dreg:$0x16];
	[sflag:s11] =	ssyncadd.s32 $0xFFFFF800  }
0x78: {  	[spmem:s9] =	stream.linear.scatter [tilespmem:s10], [sflag:$0x3], $0x800, $0x38;
	[tilespmem:$0x1F7A0] =	vst v63  }
0x79: {  	_ =	swait.ge [sflag:s11], $0x800  }
0x7a: {  	[sflag:s11] =	ssyncset.done $0x0  }
0x7b: {  	s20 =	rddreg [dreg:$0x17];
	[sflag:s11] =	ssyncadd.s32 $0xFFFFF800  }
0x7c: {  	[spmem:s20] =	stream.linear.scatter [tilespmem:s10], [sflag:$0x3], $0x800, $0x38;
	[tilespmem:$0x1F7A0] =	vst v63  }
0x7d: {  	_ =	swait.ge [sflag:s11], $0x800  }
0x7e: {  	[sflag:s11] =	ssyncset.done $0x0  }
0x7f: {  	s21 =	rddreg [dreg:$0x18];
	[sflag:s11] =	ssyncadd.s32 $0xFFFFF800  }
0x80: {  	[spmem:s21] =	stream.linear.scatter [tilespmem:s10], [sflag:$0x3], $0x800, $0x38;
	[tilespmem:$0x1F7A0] =	vst v63  }
0x81: {  	_ =	swait.ge [sflag:s11], $0x800  }
0x82: {  	[sflag:s11] =	ssyncset.done $0x0  }
0x83: {  	s23 =	rddreg [dreg:$0x19];
	[sflag:s11] =	ssyncadd.s32 $0xFFFFF800  }
0x84: {  	[spmem:s23] =	stream.linear.scatter [tilespmem:s10], [sflag:$0x3], $0x800, $0x38;
	[tilespmem:$0x1F7A0] =	vst v63  }
0x85: {  	_ =	swait.ge [sflag:s11], $0x800  }
0x86: {  	[sflag:s11] =	ssyncset.done $0x0  }
0x87: {  	[sflag:s11] =	ssyncadd.s32 $0xFFFFF800  }
0x88: {  	[spmem:s22] =	stream.linear.scatter [tilespmem:s10], [sflag:$0x3], $0x800, $0x38;
	[tilespmem:$0x1F7A0] =	vst v63  }
0x89: {  	_ =	swait.ge [sflag:s11], $0x800  }
0x8a: {  	[sflag:s11] =	ssyncset.done $0x0  }
0x8b: {  	s3 =	rddreg [dreg:$0x1a];
	[sflag:s11] =	ssyncadd.s32 $0xFFFFF800  }
0x8c: {  	[spmem:s3] =	stream.linear.scatter [tilespmem:s10], [sflag:$0x3], $0x800, $0x38;
	[tilespmem:$0x1F7A0] =	vst v63  }
0x8d: {  	_ =	swait.ge [sflag:s11], $0x800  }
0x8e: {  	[sflag:s11] =	ssyncset.done $0x0  }
0x8f: {  	s8 =	rddreg [dreg:$0x1b];
	[sflag:s11] =	ssyncadd.s32 $0xFFFFF800  }
0x90: {  	[spmem:s8] =	stream.linear.scatter [tilespmem:s10], [sflag:$0x3], $0x800, $0x38;
	[tilespmem:$0x1F7A0] =	vst v63  }
0x91: {  	_ =	swait.ge [sflag:s11], $0x800  }
0x92: {  	[sflag:s11] =	ssyncset.done $0x0  }
0x93: {  	s9 =	rddreg [dreg:$0x1c];
	[sflag:s11] =	ssyncadd.s32 $0xFFFFF800  }
0x94: {  	[spmem:s9] =	stream.linear.scatter [tilespmem:s10], [sflag:$0x3], $0x800, $0x38;
	[tilespmem:$0x1F7A0] =	vst v63  }
0x95: {  	_ =	swait.ge [sflag:s11], $0x800  }
0x96: {  	[sflag:s11] =	ssyncset.done $0x0  }
0x97: {  	s20 =	rddreg [dreg:$0x1d];
	[sflag:s11] =	ssyncadd.s32 $0xFFFFF800  }
0x98: {  	[spmem:s20] =	stream.linear.scatter [tilespmem:s10], [sflag:$0x3], $0x800, $0x38;
	[tilespmem:$0x1F7A0] =	vst v63  }
0x99: {  	_ =	swait.ge [sflag:s11], $0x800  }
0x9a: {  	[sflag:s11] =	ssyncset.done $0x0  }
0x9b: {  	s21 =	rddreg [dreg:$0x1e];
	[sflag:s11] =	ssyncadd.s32 $0xFFFFF800  }
0x9c: {  	[spmem:s21] =	stream.linear.scatter [tilespmem:s10], [sflag:$0x3], $0x800, $0x38;
	[tilespmem:$0x1F7A0] =	vst v63  }
0x9d: {  	_ =	swait.ge [sflag:s11], $0x800  }
0x9e: {  	[sflag:s11] =	ssyncset.done $0x0  }
0x9f: {  	s22 =	rddreg [dreg:$0x1f];
	[sflag:s11] =	ssyncadd.s32 $0xFFFFF800  }
0xa0: {  	[spmem:s22] =	stream.linear.scatter [tilespmem:s10], [sflag:$0x3], $0x800, $0x38;
	[tilespmem:$0x1F7A0] =	vst v63  }
0xa1: {  	_ =	swait.ge [sflag:s11], $0x800  }
0xa2: {  	s23 =	sld [smem:$0x7EE]  }
0xa3: {  	[sflag:s11] =	ssyncset.done $0x0  }
0xa4: {  	[sflag:s11] =	ssyncadd.s32 $0xFFFFF800  }
0xa5: {  	[spmem:s23] =	stream.linear.scatter [tilespmem:s10], [sflag:$0x3], $0x800, $0x38;
	[tilespmem:$0x1F7A0] =	vst v63  }
0xa6: {  	_ =	swait.ge [sflag:s11], $0x800  }
0xa7: {  	[sflag:s11] =	ssyncset.done $0x0  }
0xa8: {  	[sflag:s11] =	ssyncadd.s32 $0xFFFFF800  }
0xa9: {  	[spmem:s30] =	stream.linear.scatter [tilespmem:s10], [sflag:$0x3], $0x800, $0x38;
	[tilespmem:$0x1F7A0] =	vst v63  }
0xaa: {  	_ =	swait.ge [sflag:s11], $0x800  }
0xab: {  	s3 =	sld [smem:$0x7EF]  }
0xac: {  	[sflag:s11] =	ssyncset.done $0x0  }
0xad: {  	[sflag:s11] =	ssyncadd.s32 $0xFFFFF800  }
0xae: {  	[spmem:s3] =	stream.linear.scatter [tilespmem:s10], [sflag:$0x3], $0x800, $0x38;
	[tilespmem:$0x1F7A0] =	vst v63  }
0xaf: {  	_ =	swait.ge [sflag:s11], $0x800  }
0xb0: {  	s8 =	sld [smem:$0x7F0]  }
0xb1: {  	[sflag:s11] =	ssyncset.done $0x0  }
0xb2: {  	[sflag:s11] =	ssyncadd.s32 $0xFFFFF800  }
0xb3: {  	[spmem:s8] =	stream.linear.scatter [tilespmem:s10], [sflag:$0x3], $0x800, $0x38;
	[tilespmem:$0x1F7A0] =	vst v63  }
0xb4: {  	_ =	swait.ge [sflag:s11], $0x800  }
0xb5: {  	s9 =	sld [smem:$0x7F1]  }
0xb6: {  	[sflag:s11] =	ssyncset.done $0x0  }
0xb7: {  	[sflag:s11] =	ssyncadd.s32 $0xFFFFF800  }
0xb8: {  	[spmem:s9] =	stream.linear.scatter [tilespmem:s10], [sflag:$0x3], $0x800, $0x38;
	[tilespmem:$0x1F7A0] =	vst v63  }
0xb9: {  	_ =	swait.ge [sflag:s11], $0x800  }
0xba: {  	s20 =	sld [smem:$0x7F2]  }
0xbb: {  	[sflag:s11] =	ssyncset.done $0x0  }
0xbc: {  	[sflag:s11] =	ssyncadd.s32 $0xFFFFF800  }
0xbd: {  	[spmem:s20] =	stream.linear.scatter [tilespmem:s10], [sflag:$0x3], $0x800, $0x38;
	[tilespmem:$0x1F7A0] =	vst v63  }
0xbe: {  	_ =	swait.ge [sflag:s11], $0x800  }
0xbf: {  	s21 =	sld [smem:$0x7F3]  }
0xc0: {  	[sflag:s11] =	ssyncset.done $0x0  }
0xc1: {  	[sflag:s11] =	ssyncadd.s32 $0xFFFFF800  }
0xc2: {  	[spmem:s21] =	stream.linear.scatter [tilespmem:s10], [sflag:$0x3], $0x800, $0x38;
	[tilespmem:$0x1F7A0] =	vst v63  }
0xc3: {  	_ =	swait.ge [sflag:s11], $0x800  }
0xc4: {  	s22 =	sld [smem:$0x7F4]  }
0xc5: {  	[sflag:s11] =	ssyncset.done $0x0  }
0xc6: {  	[sflag:s11] =	ssyncadd.s32 $0xFFFFF800  }
0xc7: {  	[spmem:s22] =	stream.linear.scatter [tilespmem:s10], [sflag:$0x3], $0x800, $0x38;
	[tilespmem:$0x1F7A0] =	vst v63  }
0xc8: {  	_ =	swait.ge [sflag:s11], $0x800  }
0xc9: {  	s23 =	sld [smem:$0x7F5]  }
0xca: {  	[sflag:s11] =	ssyncset.done $0x0  }
0xcb: {  	[sflag:s11] =	ssyncadd.s32 $0xFFFFF800  }
0xcc: {  	[spmem:s23] =	stream.linear.scatter [tilespmem:s10], [sflag:$0x3], $0x800, $0x38;
	[tilespmem:$0x1F7A0] =	vst v63  }
0xcd: {  	_ =	swait.ge [sflag:s11], $0x800  }
0xce: {  	[sflag:s11] =	ssyncset.done $0x0  }
0xcf: {  	[sflag:s11] =	ssyncadd.s32 $0xFFFFF800  }
0xd0: {  	[spmem:s31] =	stream.linear.scatter [tilespmem:s10], [sflag:$0x3], $0x800, $0x38;
	[tilespmem:$0x1F7A0] =	vst v63  }
0xd1: {  	_ =	swait.ge [sflag:s11], $0x800  }
0xd2: {  	s3 =	sld [smem:$0x7F6]  }
0xd3: {  	[sflag:s11] =	ssyncset.done $0x0  }
0xd4: {  	[sflag:s11] =	ssyncadd.s32 $0xFFFFF800  }
0xd5: {  	[spmem:s3] =	stream.linear.scatter [tilespmem:s10], [sflag:$0x3], $0x800, $0x38;
	[tilespmem:$0x1F7A0] =	vst v63  }
0xd6: {  	_ =	swait.ge [sflag:s11], $0x800  }
0xd7: {  	s8 =	sld [smem:$0x7F7]  }
0xd8: {  	[sflag:s11] =	ssyncset.done $0x0  }
0xd9: {  	[sflag:s11] =	ssyncadd.s32 $0xFFFFF800  }
0xda: {  	[spmem:s8] =	stream.linear.scatter [tilespmem:s10], [sflag:$0x3], $0x800, $0x38;
	[tilespmem:$0x1F7A0] =	vst v63  }
0xdb: {  	_ =	swait.ge [sflag:s11], $0x800  }
0xdc: {  	s9 =	sld [smem:$0x7F8]  }
0xdd: {  	[sflag:s11] =	ssyncset.done $0x0  }
0xde: {  	[sflag:s11] =	ssyncadd.s32 $0xFFFFF800  }
0xdf: {  	[spmem:s9] =	stream.linear.scatter [tilespmem:s10], [sflag:$0x3], $0x800, $0x38;
	[tilespmem:$0x1F7A0] =	vst v63  }
0xe0: {  	_ =	swait.ge [sflag:s11], $0x800  }
0xe1: {  	s20 =	sld [smem:$0x7F9]  }
0xe2: {  	[sflag:s11] =	ssyncset.done $0x0  }
0xe3: {  	[sflag:s11] =	ssyncadd.s32 $0xFFFFF800  }
0xe4: {  	[spmem:s20] =	stream.linear.scatter [tilespmem:s10], [sflag:$0x3], $0x800, $0x38;
	[tilespmem:$0x1F7A0] =	vst v63  }
0xe5: {  	_ =	swait.ge [sflag:s11], $0x800  }
0xe6: {  	s21 =	sld [smem:$0x7FA]  }
0xe7: {  	[sflag:s11] =	ssyncset.done $0x0  }
0xe8: {  	[sflag:s11] =	ssyncadd.s32 $0xFFFFF800  }
0xe9: {  	[spmem:s21] =	stream.linear.scatter [tilespmem:s10], [sflag:$0x3], $0x800, $0x38;
	[tilespmem:$0x1F7A0] =	vst v63  }
0xea: {  	_ =	swait.ge [sflag:s11], $0x800  }
0xeb: {  	s22 =	sld [smem:$0x7FB]  }
0xec: {  	[sflag:s11] =	ssyncset.done $0x0  }
0xed: {  	[sflag:s11] =	ssyncadd.s32 $0xFFFFF800  }
0xee: {  	[spmem:s22] =	stream.linear.scatter [tilespmem:s10], [sflag:$0x3], $0x800, $0x38;
	[tilespmem:$0x1F7A0] =	vst v63  }
0xef: {  	_ =	swait.ge [sflag:s11], $0x800  }
0xf0: {  	s23 =	smov.u32 s31;
	s31 =	sld [smem:$0x7FC]  }
0xf1: {  	[sflag:s11] =	ssyncset.done $0x0  }
0xf2: {  	[sflag:s11] =	ssyncadd.s32 $0xFFFFF800  }
0xf3: {  	[spmem:s31] =	stream.linear.scatter [tilespmem:s10], [sflag:$0x3], $0x800, $0x38;
	[tilespmem:$0x1F7A0] =	vst v63  }
0xf4: {  	_ =	swait.ge [sflag:s11], $0x800  }
0xf5: {  	[sflag:s11] =	ssyncset.done $0x0  }
0xf6: {  	[sflag:s11] =	ssyncadd.s32 $0xFFFFF800  }
0xf7: {  	s30 =	simm.s32 $0x0;
	[bflag:$0x0] =	sbarrier.arrive $0xFFFF  }
.LBB2_4:
0xf8: {  	s0 =	smul.u32 $0x19, s30;
	_ =	sdelay $0x1  }
0xf9: {  	s0 =	sadd.s32 s7, s0  }
0xfa: {  	s0 =	smul.u32 $0xA, s0;
	_ =	sdelay $0x1  }
0xfb: {  	s3 =	sadd.s32 s5, s0  }
0xfc: {  	[tilespmem:s12], [sflag:$0x3] =	stream.linear.gather [hbm4b:s3+s2], $0x7D0, $0x38;
	[tilespmem:$0x1F7A0] =	vst v63  }
0xfd: {  	_ =	swait.ge [sflag:s11], $0x7D0  }
0xfe: {  	[sflag:s11] =	ssyncset.done $0x0  }
0xff: {  	s0 =	sadd.s32 s6, s0;
	[sflag:s11] =	ssyncadd.s32 $0xFFFFF830  }
0x100: {  	[tilespmem:s13], [sflag:$0x3] =	stream.linear.gather [hbm4b:s0+s2], $0x7D0, $0x38;
	[tilespmem:$0x1F7A0] =	vst v63  }
0x101: {  	_ =	swait.ge [sflag:s11], $0x7D0  }
0x102: {  	[sflag:s11] =	ssyncset.done $0x0  }
0x103: {  	[sflag:s11] =	ssyncadd.s32 $0xFFFFF830  }
0x104: {  	[tilespmem:s15], [sflag:$0x1] =	stream.indirect.gather [hbm4b:s4+s14], $0x80, s12, s14, $0xb8;
	[tilespmem:$0x1F7A0] =	vst v63  }
0x105: {  	_ = 	snop  }
0x106: {  	[tilespmem:s17], [sflag:$0x1] =	stream.indirect.gather [hbm4b:s4+s14], $0x80, s16, s14, $0xb8;
	[tilespmem:$0x1F7A0] =	vst v63  }
0x107: {  	_ = 	snop  }
0x108: {  	[tilespmem:s19], [sflag:$0x1] =	stream.indirect.gather [hbm4b:s4+s14], $0x80, s18, s14, $0xb8;
	[tilespmem:$0x1F7A0] =	vst v63  }
0x109: {  	_ =	swait.ge [sflag:s24], $0x2800  }
0x10a: {  	s22 =	simm.s32 $0x1;
	[sflag:s24] =	ssyncset.done $0x0  }
0x10b: {  	s0 =	sand.u32 $0x3, s22;
	[sflag:s24] =	ssyncadd.s32 $0xFFFFD800  }
0x10c: {  	[spmem:s1] =	stream.indirect.scatter.add.f32 [tilespmem:s15], [sflag:$0x2], $0x80, s13, s14, $0xb8;
	[tilespmem:$0x1F7A0] =	vst v63  }
0x10d: {  	s8 =	simm.s32 $0x14820;
	s0 =	smul.u32 $0xA000, s0  }
0x10e: {  	[tilespmem:s26], [sflag:$0x1] =	stream.indirect.gather [hbm4b:s4+s14], $0x80, s25, s14, $0xb8;
	[tilespmem:$0x1F7A0] =	vst v63  }
0x10f: {  	s31 =	simm.s32 $0x14140;
	p0 =	por $0x0, $0x0;
	_ =	swait.ge [sflag:s24], $0x2800  }
0x110: {  	s3 =	simm.s32 $0x4;
	s0 =	sshrl.u32 s0, $0x2;
	[sflag:s24] =	ssyncset.done $0x0  }
0x111: {  	s3 =	sand.u32 @!p0 $0x3, s3;
	s0 =	sadd.s32 $0x14FA0, s0;
	[sflag:s24] =	ssyncadd.s32 $0xFFFFD800  }
0x112: {  	[spmem:s1] =	stream.indirect.scatter.add.f32 [tilespmem:s0], [sflag:$0x2], $0x80, s8, s14, $0xb8;
	[tilespmem:$0x1F7A0] =	vst v63  }
0x113: {  	s9 =	simm.s32 $0x14190;
	s8 =	smul.u32 @!p0 $0xA000, s3;
	_ =	swait.ge [sflag:s28], $0x2800  }
0x114: {  	s0 =	simm.s32 $0x5;
	s3 =	simm.s32 $0x14870;
	[sflag:s28] =	ssyncset.done $0x0  }
0x115: {  	s20 =	sshrl.u32 @!p0 s8, $0x2;
	s8 =	simm.s32 @!p0 $0x50;
	[sflag:s28] =	ssyncadd.s32 $0xFFFFD800  }
.LBB2_5:
0x116: {  	s21 =	sadd.s32 $0xFFFFFFFD, s0  }
0x117: {  	s20 =	sadd.s32 @!p0 $0x14FA0, s20;
	s22 =	smov.u32 s0;
	s0 =	sadd.s32 $0x1, s0  }
0x118: {  	[tilespmem:s20], [sflag:$0x1] =	stream.indirect.gather @!p0 [hbm4b:s4+s8], $0x80, s31, s8, $0xb8;
	[tilespmem:$0x1F7A0] =	vst v63  }
0x119: {  	s8 =	sand.u32 $0x3, s21;
	p1 =	sne.s32 s0, $0x1C;
	s31 =	smov.u32 s9  }
0x11a: {  	s8 =	smul.u32 $0xA000, s8  }
0x11b: {  	p0 =	sgt.u32 s21, $0x15;
	_ =	swait.ge [sflag:s24], $0x2800  }
0x11c: {  	s20 =	sand.u32 @!p0 $0x3, s22;
	s8 =	sshrl.u32 s8, $0x2;
	[sflag:s24] =	ssyncset.done $0x0  }
.Ltmp1:
0x11d: {  	s8 =	sadd.s32 $0x14FA0, s8;
	[sflag:s24] =	ssyncadd.s32 $0xFFFFD800;
	(pc) =	sbr.rel @p1 .LBB2_5-.Ltmp1, $4  }
0x11e: {  	[spmem:s1] =	stream.indirect.scatter.add.f32 [tilespmem:s8], [sflag:$0x2], $0x80, s3, s14, $0xb8;
	[tilespmem:$0x1F7A0] =	vst v63  }
0x11f: {  	s8 =	smul.u32 @!p0 $0xA000, s20;
	_ =	swait.ge [sflag:s28], $0x2800  }
0x120: {  	s9 =	sadd.s32 $0x50, s9;
	s3 =	sadd.s32 $0x50, s3;
	[sflag:s28] =	ssyncset.done $0x0  }
0x121: {  	s20 =	sshrl.u32 @!p0 s8, $0x2;
	s8 =	simm.s32 @!p0 $0x50;
	[sflag:s28] =	ssyncadd.s32 $0xFFFFD800  }
0x122: {  	s0 =	sadd.s32 @!p0 $0x14FA0, s20;
	s30 =	sadd.s32 $0x1, s30  }
0x123: {  	[tilespmem:s0], [sflag:$0x1] =	stream.indirect.gather @!p0 [hbm4b:s4+s8], $0x80, s31, s8, $0xb8;
	[tilespmem:$0x1F7A0] =	vst v63  }
0x124: {  	p0 =	sne.s32 s30, $0xA  }
.Ltmp2:
0x125: {  	_ = 	snop;
	(pc) =	sbr.rel @p0 .LBB2_4-.Ltmp2, $4  }
0x126: {  	_ = 	snop  }
0x127: {  	_ =	swait.ge [sflag:s28], $0x2800  }
0x128: {  	[sflag:s28] =	ssyncset.done $0x0  }
0x129: {  	[sflag:s28] =	ssyncadd.s32 $0xFFFFD800  }
0x12a: {  	s0 =	stileid.u32;
	[bflag:$0x0] =	sbarrier.arrive $0xFFFF  }
0x12b: {  	s0 =	sshll.u32 s0, $0x6;
	s20 =	rddreg [dreg:$0xe]  }
0x12c: {  	s8 =	rddreg [dreg:$0x8];
	s0 =	sor.u32 $0x1C03, s0;
	s3 =	sshrl.u32 s20, $0x3  }
0x12d: {  	[hbm:s8], [sflag:s0] =	dma.local [spmem:s3], $0x800  }
0x12e: {  	_ =	swait.ge [sflag:s11], $0x800  }
0x12f: {  	[sflag:s11] =	ssyncset.done $0x0;
	s21 =	rddreg [dreg:$0xf]  }
0x130: {  	s22 =	rddreg [dreg:$0x9];
	[sflag:s11] =	ssyncadd.s32 $0xFFFFF800;
	s9 =	sshrl.u32 s21, $0x3  }
0x131: {  	[hbm:s22], [sflag:s0] =	dma.local [spmem:s9], $0x800  }
0x132: {  	_ =	swait.ge [sflag:s11], $0x800  }
0x133: {  	[sflag:s11] =	ssyncset.done $0x0;
	s22 =	rddreg [dreg:$0x10]  }
0x134: {  	s9 =	rddreg [dreg:$0xa];
	[sflag:s11] =	ssyncadd.s32 $0xFFFFF800;
	s8 =	sshrl.u32 s22, $0x3  }
0x135: {  	[hbm:s9], [sflag:s0] =	dma.local [spmem:s8], $0x800  }
0x136: {  	_ =	swait.ge [sflag:s11], $0x800  }
0x137: {  	[sflag:s11] =	ssyncset.done $0x0;
	s30 =	rddreg [dreg:$0x11]  }
0x138: {  	s9 =	rddreg [dreg:$0xb];
	[sflag:s11] =	ssyncadd.s32 $0xFFFFF800;
	s8 =	sshrl.u32 s30, $0x3  }
0x139: {  	[hbm:s9], [sflag:s0] =	dma.local [spmem:s8], $0x800  }
0x13a: {  	_ =	swait.ge [sflag:s11], $0x800  }
0x13b: {  	[sflag:s11] =	ssyncset.done $0x0  }
0x13c: {  	s8 =	sshrl.u32 s23, $0x3;
	s9 =	rddreg [dreg:$0xc];
	[sflag:s11] =	ssyncadd.s32 $0xFFFFF800  }
0x13d: {  	[hbm:s9], [sflag:s0] =	dma.local [spmem:s8], $0x800  }
0x13e: {  	_ =	swait.ge [sflag:s11], $0x800  }
0x13f: {  	s31 =	smov.u32 s23;
	s23 =	sld [smem:$0x7FD];
	_ =	sdelay $0x1  }
0x140: {  	s29 =	sadd.s32 $0x1, s29  }
0x141: {  	p0 =	sne.s32 s29, s23  }
.Ltmp3:
0x142: {  	_ = 	snop;
	(pc) =	sbr.rel @p0 .LBB2_1-.Ltmp3, $3  }
0x143: {  	_ =	sdelay $0x1  }
0x144: {  	[sflag:s11] =	ssyncset.done $0x0  }
0x145: {  	[sflag:s11] =	ssyncadd.s32 $0xFFFFF800  }
0x146: {  	_ =	sfence.sel $0x180000  }
0x147: {  	[bflag:$0x0] =	sbarrier.arrive $0xFFFF  }
0x148: {  	_ =	strace $0x9000004D  }
0x149: {  	s0 =	stileid.u32;
	[bflag:$0x2] =	sbarrier.arrive $0xFFFF  }
0x14a: {  	p0 =	sne.s32 s0, $0x0;
	s0 =	rddreg [dreg:$0x2]  }
0x14b: {  	s0 =	sadd.s32 @!p0 $0x100000, s0  }
0x14c: {  	[sflag:s0] =	ssyncadd.tile.s32 @!p0 $0x1;
	_ =	shalt  }
.Lfunc_end2:
_tile_overlayer_lowered:
.L_overlay_start_2:
0x14d: {  	(tag) =	ssettag $0x2  }
0x14e: {  	s0 =	rddreg [dreg:$0x0];
	s2 =	stileid.u32  }
0x14f: {  	s1 =	rddreg [dreg:$0x1];
	p0 =	sne.s32 s2, $0x0  }
0x150: {  	s3 =	rddreg [dreg:$0x2];
	[bflag:$0x3] =	sbarrier.arrive $0xFFFF;
	s2 =	simm.s32 @!p0 $0x1C03  }
0x151: {  	[timem:s3], [sflag:s2] =	dma.local @!p0 [hbm:s0], s1  }
0x152: {  	s0 =	simm.s32 @!p0 $0x3  }
0x153: {  	_ =	swait.ge @!p0 [sflag:s0], s1  }
0x154: {  	s1 =	ssub.s32 @!p0 $0x0, s1;
	[sflag:s0] =	ssyncset.done @!p0 $0x0  }
0x155: {  	[sflag:s0] =	ssyncadd.s32 @!p0 s1  }
0x156: {  	[bflag:$0x3] =	sbarrier.arrive $0xFFFF  }
0x157: {  	_ =	shalt  }

// kernel: kernel.8.cloned.1.call-start
scs
__scs_entry_jumppad:
0x0: {  	(pc) =	sbr.rel $0x88, $3  }
0x1: {  	(tag) =	ssettag $0x0;
	lr =	simm.s32 $0x1  }
0x2: {  	[smem:$0x3F97] =	sst lr;
	_ =	strace $0xD0000000  }
0x3: {  	_ = 	snop  }
0x4: {  	_ = 	snop  }
0x5: {  	_ = 	snop  }
0x6: {  	_ = 	snop  }
0x7: {  	_ = 	snop  }
__scs_overlays_trampoline_lowered:
0x8: {  	[smem:$0x3FA6] =	sst s0  }
0x9: {  	[smem:$0x3FA7] =	sst s1  }
0xa: {  	[smem:$0x3FA8] =	sst s2  }
0xb: {  	[smem:$0x3FA9] =	sst s3  }
0xc: {  	[smem:$0x3FAA] =	sst s4  }
0xd: {  	[smem:$0x3FAB] =	sst s5  }
0xe: {  	[smem:$0x3FAC] =	sst s6  }
0xf: {  	[smem:$0x3FAD] =	sst s7  }
0x10: {  	[smem:$0x3FAE] =	sst s8  }
0x11: {  	[smem:$0x3FAF] =	sst s9;
	s0 =	simm.s32 @!p0 $0x0  }
0x12: {  	s1 =	sld [smem:$0x3F95];
	s0 =	simm.s32 @p0 $0x1  }
0x13: {  	[smem:$0x3FB0] =	sst s0;
	s0 =	simm.s32 @!p1 $0x0  }
0x14: {  	s2 =	sld [smem:$0x3F94];
	s0 =	simm.s32 @p1 $0x1  }
0x15: {  	[smem:$0x3FB1] =	sst s0;
	s0 =	simm.s32 @!p2 $0x0  }
0x16: {  	s3 =	sld [smem:$0x3FDB];
	s0 =	simm.s32 @p2 $0x1  }
0x17: {  	s4 =	simm.s32 $0x1BF5;
	[smem:$0x3FB3] =	sst s0  }
0x18: {  	s0 =	sld [smem:$0x3F96];
	_ =	swait.ge [sflag:s4], $0x0  }
0x19: {  	s7 =	sld [smem:$0x3F97]  }
0x1a: {  	s8 =	sadd.s32 $0xFFFFE003, lr  }
0x1b: {  	s9 =	sadd.s32 $0xFFFFFEF7, lr;
	s5 =	simm.s32 $0xFFFFFFFF;
	p2 =	slt.u32 s8, $0xFFFFF086  }
0x1c: {  	p1 =	slt.u32 s9, $0xF7A;
	s5 =	simm.s32 @!p2 $0x0  }
0x1d: {  	s5 =	simm.s32 @p1 $0x1;
	p0 =	seq.s32 s7, s2  }
0x1e: {  	s7 =	smul.u32 @!p0 $0xF7A, s2;
	p2 =	seq.s32 @!p0 s5, $0x0  }
0x1f: {  	s9 =	smul.u32 $0xF7A, s1;
	s8 =	simm.s32 @!p0 $0x1BF5;
	p2 =	por !p2, p0  }
0x20: {  	[sflag:s8] =	ssyncset.s32 @!p0 $0xFFFFF086;
	s6 =	sadd.s32 @!p0 s3, s7;
	s7 =	simm.s32 @!p0 $0x108  }
0x21: {  	s3 =	sadd.s32 s3, s9;
	s6 =	sadd.s32 @!p0 $0x88, s6;
	s7 =	simm.s32 @p2 $0x1082  }
0x22: {  	[simem:s7], [sflag:s8] =	dma.local @!p0 [hbm:s6], $0xF7A  }
0x23: {  	s9 =	sor.u32 $0xD0000000, s2;
	s6 =	simm.s32 $0x108;
	_ =	swait.ge @!p0 [sflag:s8], $0x0  }
0x24: {  	s3 =	sadd.s32 $0x88, s3;
	s6 =	simm.s32 @!p1 $0x1082;
	[sflag:s4] =	ssyncset.s32 $0xFFFFF086  }
0x25: {  	[simem:s6], [sflag:s4] =	dma.local [hbm:s3], $0xF7A  }
0x26: {  	[smem:$0x3F97] =	sst s1;
	(tag) =	ssettag s2;
	_ =	strace s9  }
0x27: {  	s1 =	sld [smem:$0x3FA7]  }
0x28: {  	s2 =	sld [smem:$0x3FA8]  }
0x29: {  	s4 =	sld [smem:$0x3FAA]  }
0x2a: {  	p0 =	seq.s32 s5, $0x0;
	s5 =	sld [smem:$0x3FAB]  }
0x2b: {  	s6 =	sld [smem:$0x3FAC]  }
0x2c: {  	s7 =	sld [smem:$0x3FAD]  }
0x2d: {  	s3 =	simm.s32 $0x108;
	s8 =	sld [smem:$0x3FAE]  }
0x2e: {  	s3 =	simm.s32 @!p0 $0x1082;
	s9 =	sld [smem:$0x3FAF]  }
0x2f: {  	lr =	sadd.s32 s0, s3;
	s0 =	sld [smem:$0x3FA6]  }
0x30: {  	s3 =	sld [smem:$0x3FA9]  }
0x31: {  	[smem:$0x3FB2] =	sst s10  }
0x32: {  	s10 =	sld [smem:$0x3FB0];
	_ =	sdelay $0x3  }
0x33: {  	p0 =	seq.s32 s10, $0x1;
	s10 =	sld [smem:$0x3FB2];
	_ =	sdelay $0x3  }
0x34: {  	[smem:$0x3FB2] =	sst s10  }
0x35: {  	s10 =	sld [smem:$0x3FB1];
	_ =	sdelay $0x3  }
0x36: {  	p1 =	seq.s32 s10, $0x1;
	s10 =	sld [smem:$0x3FB2];
	_ =	sdelay $0x3  }
0x37: {  	[smem:$0x3FB2] =	sst s10  }
0x38: {  	s10 =	sld [smem:$0x3FB3]  }
0x39: {  	_ = 	snop;
	(pc) =	sbr.ind lr, $3  }
0x3a: {  	_ = 	snop  }
0x3b: {  	_ = 	snop  }
0x3c: {  	p2 =	seq.s32 s10, $0x1;
	s10 =	sld [smem:$0x3FB2]  }
0x3d: {  	_ =	shalt  }
0x3e: {  	_ =	shalt  }
0x3f: {  	_ =	shalt  }
0x40: {  	_ =	shalt  }
0x41: {  	_ =	shalt  }
0x42: {  	_ =	shalt  }
0x43: {  	_ =	shalt  }
0x44: {  	_ =	shalt  }
0x45: {  	_ =	shalt  }
0x46: {  	_ =	shalt  }
0x47: {  	_ =	shalt  }
0x48: {  	_ =	shalt  }
0x49: {  	_ =	shalt  }
0x4a: {  	_ =	shalt  }
0x4b: {  	_ =	shalt  }
0x4c: {  	_ =	shalt  }
0x4d: {  	_ =	shalt  }
0x4e: {  	_ =	shalt  }
0x4f: {  	_ =	shalt  }
0x50: {  	_ =	shalt  }
0x51: {  	_ =	shalt  }
0x52: {  	_ =	shalt  }
0x53: {  	_ =	shalt  }
0x54: {  	_ =	shalt  }
0x55: {  	_ =	shalt  }
0x56: {  	_ =	shalt  }
0x57: {  	_ =	shalt  }
0x58: {  	_ =	shalt  }
0x59: {  	_ =	shalt  }
0x5a: {  	_ =	shalt  }
0x5b: {  	_ =	shalt  }
0x5c: {  	_ =	shalt  }
0x5d: {  	_ =	shalt  }
0x5e: {  	_ =	shalt  }
0x5f: {  	_ =	shalt  }
0x60: {  	_ =	shalt  }
0x61: {  	_ =	shalt  }
0x62: {  	_ =	shalt  }
0x63: {  	_ =	shalt  }
0x64: {  	_ =	shalt  }
0x65: {  	_ =	shalt  }
0x66: {  	_ =	shalt  }
0x67: {  	_ =	shalt  }
0x68: {  	_ =	shalt  }
0x69: {  	_ =	shalt  }
0x6a: {  	_ =	shalt  }
0x6b: {  	_ =	shalt  }
0x6c: {  	_ =	shalt  }
0x6d: {  	_ =	shalt  }
0x6e: {  	_ =	shalt  }
0x6f: {  	_ =	shalt  }
0x70: {  	_ =	shalt  }
0x71: {  	_ =	shalt  }
0x72: {  	_ =	shalt  }
0x73: {  	_ =	shalt  }
0x74: {  	_ =	shalt  }
0x75: {  	_ =	shalt  }
0x76: {  	_ =	shalt  }
0x77: {  	_ =	shalt  }
0x78: {  	_ =	shalt  }
0x79: {  	_ =	shalt  }
0x7a: {  	_ =	shalt  }
0x7b: {  	_ =	shalt  }
0x7c: {  	_ =	shalt  }
0x7d: {  	_ =	shalt  }
0x7e: {  	_ =	shalt  }
0x7f: {  	_ =	shalt  }
0x80: {  	_ =	shalt  }
0x81: {  	_ =	shalt  }
0x82: {  	_ =	shalt  }
0x83: {  	_ =	shalt  }
0x84: {  	_ =	shalt  }
0x85: {  	_ =	shalt  }
0x86: {  	_ =	shalt  }
0x87: {  	_ =	shalt  }
.Lfunc_end0:
.L_simem_size_0:
called_computation_lowered:
.L_overlay_start_0:
0x88: {  	s2 =	sld [smem:$0x3FD9]  }
0x89: {  	s3 =	sld [smem:$0x3FFE];
	_ =	sdelay $0x1  }
0x8a: {  	s1 =	srdreg.scid  }
0x8b: {  	s0 =	sand.u32 $0x1, s1  }
0x8c: {  	s17 =	sshll.u32 s0, $0xA;
	s2 =	sadd.s32 s3, s2  }
0x8d: {  	s2 =	sadd.s32 s2, s17  }
0x8e: {  	[smem:$0x3FBE] =	sst s2  }
0x8f: {  	_ = 	snop  }
0x90: {  	s2 =	sld [smem:$0x3FD0];
	(tm) =	ssettm $0x1  }
0x91: {  	s18 =	sld [smem:$0x3FFB];
	_ =	sdelay $0x3  }
0x92: {  	_ =	strace s18  }
0x93: {  	s3 =	sld [smem:$0x3FFC];
	_ =	sdelay $0x3  }
0x94: {  	_ =	strace s3  }
0x95: {  	s3 =	sld [smem:$0x3FFD];
	_ =	sdelay $0x3  }
0x96: {  	_ =	strace s3  }
0x97: {  	_ =	strace $0x8FFFFFFF  }
0x98: {  	s19 =	sld [smem:$0x3FDB];
	_ =	sdelay $0x1  }
0x99: {  	s4 =	simm.s32 $_scs_section_size  }
0x9a: {  	s5 =	simm.s32 $_size__tile_overlayer_lowered;
	s6 =	simm.s32 $_tile_overlayer_lowered  }
0x9b: {  	s22 =	simm.s32 $0x1BFF;
	s21 =	sshll.u32 s6, $0x1;
	s3 =	sadd.s32 s4, s19  }
0x9c: {  	s7 =	simm.s32 $0x0;
	s20 =	sshll.u32 s5, $0x1;
	s5 =	sadd.s32 s21, s3  }
0x9d: {  	[timem:s7], [sflag:s22] =	dma.local [hbm:s5], s20  }
0x9e: {  	_ =	swait.ge [sflag:s22], s20  }
0x9f: {  	s4 =	ssub.s32 $0x0, s20;
	[sflag:s22] =	ssyncset.done $0x0  }
0xa0: {  	[sflag:s22] =	ssyncadd.s32 s4;
	_ =	sdelay $0x1  }
0xa1: {  	s23 =	simm.s32 $0x1B8B  }
0xa2: {  	_ =	swait.ge [sflag:s23], $0x1  }
0xa3: {  	[sflag:s23] =	ssyncset.done $0x0  }
0xa4: {  	s25 =	simm.s32 $0x1B8E;
	s24 =	sld [smem:$0x3FFE];
	[sflag:s23] =	ssyncadd.s32 $0xFFFFFFFF  }
0xa5: {  	s26 =	simm.s32 $execute0_lowered;
	[smem:$0x3FD2] =	sst s25  }
0xa6: {  	s5 =	sshll.u32 s26, $0x1;
	_ =	strace $0x80000046;
	[dreg:$0x1] =	wrdreg $0xFFFFFFFF  }
0xa7: {  	s28 =	simm.s32 $_size_execute0_lowered;
	s3 =	sadd.s32 s3, s5;
	[dreg:$0x0] =	wrdreg $0x0  }
0xa8: {  	s5 =	sshll.u32 s28, $0x1;
	[dreg:$0x2] =	wrdreg s3  }
0xa9: {  	[dreg:$0x3] =	wrdreg s5  }
0xaa: {  	[dreg:$0x4] =	wrdreg $0xC0  }
0xab: {  	_ =	task [dreg:s7], $0x5FFFF  }
0xac: {  	[dreg:$0x1] =	wrdreg $0xFFFFFFFF  }
0xad: {  	[dreg:$0x0] =	wrdreg $0x60  }
0xae: {  	[dreg:$0x2] =	wrdreg s2  }
0xaf: {  	[dreg:$0x3] =	wrdreg s24  }
0xb0: {  	[dreg:$0x4] =	wrdreg $0x58C00  }
0xb1: {  	[dreg:$0x5] =	wrdreg $0x9  }
0xb2: {  	_ =	task.clear_ibuf [dreg:s7], $0x6FFFF;
	_ =	strace $0x90000046  }
0xb3: {  	s29 =	simm.s32 $0x9;
	_ =	strace $0x80000048  }
0xb4: {  	_ =	swait.ge [sflag:s29], $0x1  }
0xb5: {  	[sflag:s29] =	ssyncadd.s32 $0xFFFFFFFF  }
0xb6: {  	_ =	strace $0x90000048  }
0xb7: {  	_ =	sfence  }
0xb8: {  	s30 =	sld [smem:$0x0];
	_ =	sdelay $0x2  }
0xb9: {  	s31 =	sshll.u32 s1, $0xD;
	s1 =	sshrl.u32 s1, $0x2  }
0xba: {  	s3 =	sand.u32 $0x4000, s31;
	s1 =	sadd.s32 s1, s30  }
0xbb: {  	s0 =	sor.u32 s3, s0;
	s1 =	sshll.u32 s1, $0x11  }
0xbc: {  	s0 =	sor.u32 s1, s0  }
0xbd: {  	s0 =	sadd.s32 $0x8F2B, s0  }
0xbe: {  	[sflag:s0] =	ssyncadd.remote.s32 $0x1  }
0xbf: {  	_ =	sfence.sel $0xFFFF  }
0xc0: {  	[dreg:$0x0] =	wrdreg $0xFFFFFFFF;
	(pc) =	sbr.abs _section_cstart, $3  }
0xc1: {  	[dreg:$0x1] =	wrdreg $0xFFFFFFFF  }
0xc2: {  	_ =	task.clear_ibuf [dreg:s7], $0x2FFFF;
	_ =	strace $0x9FFFFFFF  }
0xc3: {  	(tm) =	ssettm $0x7FFFFFFF  }
tec
execute0_lowered:
.L_overlay_start_1:
0x0: {  	(tag) =	ssettag $0x1  }
0x1: {  	s1 =	rddreg [dreg:$0x0]  }
0x2: {  	s0 =	rddreg [dreg:$0x1]  }
0x3: {  	s2 =	srdreg.scid;
	s9 =	stileid.u32  }
0x4: {  	s7 =	rddreg [dreg:$0x2];
	s8 =	smul.u32 $0x280, s9  }
0x5: {  	s3 =	simm.s32 $0x0;
	s2 =	sand.u32 $0x1, s2;
	s6 =	smul.u32 $0x4E20, s9  }
0x6: {  	s26 =	simm.s32 $0x1;
	s28 =	simm.s32 $0x3;
	s4 =	smul.u32 $0x2800, s2  }
0x7: {  	s29 =	simm.s32 $0x0;
	[smem:$0x7FF] =	sst s3;
	s9 =	smul.u32 $0xA000, s9  }
0x8: {  	s5 =	smul.u32 $0x4E200, s2;
	s2 =	ssub.s32 $0x2, s2;
	s4 =	sadd.s32 s8, s4  }
0x9: {  	_ =	strace $0x80000047;
	s10 =	sshrl.u32 s2, $0x1;
	s4 =	sshrl.u32 s4, $0x3  }
0xa: {  	s31 =	sshrl.u32 s9, $0x2;
	s2 =	ssub.s32 s2, s10;
	s0 =	sadd.s32 s4, s0  }
0xb: {  	s4 =	sadd.s32 s6, s5;
	s6 =	sadd.s32 s31, s7;
	s7 =	sadd.s32 s8, s7  }
0xc: {  	s24 =	smax.u32 s2, $0x1;
	s5 =	sshrl.u32 s4, $0x3;
	s8 =	sadd.s32 $0x2800, s7  }
0xd: {  	s9 =	sadd.s32 $0x5000, s7;
	s10 =	sadd.s32 $0x7800, s7;
	s11 =	sadd.s32 $0xA000, s7  }
0xe: {  	s12 =	sadd.s32 $0xC800, s7;
	s13 =	sadd.s32 $0xF000, s7;
	s14 =	sadd.s32 $0x11800, s7  }
0xf: {  	s15 =	sadd.s32 $0x14000, s7;
	s16 =	sadd.s32 $0x16800, s7;
	s17 =	sadd.s32 $0x19000, s7  }
0x10: {  	s18 =	sadd.s32 $0x1B800, s7;
	s19 =	sadd.s32 $0x1E000, s7;
	s20 =	sadd.s32 $0x20800, s7  }
0x11: {  	s21 =	sadd.s32 $0x23000, s7;
	s22 =	sadd.s32 $0x25800, s7;
	s5 =	sadd.s32 s1, s5  }
0x12: {  	v0 =	vimm.f32 $0.0e+00;
	v1 =	vimm.f32 $1.000000000e+00;
	s23 =	sadd.s32 $0x2400, s0;
	s0 =	simm.s32 $0x2;
	[dreg:$0x4] =	wrdreg s5  }
.LBB2_1:
0x13: {  	s2 =	simm.s32 $0x40;
	s25 =	simm.s32 $0x0  }
.LBB2_2:
0x14: {  	p0 =	sne.s32 s2, $0x9FC0;
	[tilespmem:s25+$0x0] =	vst v0;
	s25 =	smov.u32 s2;
	s2 =	sadd.s32 $0x40, s2  }
.Ltmp0:
0x15: {  	(pc) =	sbr.rel @p0 .LBB2_2-.Ltmp0, $2  }
0x16: {  	_ =	sdelay $0x2  }
0x17: {  	s25 =	sshra.s32 s25, $0x2  }
0x18: {  	[tilespmem:s25+$0x0] =	vst v0;
	s2 =	simm.s32 $0x0;
	s5 =	rddreg [dreg:$0x4];
	s31 =	simm.s32 $0x2800  }
0x19: {  	[tilespmem:s31], [sflag:$0x1] =	stream.linear.gather [hbm4b:s5+s2], $0x320, $0x38;
	[tilespmem:$0x80C0] =	vst v63  }
.LBB2_4:
0x1a: {  	p0 =	seq.s32 s2, $0x18  }
0x1b: {  	s25 =	sadd.s32 @!p0 $0x1, s2  }
0x1c: {  	s30 =	sand.u32 @!p0 $0x1, s25  }
0x1d: {  	s31 =	sand.u32 $0x1, s2;
	p1 =	seq.s32 @!p0 s30, $0x1  }
0x1e: {  	s25 =	smul.u32 @!p0 $0x320, s25;
	s30 =	simm.s32 @!p0 $0x2B20;
	p1 =	por !p1, p0  }
0x1f: {  	s30 =	simm.s32 @p1 $0x2800;
	p1 =	seq.s32 s31, $0x1;
	s31 =	simm.s32 $0x2B20  }
0x20: {  	s31 =	simm.s32 @!p1 $0x2800  }
0x21: {  	_ =	swait.ge [sflag:s26], $0x320;
	s25 =	sadd.s32 @!p0 s4, s25;
	v2 =	vmov s31  }
0x22: {  	[sflag:s26] =	ssyncset.done $0x0;
	s25 =	sshrl.u32 @!p0 s25, $0x3  }
0x23: {  	s5 =	simm.s32 @!p0 $0x0;
	[sflag:s26] =	ssyncadd.s32 $0xFFFFFCE0;
	s25 =	sadd.s32 @!p0 s1, s25  }
0x24: {  	[tilespmem:s30], [sflag:$0x1] =	stream.linear.gather @!p0 [hbm4b:s25+s5], $0x320, $0x38;
	[tilespmem:$0x80C0] =	vst v63  }
0x25: {  	s30 =	simm.s32 $0x0;
	s25 =	simm.s32 $0x40  }
.LBB2_5:
0x26: {  	p0 =	sne.s32 s25, $0xC40;
	v3 =	vld.idx.msk [tilespmem:v2+s30+$0x0 ss:$0x1], $0xffff;
	_ =	sdelay $0x3  }
.Ltmp1:
0x27: {  	(pc) =	sbr.rel @p0 .LBB2_5-.Ltmp1, $2  }
0x28: {  	_ =	sdelay $0x2  }
0x29: {  	s30 =	sshra.s32 s25, $0x2;
	s25 =	sadd.s32 $0x40, s25;
	[tilespmem:v3+s3+$0x0] =	vst.idx.add.f32.msk $0xffff, v1  }
0x2a: {  	_ =	sdelay $0x3  }
0x2b: {  	v2 =	vld.idx.msk [tilespmem:v2+s30+$0x0 ss:$0x1], $0xffff;
	_ =	sdelay $0x1  }
0x2c: {  	s2 =	sadd.s32 $0x1, s2  }
0x2d: {  	p0 =	sne.s32 s2, $0x19  }
.Ltmp2:
0x2e: {  	_ = 	snop;
	(pc) =	sbr.rel @p0 .LBB2_4-.Ltmp2, $2  }
0x2f: {  	_ =	sdelay $0x2  }
0x30: {  	[tilespmem:v2+s3+$0x0] =	vst.idx.add.f32.msk $0xffff, v1  }
0x31: {  	s2 =	simm.s32 $0x0  }
0x32: {  	[spmem:s6] =	stream.linear.scatter [tilespmem:s2], [sflag:$0x3], $0x2800, $0x38;
	[tilespmem:$0x80C0] =	vst v63  }
0x33: {  	_ =	swait.ge [sflag:s28], $0x2800  }
0x34: {  	[sflag:s28] =	ssyncset.done $0x0  }
0x35: {  	[sflag:s28] =	ssyncadd.s32 $0xFFFFD800  }
0x36: {  	s5 =	simm.s32 $0x2E40;
	[bflag:$0x0] =	sbarrier.arrive $0xFFFF  }
0x37: {  	[tilespmem:s5], [sflag:$0x2] =	stream.linear.gather [spmem:s7], $0x280, $0x38;
	[tilespmem:$0x80C0] =	vst v63  }
0x38: {  	s25 =	simm.s32 $0x30C0  }
0x39: {  	[tilespmem:s25], [sflag:$0x2] =	stream.linear.gather [spmem:s8], $0x280, $0x38;
	[tilespmem:$0x80C0] =	vst v63  }
0x3a: {  	s5 =	simm.s32 $0x3340  }
0x3b: {  	[tilespmem:s5], [sflag:$0x2] =	stream.linear.gather [spmem:s9], $0x280, $0x38;
	[tilespmem:$0x80C0] =	vst v63  }
0x3c: {  	s25 =	simm.s32 $0x35C0  }
0x3d: {  	[tilespmem:s25], [sflag:$0x2] =	stream.linear.gather [spmem:s10], $0x280, $0x38;
	[tilespmem:$0x80C0] =	vst v63  }
0x3e: {  	s5 =	simm.s32 $0x3840  }
0x3f: {  	[tilespmem:s5], [sflag:$0x2] =	stream.linear.gather [spmem:s11], $0x280, $0x38;
	[tilespmem:$0x80C0] =	vst v63  }
0x40: {  	s25 =	simm.s32 $0x3AC0  }
0x41: {  	[tilespmem:s25], [sflag:$0x2] =	stream.linear.gather [spmem:s12], $0x280, $0x38;
	[tilespmem:$0x80C0] =	vst v63  }
0x42: {  	s5 =	simm.s32 $0x3D40  }
0x43: {  	[tilespmem:s5], [sflag:$0x2] =	stream.linear.gather [spmem:s13], $0x280, $0x38;
	[tilespmem:$0x80C0] =	vst v63  }
0x44: {  	s25 =	simm.s32 $0x3FC0  }
0x45: {  	[tilespmem:s25], [sflag:$0x2] =	stream.linear.gather [spmem:s14], $0x280, $0x38;
	[tilespmem:$0x80C0] =	vst v63  }
0x46: {  	s5 =	simm.s32 $0x4240  }
0x47: {  	[tilespmem:s5], [sflag:$0x2] =	stream.linear.gather [spmem:s15], $0x280, $0x38;
	[tilespmem:$0x80C0] =	vst v63  }
0x48: {  	s25 =	simm.s32 $0x44C0  }
0x49: {  	[tilespmem:s25], [sflag:$0x2] =	stream.linear.gather [spmem:s16], $0x280, $0x38;
	[tilespmem:$0x80C0] =	vst v63  }
0x4a: {  	s5 =	simm.s32 $0x4740  }
0x4b: {  	[tilespmem:s5], [sflag:$0x2] =	stream.linear.gather [spmem:s17], $0x280, $0x38;
	[tilespmem:$0x80C0] =	vst v63  }
0x4c: {  	s25 =	simm.s32 $0x49C0  }
0x4d: {  	[tilespmem:s25], [sflag:$0x2] =	stream.linear.gather [spmem:s18], $0x280, $0x38;
	[tilespmem:$0x80C0] =	vst v63  }
0x4e: {  	s5 =	simm.s32 $0x4C40  }
0x4f: {  	[tilespmem:s5], [sflag:$0x2] =	stream.linear.gather [spmem:s19], $0x280, $0x38;
	[tilespmem:$0x80C0] =	vst v63  }
0x50: {  	s25 =	simm.s32 $0x4EC0  }
0x51: {  	[tilespmem:s25], [sflag:$0x2] =	stream.linear.gather [spmem:s20], $0x280, $0x38;
	[tilespmem:$0x80C0] =	vst v63  }
0x52: {  	s5 =	simm.s32 $0x5140  }
0x53: {  	[tilespmem:s5], [sflag:$0x2] =	stream.linear.gather [spmem:s21], $0x280, $0x38;
	[tilespmem:$0x80C0] =	vst v63  }
0x54: {  	s25 =	simm.s32 $0x53C0  }
0x55: {  	[tilespmem:s25], [sflag:$0x2] =	stream.linear.gather [spmem:s22], $0x280, $0x38;
	[tilespmem:$0x80C0] =	vst v63  }
0x56: {  	_ =	swait.ge [sflag:s0], $0x280  }
0x57: {  	[sflag:s0] =	ssyncset.done $0x0  }
0x58: {  	[sflag:s0] =	ssyncadd.s32 $0xFFFFFD80  }
0x59: {  	_ =	swait.ge [sflag:s0], $0x280  }
0x5a: {  	[sflag:s0] =	ssyncset.done $0x0  }
0x5b: {  	[sflag:s0] =	ssyncadd.s32 $0xFFFFFD80  }
0x5c: {  	_ =	swait.ge [sflag:s0], $0x280  }
0x5d: {  	[sflag:s0] =	ssyncset.done $0x0  }
0x5e: {  	[sflag:s0] =	ssyncadd.s32 $0xFFFFFD80  }
0x5f: {  	_ =	swait.ge [sflag:s0], $0x280  }
0x60: {  	[sflag:s0] =	ssyncset.done $0x0  }
0x61: {  	[sflag:s0] =	ssyncadd.s32 $0xFFFFFD80  }
0x62: {  	_ =	swait.ge [sflag:s0], $0x280  }
0x63: {  	[sflag:s0] =	ssyncset.done $0x0  }
0x64: {  	[sflag:s0] =	ssyncadd.s32 $0xFFFFFD80  }
0x65: {  	_ =	swait.ge [sflag:s0], $0x280  }
0x66: {  	[sflag:s0] =	ssyncset.done $0x0  }
0x67: {  	[sflag:s0] =	ssyncadd.s32 $0xFFFFFD80  }
0x68: {  	_ =	swait.ge [sflag:s0], $0x280  }
0x69: {  	[sflag:s0] =	ssyncset.done $0x0  }
0x6a: {  	[sflag:s0] =	ssyncadd.s32 $0xFFFFFD80  }
0x6b: {  	_ =	swait.ge [sflag:s0], $0x280  }
0x6c: {  	[sflag:s0] =	ssyncset.done $0x0  }
0x6d: {  	[sflag:s0] =	ssyncadd.s32 $0xFFFFFD80  }
0x6e: {  	_ =	swait.ge [sflag:s0], $0x280  }
0x6f: {  	[sflag:s0] =	ssyncset.done $0x0  }
0x70: {  	[sflag:s0] =	ssyncadd.s32 $0xFFFFFD80  }
0x71: {  	_ =	swait.ge [sflag:s0], $0x280  }
0x72: {  	[sflag:s0] =	ssyncset.done $0x0  }
0x73: {  	[sflag:s0] =	ssyncadd.s32 $0xFFFFFD80  }
0x74: {  	_ =	swait.ge [sflag:s0], $0x280  }
0x75: {  	[sflag:s0] =	ssyncset.done $0x0  }
0x76: {  	[sflag:s0] =	ssyncadd.s32 $0xFFFFFD80  }
0x77: {  	_ =	swait.ge [sflag:s0], $0x280  }
0x78: {  	[sflag:s0] =	ssyncset.done $0x0  }
0x79: {  	[sflag:s0] =	ssyncadd.s32 $0xFFFFFD80  }
0x7a: {  	_ =	swait.ge [sflag:s0], $0x280  }
0x7b: {  	[sflag:s0] =	ssyncset.done $0x0  }
0x7c: {  	[sflag:s0] =	ssyncadd.s32 $0xFFFFFD80  }
0x7d: {  	_ =	swait.ge [sflag:s0], $0x280  }
0x7e: {  	[sflag:s0] =	ssyncset.done $0x0  }
0x7f: {  	[sflag:s0] =	ssyncadd.s32 $0xFFFFFD80  }
0x80: {  	_ =	swait.ge [sflag:s0], $0x280  }
0x81: {  	[sflag:s0] =	ssyncset.done $0x0  }
0x82: {  	[sflag:s0] =	ssyncadd.s32 $0xFFFFFD80  }
0x83: {  	_ =	swait.ge [sflag:s0], $0x280  }
0x84: {  	[sflag:s0] =	ssyncset.done $0x0  }
0x85: {  	s31 =	simm.s32 $0x0;
	[sflag:s0] =	ssyncadd.s32 $0xFFFFFD80  }
0x86: {  	v2 =	vld [tilespmem:s31+$0x2E40]  }
0x87: {  	v3 =	vld [tilespmem:s31+$0x30C0];
	_ =	sdelay $0x1  }
0x88: {  	v4 =	vld [tilespmem:s31+$0x3340];
	_ =	sdelay $0x1  }
0x89: {  	v5 =	vld [tilespmem:s31+$0x35C0]  }
0x8a: {  	v2 =	vadd.f32 v3, v2  }
0x8b: {  	v3 =	vld [tilespmem:s31+$0x3840]  }
0x8c: {  	v2 =	vadd.f32 v4, v2  }
0x8d: {  	v4 =	vld [tilespmem:s31+$0x3AC0]  }
0x8e: {  	v2 =	vadd.f32 v5, v2  }
0x8f: {  	v5 =	vld [tilespmem:s31+$0x3D40]  }
0x90: {  	v2 =	vadd.f32 v3, v2  }
0x91: {  	v3 =	vld [tilespmem:s31+$0x3FC0]  }
0x92: {  	s30 =	simm.s32 $0x10;
	v6 =	vld [tilespmem:s31+$0x4240];
	v2 =	vadd.f32 v4, v2  }
0x93: {  	v7 =	vld [tilespmem:s30+$0x2E40]  }
0x94: {  	v4 =	vld [tilespmem:s31+$0x44C0];
	v2 =	vadd.f32 v5, v2  }
0x95: {  	v5 =	vld [tilespmem:s30+$0x30C0]  }
0x96: {  	v8 =	vld [tilespmem:s30+$0x3340];
	v2 =	vadd.f32 v3, v2  }
0x97: {  	v3 =	vld [tilespmem:s31+$0x4740]  }
0x98: {  	v9 =	vld [tilespmem:s30+$0x35C0];
	v2 =	vadd.f32 v6, v2  }
0x99: {  	v6 =	vld [tilespmem:s31+$0x49C0]  }
0x9a: {  	v5 =	vadd.f32 v5, v7;
	v7 =	vld [tilespmem:s30+$0x3840];
	v2 =	vadd.f32 v4, v2  }
0x9b: {  	v4 =	vld [tilespmem:s31+$0x4C40]  }
0x9c: {  	v5 =	vadd.f32 v8, v5;
	v8 =	vld [tilespmem:s30+$0x3AC0];
	v2 =	vadd.f32 v3, v2  }
0x9d: {  	v3 =	vld [tilespmem:s31+$0x4EC0]  }
0x9e: {  	v10 =	vld [tilespmem:s30+$0x3D40];
	v5 =	vadd.f32 v9, v5;
	v2 =	vadd.f32 v6, v2  }
0x9f: {  	v9 =	vld [tilespmem:s31+$0x5140]  }
0xa0: {  	v6 =	vadd.f32 v7, v5;
	v5 =	vld [tilespmem:s30+$0x3FC0];
	v7 =	vadd.f32 v4, v2  }
0xa1: {  	v4 =	vld [tilespmem:s31+$0x53C0]  }
0xa2: {  	v2 =	vld [tilespmem:s30+$0x44C0];
	v8 =	vadd.f32 v8, v6;
	v11 =	vadd.f32 v3, v7  }
0xa3: {  	s2 =	simm.s32 $0x20;
	v6 =	vld [tilespmem:s30+$0x4240]  }
0xa4: {  	s25 =	simm.s32 $0xC0;
	v3 =	vld [tilespmem:s2+$0x2E40];
	v7 =	vadd.f32 v10, v8;
	v8 =	vadd.f32 v9, v11  }
.LBB2_8:
0xa5: {  	p0 =	sne.s32 s25, $0x9C0;
	v9 =	vld [tilespmem:s2+$0x30C0]  }
0xa6: {  	v5 =	vadd.f32 v5, v7;
	v7 =	vld [tilespmem:s30+$0x4740];
	v4 =	vadd.f32 v4, v8  }
0xa7: {  	v8 =	vld [tilespmem:s2+$0x3340]  }
0xa8: {  	v5 =	vadd.f32 v6, v5;
	v6 =	vld [tilespmem:s30+$0x49C0];
	[tilespmem:s31+$0x5640] =	vst v4;
	s31 =	smov.u32 s30;
	s30 =	smov.u32 s2  }
0xa9: {  	v4 =	vld [tilespmem:s30+$0x35C0]  }
0xaa: {  	v3 =	vadd.f32 v9, v3;
	v2 =	vadd.f32 v2, v5;
	v5 =	vld [tilespmem:s31+$0x4C40]  }
0xab: {  	v9 =	vld [tilespmem:s30+$0x3840]  }
0xac: {  	v3 =	vadd.f32 v8, v3;
	v2 =	vadd.f32 v7, v2;
	v7 =	vld [tilespmem:s31+$0x4EC0]  }
0xad: {  	v8 =	vld [tilespmem:s30+$0x3AC0]  }
0xae: {  	v3 =	vadd.f32 v4, v3;
	v2 =	vadd.f32 v6, v2;
	v10 =	vld [tilespmem:s31+$0x5140]  }
0xaf: {  	v11 =	vld [tilespmem:s30+$0x3D40]  }
.Ltmp3:
0xb0: {  	v3 =	vadd.f32 v9, v3;
	v6 =	vadd.f32 v5, v2;
	v4 =	vld [tilespmem:s31+$0x53C0];
	(pc) =	sbr.rel @p0 .LBB2_8-.Ltmp3, $4  }
0xb1: {  	v5 =	vld [tilespmem:s30+$0x3FC0]  }
0xb2: {  	v8 =	vadd.f32 v8, v3;
	v2 =	vld [tilespmem:s30+$0x44C0];
	v9 =	vadd.f32 v7, v6  }
0xb3: {  	s2 =	sshra.s32 s25, $0x2;
	v6 =	vld [tilespmem:s30+$0x4240]  }
0xb4: {  	s25 =	sadd.s32 $0x40, s25;
	v3 =	vld [tilespmem:s2+$0x2E40];
	v7 =	vadd.f32 v11, v8;
	v8 =	vadd.f32 v10, v9  }
0xb5: {  	v9 =	vld [tilespmem:s2+$0x30C0]  }
0xb6: {  	v10 =	vld [tilespmem:s30+$0x4740];
	v4 =	vadd.f32 v4, v8  }
0xb7: {  	v49 =	vld [tilespmem:s2+$0x3340]  }
0xb8: {  	v11 =	vld [tilespmem:s30+$0x49C0];
	v5 =	vadd.f32 v5, v7;
	[tilespmem:s31+$0x5640] =	vst v4  }
0xb9: {  	v4 =	vld [tilespmem:s2+$0x35C0]  }
0xba: {  	v5 =	vadd.f32 v6, v5;
	v3 =	vadd.f32 v9, v3  }
0xbb: {  	v50 =	vld [tilespmem:s2+$0x3840]  }
0xbc: {  	v51 =	vld [tilespmem:s30+$0x4C40];
	v2 =	vadd.f32 v2, v5;
	v3 =	vadd.f32 v49, v3  }
0xbd: {  	v52 =	vld [tilespmem:s2+$0x3AC0]  }
0xbe: {  	v53 =	vld [tilespmem:s30+$0x4EC0];
	v2 =	vadd.f32 v10, v2;
	v3 =	vadd.f32 v4, v3  }
0xbf: {  	v54 =	vld [tilespmem:s2+$0x3D40]  }
0xc0: {  	v55 =	vld [tilespmem:s30+$0x5140];
	v2 =	vadd.f32 v11, v2;
	v3 =	vadd.f32 v50, v3  }
0xc1: {  	v56 =	vld [tilespmem:s2+$0x3FC0]  }
0xc2: {  	v57 =	vld [tilespmem:s30+$0x53C0];
	v2 =	vadd.f32 v51, v2;
	v3 =	vadd.f32 v52, v3  }
0xc3: {  	v58 =	vld [tilespmem:s2+$0x4240]  }
0xc4: {  	v2 =	vadd.f32 v53, v2;
	v3 =	vadd.f32 v54, v3  }
0xc5: {  	v59 =	vld [tilespmem:s2+$0x44C0]  }
0xc6: {  	v2 =	vadd.f32 v55, v2;
	v3 =	vadd.f32 v56, v3  }
0xc7: {  	v60 =	vld [tilespmem:s2+$0x4740]  }
0xc8: {  	v2 =	vadd.f32 v57, v2;
	v3 =	vadd.f32 v58, v3  }
0xc9: {  	v61 =	vld [tilespmem:s2+$0x49C0]  }
0xca: {  	[tilespmem:s30+$0x5640] =	vst v2;
	v2 =	vadd.f32 v59, v3  }
0xcb: {  	v3 =	vld [tilespmem:s2+$0x4C40]  }
0xcc: {  	v2 =	vadd.f32 v60, v2  }
0xcd: {  	v62 =	vld [tilespmem:s2+$0x4EC0]  }
0xce: {  	v2 =	vadd.f32 v61, v2  }
0xcf: {  	v63 =	vld [tilespmem:s2+$0x5140]  }
0xd0: {  	v2 =	vadd.f32 v3, v2  }
0xd1: {  	v3 =	vld [tilespmem:s2+$0x53C0]  }
0xd2: {  	v2 =	vadd.f32 v62, v2;
	_ =	sdelay $0x1  }
0xd3: {  	v2 =	vadd.f32 v63, v2;
	_ =	sdelay $0x1  }
0xd4: {  	s29 =	sadd.s32 $0x1, s29;
	v2 =	vadd.f32 v3, v2  }
0xd5: {  	p0 =	sne.s32 s29, s24  }
.Ltmp4:
0xd6: {  	s31 =	simm.s32 $0x5640;
	[tilespmem:s2+$0x5640] =	vst v2;
	(pc) =	sbr.rel @p0 .LBB2_1-.Ltmp4, $4  }
0xd7: {  	[hbm4b:s23+s3] =	stream.linear.scatter [tilespmem:s31], [sflag:$0x3], $0x280, $0x38;
	[tilespmem:$0x80C0] =	vst v63  }
0xd8: {  	_ =	swait.ge [sflag:s28], $0x280  }
0xd9: {  	[sflag:s28] =	ssyncset.done $0x0  }
0xda: {  	[sflag:s28] =	ssyncadd.s32 $0xFFFFFD80  }
0xdb: {  	_ =	sfence.sel $0x180000  }
0xdc: {  	[bflag:$0x0] =	sbarrier.arrive $0xFFFF  }
0xdd: {  	_ =	strace $0x90000047  }
0xde: {  	s0 =	stileid.u32;
	[bflag:$0x2] =	sbarrier.arrive $0xFFFF  }
0xdf: {  	p0 =	sne.s32 s0, $0x0;
	s0 =	rddreg [dreg:$0x3]  }
0xe0: {  	s0 =	sadd.s32 @!p0 $0x100000, s0  }
0xe1: {  	[sflag:s0] =	ssyncadd.tile.s32 @!p0 $0x1;
	_ =	shalt  }
.Lfunc_end2:
_tile_overlayer_lowered:
.L_overlay_start_2:
0xe2: {  	(tag) =	ssettag $0x2  }
0xe3: {  	s0 =	rddreg [dreg:$0x0];
	s2 =	stileid.u32  }
0xe4: {  	s1 =	rddreg [dreg:$0x1];
	p0 =	sne.s32 s2, $0x0  }
0xe5: {  	s3 =	rddreg [dreg:$0x2];
	[bflag:$0x3] =	sbarrier.arrive $0xFFFF;
	s2 =	simm.s32 @!p0 $0x1C03  }
0xe6: {  	[timem:s3], [sflag:s2] =	dma.local @!p0 [hbm:s0], s1  }
0xe7: {  	s0 =	simm.s32 @!p0 $0x3  }
0xe8: {  	_ =	swait.ge @!p0 [sflag:s0], s1  }
0xe9: {  	s1 =	ssub.s32 @!p0 $0x0, s1;
	[sflag:s0] =	ssyncset.done @!p0 $0x0  }
0xea: {  	[sflag:s0] =	ssyncadd.s32 @!p0 s1  }
0xeb: {  	[bflag:$0x3] =	sbarrier.arrive $0xFFFF  }
0xec: {  	_ =	shalt  }

</sc_bundles>
